<compile_context>
chip_gen: v7x
topology: tpu7x:2x2x1
jax: 0.10.2.dev20260603
libtpu: 0.0.44.dev20260713+nightly
codegen_flags: <defaults>
</compile_context>

<pallas_src>
import functools

import jax
import jax.numpy as jnp
from jax import lax
from jax.experimental import pallas as pl
from jax.experimental.pallas import tpu as pltpu
from jax.experimental.pallas import tpu_sc as plsc

N = 10000
E = 320000
G = 128
NC, NS, LANES = 2, 16, 16
CHUNK = 128
CPT = 80
E_PAD = NC * NS * CPT * CHUNK
ROWS_IDX = E_PAD // CHUNK
N_PAD = 10240
ZPT = N_PAD // NS
DEG_W = 16
NBUF = 5
CPT_F = 120
CPT_S = 40

def _mesh():
    return plsc.VectorSubcoreMesh(core_axis_name="c", subcore_axis_name="s",
                                  num_cores=NC, num_subcores=NS)


def _fill(ref, rows, width, value):
    @pl.loop(0, rows)
    def _(i):
        @pl.loop(0, width // LANES)
        def _(k):
            ref[i, pl.ds(k * LANES, LANES)] = jnp.full((LANES,), value, jnp.float32)


def _sc_degree(dst_idx):

    @functools.partial(
        pl.kernel,
        out_type=jax.ShapeDtypeStruct((NC, N_PAD, DEG_W), jnp.float32),
        mesh=_mesh(),
        scratch_types=[
            pltpu.VMEM((CPT, CHUNK), jnp.int32),
            pltpu.VMEM((CHUNK, DEG_W), jnp.float32),
            pltpu.VMEM((ZPT // 2, DEG_W), jnp.float32),
            pltpu.VMEM_SHARED((N_PAD, DEG_W), jnp.float32),
        ],
        compiler_params=pltpu.CompilerParams(use_tc_tiling_on_sc=False),
    )
    def deg_kernel(dst_hbm, out_hbm, dstv, onesv, zerov, acc):
        cid = lax.axis_index("c")
        sid = lax.axis_index("s")
        wid = cid * NS + sid
        pltpu.sync_copy(dst_hbm.at[pl.ds(wid * CPT, CPT)], dstv)
        _fill(onesv, CHUNK, DEG_W, 1.0)
        _fill(zerov, ZPT // 2, DEG_W, 0.0)
        pltpu.sync_copy(zerov, acc.at[pl.ds(sid * ZPT, ZPT // 2)])
        pltpu.sync_copy(zerov, acc.at[pl.ds(sid * ZPT + ZPT // 2, ZPT // 2)])
        plsc.subcore_barrier()

        @pl.loop(0, CPT)
        def _(j):
            pltpu.sync_copy(onesv, acc.at[dstv.at[j]], add=True)

        plsc.subcore_barrier()
        pltpu.sync_copy(
            acc.at[pl.ds(sid * ZPT, ZPT)],
            out_hbm.at[cid].at[pl.ds(sid * ZPT, ZPT)],
        )

    return deg_kernel(dst_idx)


def _sc_edge_segsum(h, src_idx, dst_idx, d):

    @functools.partial(
        pl.kernel,
        out_type=jax.ShapeDtypeStruct((NC, N_PAD, d), jnp.float32),
        mesh=_mesh(),
        scratch_types=[
            pltpu.VMEM((CPT_F, CHUNK), jnp.int32),
            pltpu.VMEM((CPT_F, CHUNK), jnp.int32),
            [pltpu.VMEM((CHUNK, d), jnp.float32)] * NBUF,
            pltpu.VMEM((ZPT // 4, d), jnp.float32),
            pltpu.VMEM_SHARED((N_PAD, d), jnp.float32),
            [pltpu.SemaphoreType.DMA] * NBUF,
            [pltpu.SemaphoreType.DMA] * NBUF,
        ],
        compiler_params=pltpu.CompilerParams(use_tc_tiling_on_sc=False),
    )
    def seg_kernel(h_hbm, src_hbm, dst_hbm, out_hbm,
                   srcv, dstv, rows, zerov, acc, gsems, ssems):
        cid = lax.axis_index("c")
        sid = lax.axis_index("s")
        _fill(zerov, ZPT // 4, d, 0.0)
        for m in range(4):
            pltpu.sync_copy(zerov, acc.at[pl.ds(sid * ZPT + m * (ZPT // 4),
                                                ZPT // 4)])

        plsc.subcore_barrier()

        def run(cpt, base):
            pltpu.sync_copy(src_hbm.at[pl.ds(base, cpt)], srcv.at[pl.ds(0, cpt)])
            pltpu.sync_copy(dst_hbm.at[pl.ds(base, cpt)], dstv.at[pl.ds(0, cpt)])

            @pl.loop(0, cpt, step=NBUF)
            def _(j):
                gcps = [
                    pltpu.async_copy(h_hbm.at[srcv.at[j + k]], rows[k],
                                     gsems[k])
                    for k in range(NBUF)
                ]
                scps = []
                for k in range(NBUF):
                    gcps[k].wait()
                    scps.append(pltpu.async_copy(
                        rows[k], acc.at[dstv.at[j + k]], ssems[k], add=True))
                for cp in scps:
                    cp.wait()

        @pl.when(cid == 0)
        def _():
            run(CPT_F, sid * CPT_F)

        @pl.when(cid == 1)
        def _():
            run(CPT_S, NS * CPT_F + sid * CPT_S)

        plsc.subcore_barrier()
        pltpu.sync_copy(
            acc.at[pl.ds(sid * ZPT, ZPT)],
            out_hbm.at[cid].at[pl.ds(sid * ZPT, ZPT)],
        )

    return seg_kernel(h, src_idx, dst_idx)


def _tc_mm(x, w):
    def body(x_ref, w_ref, o_ref):
        o_ref[...] = jnp.dot(x_ref[...], w_ref[...],
                             preferred_element_type=jnp.float32)

    return pl.pallas_call(
        body,
        out_shape=jax.ShapeDtypeStruct((x.shape[0], w.shape[1]), jnp.float32),
    )(x, w)


def _tc_prep(t1, degp):

    def body(t1_ref, deg_ref, dis_ref, h_ref):
        deg = deg_ref[0, :N, 0:1] + deg_ref[1, :N, 0:1] + 1.0
        dis = lax.rsqrt(deg)
        dis_ref[...] = dis
        h_ref[...] = t1_ref[...] * dis

    return pl.pallas_call(
        body,
        out_shape=(
            jax.ShapeDtypeStruct((N, 1), jnp.float32),
            jax.ShapeDtypeStruct((N, t1.shape[1]), jnp.float32),
        ),
    )(t1, degp)


def _tc_stage(accp, hp, dis, b, w):

    def body(a_ref, hp_ref, dis_ref, b_ref, w_ref, o_ref):
        dis = dis_ref[...]
        h = (a_ref[0, :N] + a_ref[1, :N] + hp_ref[...]) * dis + b_ref[...]
        h = jnp.maximum(h, 0.0)
        o_ref[...] = jnp.dot(h, w_ref[...],
                             preferred_element_type=jnp.float32) * dis

    return pl.pallas_call(
        body,
        out_shape=jax.ShapeDtypeStruct((N, w.shape[1]), jnp.float32),
    )(accp, hp, dis, b, w)


def _tc_final(accp, hp, dis, b3, batch, fc1_w, fc1_b, fc2_w, fc2_b):

    def body(a_ref, hp_ref, dis_ref, b3_ref, batch_ref,
             fc1w_ref, fc1b_ref, fc2w_ref, fc2b_ref, o_ref):
        dis = dis_ref[...]
        h = (a_ref[0, :N] + a_ref[1, :N] + hp_ref[...]) * dis + b3_ref[...]
        h = jnp.maximum(h, 0.0)
        gids = lax.broadcasted_iota(jnp.int32, (G, N), 0)
        m = (gids == batch_ref[...]).astype(jnp.float32)
        sums = jnp.dot(m, h, preferred_element_type=jnp.float32)
        counts = jnp.sum(m, axis=1, keepdims=True)
        g = sums / jnp.maximum(counts, 1.0)
        g = jnp.maximum(
            jnp.dot(g, fc1w_ref[...], preferred_element_type=jnp.float32)
            + fc1b_ref[...], 0.0)
        logits = (jnp.dot(g, fc2w_ref[...], preferred_element_type=jnp.float32)
                  + fc2b_ref[...])
        z = logits - jnp.max(logits, axis=1, keepdims=True)
        ez = jnp.exp(z)
        o_ref[...] = ez / jnp.sum(ez, axis=1, keepdims=True)

    return pl.pallas_call(
        body,
        out_shape=jax.ShapeDtypeStruct((G, 2), jnp.float32),
    )(accp, hp, dis, b3, batch, fc1_w, fc1_b, fc2_w, fc2_b)


def kernel(x, edge_index, batch, W1, b1, W2, b2, W3, b3,
           fc1_W, fc1_b, fc2_W, fc2_b):
    src = edge_index[0].astype(jnp.int32)
    dst = edge_index[1].astype(jnp.int32)
    pad = E_PAD - E
    src_p = jnp.concatenate([src, jnp.zeros((pad,), jnp.int32)])
    dst_p = jnp.concatenate([dst, jnp.full((pad,), N, jnp.int32)])
    src_p = src_p.reshape(ROWS_IDX, CHUNK)
    dst_p = dst_p.reshape(ROWS_IDX, CHUNK)

    degp = _sc_degree(dst_p)
    t1 = _tc_mm(x, W1)
    dis, h1p = _tc_prep(t1, degp)

    a1 = _sc_edge_segsum(h1p, src_p, dst_p, 32)
    h2p = _tc_stage(a1, h1p, dis, b1.reshape(1, -1), W2)
    a2 = _sc_edge_segsum(h2p, src_p, dst_p, 48)
    h3p = _tc_stage(a2, h2p, dis, b2.reshape(1, -1), W3)
    a3 = _sc_edge_segsum(h3p, src_p, dst_p, 64)
    return _tc_final(a3, h3p, dis, b3.reshape(1, -1),
                     batch.reshape(1, -1).astype(jnp.int32),
                     fc1_W, fc1_b.reshape(1, -1),
                     fc2_W, fc2_b.reshape(1, -1))

# --- scband reference (transcript-rebuilt; emitter-appended) ---
"""Pipeline reference for scband-gcn-graph-30425548324935 (READ-ONLY COPY).

The authoritative reference and input builder live on the scoring server;
editing this copy changes nothing except your own understanding.
"""

import jax, jax.numpy as jnp
import numpy as np

N_NODES = 10000
N_EDGES = 320000
D_IN = 128
NUM_GRAPHS = 128


def gcn_conv(x, edge_index, W, b):
    N = x.shape[0]
    h = x @ W
    self_loops = jnp.arange(N, dtype=edge_index.dtype)
    src = jnp.concatenate([edge_index[0], self_loops])
    dst = jnp.concatenate([edge_index[1], self_loops])
    deg = jax.ops.segment_sum(jnp.ones_like(src, dtype=h.dtype), dst, num_segments=N)
    dis = jnp.where(deg > 0, jax.lax.rsqrt(jnp.maximum(deg, 1e-12)), 0.0)
    norm = dis[src] * dis[dst]
    msg = h[src] * norm[:, None]
    out = jax.ops.segment_sum(msg, dst, num_segments=N)
    return out + b


def global_mean_pool(x, batch, num_graphs):
    sums = jax.ops.segment_sum(x, batch, num_segments=num_graphs)
    counts = jax.ops.segment_sum(jnp.ones((x.shape[0],), x.dtype), batch, num_segments=num_graphs)
    return sums / jnp.maximum(counts, 1.0)[:, None]


def setup_inputs(seed: int = 0) -> dict:
    key = jax.random.key(seed)
    ks = jax.random.split(key, 16)
    x = jax.random.normal(ks[0], (N_NODES, D_IN), dtype=jnp.float32)
    edge_index = jax.random.randint(ks[1], (2, N_EDGES), 0, N_NODES)
    batch = jnp.sort(jax.random.randint(ks[2], (N_NODES,), 0, NUM_GRAPHS))
    def glorot(k, shape):
        fan_in = shape[0]
        return jax.random.normal(k, shape, dtype=jnp.float32) * (1.0 / np.sqrt(fan_in))
    return {
        'x': x,
        'edge_index': edge_index,
        'batch': batch,
        'W1': glorot(ks[3], (128, 32)), 'b1': jnp.zeros((32,), jnp.float32),
        'W2': glorot(ks[4], (32, 48)), 'b2': jnp.zeros((48,), jnp.float32),
        'W3': glorot(ks[5], (48, 64)), 'b3': jnp.zeros((64,), jnp.float32),
        'fc1_W': glorot(ks[6], (64, 32)), 'fc1_b': jnp.zeros((32,), jnp.float32),
        'fc2_W': glorot(ks[7], (32, 2)), 'fc2_b': jnp.zeros((2,), jnp.float32),
    }


def reference(x, edge_index, batch, W1, b1, W2, b2, W3, b3, fc1_W, fc1_b, fc2_W, fc2_b):
    # eval mode: dropout is identity
    h = jax.nn.relu(gcn_conv(x, edge_index, W1, b1))
    h = jax.nn.relu(gcn_conv(h, edge_index, W2, b2))
    h = jax.nn.relu(gcn_conv(h, edge_index, W3, b3))
    g = global_mean_pool(h, batch, NUM_GRAPHS)
    g = jax.nn.relu(g @ fc1_W + fc1_b)
    g = g @ fc2_W + fc2_b
    return jax.nn.softmax(g, axis=1)

if __name__ == "__main__":
    import jax
    _d = setup_inputs()
    print(jax.jit(kernel)(*tuple(_d.values())))

</pallas_src>

<mosaic_0001>
#map = affine_map<(d0, d1) -> (0, 0)>
#map1 = affine_map<(d0, d1) -> (0, 0, 0)>
module attributes {stable_mosaic.version = 14 : i64} {
  func.func @seg_kernel(%arg0: i32, %arg1: i32, %arg2: memref<10000x32xf32, #tpu.memory_space<hbm>>, %arg3: memref<2560x128xi32, #tpu.memory_space<hbm>>, %arg4: memref<2560x128xi32, #tpu.memory_space<hbm>>, %arg5: memref<2x10240x32xf32, #tpu.memory_space<hbm>>, %arg6: memref<120x128xi32, #tpu.memory_space<vmem>>, %arg7: memref<120x128xi32, #tpu.memory_space<vmem>>, %arg8: memref<128x32xf32, #tpu.memory_space<vmem>>, %arg9: memref<128x32xf32, #tpu.memory_space<vmem>>, %arg10: memref<128x32xf32, #tpu.memory_space<vmem>>, %arg11: memref<128x32xf32, #tpu.memory_space<vmem>>, %arg12: memref<128x32xf32, #tpu.memory_space<vmem>>, %arg13: memref<160x32xf32, #tpu.memory_space<vmem>>, %arg14: memref<10240x32xf32, #tpu.memory_space<vmem_shared>>, %arg15: memref<!tpu.dma_semaphore, #tpu.memory_space<semaphore_mem>>, %arg16: memref<!tpu.dma_semaphore, #tpu.memory_space<semaphore_mem>>, %arg17: memref<!tpu.dma_semaphore, #tpu.memory_space<semaphore_mem>>, %arg18: memref<!tpu.dma_semaphore, #tpu.memory_space<semaphore_mem>>, %arg19: memref<!tpu.dma_semaphore, #tpu.memory_space<semaphore_mem>>, %arg20: memref<!tpu.dma_semaphore, #tpu.memory_space<semaphore_mem>>, %arg21: memref<!tpu.dma_semaphore, #tpu.memory_space<semaphore_mem>>, %arg22: memref<!tpu.dma_semaphore, #tpu.memory_space<semaphore_mem>>, %arg23: memref<!tpu.dma_semaphore, #tpu.memory_space<semaphore_mem>>, %arg24: memref<!tpu.dma_semaphore, #tpu.memory_space<semaphore_mem>>) attributes {dimension_semantics = [#tpu.dimension_semantics<core_parallel>, #tpu.dimension_semantics<subcore_parallel>], iteration_bounds = array<i64: 2, 16>, scalar_prefetch = 0 : i64, scratch_operands = 19 : i64, tpu.core_type = #tpu.core_type<sc_vector_subcore>, window_params = [{transform_indices = #map}, {transform_indices = #map}, {transform_indices = #map}, {transform_indices = #map1}]} {
    %scan3A = arith.constant 0 : i32
    %scan3A_0 = arith.constant 160 : i32
    %scan3A_1 = arith.addi %scan3A, %scan3A_0 : i32
    %scan3A_2 = arith.constant 1 : i32
    scf.for %scan3A_30 = %scan3A to %scan3A_1 step %scan3A_2  : i32 {
      %mul3A_31 = arith.constant 1 : i32
      %mul3A_32 = arith.muli %scan3A_30, %mul3A_31 : i32
      %add3A_33 = arith.constant 0 : i32
      %add3A_34 = arith.addi %add3A_33, %mul3A_32 : i32
      %scan3A_35 = arith.constant 0 : i32
      %scan3A_36 = arith.constant 2 : i32
      %scan3A_37 = arith.addi %scan3A_35, %scan3A_36 : i32
      %scan3A_38 = arith.constant 1 : i32
      scf.for %scan3A_40 = %scan3A_35 to %scan3A_37 step %scan3A_38  : i32 {
        %mul3A_41 = arith.constant 1 : i32
        %mul3A_42 = arith.muli %scan3A_40, %mul3A_41 : i32
        %add3A_43 = arith.constant 0 : i32
        %add3A_44 = arith.addi %add3A_43, %mul3A_42 : i32
        %broadcast_in_dim3A = arith.constant 0.000000e+00 : f32
        %broadcast_in_dim3A_45 = vector.broadcast %broadcast_in_dim3A : f32 to vector<16xf32>
        %mul3A_46 = arith.constant 16 : i32
        %mul3A_47 = arith.muli %add3A_44, %mul3A_46 : i32
        %swap3A = arith.index_cast %add3A_34 : i32 to index
        %swap3A_48 = arith.index_cast %mul3A_47 : i32 to index
        %swap3A_49 = tpu.vector_load %arg13[%swap3A, %swap3A_48] {strides = array<i32>} : memref<160x32xf32, #tpu.memory_space<vmem>>, vector<1x16xf32>,
        %swap3A_50 = vector.shape_cast %swap3A_49 : vector<1x16xf32> to vector<16xf32>
        %swap3A_51 = vector.shape_cast %broadcast_in_dim3A_45 : vector<16xf32> to vector<1x16xf32>
        tpu.vector_store %arg13[%swap3A, %swap3A_48], %swap3A_51 {strides = array<i32>} : memref<160x32xf32, #tpu.memory_space<vmem>>, vector<1x16xf32>,
      }
      %scan3A_39 = arith.constant 2 : i32
    }
    %scan3A_3 = arith.constant 160 : i32
    %mul3A = arith.constant 640 : i32
    %mul3A_4 = arith.muli %arg1, %mul3A : i32
    %add3A = arith.constant 0 : i32
    %add3A_5 = arith.addi %mul3A_4, %add3A : i32
    "tpu.region"() ({
      %run_scoped3A = tpu.sem_alloc : memref<!tpu.dma_semaphore, #tpu.memory_space<semaphore_mem>>
      %dma_start3A = arith.constant 0 : i32
      %dma_start3A_30 = tpu.memref_slice %arg14[%add3A_5, %dma_start3A] : memref<10240x32xf32, #tpu.memory_space<vmem_shared>> -> memref<160x32xf32, #tpu.memory_space<vmem_shared>>
      %dma_start3A_31 = arith.constant 0 : i32
      %dma_start3A_32 = tpu.memref_slice %arg14[%add3A_5, %dma_start3A_31] : memref<10240x32xf32, #tpu.memory_space<vmem_shared>> -> memref<160x32xf32, #tpu.memory_space<vmem_shared>>
      tpu.enqueue_dma source(%arg13 : memref<160x32xf32, #tpu.memory_space<vmem>>) target(%dma_start3A_32 : memref<160x32xf32, #tpu.memory_space<vmem_shared>>) target_semaphore(%run_scoped3A : memref<!tpu.dma_semaphore, #tpu.memory_space<semaphore_mem>>)
      %dma_wait3A = arith.constant 0 : i32
      %dma_wait3A_33 = tpu.memref_slice %arg14[%add3A_5, %dma_wait3A] : memref<10240x32xf32, #tpu.memory_space<vmem_shared>> -> memref<160x32xf32, #tpu.memory_space<vmem_shared>>
      %dma_wait3A_34 = arith.constant 0 : i32
      %dma_wait3A_35 = tpu.memref_slice %arg14[%add3A_5, %dma_wait3A_34] : memref<10240x32xf32, #tpu.memory_space<vmem_shared>> -> memref<160x32xf32, #tpu.memory_space<vmem_shared>>
      tpu.wait_dma2 semaphore(%run_scoped3A : memref<!tpu.dma_semaphore, #tpu.memory_space<semaphore_mem>>) src(%arg13 : memref<160x32xf32, #tpu.memory_space<vmem>>) dst(%dma_wait3A_35 : memref<160x32xf32, #tpu.memory_space<vmem_shared>>)
      tpu.yield
    }) : () -> ()
    %mul3A_6 = arith.constant 640 : i32
    %mul3A_7 = arith.muli %arg1, %mul3A_6 : i32
    %add3A_8 = arith.constant 160 : i32
    %add3A_9 = arith.addi %mul3A_7, %add3A_8 : i32
    "tpu.region"() ({
      %run_scoped3A = tpu.sem_alloc : memref<!tpu.dma_semaphore, #tpu.memory_space<semaphore_mem>>
      %dma_start3A = arith.constant 0 : i32
      %dma_start3A_30 = tpu.memref_slice %arg14[%add3A_9, %dma_start3A] : memref<10240x32xf32, #tpu.memory_space<vmem_shared>> -> memref<160x32xf32, #tpu.memory_space<vmem_shared>>
      %dma_start3A_31 = arith.constant 0 : i32
      %dma_start3A_32 = tpu.memref_slice %arg14[%add3A_9, %dma_start3A_31] : memref<10240x32xf32, #tpu.memory_space<vmem_shared>> -> memref<160x32xf32, #tpu.memory_space<vmem_shared>>
      tpu.enqueue_dma source(%arg13 : memref<160x32xf32, #tpu.memory_space<vmem>>) target(%dma_start3A_32 : memref<160x32xf32, #tpu.memory_space<vmem_shared>>) target_semaphore(%run_scoped3A : memref<!tpu.dma_semaphore, #tpu.memory_space<semaphore_mem>>)
      %dma_wait3A = arith.constant 0 : i32
      %dma_wait3A_33 = tpu.memref_slice %arg14[%add3A_9, %dma_wait3A] : memref<10240x32xf32, #tpu.memory_space<vmem_shared>> -> memref<160x32xf32, #tpu.memory_space<vmem_shared>>
      %dma_wait3A_34 = arith.constant 0 : i32
      %dma_wait3A_35 = tpu.memref_slice %arg14[%add3A_9, %dma_wait3A_34] : memref<10240x32xf32, #tpu.memory_space<vmem_shared>> -> memref<160x32xf32, #tpu.memory_space<vmem_shared>>
      tpu.wait_dma2 semaphore(%run_scoped3A : memref<!tpu.dma_semaphore, #tpu.memory_space<semaphore_mem>>) src(%arg13 : memref<160x32xf32, #tpu.memory_space<vmem>>) dst(%dma_wait3A_35 : memref<160x32xf32, #tpu.memory_space<vmem_shared>>)
      tpu.yield
    }) : () -> ()
    %mul3A_10 = arith.constant 640 : i32
    %mul3A_11 = arith.muli %arg1, %mul3A_10 : i32
    %add3A_12 = arith.constant 320 : i32
    %add3A_13 = arith.addi %mul3A_11, %add3A_12 : i32
    "tpu.region"() ({
      %run_scoped3A = tpu.sem_alloc : memref<!tpu.dma_semaphore, #tpu.memory_space<semaphore_mem>>
      %dma_start3A = arith.constant 0 : i32
      %dma_start3A_30 = tpu.memref_slice %arg14[%add3A_13, %dma_start3A] : memref<10240x32xf32, #tpu.memory_space<vmem_shared>> -> memref<160x32xf32, #tpu.memory_space<vmem_shared>>
      %dma_start3A_31 = arith.constant 0 : i32
      %dma_start3A_32 = tpu.memref_slice %arg14[%add3A_13, %dma_start3A_31] : memref<10240x32xf32, #tpu.memory_space<vmem_shared>> -> memref<160x32xf32, #tpu.memory_space<vmem_shared>>
      tpu.enqueue_dma source(%arg13 : memref<160x32xf32, #tpu.memory_space<vmem>>) target(%dma_start3A_32 : memref<160x32xf32, #tpu.memory_space<vmem_shared>>) target_semaphore(%run_scoped3A : memref<!tpu.dma_semaphore, #tpu.memory_space<semaphore_mem>>)
      %dma_wait3A = arith.constant 0 : i32
      %dma_wait3A_33 = tpu.memref_slice %arg14[%add3A_13, %dma_wait3A] : memref<10240x32xf32, #tpu.memory_space<vmem_shared>> -> memref<160x32xf32, #tpu.memory_space<vmem_shared>>
      %dma_wait3A_34 = arith.constant 0 : i32
      %dma_wait3A_35 = tpu.memref_slice %arg14[%add3A_13, %dma_wait3A_34] : memref<10240x32xf32, #tpu.memory_space<vmem_shared>> -> memref<160x32xf32, #tpu.memory_space<vmem_shared>>
      tpu.wait_dma2 semaphore(%run_scoped3A : memref<!tpu.dma_semaphore, #tpu.memory_space<semaphore_mem>>) src(%arg13 : memref<160x32xf32, #tpu.memory_space<vmem>>) dst(%dma_wait3A_35 : memref<160x32xf32, #tpu.memory_space<vmem_shared>>)
      tpu.yield
    }) : () -> ()
    %mul3A_14 = arith.constant 640 : i32
    %mul3A_15 = arith.muli %arg1, %mul3A_14 : i32
    %add3A_16 = arith.constant 480 : i32
    %add3A_17 = arith.addi %mul3A_15, %add3A_16 : i32
    "tpu.region"() ({
      %run_scoped3A = tpu.sem_alloc : memref<!tpu.dma_semaphore, #tpu.memory_space<semaphore_mem>>
      %dma_start3A = arith.constant 0 : i32
      %dma_start3A_30 = tpu.memref_slice %arg14[%add3A_17, %dma_start3A] : memref<10240x32xf32, #tpu.memory_space<vmem_shared>> -> memref<160x32xf32, #tpu.memory_space<vmem_shared>>
      %dma_start3A_31 = arith.constant 0 : i32
      %dma_start3A_32 = tpu.memref_slice %arg14[%add3A_17, %dma_start3A_31] : memref<10240x32xf32, #tpu.memory_space<vmem_shared>> -> memref<160x32xf32, #tpu.memory_space<vmem_shared>>
      tpu.enqueue_dma source(%arg13 : memref<160x32xf32, #tpu.memory_space<vmem>>) target(%dma_start3A_32 : memref<160x32xf32, #tpu.memory_space<vmem_shared>>) target_semaphore(%run_scoped3A : memref<!tpu.dma_semaphore, #tpu.memory_space<semaphore_mem>>)
      %dma_wait3A = arith.constant 0 : i32
      %dma_wait3A_33 = tpu.memref_slice %arg14[%add3A_17, %dma_wait3A] : memref<10240x32xf32, #tpu.memory_space<vmem_shared>> -> memref<160x32xf32, #tpu.memory_space<vmem_shared>>
      %dma_wait3A_34 = arith.constant 0 : i32
      %dma_wait3A_35 = tpu.memref_slice %arg14[%add3A_17, %dma_wait3A_34] : memref<10240x32xf32, #tpu.memory_space<vmem_shared>> -> memref<160x32xf32, #tpu.memory_space<vmem_shared>>
      tpu.wait_dma2 semaphore(%run_scoped3A : memref<!tpu.dma_semaphore, #tpu.memory_space<semaphore_mem>>) src(%arg13 : memref<160x32xf32, #tpu.memory_space<vmem>>) dst(%dma_wait3A_35 : memref<160x32xf32, #tpu.memory_space<vmem_shared>>)
      tpu.yield
    }) : () -> ()
    %barrier3A = arith.constant 0 : index
    tpu.barrier barrier_id(%barrier3A)
    %eq3A = arith.constant 0 : i32
    %eq3A_18 = arith.cmpi eq, %arg0, %eq3A : i32
    %convert_element_type3A = arith.extui %eq3A_18 : i1 to i32
    %cond3A = arith.constant 0 : i32
    %cond3A_19 = arith.cmpi ne, %convert_element_type3A, %cond3A : i32
    scf.if %cond3A_19 {
      %mul3A_30 = arith.constant 120 : i32
      %mul3A_31 = arith.muli %arg1, %mul3A_30 : i32
      "tpu.region"() ({
        %run_scoped3A = tpu.sem_alloc : memref<!tpu.dma_semaphore, #tpu.memory_space<semaphore_mem>>
        %dma_start3A = arith.constant 0 : i32
        %dma_start3A_37 = arith.constant 0 : i32
        %dma_start3A_38 = tpu.memref_slice %arg6[%dma_start3A, %dma_start3A_37] : memref<120x128xi32, #tpu.memory_space<vmem>> -> memref<120x128xi32, #tpu.memory_space<vmem>>
        %dma_start3A_39 = arith.constant 0 : i32
        %dma_start3A_40 = tpu.memref_slice %arg3[%mul3A_31, %dma_start3A_39] : memref<2560x128xi32, #tpu.memory_space<hbm>> -> memref<120x128xi32, #tpu.memory_space<hbm>>
        %dma_start3A_41 = arith.constant 0 : i32
        %dma_start3A_42 = arith.constant 0 : i32
        %dma_start3A_43 = tpu.memref_slice %arg6[%dma_start3A_41, %dma_start3A_42] : memref<120x128xi32, #tpu.memory_space<vmem>> -> memref<120x128xi32, #tpu.memory_space<vmem>>
        %dma_start3A_44 = arith.constant 0 : i32
        %dma_start3A_45 = tpu.memref_slice %arg3[%mul3A_31, %dma_start3A_44] : memref<2560x128xi32, #tpu.memory_space<hbm>> -> memref<120x128xi32, #tpu.memory_space<hbm>>
        tpu.enqueue_dma source(%dma_start3A_45 : memref<120x128xi32, #tpu.memory_space<hbm>>) target(%dma_start3A_43 : memref<120x128xi32, #tpu.memory_space<vmem>>) target_semaphore(%run_scoped3A : memref<!tpu.dma_semaphore, #tpu.memory_space<semaphore_mem>>)
        %dma_wait3A = arith.constant 0 : i32
        %dma_wait3A_46 = arith.constant 0 : i32
        %dma_wait3A_47 = tpu.memref_slice %arg6[%dma_wait3A, %dma_wait3A_46] : memref<120x128xi32, #tpu.memory_space<vmem>> -> memref<120x128xi32, #tpu.memory_space<vmem>>
        %dma_wait3A_48 = arith.constant 0 : i32
        %dma_wait3A_49 = tpu.memref_slice %arg3[%mul3A_31, %dma_wait3A_48] : memref<2560x128xi32, #tpu.memory_space<hbm>> -> memref<120x128xi32, #tpu.memory_space<hbm>>
        %dma_wait3A_50 = arith.constant 0 : i32
        %dma_wait3A_51 = arith.constant 0 : i32
        %dma_wait3A_52 = tpu.memref_slice %arg6[%dma_wait3A_50, %dma_wait3A_51] : memref<120x128xi32, #tpu.memory_space<vmem>> -> memref<120x128xi32, #tpu.memory_space<vmem>>
        %dma_wait3A_53 = arith.constant 0 : i32
        %dma_wait3A_54 = tpu.memref_slice %arg3[%mul3A_31, %dma_wait3A_53] : memref<2560x128xi32, #tpu.memory_space<hbm>> -> memref<120x128xi32, #tpu.memory_space<hbm>>
        tpu.wait_dma2 semaphore(%run_scoped3A : memref<!tpu.dma_semaphore, #tpu.memory_space<semaphore_mem>>) src(%dma_wait3A_54 : memref<120x128xi32, #tpu.memory_space<hbm>>) dst(%dma_wait3A_52 : memref<120x128xi32, #tpu.memory_space<vmem>>)
        tpu.yield
      }) : () -> ()
      "tpu.region"() ({
        %run_scoped3A = tpu.sem_alloc : memref<!tpu.dma_semaphore, #tpu.memory_space<semaphore_mem>>
        %dma_start3A = arith.constant 0 : i32
        %dma_start3A_37 = arith.constant 0 : i32
        %dma_start3A_38 = tpu.memref_slice %arg7[%dma_start3A, %dma_start3A_37] : memref<120x128xi32, #tpu.memory_space<vmem>> -> memref<120x128xi32, #tpu.memory_space<vmem>>
        %dma_start3A_39 = arith.constant 0 : i32
        %dma_start3A_40 = tpu.memref_slice %arg4[%mul3A_31, %dma_start3A_39] : memref<2560x128xi32, #tpu.memory_space<hbm>> -> memref<120x128xi32, #tpu.memory_space<hbm>>
        %dma_start3A_41 = arith.constant 0 : i32
        %dma_start3A_42 = arith.constant 0 : i32
        %dma_start3A_43 = tpu.memref_slice %arg7[%dma_start3A_41, %dma_start3A_42] : memref<120x128xi32, #tpu.memory_space<vmem>> -> memref<120x128xi32, #tpu.memory_space<vmem>>
        %dma_start3A_44 = arith.constant 0 : i32
        %dma_start3A_45 = tpu.memref_slice %arg4[%mul3A_31, %dma_start3A_44] : memref<2560x128xi32, #tpu.memory_space<hbm>> -> memref<120x128xi32, #tpu.memory_space<hbm>>
        tpu.enqueue_dma source(%dma_start3A_45 : memref<120x128xi32, #tpu.memory_space<hbm>>) target(%dma_start3A_43 : memref<120x128xi32, #tpu.memory_space<vmem>>) target_semaphore(%run_scoped3A : memref<!tpu.dma_semaphore, #tpu.memory_space<semaphore_mem>>)
        %dma_wait3A = arith.constant 0 : i32
        %dma_wait3A_46 = arith.constant 0 : i32
        %dma_wait3A_47 = tpu.memref_slice %arg7[%dma_wait3A, %dma_wait3A_46] : memref<120x128xi32, #tpu.memory_space<vmem>> -> memref<120x128xi32, #tpu.memory_space<vmem>>
        %dma_wait3A_48 = arith.constant 0 : i32
        %dma_wait3A_49 = tpu.memref_slice %arg4[%mul3A_31, %dma_wait3A_48] : memref<2560x128xi32, #tpu.memory_space<hbm>> -> memref<120x128xi32, #tpu.memory_space<hbm>>
        %dma_wait3A_50 = arith.constant 0 : i32
        %dma_wait3A_51 = arith.constant 0 : i32
        %dma_wait3A_52 = tpu.memref_slice %arg7[%dma_wait3A_50, %dma_wait3A_51] : memref<120x128xi32, #tpu.memory_space<vmem>> -> memref<120x128xi32, #tpu.memory_space<vmem>>
        %dma_wait3A_53 = arith.constant 0 : i32
        %dma_wait3A_54 = tpu.memref_slice %arg4[%mul3A_31, %dma_wait3A_53] : memref<2560x128xi32, #tpu.memory_space<hbm>> -> memref<120x128xi32, #tpu.memory_space<hbm>>
        tpu.wait_dma2 semaphore(%run_scoped3A : memref<!tpu.dma_semaphore, #tpu.memory_space<semaphore_mem>>) src(%dma_wait3A_54 : memref<120x128xi32, #tpu.memory_space<hbm>>) dst(%dma_wait3A_52 : memref<120x128xi32, #tpu.memory_space<vmem>>)
        tpu.yield
      }) : () -> ()
      %scan3A_32 = arith.constant 0 : i32
      %scan3A_33 = arith.constant 24 : i32
      %scan3A_34 = arith.addi %scan3A_32, %scan3A_33 : i32
      %scan3A_35 = arith.constant 1 : i32
      scf.for %scan3A_37 = %scan3A_32 to %scan3A_34 step %scan3A_35  : i32 {
        %mul3A_38 = arith.constant 5 : i32
        %mul3A_39 = arith.muli %scan3A_37, %mul3A_38 : i32
        %add3A_40 = arith.constant 0 : i32
        %add3A_41 = arith.addi %add3A_40, %mul3A_39 : i32
        %add3A_42 = arith.constant 0 : i32
        %add3A_43 = arith.addi %add3A_41, %add3A_42 : i32
        %dma_start3A = arith.constant 0 : i32
        %dma_start3A_44 = tpu.memref_slice %arg6[%add3A_43, %dma_start3A] : memref<120x128xi32, #tpu.memory_space<vmem>> -> memref<1x128xi32, #tpu.memory_space<vmem>>
        %dma_start3A_45 = tpu.memref_squeeze %dma_start3A_44 : memref<1x128xi32, #tpu.memory_space<vmem>> -> memref<128xi32, #tpu.memory_space<vmem>>
        %dma_start3A_46 = arith.constant 0 : i32
        %dma_start3A_47 = arith.constant 0 : i32
        %dma_start3A_48 = tpu.memref_slice %arg2[%dma_start3A_46, %dma_start3A_47] : memref<10000x32xf32, #tpu.memory_space<hbm>> -> memref<10000x32xf32, #tpu.memory_space<hbm>>
        tpu.enqueue_indirect_dma source(%dma_start3A_48 : memref<10000x32xf32, #tpu.memory_space<hbm>>) target(%arg8 : memref<128x32xf32, #tpu.memory_space<vmem>>) offsets(%dma_start3A_45 : memref<128xi32, #tpu.memory_space<vmem>>) semaphore(%arg15 : memref<!tpu.dma_semaphore, #tpu.memory_space<semaphore_mem>>)
        %add3A_49 = arith.constant 1 : i32
        %add3A_50 = arith.addi %add3A_41, %add3A_49 : i32
        %dma_start3A_51 = arith.constant 0 : i32
        %dma_start3A_52 = tpu.memref_slice %arg6[%add3A_50, %dma_start3A_51] : memref<120x128xi32, #tpu.memory_space<vmem>> -> memref<1x128xi32, #tpu.memory_space<vmem>>
        %dma_start3A_53 = tpu.memref_squeeze %dma_start3A_52 : memref<1x128xi32, #tpu.memory_space<vmem>> -> memref<128xi32, #tpu.memory_space<vmem>>
        %dma_start3A_54 = arith.constant 0 : i32
        %dma_start3A_55 = arith.constant 0 : i32
        %dma_start3A_56 = tpu.memref_slice %arg2[%dma_start3A_54, %dma_start3A_55] : memref<10000x32xf32, #tpu.memory_space<hbm>> -> memref<10000x32xf32, #tpu.memory_space<hbm>>
        tpu.enqueue_indirect_dma source(%dma_start3A_56 : memref<10000x32xf32, #tpu.memory_space<hbm>>) target(%arg9 : memref<128x32xf32, #tpu.memory_space<vmem>>) offsets(%dma_start3A_53 : memref<128xi32, #tpu.memory_space<vmem>>) semaphore(%arg16 : memref<!tpu.dma_semaphore, #tpu.memory_space<semaphore_mem>>)
        %add3A_57 = arith.constant 2 : i32
        %add3A_58 = arith.addi %add3A_41, %add3A_57 : i32
        %dma_start3A_59 = arith.constant 0 : i32
        %dma_start3A_60 = tpu.memref_slice %arg6[%add3A_58, %dma_start3A_59] : memref<120x128xi32, #tpu.memory_space<vmem>> -> memref<1x128xi32, #tpu.memory_space<vmem>>
        %dma_start3A_61 = tpu.memref_squeeze %dma_start3A_60 : memref<1x128xi32, #tpu.memory_space<vmem>> -> memref<128xi32, #tpu.memory_space<vmem>>
        %dma_start3A_62 = arith.constant 0 : i32
        %dma_start3A_63 = arith.constant 0 : i32
        %dma_start3A_64 = tpu.memref_slice %arg2[%dma_start3A_62, %dma_start3A_63] : memref<10000x32xf32, #tpu.memory_space<hbm>> -> memref<10000x32xf32, #tpu.memory_space<hbm>>
        tpu.enqueue_indirect_dma source(%dma_start3A_64 : memref<10000x32xf32, #tpu.memory_space<hbm>>) target(%arg10 : memref<128x32xf32, #tpu.memory_space<vmem>>) offsets(%dma_start3A_61 : memref<128xi32, #tpu.memory_space<vmem>>) semaphore(%arg17 : memref<!tpu.dma_semaphore, #tpu.memory_space<semaphore_mem>>)
        %add3A_65 = arith.constant 3 : i32
        %add3A_66 = arith.addi %add3A_41, %add3A_65 : i32
        %dma_start3A_67 = arith.constant 0 : i32
        %dma_start3A_68 = tpu.memref_slice %arg6[%add3A_66, %dma_start3A_67] : memref<120x128xi32, #tpu.memory_space<vmem>> -> memref<1x128xi32, #tpu.memory_space<vmem>>
        %dma_start3A_69 = tpu.memref_squeeze %dma_start3A_68 : memref<1x128xi32, #tpu.memory_space<vmem>> -> memref<128xi32, #tpu.memory_space<vmem>>
        %dma_start3A_70 = arith.constant 0 : i32
        %dma_start3A_71 = arith.constant 0 : i32
        %dma_start3A_72 = tpu.memref_slice %arg2[%dma_start3A_70, %dma_start3A_71] : memref<10000x32xf32, #tpu.memory_space<hbm>> -> memref<10000x32xf32, #tpu.memory_space<hbm>>
        tpu.enqueue_indirect_dma source(%dma_start3A_72 : memref<10000x32xf32, #tpu.memory_space<hbm>>) target(%arg11 : memref<128x32xf32, #tpu.memory_space<vmem>>) offsets(%dma_start3A_69 : memref<128xi32, #tpu.memory_space<vmem>>) semaphore(%arg18 : memref<!tpu.dma_semaphore, #tpu.memory_space<semaphore_mem>>)
        %add3A_73 = arith.constant 4 : i32
        %add3A_74 = arith.addi %add3A_41, %add3A_73 : i32
        %dma_start3A_75 = arith.constant 0 : i32
        %dma_start3A_76 = tpu.memref_slice %arg6[%add3A_74, %dma_start3A_75] : memref<120x128xi32, #tpu.memory_space<vmem>> -> memref<1x128xi32, #tpu.memory_space<vmem>>
        %dma_start3A_77 = tpu.memref_squeeze %dma_start3A_76 : memref<1x128xi32, #tpu.memory_space<vmem>> -> memref<128xi32, #tpu.memory_space<vmem>>
        %dma_start3A_78 = arith.constant 0 : i32
        %dma_start3A_79 = arith.constant 0 : i32
        %dma_start3A_80 = tpu.memref_slice %arg2[%dma_start3A_78, %dma_start3A_79] : memref<10000x32xf32, #tpu.memory_space<hbm>> -> memref<10000x32xf32, #tpu.memory_space<hbm>>
        tpu.enqueue_indirect_dma source(%dma_start3A_80 : memref<10000x32xf32, #tpu.memory_space<hbm>>) target(%arg12 : memref<128x32xf32, #tpu.memory_space<vmem>>) offsets(%dma_start3A_77 : memref<128xi32, #tpu.memory_space<vmem>>) semaphore(%arg19 : memref<!tpu.dma_semaphore, #tpu.memory_space<semaphore_mem>>)
        %dma_wait3A = arith.constant 0 : i32
        %dma_wait3A_81 = tpu.memref_slice %arg6[%add3A_43, %dma_wait3A] : memref<120x128xi32, #tpu.memory_space<vmem>> -> memref<1x128xi32, #tpu.memory_space<vmem>>
        %dma_wait3A_82 = tpu.memref_squeeze %dma_wait3A_81 : memref<1x128xi32, #tpu.memory_space<vmem>> -> memref<128xi32, #tpu.memory_space<vmem>>
        %dma_wait3A_83 = arith.constant 0 : i32
        %dma_wait3A_84 = arith.constant 0 : i32
        %dma_wait3A_85 = tpu.memref_slice %arg2[%dma_wait3A_83, %dma_wait3A_84] : memref<10000x32xf32, #tpu.memory_space<hbm>> -> memref<10000x32xf32, #tpu.memory_space<hbm>>
        tpu.wait_indirect_dma semaphore(%arg15 : memref<!tpu.dma_semaphore, #tpu.memory_space<semaphore_mem>>) src(%dma_wait3A_85 : memref<10000x32xf32, #tpu.memory_space<hbm>>) dst(%arg8 : memref<128x32xf32, #tpu.memory_space<vmem>>)
        %add3A_86 = arith.constant 0 : i32
        %add3A_87 = arith.addi %add3A_41, %add3A_86 : i32
        %dma_start3A_88 = arith.constant 0 : i32
        %dma_start3A_89 = tpu.memref_slice %arg7[%add3A_87, %dma_start3A_88] : memref<120x128xi32, #tpu.memory_space<vmem>> -> memref<1x128xi32, #tpu.memory_space<vmem>>
        %dma_start3A_90 = tpu.memref_squeeze %dma_start3A_89 : memref<1x128xi32, #tpu.memory_space<vmem>> -> memref<128xi32, #tpu.memory_space<vmem>>
        %dma_start3A_91 = arith.constant 0 : i32
        %dma_start3A_92 = arith.constant 0 : i32
        %dma_start3A_93 = tpu.memref_slice %arg14[%dma_start3A_91, %dma_start3A_92] : memref<10240x32xf32, #tpu.memory_space<vmem_shared>> -> memref<10240x32xf32, #tpu.memory_space<vmem_shared>>
        tpu.enqueue_indirect_dma source(%arg8 : memref<128x32xf32, #tpu.memory_space<vmem>>) target(%dma_start3A_93 : memref<10240x32xf32, #tpu.memory_space<vmem_shared>>) offsets(%dma_start3A_90 : memref<128xi32, #tpu.memory_space<vmem>>) semaphore(%arg20 : memref<!tpu.dma_semaphore, #tpu.memory_space<semaphore_mem>>) {add = true}
        %dma_wait3A_94 = arith.constant 0 : i32
        %dma_wait3A_95 = tpu.memref_slice %arg6[%add3A_50, %dma_wait3A_94] : memref<120x128xi32, #tpu.memory_space<vmem>> -> memref<1x128xi32, #tpu.memory_space<vmem>>
        %dma_wait3A_96 = tpu.memref_squeeze %dma_wait3A_95 : memref<1x128xi32, #tpu.memory_space<vmem>> -> memref<128xi32, #tpu.memory_space<vmem>>
        %dma_wait3A_97 = arith.constant 0 : i32
        %dma_wait3A_98 = arith.constant 0 : i32
        %dma_wait3A_99 = tpu.memref_slice %arg2[%dma_wait3A_97, %dma_wait3A_98] : memref<10000x32xf32, #tpu.memory_space<hbm>> -> memref<10000x32xf32, #tpu.memory_space<hbm>>
        tpu.wait_indirect_dma semaphore(%arg16 : memref<!tpu.dma_semaphore, #tpu.memory_space<semaphore_mem>>) src(%dma_wait3A_99 : memref<10000x32xf32, #tpu.memory_space<hbm>>) dst(%arg9 : memref<128x32xf32, #tpu.memory_space<vmem>>)
        %add3A_100 = arith.constant 1 : i32
        %add3A_101 = arith.addi %add3A_41, %add3A_100 : i32
        %dma_start3A_102 = arith.constant 0 : i32
        %dma_start3A_103 = tpu.memref_slice %arg7[%add3A_101, %dma_start3A_102] : memref<120x128xi32, #tpu.memory_space<vmem>> -> memref<1x128xi32, #tpu.memory_space<vmem>>
        %dma_start3A_104 = tpu.memref_squeeze %dma_start3A_103 : memref<1x128xi32, #tpu.memory_space<vmem>> -> memref<128xi32, #tpu.memory_space<vmem>>
        %dma_start3A_105 = arith.constant 0 : i32
        %dma_start3A_106 = arith.constant 0 : i32
        %dma_start3A_107 = tpu.memref_slice %arg14[%dma_start3A_105, %dma_start3A_106] : memref<10240x32xf32, #tpu.memory_space<vmem_shared>> -> memref<10240x32xf32, #tpu.memory_space<vmem_shared>>
        tpu.enqueue_indirect_dma source(%arg9 : memref<128x32xf32, #tpu.memory_space<vmem>>) target(%dma_start3A_107 : memref<10240x32xf32, #tpu.memory_space<vmem_shared>>) offsets(%dma_start3A_104 : memref<128xi32, #tpu.memory_space<vmem>>) semaphore(%arg21 : memref<!tpu.dma_semaphore, #tpu.memory_space<semaphore_mem>>) {add = true}
        %dma_wait3A_108 = arith.constant 0 : i32
        %dma_wait3A_109 = tpu.memref_slice %arg6[%add3A_58, %dma_wait3A_108] : memref<120x128xi32, #tpu.memory_space<vmem>> -> memref<1x128xi32, #tpu.memory_space<vmem>>
        %dma_wait3A_110 = tpu.memref_squeeze %dma_wait3A_109 : memref<1x128xi32, #tpu.memory_space<vmem>> -> memref<128xi32, #tpu.memory_space<vmem>>
        %dma_wait3A_111 = arith.constant 0 : i32
        %dma_wait3A_112 = arith.constant 0 : i32
        %dma_wait3A_113 = tpu.memref_slice %arg2[%dma_wait3A_111, %dma_wait3A_112] : memref<10000x32xf32, #tpu.memory_space<hbm>> -> memref<10000x32xf32, #tpu.memory_space<hbm>>
        tpu.wait_indirect_dma semaphore(%arg17 : memref<!tpu.dma_semaphore, #tpu.memory_space<semaphore_mem>>) src(%dma_wait3A_113 : memref<10000x32xf32, #tpu.memory_space<hbm>>) dst(%arg10 : memref<128x32xf32, #tpu.memory_space<vmem>>)
        %add3A_114 = arith.constant 2 : i32
        %add3A_115 = arith.addi %add3A_41, %add3A_114 : i32
        %dma_start3A_116 = arith.constant 0 : i32
        %dma_start3A_117 = tpu.memref_slice %arg7[%add3A_115, %dma_start3A_116] : memref<120x128xi32, #tpu.memory_space<vmem>> -> memref<1x128xi32, #tpu.memory_space<vmem>>
        %dma_start3A_118 = tpu.memref_squeeze %dma_start3A_117 : memref<1x128xi32, #tpu.memory_space<vmem>> -> memref<128xi32, #tpu.memory_space<vmem>>
        %dma_start3A_119 = arith.constant 0 : i32
        %dma_start3A_120 = arith.constant 0 : i32
        %dma_start3A_121 = tpu.memref_slice %arg14[%dma_start3A_119, %dma_start3A_120] : memref<10240x32xf32, #tpu.memory_space<vmem_shared>> -> memref<10240x32xf32, #tpu.memory_space<vmem_shared>>
        tpu.enqueue_indirect_dma source(%arg10 : memref<128x32xf32, #tpu.memory_space<vmem>>) target(%dma_start3A_121 : memref<10240x32xf32, #tpu.memory_space<vmem_shared>>) offsets(%dma_start3A_118 : memref<128xi32, #tpu.memory_space<vmem>>) semaphore(%arg22 : memref<!tpu.dma_semaphore, #tpu.memory_space<semaphore_mem>>) {add = true}
        %dma_wait3A_122 = arith.constant 0 : i32
        %dma_wait3A_123 = tpu.memref_slice %arg6[%add3A_66, %dma_wait3A_122] : memref<120x128xi32, #tpu.memory_space<vmem>> -> memref<1x128xi32, #tpu.memory_space<vmem>>
        %dma_wait3A_124 = tpu.memref_squeeze %dma_wait3A_123 : memref<1x128xi32, #tpu.memory_space<vmem>> -> memref<128xi32, #tpu.memory_space<vmem>>
        %dma_wait3A_125 = arith.constant 0 : i32
        %dma_wait3A_126 = arith.constant 0 : i32
        %dma_wait3A_127 = tpu.memref_slice %arg2[%dma_wait3A_125, %dma_wait3A_126] : memref<10000x32xf32, #tpu.memory_space<hbm>> -> memref<10000x32xf32, #tpu.memory_space<hbm>>
        tpu.wait_indirect_dma semaphore(%arg18 : memref<!tpu.dma_semaphore, #tpu.memory_space<semaphore_mem>>) src(%dma_wait3A_127 : memref<10000x32xf32, #tpu.memory_space<hbm>>) dst(%arg11 : memref<128x32xf32, #tpu.memory_space<vmem>>)
        %add3A_128 = arith.constant 3 : i32
        %add3A_129 = arith.addi %add3A_41, %add3A_128 : i32
        %dma_start3A_130 = arith.constant 0 : i32
        %dma_start3A_131 = tpu.memref_slice %arg7[%add3A_129, %dma_start3A_130] : memref<120x128xi32, #tpu.memory_space<vmem>> -> memref<1x128xi32, #tpu.memory_space<vmem>>
        %dma_start3A_132 = tpu.memref_squeeze %dma_start3A_131 : memref<1x128xi32, #tpu.memory_space<vmem>> -> memref<128xi32, #tpu.memory_space<vmem>>
        %dma_start3A_133 = arith.constant 0 : i32
        %dma_start3A_134 = arith.constant 0 : i32
        %dma_start3A_135 = tpu.memref_slice %arg14[%dma_start3A_133, %dma_start3A_134] : memref<10240x32xf32, #tpu.memory_space<vmem_shared>> -> memref<10240x32xf32, #tpu.memory_space<vmem_shared>>
        tpu.enqueue_indirect_dma source(%arg11 : memref<128x32xf32, #tpu.memory_space<vmem>>) target(%dma_start3A_135 : memref<10240x32xf32, #tpu.memory_space<vmem_shared>>) offsets(%dma_start3A_132 : memref<128xi32, #tpu.memory_space<vmem>>) semaphore(%arg23 : memref<!tpu.dma_semaphore, #tpu.memory_space<semaphore_mem>>) {add = true}
        %dma_wait3A_136 = arith.constant 0 : i32
        %dma_wait3A_137 = tpu.memref_slice %arg6[%add3A_74, %dma_wait3A_136] : memref<120x128xi32, #tpu.memory_space<vmem>> -> memref<1x128xi32, #tpu.memory_space<vmem>>
        %dma_wait3A_138 = tpu.memref_squeeze %dma_wait3A_137 : memref<1x128xi32, #tpu.memory_space<vmem>> -> memref<128xi32, #tpu.memory_space<vmem>>
        %dma_wait3A_139 = arith.constant 0 : i32
        %dma_wait3A_140 = arith.constant 0 : i32
        %dma_wait3A_141 = tpu.memref_slice %arg2[%dma_wait3A_139, %dma_wait3A_140] : memref<10000x32xf32, #tpu.memory_space<hbm>> -> memref<10000x32xf32, #tpu.memory_space<hbm>>
        tpu.wait_indirect_dma semaphore(%arg19 : memref<!tpu.dma_semaphore, #tpu.memory_space<semaphore_mem>>) src(%dma_wait3A_141 : memref<10000x32xf32, #tpu.memory_space<hbm>>) dst(%arg12 : memref<128x32xf32, #tpu.memory_space<vmem>>)
        %add3A_142 = arith.constant 4 : i32
        %add3A_143 = arith.addi %add3A_41, %add3A_142 : i32
        %dma_start3A_144 = arith.constant 0 : i32
        %dma_start3A_145 = tpu.memref_slice %arg7[%add3A_143, %dma_start3A_144] : memref<120x128xi32, #tpu.memory_space<vmem>> -> memref<1x128xi32, #tpu.memory_space<vmem>>
        %dma_start3A_146 = tpu.memref_squeeze %dma_start3A_145 : memref<1x128xi32, #tpu.memory_space<vmem>> -> memref<128xi32, #tpu.memory_space<vmem>>
        %dma_start3A_147 = arith.constant 0 : i32
        %dma_start3A_148 = arith.constant 0 : i32
        %dma_start3A_149 = tpu.memref_slice %arg14[%dma_start3A_147, %dma_start3A_148] : memref<10240x32xf32, #tpu.memory_space<vmem_shared>> -> memref<10240x32xf32, #tpu.memory_space<vmem_shared>>
        tpu.enqueue_indirect_dma source(%arg12 : memref<128x32xf32, #tpu.memory_space<vmem>>) target(%dma_start3A_149 : memref<10240x32xf32, #tpu.memory_space<vmem_shared>>) offsets(%dma_start3A_146 : memref<128xi32, #tpu.memory_space<vmem>>) semaphore(%arg24 : memref<!tpu.dma_semaphore, #tpu.memory_space<semaphore_mem>>) {add = true}
        %dma_wait3A_150 = arith.constant 0 : i32
        %dma_wait3A_151 = tpu.memref_slice %arg7[%add3A_87, %dma_wait3A_150] : memref<120x128xi32, #tpu.memory_space<vmem>> -> memref<1x128xi32, #tpu.memory_space<vmem>>
        %dma_wait3A_152 = tpu.memref_squeeze %dma_wait3A_151 : memref<1x128xi32, #tpu.memory_space<vmem>> -> memref<128xi32, #tpu.memory_space<vmem>>
        %dma_wait3A_153 = arith.constant 0 : i32
        %dma_wait3A_154 = arith.constant 0 : i32
        %dma_wait3A_155 = tpu.memref_slice %arg14[%dma_wait3A_153, %dma_wait3A_154] : memref<10240x32xf32, #tpu.memory_space<vmem_shared>> -> memref<10240x32xf32, #tpu.memory_space<vmem_shared>>
        tpu.wait_indirect_dma semaphore(%arg20 : memref<!tpu.dma_semaphore, #tpu.memory_space<semaphore_mem>>) src(%arg8 : memref<128x32xf32, #tpu.memory_space<vmem>>) dst(%dma_wait3A_155 : memref<10240x32xf32, #tpu.memory_space<vmem_shared>>)
        %dma_wait3A_156 = arith.constant 0 : i32
        %dma_wait3A_157 = tpu.memref_slice %arg7[%add3A_101, %dma_wait3A_156] : memref<120x128xi32, #tpu.memory_space<vmem>> -> memref<1x128xi32, #tpu.memory_space<vmem>>
        %dma_wait3A_158 = tpu.memref_squeeze %dma_wait3A_157 : memref<1x128xi32, #tpu.memory_space<vmem>> -> memref<128xi32, #tpu.memory_space<vmem>>
        %dma_wait3A_159 = arith.constant 0 : i32
        %dma_wait3A_160 = arith.constant 0 : i32
        %dma_wait3A_161 = tpu.memref_slice %arg14[%dma_wait3A_159, %dma_wait3A_160] : memref<10240x32xf32, #tpu.memory_space<vmem_shared>> -> memref<10240x32xf32, #tpu.memory_space<vmem_shared>>
        tpu.wait_indirect_dma semaphore(%arg21 : memref<!tpu.dma_semaphore, #tpu.memory_space<semaphore_mem>>) src(%arg9 : memref<128x32xf32, #tpu.memory_space<vmem>>) dst(%dma_wait3A_161 : memref<10240x32xf32, #tpu.memory_space<vmem_shared>>)
        %dma_wait3A_162 = arith.constant 0 : i32
        %dma_wait3A_163 = tpu.memref_slice %arg7[%add3A_115, %dma_wait3A_162] : memref<120x128xi32, #tpu.memory_space<vmem>> -> memref<1x128xi32, #tpu.memory_space<vmem>>
        %dma_wait3A_164 = tpu.memref_squeeze %dma_wait3A_163 : memref<1x128xi32, #tpu.memory_space<vmem>> -> memref<128xi32, #tpu.memory_space<vmem>>
        %dma_wait3A_165 = arith.constant 0 : i32
        %dma_wait3A_166 = arith.constant 0 : i32
        %dma_wait3A_167 = tpu.memref_slice %arg14[%dma_wait3A_165, %dma_wait3A_166] : memref<10240x32xf32, #tpu.memory_space<vmem_shared>> -> memref<10240x32xf32, #tpu.memory_space<vmem_shared>>
        tpu.wait_indirect_dma semaphore(%arg22 : memref<!tpu.dma_semaphore, #tpu.memory_space<semaphore_mem>>) src(%arg10 : memref<128x32xf32, #tpu.memory_space<vmem>>) dst(%dma_wait3A_167 : memref<10240x32xf32, #tpu.memory_space<vmem_shared>>)
        %dma_wait3A_168 = arith.constant 0 : i32
        %dma_wait3A_169 = tpu.memref_slice %arg7[%add3A_129, %dma_wait3A_168] : memref<120x128xi32, #tpu.memory_space<vmem>> -> memref<1x128xi32, #tpu.memory_space<vmem>>
        %dma_wait3A_170 = tpu.memref_squeeze %dma_wait3A_169 : memref<1x128xi32, #tpu.memory_space<vmem>> -> memref<128xi32, #tpu.memory_space<vmem>>
        %dma_wait3A_171 = arith.constant 0 : i32
        %dma_wait3A_172 = arith.constant 0 : i32
        %dma_wait3A_173 = tpu.memref_slice %arg14[%dma_wait3A_171, %dma_wait3A_172] : memref<10240x32xf32, #tpu.memory_space<vmem_shared>> -> memref<10240x32xf32, #tpu.memory_space<vmem_shared>>
        tpu.wait_indirect_dma semaphore(%arg23 : memref<!tpu.dma_semaphore, #tpu.memory_space<semaphore_mem>>) src(%arg11 : memref<128x32xf32, #tpu.memory_space<vmem>>) dst(%dma_wait3A_173 : memref<10240x32xf32, #tpu.memory_space<vmem_shared>>)
        %dma_wait3A_174 = arith.constant 0 : i32
        %dma_wait3A_175 = tpu.memref_slice %arg7[%add3A_143, %dma_wait3A_174] : memref<120x128xi32, #tpu.memory_space<vmem>> -> memref<1x128xi32, #tpu.memory_space<vmem>>
        %dma_wait3A_176 = tpu.memref_squeeze %dma_wait3A_175 : memref<1x128xi32, #tpu.memory_space<vmem>> -> memref<128xi32, #tpu.memory_space<vmem>>
        %dma_wait3A_177 = arith.constant 0 : i32
        %dma_wait3A_178 = arith.constant 0 : i32
        %dma_wait3A_179 = tpu.memref_slice %arg14[%dma_wait3A_177, %dma_wait3A_178] : memref<10240x32xf32, #tpu.memory_space<vmem_shared>> -> memref<10240x32xf32, #tpu.memory_space<vmem_shared>>
        tpu.wait_indirect_dma semaphore(%arg24 : memref<!tpu.dma_semaphore, #tpu.memory_space<semaphore_mem>>) src(%arg12 : memref<128x32xf32, #tpu.memory_space<vmem>>) dst(%dma_wait3A_179 : memref<10240x32xf32, #tpu.memory_space<vmem_shared>>)
      }
      %scan3A_36 = arith.constant 24 : i32
    } else {
    }
    %eq3A_20 = arith.constant 1 : i32
    %eq3A_21 = arith.cmpi eq, %arg0, %eq3A_20 : i32
    %convert_element_type3A_22 = arith.extui %eq3A_21 : i1 to i32
    %cond3A_23 = arith.constant 0 : i32
    %cond3A_24 = arith.cmpi ne, %convert_element_type3A_22, %cond3A_23 : i32
    scf.if %cond3A_24 {
      %mul3A_30 = arith.constant 40 : i32
      %mul3A_31 = arith.muli %arg1, %mul3A_30 : i32
      %add3A_32 = arith.constant 1920 : i32
      %add3A_33 = arith.addi %add3A_32, %mul3A_31 : i32
      "tpu.region"() ({
        %run_scoped3A = tpu.sem_alloc : memref<!tpu.dma_semaphore, #tpu.memory_space<semaphore_mem>>
        %dma_start3A = arith.constant 0 : i32
        %dma_start3A_39 = arith.constant 0 : i32
        %dma_start3A_40 = tpu.memref_slice %arg6[%dma_start3A, %dma_start3A_39] : memref<120x128xi32, #tpu.memory_space<vmem>> -> memref<40x128xi32, #tpu.memory_space<vmem>>
        %dma_start3A_41 = arith.constant 0 : i32
        %dma_start3A_42 = tpu.memref_slice %arg3[%add3A_33, %dma_start3A_41] : memref<2560x128xi32, #tpu.memory_space<hbm>> -> memref<40x128xi32, #tpu.memory_space<hbm>>
        %dma_start3A_43 = arith.constant 0 : i32
        %dma_start3A_44 = arith.constant 0 : i32
        %dma_start3A_45 = tpu.memref_slice %arg6[%dma_start3A_43, %dma_start3A_44] : memref<120x128xi32, #tpu.memory_space<vmem>> -> memref<40x128xi32, #tpu.memory_space<vmem>>
        %dma_start3A_46 = arith.constant 0 : i32
        %dma_start3A_47 = tpu.memref_slice %arg3[%add3A_33, %dma_start3A_46] : memref<2560x128xi32, #tpu.memory_space<hbm>> -> memref<40x128xi32, #tpu.memory_space<hbm>>
        tpu.enqueue_dma source(%dma_start3A_47 : memref<40x128xi32, #tpu.memory_space<hbm>>) target(%dma_start3A_45 : memref<40x128xi32, #tpu.memory_space<vmem>>) target_semaphore(%run_scoped3A : memref<!tpu.dma_semaphore, #tpu.memory_space<semaphore_mem>>)
        %dma_wait3A = arith.constant 0 : i32
        %dma_wait3A_48 = arith.constant 0 : i32
        %dma_wait3A_49 = tpu.memref_slice %arg6[%dma_wait3A, %dma_wait3A_48] : memref<120x128xi32, #tpu.memory_space<vmem>> -> memref<40x128xi32, #tpu.memory_space<vmem>>
        %dma_wait3A_50 = arith.constant 0 : i32
        %dma_wait3A_51 = tpu.memref_slice %arg3[%add3A_33, %dma_wait3A_50] : memref<2560x128xi32, #tpu.memory_space<hbm>> -> memref<40x128xi32, #tpu.memory_space<hbm>>
        %dma_wait3A_52 = arith.constant 0 : i32
        %dma_wait3A_53 = arith.constant 0 : i32
        %dma_wait3A_54 = tpu.memref_slice %arg6[%dma_wait3A_52, %dma_wait3A_53] : memref<120x128xi32, #tpu.memory_space<vmem>> -> memref<40x128xi32, #tpu.memory_space<vmem>>
        %dma_wait3A_55 = arith.constant 0 : i32
        %dma_wait3A_56 = tpu.memref_slice %arg3[%add3A_33, %dma_wait3A_55] : memref<2560x128xi32, #tpu.memory_space<hbm>> -> memref<40x128xi32, #tpu.memory_space<hbm>>
        tpu.wait_dma2 semaphore(%run_scoped3A : memref<!tpu.dma_semaphore, #tpu.memory_space<semaphore_mem>>) src(%dma_wait3A_56 : memref<40x128xi32, #tpu.memory_space<hbm>>) dst(%dma_wait3A_54 : memref<40x128xi32, #tpu.memory_space<vmem>>)
        tpu.yield
      }) : () -> ()
      "tpu.region"() ({
        %run_scoped3A = tpu.sem_alloc : memref<!tpu.dma_semaphore, #tpu.memory_space<semaphore_mem>>
        %dma_start3A = arith.constant 0 : i32
        %dma_start3A_39 = arith.constant 0 : i32
        %dma_start3A_40 = tpu.memref_slice %arg7[%dma_start3A, %dma_start3A_39] : memref<120x128xi32, #tpu.memory_space<vmem>> -> memref<40x128xi32, #tpu.memory_space<vmem>>
        %dma_start3A_41 = arith.constant 0 : i32
        %dma_start3A_42 = tpu.memref_slice %arg4[%add3A_33, %dma_start3A_41] : memref<2560x128xi32, #tpu.memory_space<hbm>> -> memref<40x128xi32, #tpu.memory_space<hbm>>
        %dma_start3A_43 = arith.constant 0 : i32
        %dma_start3A_44 = arith.constant 0 : i32
        %dma_start3A_45 = tpu.memref_slice %arg7[%dma_start3A_43, %dma_start3A_44] : memref<120x128xi32, #tpu.memory_space<vmem>> -> memref<40x128xi32, #tpu.memory_space<vmem>>
        %dma_start3A_46 = arith.constant 0 : i32
        %dma_start3A_47 = tpu.memref_slice %arg4[%add3A_33, %dma_start3A_46] : memref<2560x128xi32, #tpu.memory_space<hbm>> -> memref<40x128xi32, #tpu.memory_space<hbm>>
        tpu.enqueue_dma source(%dma_start3A_47 : memref<40x128xi32, #tpu.memory_space<hbm>>) target(%dma_start3A_45 : memref<40x128xi32, #tpu.memory_space<vmem>>) target_semaphore(%run_scoped3A : memref<!tpu.dma_semaphore, #tpu.memory_space<semaphore_mem>>)
        %dma_wait3A = arith.constant 0 : i32
        %dma_wait3A_48 = arith.constant 0 : i32
        %dma_wait3A_49 = tpu.memref_slice %arg7[%dma_wait3A, %dma_wait3A_48] : memref<120x128xi32, #tpu.memory_space<vmem>> -> memref<40x128xi32, #tpu.memory_space<vmem>>
        %dma_wait3A_50 = arith.constant 0 : i32
        %dma_wait3A_51 = tpu.memref_slice %arg4[%add3A_33, %dma_wait3A_50] : memref<2560x128xi32, #tpu.memory_space<hbm>> -> memref<40x128xi32, #tpu.memory_space<hbm>>
        %dma_wait3A_52 = arith.constant 0 : i32
        %dma_wait3A_53 = arith.constant 0 : i32
        %dma_wait3A_54 = tpu.memref_slice %arg7[%dma_wait3A_52, %dma_wait3A_53] : memref<120x128xi32, #tpu.memory_space<vmem>> -> memref<40x128xi32, #tpu.memory_space<vmem>>
        %dma_wait3A_55 = arith.constant 0 : i32
        %dma_wait3A_56 = tpu.memref_slice %arg4[%add3A_33, %dma_wait3A_55] : memref<2560x128xi32, #tpu.memory_space<hbm>> -> memref<40x128xi32, #tpu.memory_space<hbm>>
        tpu.wait_dma2 semaphore(%run_scoped3A : memref<!tpu.dma_semaphore, #tpu.memory_space<semaphore_mem>>) src(%dma_wait3A_56 : memref<40x128xi32, #tpu.memory_space<hbm>>) dst(%dma_wait3A_54 : memref<40x128xi32, #tpu.memory_space<vmem>>)
        tpu.yield
      }) : () -> ()
      %scan3A_34 = arith.constant 0 : i32
      %scan3A_35 = arith.constant 8 : i32
      %scan3A_36 = arith.addi %scan3A_34, %scan3A_35 : i32
      %scan3A_37 = arith.constant 1 : i32
      scf.for %scan3A_39 = %scan3A_34 to %scan3A_36 step %scan3A_37  : i32 {
        %mul3A_40 = arith.constant 5 : i32
        %mul3A_41 = arith.muli %scan3A_39, %mul3A_40 : i32
        %add3A_42 = arith.constant 0 : i32
        %add3A_43 = arith.addi %add3A_42, %mul3A_41 : i32
        %add3A_44 = arith.constant 0 : i32
        %add3A_45 = arith.addi %add3A_43, %add3A_44 : i32
        %dma_start3A = arith.constant 0 : i32
        %dma_start3A_46 = tpu.memref_slice %arg6[%add3A_45, %dma_start3A] : memref<120x128xi32, #tpu.memory_space<vmem>> -> memref<1x128xi32, #tpu.memory_space<vmem>>
        %dma_start3A_47 = tpu.memref_squeeze %dma_start3A_46 : memref<1x128xi32, #tpu.memory_space<vmem>> -> memref<128xi32, #tpu.memory_space<vmem>>
        %dma_start3A_48 = arith.constant 0 : i32
        %dma_start3A_49 = arith.constant 0 : i32
        %dma_start3A_50 = tpu.memref_slice %arg2[%dma_start3A_48, %dma_start3A_49] : memref<10000x32xf32, #tpu.memory_space<hbm>> -> memref<10000x32xf32, #tpu.memory_space<hbm>>
        tpu.enqueue_indirect_dma source(%dma_start3A_50 : memref<10000x32xf32, #tpu.memory_space<hbm>>) target(%arg8 : memref<128x32xf32, #tpu.memory_space<vmem>>) offsets(%dma_start3A_47 : memref<128xi32, #tpu.memory_space<vmem>>) semaphore(%arg15 : memref<!tpu.dma_semaphore, #tpu.memory_space<semaphore_mem>>)
        %add3A_51 = arith.constant 1 : i32
        %add3A_52 = arith.addi %add3A_43, %add3A_51 : i32
        %dma_start3A_53 = arith.constant 0 : i32
        %dma_start3A_54 = tpu.memref_slice %arg6[%add3A_52, %dma_start3A_53] : memref<120x128xi32, #tpu.memory_space<vmem>> -> memref<1x128xi32, #tpu.memory_space<vmem>>
        %dma_start3A_55 = tpu.memref_squeeze %dma_start3A_54 : memref<1x128xi32, #tpu.memory_space<vmem>> -> memref<128xi32, #tpu.memory_space<vmem>>
        %dma_start3A_56 = arith.constant 0 : i32
        %dma_start3A_57 = arith.constant 0 : i32
        %dma_start3A_58 = tpu.memref_slice %arg2[%dma_start3A_56, %dma_start3A_57] : memref<10000x32xf32, #tpu.memory_space<hbm>> -> memref<10000x32xf32, #tpu.memory_space<hbm>>
        tpu.enqueue_indirect_dma source(%dma_start3A_58 : memref<10000x32xf32, #tpu.memory_space<hbm>>) target(%arg9 : memref<128x32xf32, #tpu.memory_space<vmem>>) offsets(%dma_start3A_55 : memref<128xi32, #tpu.memory_space<vmem>>) semaphore(%arg16 : memref<!tpu.dma_semaphore, #tpu.memory_space<semaphore_mem>>)
        %add3A_59 = arith.constant 2 : i32
        %add3A_60 = arith.addi %add3A_43, %add3A_59 : i32
        %dma_start3A_61 = arith.constant 0 : i32
        %dma_start3A_62 = tpu.memref_slice %arg6[%add3A_60, %dma_start3A_61] : memref<120x128xi32, #tpu.memory_space<vmem>> -> memref<1x128xi32, #tpu.memory_space<vmem>>
        %dma_start3A_63 = tpu.memref_squeeze %dma_start3A_62 : memref<1x128xi32, #tpu.memory_space<vmem>> -> memref<128xi32, #tpu.memory_space<vmem>>
        %dma_start3A_64 = arith.constant 0 : i32
        %dma_start3A_65 = arith.constant 0 : i32
        %dma_start3A_66 = tpu.memref_slice %arg2[%dma_start3A_64, %dma_start3A_65] : memref<10000x32xf32, #tpu.memory_space<hbm>> -> memref<10000x32xf32, #tpu.memory_space<hbm>>
        tpu.enqueue_indirect_dma source(%dma_start3A_66 : memref<10000x32xf32, #tpu.memory_space<hbm>>) target(%arg10 : memref<128x32xf32, #tpu.memory_space<vmem>>) offsets(%dma_start3A_63 : memref<128xi32, #tpu.memory_space<vmem>>) semaphore(%arg17 : memref<!tpu.dma_semaphore, #tpu.memory_space<semaphore_mem>>)
        %add3A_67 = arith.constant 3 : i32
        %add3A_68 = arith.addi %add3A_43, %add3A_67 : i32
        %dma_start3A_69 = arith.constant 0 : i32
        %dma_start3A_70 = tpu.memref_slice %arg6[%add3A_68, %dma_start3A_69] : memref<120x128xi32, #tpu.memory_space<vmem>> -> memref<1x128xi32, #tpu.memory_space<vmem>>
        %dma_start3A_71 = tpu.memref_squeeze %dma_start3A_70 : memref<1x128xi32, #tpu.memory_space<vmem>> -> memref<128xi32, #tpu.memory_space<vmem>>
        %dma_start3A_72 = arith.constant 0 : i32
        %dma_start3A_73 = arith.constant 0 : i32
        %dma_start3A_74 = tpu.memref_slice %arg2[%dma_start3A_72, %dma_start3A_73] : memref<10000x32xf32, #tpu.memory_space<hbm>> -> memref<10000x32xf32, #tpu.memory_space<hbm>>
        tpu.enqueue_indirect_dma source(%dma_start3A_74 : memref<10000x32xf32, #tpu.memory_space<hbm>>) target(%arg11 : memref<128x32xf32, #tpu.memory_space<vmem>>) offsets(%dma_start3A_71 : memref<128xi32, #tpu.memory_space<vmem>>) semaphore(%arg18 : memref<!tpu.dma_semaphore, #tpu.memory_space<semaphore_mem>>)
        %add3A_75 = arith.constant 4 : i32
        %add3A_76 = arith.addi %add3A_43, %add3A_75 : i32
        %dma_start3A_77 = arith.constant 0 : i32
        %dma_start3A_78 = tpu.memref_slice %arg6[%add3A_76, %dma_start3A_77] : memref<120x128xi32, #tpu.memory_space<vmem>> -> memref<1x128xi32, #tpu.memory_space<vmem>>
        %dma_start3A_79 = tpu.memref_squeeze %dma_start3A_78 : memref<1x128xi32, #tpu.memory_space<vmem>> -> memref<128xi32, #tpu.memory_space<vmem>>
        %dma_start3A_80 = arith.constant 0 : i32
        %dma_start3A_81 = arith.constant 0 : i32
        %dma_start3A_82 = tpu.memref_slice %arg2[%dma_start3A_80, %dma_start3A_81] : memref<10000x32xf32, #tpu.memory_space<hbm>> -> memref<10000x32xf32, #tpu.memory_space<hbm>>
        tpu.enqueue_indirect_dma source(%dma_start3A_82 : memref<10000x32xf32, #tpu.memory_space<hbm>>) target(%arg12 : memref<128x32xf32, #tpu.memory_space<vmem>>) offsets(%dma_start3A_79 : memref<128xi32, #tpu.memory_space<vmem>>) semaphore(%arg19 : memref<!tpu.dma_semaphore, #tpu.memory_space<semaphore_mem>>)
        %dma_wait3A = arith.constant 0 : i32
        %dma_wait3A_83 = tpu.memref_slice %arg6[%add3A_45, %dma_wait3A] : memref<120x128xi32, #tpu.memory_space<vmem>> -> memref<1x128xi32, #tpu.memory_space<vmem>>
        %dma_wait3A_84 = tpu.memref_squeeze %dma_wait3A_83 : memref<1x128xi32, #tpu.memory_space<vmem>> -> memref<128xi32, #tpu.memory_space<vmem>>
        %dma_wait3A_85 = arith.constant 0 : i32
        %dma_wait3A_86 = arith.constant 0 : i32
        %dma_wait3A_87 = tpu.memref_slice %arg2[%dma_wait3A_85, %dma_wait3A_86] : memref<10000x32xf32, #tpu.memory_space<hbm>> -> memref<10000x32xf32, #tpu.memory_space<hbm>>
        tpu.wait_indirect_dma semaphore(%arg15 : memref<!tpu.dma_semaphore, #tpu.memory_space<semaphore_mem>>) src(%dma_wait3A_87 : memref<10000x32xf32, #tpu.memory_space<hbm>>) dst(%arg8 : memref<128x32xf32, #tpu.memory_space<vmem>>)
        %add3A_88 = arith.constant 0 : i32
        %add3A_89 = arith.addi %add3A_43, %add3A_88 : i32
        %dma_start3A_90 = arith.constant 0 : i32
        %dma_start3A_91 = tpu.memref_slice %arg7[%add3A_89, %dma_start3A_90] : memref<120x128xi32, #tpu.memory_space<vmem>> -> memref<1x128xi32, #tpu.memory_space<vmem>>
        %dma_start3A_92 = tpu.memref_squeeze %dma_start3A_91 : memref<1x128xi32, #tpu.memory_space<vmem>> -> memref<128xi32, #tpu.memory_space<vmem>>
        %dma_start3A_93 = arith.constant 0 : i32
        %dma_start3A_94 = arith.constant 0 : i32
        %dma_start3A_95 = tpu.memref_slice %arg14[%dma_start3A_93, %dma_start3A_94] : memref<10240x32xf32, #tpu.memory_space<vmem_shared>> -> memref<10240x32xf32, #tpu.memory_space<vmem_shared>>
        tpu.enqueue_indirect_dma source(%arg8 : memref<128x32xf32, #tpu.memory_space<vmem>>) target(%dma_start3A_95 : memref<10240x32xf32, #tpu.memory_space<vmem_shared>>) offsets(%dma_start3A_92 : memref<128xi32, #tpu.memory_space<vmem>>) semaphore(%arg20 : memref<!tpu.dma_semaphore, #tpu.memory_space<semaphore_mem>>) {add = true}
        %dma_wait3A_96 = arith.constant 0 : i32
        %dma_wait3A_97 = tpu.memref_slice %arg6[%add3A_52, %dma_wait3A_96] : memref<120x128xi32, #tpu.memory_space<vmem>> -> memref<1x128xi32, #tpu.memory_space<vmem>>
        %dma_wait3A_98 = tpu.memref_squeeze %dma_wait3A_97 : memref<1x128xi32, #tpu.memory_space<vmem>> -> memref<128xi32, #tpu.memory_space<vmem>>
        %dma_wait3A_99 = arith.constant 0 : i32
        %dma_wait3A_100 = arith.constant 0 : i32
        %dma_wait3A_101 = tpu.memref_slice %arg2[%dma_wait3A_99, %dma_wait3A_100] : memref<10000x32xf32, #tpu.memory_space<hbm>> -> memref<10000x32xf32, #tpu.memory_space<hbm>>
        tpu.wait_indirect_dma semaphore(%arg16 : memref<!tpu.dma_semaphore, #tpu.memory_space<semaphore_mem>>) src(%dma_wait3A_101 : memref<10000x32xf32, #tpu.memory_space<hbm>>) dst(%arg9 : memref<128x32xf32, #tpu.memory_space<vmem>>)
        %add3A_102 = arith.constant 1 : i32
        %add3A_103 = arith.addi %add3A_43, %add3A_102 : i32
        %dma_start3A_104 = arith.constant 0 : i32
        %dma_start3A_105 = tpu.memref_slice %arg7[%add3A_103, %dma_start3A_104] : memref<120x128xi32, #tpu.memory_space<vmem>> -> memref<1x128xi32, #tpu.memory_space<vmem>>
        %dma_start3A_106 = tpu.memref_squeeze %dma_start3A_105 : memref<1x128xi32, #tpu.memory_space<vmem>> -> memref<128xi32, #tpu.memory_space<vmem>>
        %dma_start3A_107 = arith.constant 0 : i32
        %dma_start3A_108 = arith.constant 0 : i32
        %dma_start3A_109 = tpu.memref_slice %arg14[%dma_start3A_107, %dma_start3A_108] : memref<10240x32xf32, #tpu.memory_space<vmem_shared>> -> memref<10240x32xf32, #tpu.memory_space<vmem_shared>>
        tpu.enqueue_indirect_dma source(%arg9 : memref<128x32xf32, #tpu.memory_space<vmem>>) target(%dma_start3A_109 : memref<10240x32xf32, #tpu.memory_space<vmem_shared>>) offsets(%dma_start3A_106 : memref<128xi32, #tpu.memory_space<vmem>>) semaphore(%arg21 : memref<!tpu.dma_semaphore, #tpu.memory_space<semaphore_mem>>) {add = true}
        %dma_wait3A_110 = arith.constant 0 : i32
        %dma_wait3A_111 = tpu.memref_slice %arg6[%add3A_60, %dma_wait3A_110] : memref<120x128xi32, #tpu.memory_space<vmem>> -> memref<1x128xi32, #tpu.memory_space<vmem>>
        %dma_wait3A_112 = tpu.memref_squeeze %dma_wait3A_111 : memref<1x128xi32, #tpu.memory_space<vmem>> -> memref<128xi32, #tpu.memory_space<vmem>>
        %dma_wait3A_113 = arith.constant 0 : i32
        %dma_wait3A_114 = arith.constant 0 : i32
        %dma_wait3A_115 = tpu.memref_slice %arg2[%dma_wait3A_113, %dma_wait3A_114] : memref<10000x32xf32, #tpu.memory_space<hbm>> -> memref<10000x32xf32, #tpu.memory_space<hbm>>
        tpu.wait_indirect_dma semaphore(%arg17 : memref<!tpu.dma_semaphore, #tpu.memory_space<semaphore_mem>>) src(%dma_wait3A_115 : memref<10000x32xf32, #tpu.memory_space<hbm>>) dst(%arg10 : memref<128x32xf32, #tpu.memory_space<vmem>>)
        %add3A_116 = arith.constant 2 : i32
        %add3A_117 = arith.addi %add3A_43, %add3A_116 : i32
        %dma_start3A_118 = arith.constant 0 : i32
        %dma_start3A_119 = tpu.memref_slice %arg7[%add3A_117, %dma_start3A_118] : memref<120x128xi32, #tpu.memory_space<vmem>> -> memref<1x128xi32, #tpu.memory_space<vmem>>
        %dma_start3A_120 = tpu.memref_squeeze %dma_start3A_119 : memref<1x128xi32, #tpu.memory_space<vmem>> -> memref<128xi32, #tpu.memory_space<vmem>>
        %dma_start3A_121 = arith.constant 0 : i32
        %dma_start3A_122 = arith.constant 0 : i32
        %dma_start3A_123 = tpu.memref_slice %arg14[%dma_start3A_121, %dma_start3A_122] : memref<10240x32xf32, #tpu.memory_space<vmem_shared>> -> memref<10240x32xf32, #tpu.memory_space<vmem_shared>>
        tpu.enqueue_indirect_dma source(%arg10 : memref<128x32xf32, #tpu.memory_space<vmem>>) target(%dma_start3A_123 : memref<10240x32xf32, #tpu.memory_space<vmem_shared>>) offsets(%dma_start3A_120 : memref<128xi32, #tpu.memory_space<vmem>>) semaphore(%arg22 : memref<!tpu.dma_semaphore, #tpu.memory_space<semaphore_mem>>) {add = true}
        %dma_wait3A_124 = arith.constant 0 : i32
        %dma_wait3A_125 = tpu.memref_slice %arg6[%add3A_68, %dma_wait3A_124] : memref<120x128xi32, #tpu.memory_space<vmem>> -> memref<1x128xi32, #tpu.memory_space<vmem>>
        %dma_wait3A_126 = tpu.memref_squeeze %dma_wait3A_125 : memref<1x128xi32, #tpu.memory_space<vmem>> -> memref<128xi32, #tpu.memory_space<vmem>>
        %dma_wait3A_127 = arith.constant 0 : i32
        %dma_wait3A_128 = arith.constant 0 : i32
        %dma_wait3A_129 = tpu.memref_slice %arg2[%dma_wait3A_127, %dma_wait3A_128] : memref<10000x32xf32, #tpu.memory_space<hbm>> -> memref<10000x32xf32, #tpu.memory_space<hbm>>
        tpu.wait_indirect_dma semaphore(%arg18 : memref<!tpu.dma_semaphore, #tpu.memory_space<semaphore_mem>>) src(%dma_wait3A_129 : memref<10000x32xf32, #tpu.memory_space<hbm>>) dst(%arg11 : memref<128x32xf32, #tpu.memory_space<vmem>>)
        %add3A_130 = arith.constant 3 : i32
        %add3A_131 = arith.addi %add3A_43, %add3A_130 : i32
        %dma_start3A_132 = arith.constant 0 : i32
        %dma_start3A_133 = tpu.memref_slice %arg7[%add3A_131, %dma_start3A_132] : memref<120x128xi32, #tpu.memory_space<vmem>> -> memref<1x128xi32, #tpu.memory_space<vmem>>
        %dma_start3A_134 = tpu.memref_squeeze %dma_start3A_133 : memref<1x128xi32, #tpu.memory_space<vmem>> -> memref<128xi32, #tpu.memory_space<vmem>>
        %dma_start3A_135 = arith.constant 0 : i32
        %dma_start3A_136 = arith.constant 0 : i32
        %dma_start3A_137 = tpu.memref_slice %arg14[%dma_start3A_135, %dma_start3A_136] : memref<10240x32xf32, #tpu.memory_space<vmem_shared>> -> memref<10240x32xf32, #tpu.memory_space<vmem_shared>>
        tpu.enqueue_indirect_dma source(%arg11 : memref<128x32xf32, #tpu.memory_space<vmem>>) target(%dma_start3A_137 : memref<10240x32xf32, #tpu.memory_space<vmem_shared>>) offsets(%dma_start3A_134 : memref<128xi32, #tpu.memory_space<vmem>>) semaphore(%arg23 : memref<!tpu.dma_semaphore, #tpu.memory_space<semaphore_mem>>) {add = true}
        %dma_wait3A_138 = arith.constant 0 : i32
        %dma_wait3A_139 = tpu.memref_slice %arg6[%add3A_76, %dma_wait3A_138] : memref<120x128xi32, #tpu.memory_space<vmem>> -> memref<1x128xi32, #tpu.memory_space<vmem>>
        %dma_wait3A_140 = tpu.memref_squeeze %dma_wait3A_139 : memref<1x128xi32, #tpu.memory_space<vmem>> -> memref<128xi32, #tpu.memory_space<vmem>>
        %dma_wait3A_141 = arith.constant 0 : i32
        %dma_wait3A_142 = arith.constant 0 : i32
        %dma_wait3A_143 = tpu.memref_slice %arg2[%dma_wait3A_141, %dma_wait3A_142] : memref<10000x32xf32, #tpu.memory_space<hbm>> -> memref<10000x32xf32, #tpu.memory_space<hbm>>
        tpu.wait_indirect_dma semaphore(%arg19 : memref<!tpu.dma_semaphore, #tpu.memory_space<semaphore_mem>>) src(%dma_wait3A_143 : memref<10000x32xf32, #tpu.memory_space<hbm>>) dst(%arg12 : memref<128x32xf32, #tpu.memory_space<vmem>>)
        %add3A_144 = arith.constant 4 : i32
        %add3A_145 = arith.addi %add3A_43, %add3A_144 : i32
        %dma_start3A_146 = arith.constant 0 : i32
        %dma_start3A_147 = tpu.memref_slice %arg7[%add3A_145, %dma_start3A_146] : memref<120x128xi32, #tpu.memory_space<vmem>> -> memref<1x128xi32, #tpu.memory_space<vmem>>
        %dma_start3A_148 = tpu.memref_squeeze %dma_start3A_147 : memref<1x128xi32, #tpu.memory_space<vmem>> -> memref<128xi32, #tpu.memory_space<vmem>>
        %dma_start3A_149 = arith.constant 0 : i32
        %dma_start3A_150 = arith.constant 0 : i32
        %dma_start3A_151 = tpu.memref_slice %arg14[%dma_start3A_149, %dma_start3A_150] : memref<10240x32xf32, #tpu.memory_space<vmem_shared>> -> memref<10240x32xf32, #tpu.memory_space<vmem_shared>>
        tpu.enqueue_indirect_dma source(%arg12 : memref<128x32xf32, #tpu.memory_space<vmem>>) target(%dma_start3A_151 : memref<10240x32xf32, #tpu.memory_space<vmem_shared>>) offsets(%dma_start3A_148 : memref<128xi32, #tpu.memory_space<vmem>>) semaphore(%arg24 : memref<!tpu.dma_semaphore, #tpu.memory_space<semaphore_mem>>) {add = true}
        %dma_wait3A_152 = arith.constant 0 : i32
        %dma_wait3A_153 = tpu.memref_slice %arg7[%add3A_89, %dma_wait3A_152] : memref<120x128xi32, #tpu.memory_space<vmem>> -> memref<1x128xi32, #tpu.memory_space<vmem>>
        %dma_wait3A_154 = tpu.memref_squeeze %dma_wait3A_153 : memref<1x128xi32, #tpu.memory_space<vmem>> -> memref<128xi32, #tpu.memory_space<vmem>>
        %dma_wait3A_155 = arith.constant 0 : i32
        %dma_wait3A_156 = arith.constant 0 : i32
        %dma_wait3A_157 = tpu.memref_slice %arg14[%dma_wait3A_155, %dma_wait3A_156] : memref<10240x32xf32, #tpu.memory_space<vmem_shared>> -> memref<10240x32xf32, #tpu.memory_space<vmem_shared>>
        tpu.wait_indirect_dma semaphore(%arg20 : memref<!tpu.dma_semaphore, #tpu.memory_space<semaphore_mem>>) src(%arg8 : memref<128x32xf32, #tpu.memory_space<vmem>>) dst(%dma_wait3A_157 : memref<10240x32xf32, #tpu.memory_space<vmem_shared>>)
        %dma_wait3A_158 = arith.constant 0 : i32
        %dma_wait3A_159 = tpu.memref_slice %arg7[%add3A_103, %dma_wait3A_158] : memref<120x128xi32, #tpu.memory_space<vmem>> -> memref<1x128xi32, #tpu.memory_space<vmem>>
        %dma_wait3A_160 = tpu.memref_squeeze %dma_wait3A_159 : memref<1x128xi32, #tpu.memory_space<vmem>> -> memref<128xi32, #tpu.memory_space<vmem>>
        %dma_wait3A_161 = arith.constant 0 : i32
        %dma_wait3A_162 = arith.constant 0 : i32
        %dma_wait3A_163 = tpu.memref_slice %arg14[%dma_wait3A_161, %dma_wait3A_162] : memref<10240x32xf32, #tpu.memory_space<vmem_shared>> -> memref<10240x32xf32, #tpu.memory_space<vmem_shared>>
        tpu.wait_indirect_dma semaphore(%arg21 : memref<!tpu.dma_semaphore, #tpu.memory_space<semaphore_mem>>) src(%arg9 : memref<128x32xf32, #tpu.memory_space<vmem>>) dst(%dma_wait3A_163 : memref<10240x32xf32, #tpu.memory_space<vmem_shared>>)
        %dma_wait3A_164 = arith.constant 0 : i32
        %dma_wait3A_165 = tpu.memref_slice %arg7[%add3A_117, %dma_wait3A_164] : memref<120x128xi32, #tpu.memory_space<vmem>> -> memref<1x128xi32, #tpu.memory_space<vmem>>
        %dma_wait3A_166 = tpu.memref_squeeze %dma_wait3A_165 : memref<1x128xi32, #tpu.memory_space<vmem>> -> memref<128xi32, #tpu.memory_space<vmem>>
        %dma_wait3A_167 = arith.constant 0 : i32
        %dma_wait3A_168 = arith.constant 0 : i32
        %dma_wait3A_169 = tpu.memref_slice %arg14[%dma_wait3A_167, %dma_wait3A_168] : memref<10240x32xf32, #tpu.memory_space<vmem_shared>> -> memref<10240x32xf32, #tpu.memory_space<vmem_shared>>
        tpu.wait_indirect_dma semaphore(%arg22 : memref<!tpu.dma_semaphore, #tpu.memory_space<semaphore_mem>>) src(%arg10 : memref<128x32xf32, #tpu.memory_space<vmem>>) dst(%dma_wait3A_169 : memref<10240x32xf32, #tpu.memory_space<vmem_shared>>)
        %dma_wait3A_170 = arith.constant 0 : i32
        %dma_wait3A_171 = tpu.memref_slice %arg7[%add3A_131, %dma_wait3A_170] : memref<120x128xi32, #tpu.memory_space<vmem>> -> memref<1x128xi32, #tpu.memory_space<vmem>>
        %dma_wait3A_172 = tpu.memref_squeeze %dma_wait3A_171 : memref<1x128xi32, #tpu.memory_space<vmem>> -> memref<128xi32, #tpu.memory_space<vmem>>
        %dma_wait3A_173 = arith.constant 0 : i32
        %dma_wait3A_174 = arith.constant 0 : i32
        %dma_wait3A_175 = tpu.memref_slice %arg14[%dma_wait3A_173, %dma_wait3A_174] : memref<10240x32xf32, #tpu.memory_space<vmem_shared>> -> memref<10240x32xf32, #tpu.memory_space<vmem_shared>>
        tpu.wait_indirect_dma semaphore(%arg23 : memref<!tpu.dma_semaphore, #tpu.memory_space<semaphore_mem>>) src(%arg11 : memref<128x32xf32, #tpu.memory_space<vmem>>) dst(%dma_wait3A_175 : memref<10240x32xf32, #tpu.memory_space<vmem_shared>>)
        %dma_wait3A_176 = arith.constant 0 : i32
        %dma_wait3A_177 = tpu.memref_slice %arg7[%add3A_145, %dma_wait3A_176] : memref<120x128xi32, #tpu.memory_space<vmem>> -> memref<1x128xi32, #tpu.memory_space<vmem>>
        %dma_wait3A_178 = tpu.memref_squeeze %dma_wait3A_177 : memref<1x128xi32, #tpu.memory_space<vmem>> -> memref<128xi32, #tpu.memory_space<vmem>>
        %dma_wait3A_179 = arith.constant 0 : i32
        %dma_wait3A_180 = arith.constant 0 : i32
        %dma_wait3A_181 = tpu.memref_slice %arg14[%dma_wait3A_179, %dma_wait3A_180] : memref<10240x32xf32, #tpu.memory_space<vmem_shared>> -> memref<10240x32xf32, #tpu.memory_space<vmem_shared>>
        tpu.wait_indirect_dma semaphore(%arg24 : memref<!tpu.dma_semaphore, #tpu.memory_space<semaphore_mem>>) src(%arg12 : memref<128x32xf32, #tpu.memory_space<vmem>>) dst(%dma_wait3A_181 : memref<10240x32xf32, #tpu.memory_space<vmem_shared>>)
      }
      %scan3A_38 = arith.constant 8 : i32
    } else {
    }
    %barrier3A_25 = arith.constant 0 : index
    tpu.barrier barrier_id(%barrier3A_25)
    %mul3A_26 = arith.constant 640 : i32
    %mul3A_27 = arith.muli %arg1, %mul3A_26 : i32
    %mul3A_28 = arith.constant 640 : i32
    %mul3A_29 = arith.muli %arg1, %mul3A_28 : i32
    "tpu.region"() ({
      %run_scoped3A = tpu.sem_alloc : memref<!tpu.dma_semaphore, #tpu.memory_space<semaphore_mem>>
      %dma_start3A = arith.constant 0 : i32
      %dma_start3A_30 = arith.constant 0 : i32
      %dma_start3A_31 = tpu.memref_slice %arg5[%arg0, %dma_start3A, %dma_start3A_30] : memref<2x10240x32xf32, #tpu.memory_space<hbm>> -> memref<1x10240x32xf32, #tpu.memory_space<hbm>>
      %dma_start3A_32 = tpu.memref_squeeze %dma_start3A_31 : memref<1x10240x32xf32, #tpu.memory_space<hbm>> -> memref<10240x32xf32, #tpu.memory_space<hbm>>
      %dma_start3A_33 = arith.constant 0 : i32
      %dma_start3A_34 = tpu.memref_slice %dma_start3A_32[%mul3A_29, %dma_start3A_33] : memref<10240x32xf32, #tpu.memory_space<hbm>> -> memref<640x32xf32, #tpu.memory_space<hbm>>
      %dma_start3A_35 = arith.constant 0 : i32
      %dma_start3A_36 = tpu.memref_slice %arg14[%mul3A_27, %dma_start3A_35] : memref<10240x32xf32, #tpu.memory_space<vmem_shared>> -> memref<640x32xf32, #tpu.memory_space<vmem_shared>>
      tpu.enqueue_dma source(%dma_start3A_36 : memref<640x32xf32, #tpu.memory_space<vmem_shared>>) target(%dma_start3A_34 : memref<640x32xf32, #tpu.memory_space<hbm>>) target_semaphore(%run_scoped3A : memref<!tpu.dma_semaphore, #tpu.memory_space<semaphore_mem>>)
      %dma_wait3A = arith.constant 0 : i32
      %dma_wait3A_37 = arith.constant 0 : i32
      %dma_wait3A_38 = tpu.memref_slice %arg5[%arg0, %dma_wait3A, %dma_wait3A_37] : memref<2x10240x32xf32, #tpu.memory_space<hbm>> -> memref<1x10240x32xf32, #tpu.memory_space<hbm>>
      %dma_wait3A_39 = tpu.memref_squeeze %dma_wait3A_38 : memref<1x10240x32xf32, #tpu.memory_space<hbm>> -> memref<10240x32xf32, #tpu.memory_space<hbm>>
      %dma_wait3A_40 = arith.constant 0 : i32
      %dma_wait3A_41 = tpu.memref_slice %dma_wait3A_39[%mul3A_29, %dma_wait3A_40] : memref<10240x32xf32, #tpu.memory_space<hbm>> -> memref<640x32xf32, #tpu.memory_space<hbm>>
      %dma_wait3A_42 = arith.constant 0 : i32
      %dma_wait3A_43 = tpu.memref_slice %arg14[%mul3A_27, %dma_wait3A_42] : memref<10240x32xf32, #tpu.memory_space<vmem_shared>> -> memref<640x32xf32, #tpu.memory_space<vmem_shared>>
      tpu.wait_dma2 semaphore(%run_scoped3A : memref<!tpu.dma_semaphore, #tpu.memory_space<semaphore_mem>>) src(%dma_wait3A_43 : memref<640x32xf32, #tpu.memory_space<vmem_shared>>) dst(%dma_wait3A_41 : memref<640x32xf32, #tpu.memory_space<hbm>>)
      tpu.yield
    }) : () -> ()
    return
  }
}

#map = affine_map<(d0, d1) -> (0, 0)>
#map1 = affine_map<(d0, d1) -> (0, 0, 0)>
module attributes {stable_mosaic.version = 14 : i64} {
  func.func @deg_kernel(%arg0: i32, %arg1: i32, %arg2: memref<2560x128xi32, #tpu.memory_space<hbm>>, %arg3: memref<2x10240x16xf32, #tpu.memory_space<hbm>>, %arg4: memref<80x128xi32, #tpu.memory_space<vmem>>, %arg5: memref<128x16xf32, #tpu.memory_space<vmem>>, %arg6: memref<320x16xf32, #tpu.memory_space<vmem>>, %arg7: memref<10240x16xf32, #tpu.memory_space<vmem_shared>>) attributes {dimension_semantics = [#tpu.dimension_semantics<core_parallel>, #tpu.dimension_semantics<subcore_parallel>], iteration_bounds = array<i64: 2, 16>, scalar_prefetch = 0 : i64, scratch_operands = 4 : i64, tpu.core_type = #tpu.core_type<sc_vector_subcore>, window_params = [{transform_indices = #map}, {transform_indices = #map1}]} {
    %mul3A = arith.constant 16 : i32
    %mul3A_0 = arith.muli %arg0, %mul3A : i32
    %add3A = arith.addi %mul3A_0, %arg1 : i32
    %mul3A_1 = arith.constant 80 : i32
    %mul3A_2 = arith.muli %add3A, %mul3A_1 : i32
    "tpu.region"() ({
      %run_scoped3A = tpu.sem_alloc : memref<!tpu.dma_semaphore, #tpu.memory_space<semaphore_mem>>
      %dma_start3A = arith.constant 0 : i32
      %dma_start3A_28 = tpu.memref_slice %arg2[%mul3A_2, %dma_start3A] : memref<2560x128xi32, #tpu.memory_space<hbm>> -> memref<80x128xi32, #tpu.memory_space<hbm>>
      %dma_start3A_29 = arith.constant 0 : i32
      %dma_start3A_30 = tpu.memref_slice %arg2[%mul3A_2, %dma_start3A_29] : memref<2560x128xi32, #tpu.memory_space<hbm>> -> memref<80x128xi32, #tpu.memory_space<hbm>>
      tpu.enqueue_dma source(%dma_start3A_30 : memref<80x128xi32, #tpu.memory_space<hbm>>) target(%arg4 : memref<80x128xi32, #tpu.memory_space<vmem>>) target_semaphore(%run_scoped3A : memref<!tpu.dma_semaphore, #tpu.memory_space<semaphore_mem>>)
      %dma_wait3A = arith.constant 0 : i32
      %dma_wait3A_31 = tpu.memref_slice %arg2[%mul3A_2, %dma_wait3A] : memref<2560x128xi32, #tpu.memory_space<hbm>> -> memref<80x128xi32, #tpu.memory_space<hbm>>
      %dma_wait3A_32 = arith.constant 0 : i32
      %dma_wait3A_33 = tpu.memref_slice %arg2[%mul3A_2, %dma_wait3A_32] : memref<2560x128xi32, #tpu.memory_space<hbm>> -> memref<80x128xi32, #tpu.memory_space<hbm>>
      tpu.wait_dma2 semaphore(%run_scoped3A : memref<!tpu.dma_semaphore, #tpu.memory_space<semaphore_mem>>) src(%dma_wait3A_33 : memref<80x128xi32, #tpu.memory_space<hbm>>) dst(%arg4 : memref<80x128xi32, #tpu.memory_space<vmem>>)
      tpu.yield
    }) : () -> ()
    %scan3A = arith.constant 0 : i32
    %scan3A_3 = arith.constant 128 : i32
    %scan3A_4 = arith.addi %scan3A, %scan3A_3 : i32
    %scan3A_5 = arith.constant 1 : i32
    scf.for %scan3A_28 = %scan3A to %scan3A_4 step %scan3A_5  : i32 {
      %mul3A_29 = arith.constant 1 : i32
      %mul3A_30 = arith.muli %scan3A_28, %mul3A_29 : i32
      %add3A_31 = arith.constant 0 : i32
      %add3A_32 = arith.addi %add3A_31, %mul3A_30 : i32
      %scan3A_33 = arith.constant 0 : i32
      %mul3A_34 = arith.constant 1 : i32
      %mul3A_35 = arith.muli %scan3A_33, %mul3A_34 : i32
      %add3A_36 = arith.constant 0 : i32
      %add3A_37 = arith.addi %add3A_36, %mul3A_35 : i32
      %broadcast_in_dim3A = arith.constant 1.000000e+00 : f32
      %broadcast_in_dim3A_38 = vector.broadcast %broadcast_in_dim3A : f32 to vector<16xf32>
      %mul3A_39 = arith.constant 16 : i32
      %mul3A_40 = arith.muli %add3A_37, %mul3A_39 : i32
      %swap3A = arith.index_cast %add3A_32 : i32 to index
      %swap3A_41 = arith.index_cast %mul3A_40 : i32 to index
      %swap3A_42 = tpu.vector_load %arg5[%swap3A, %swap3A_41] {strides = array<i32>} : memref<128x16xf32, #tpu.memory_space<vmem>>, vector<1x16xf32>,
      %swap3A_43 = vector.shape_cast %swap3A_42 : vector<1x16xf32> to vector<16xf32>
      %swap3A_44 = vector.shape_cast %broadcast_in_dim3A_38 : vector<16xf32> to vector<1x16xf32>
      tpu.vector_store %arg5[%swap3A, %swap3A_41], %swap3A_44 {strides = array<i32>} : memref<128x16xf32, #tpu.memory_space<vmem>>, vector<1x16xf32>,
      %scan3A_45 = arith.constant 1 : i32
    }
    %scan3A_6 = arith.constant 128 : i32
    %scan3A_7 = arith.constant 0 : i32
    %scan3A_8 = arith.constant 320 : i32
    %scan3A_9 = arith.addi %scan3A_7, %scan3A_8 : i32
    %scan3A_10 = arith.constant 1 : i32
    scf.for %scan3A_28 = %scan3A_7 to %scan3A_9 step %scan3A_10  : i32 {
      %mul3A_29 = arith.constant 1 : i32
      %mul3A_30 = arith.muli %scan3A_28, %mul3A_29 : i32
      %add3A_31 = arith.constant 0 : i32
      %add3A_32 = arith.addi %add3A_31, %mul3A_30 : i32
      %scan3A_33 = arith.constant 0 : i32
      %mul3A_34 = arith.constant 1 : i32
      %mul3A_35 = arith.muli %scan3A_33, %mul3A_34 : i32
      %add3A_36 = arith.constant 0 : i32
      %add3A_37 = arith.addi %add3A_36, %mul3A_35 : i32
      %broadcast_in_dim3A = arith.constant 0.000000e+00 : f32
      %broadcast_in_dim3A_38 = vector.broadcast %broadcast_in_dim3A : f32 to vector<16xf32>
      %mul3A_39 = arith.constant 16 : i32
      %mul3A_40 = arith.muli %add3A_37, %mul3A_39 : i32
      %swap3A = arith.index_cast %add3A_32 : i32 to index
      %swap3A_41 = arith.index_cast %mul3A_40 : i32 to index
      %swap3A_42 = tpu.vector_load %arg6[%swap3A, %swap3A_41] {strides = array<i32>} : memref<320x16xf32, #tpu.memory_space<vmem>>, vector<1x16xf32>,
      %swap3A_43 = vector.shape_cast %swap3A_42 : vector<1x16xf32> to vector<16xf32>
      %swap3A_44 = vector.shape_cast %broadcast_in_dim3A_38 : vector<16xf32> to vector<1x16xf32>
      tpu.vector_store %arg6[%swap3A, %swap3A_41], %swap3A_44 {strides = array<i32>} : memref<320x16xf32, #tpu.memory_space<vmem>>, vector<1x16xf32>,
      %scan3A_45 = arith.constant 1 : i32
    }
    %scan3A_11 = arith.constant 320 : i32
    %mul3A_12 = arith.constant 640 : i32
    %mul3A_13 = arith.muli %arg1, %mul3A_12 : i32
    "tpu.region"() ({
      %run_scoped3A = tpu.sem_alloc : memref<!tpu.dma_semaphore, #tpu.memory_space<semaphore_mem>>
      %dma_start3A = arith.constant 0 : i32
      %dma_start3A_28 = tpu.memref_slice %arg7[%mul3A_13, %dma_start3A] : memref<10240x16xf32, #tpu.memory_space<vmem_shared>> -> memref<320x16xf32, #tpu.memory_space<vmem_shared>>
      %dma_start3A_29 = arith.constant 0 : i32
      %dma_start3A_30 = tpu.memref_slice %arg7[%mul3A_13, %dma_start3A_29] : memref<10240x16xf32, #tpu.memory_space<vmem_shared>> -> memref<320x16xf32, #tpu.memory_space<vmem_shared>>
      tpu.enqueue_dma source(%arg6 : memref<320x16xf32, #tpu.memory_space<vmem>>) target(%dma_start3A_30 : memref<320x16xf32, #tpu.memory_space<vmem_shared>>) target_semaphore(%run_scoped3A : memref<!tpu.dma_semaphore, #tpu.memory_space<semaphore_mem>>)
      %dma_wait3A = arith.constant 0 : i32
      %dma_wait3A_31 = tpu.memref_slice %arg7[%mul3A_13, %dma_wait3A] : memref<10240x16xf32, #tpu.memory_space<vmem_shared>> -> memref<320x16xf32, #tpu.memory_space<vmem_shared>>
      %dma_wait3A_32 = arith.constant 0 : i32
      %dma_wait3A_33 = tpu.memref_slice %arg7[%mul3A_13, %dma_wait3A_32] : memref<10240x16xf32, #tpu.memory_space<vmem_shared>> -> memref<320x16xf32, #tpu.memory_space<vmem_shared>>
      tpu.wait_dma2 semaphore(%run_scoped3A : memref<!tpu.dma_semaphore, #tpu.memory_space<semaphore_mem>>) src(%arg6 : memref<320x16xf32, #tpu.memory_space<vmem>>) dst(%dma_wait3A_33 : memref<320x16xf32, #tpu.memory_space<vmem_shared>>)
      tpu.yield
    }) : () -> ()
    %mul3A_14 = arith.constant 640 : i32
    %mul3A_15 = arith.muli %arg1, %mul3A_14 : i32
    %add3A_16 = arith.constant 320 : i32
    %add3A_17 = arith.addi %mul3A_15, %add3A_16 : i32
    "tpu.region"() ({
      %run_scoped3A = tpu.sem_alloc : memref<!tpu.dma_semaphore, #tpu.memory_space<semaphore_mem>>
      %dma_start3A = arith.constant 0 : i32
      %dma_start3A_28 = tpu.memref_slice %arg7[%add3A_17, %dma_start3A] : memref<10240x16xf32, #tpu.memory_space<vmem_shared>> -> memref<320x16xf32, #tpu.memory_space<vmem_shared>>
      %dma_start3A_29 = arith.constant 0 : i32
      %dma_start3A_30 = tpu.memref_slice %arg7[%add3A_17, %dma_start3A_29] : memref<10240x16xf32, #tpu.memory_space<vmem_shared>> -> memref<320x16xf32, #tpu.memory_space<vmem_shared>>
      tpu.enqueue_dma source(%arg6 : memref<320x16xf32, #tpu.memory_space<vmem>>) target(%dma_start3A_30 : memref<320x16xf32, #tpu.memory_space<vmem_shared>>) target_semaphore(%run_scoped3A : memref<!tpu.dma_semaphore, #tpu.memory_space<semaphore_mem>>)
      %dma_wait3A = arith.constant 0 : i32
      %dma_wait3A_31 = tpu.memref_slice %arg7[%add3A_17, %dma_wait3A] : memref<10240x16xf32, #tpu.memory_space<vmem_shared>> -> memref<320x16xf32, #tpu.memory_space<vmem_shared>>
      %dma_wait3A_32 = arith.constant 0 : i32
      %dma_wait3A_33 = tpu.memref_slice %arg7[%add3A_17, %dma_wait3A_32] : memref<10240x16xf32, #tpu.memory_space<vmem_shared>> -> memref<320x16xf32, #tpu.memory_space<vmem_shared>>
      tpu.wait_dma2 semaphore(%run_scoped3A : memref<!tpu.dma_semaphore, #tpu.memory_space<semaphore_mem>>) src(%arg6 : memref<320x16xf32, #tpu.memory_space<vmem>>) dst(%dma_wait3A_33 : memref<320x16xf32, #tpu.memory_space<vmem_shared>>)
      tpu.yield
    }) : () -> ()
    %barrier3A = arith.constant 0 : index
    tpu.barrier barrier_id(%barrier3A)
    %scan3A_18 = arith.constant 0 : i32
    %scan3A_19 = arith.constant 80 : i32
    %scan3A_20 = arith.addi %scan3A_18, %scan3A_19 : i32
    %scan3A_21 = arith.constant 1 : i32
    scf.for %scan3A_28 = %scan3A_18 to %scan3A_20 step %scan3A_21  : i32 {
      %mul3A_29 = arith.constant 1 : i32
      %mul3A_30 = arith.muli %scan3A_28, %mul3A_29 : i32
      %add3A_31 = arith.constant 0 : i32
      %add3A_32 = arith.addi %add3A_31, %mul3A_30 : i32
      "tpu.region"() ({
        %run_scoped3A = tpu.sem_alloc : memref<!tpu.dma_semaphore, #tpu.memory_space<semaphore_mem>>
        %dma_start3A = arith.constant 0 : i32
        %dma_start3A_33 = tpu.memref_slice %arg4[%add3A_32, %dma_start3A] : memref<80x128xi32, #tpu.memory_space<vmem>> -> memref<1x128xi32, #tpu.memory_space<vmem>>
        %dma_start3A_34 = tpu.memref_squeeze %dma_start3A_33 : memref<1x128xi32, #tpu.memory_space<vmem>> -> memref<128xi32, #tpu.memory_space<vmem>>
        %dma_start3A_35 = arith.constant 0 : i32
        %dma_start3A_36 = arith.constant 0 : i32
        %dma_start3A_37 = tpu.memref_slice %arg7[%dma_start3A_35, %dma_start3A_36] : memref<10240x16xf32, #tpu.memory_space<vmem_shared>> -> memref<10240x16xf32, #tpu.memory_space<vmem_shared>>
        tpu.enqueue_indirect_dma source(%arg5 : memref<128x16xf32, #tpu.memory_space<vmem>>) target(%dma_start3A_37 : memref<10240x16xf32, #tpu.memory_space<vmem_shared>>) offsets(%dma_start3A_34 : memref<128xi32, #tpu.memory_space<vmem>>) semaphore(%run_scoped3A : memref<!tpu.dma_semaphore, #tpu.memory_space<semaphore_mem>>) {add = true}
        %dma_wait3A = arith.constant 0 : i32
        %dma_wait3A_38 = tpu.memref_slice %arg4[%add3A_32, %dma_wait3A] : memref<80x128xi32, #tpu.memory_space<vmem>> -> memref<1x128xi32, #tpu.memory_space<vmem>>
        %dma_wait3A_39 = tpu.memref_squeeze %dma_wait3A_38 : memref<1x128xi32, #tpu.memory_space<vmem>> -> memref<128xi32, #tpu.memory_space<vmem>>
        %dma_wait3A_40 = arith.constant 0 : i32
        %dma_wait3A_41 = arith.constant 0 : i32
        %dma_wait3A_42 = tpu.memref_slice %arg7[%dma_wait3A_40, %dma_wait3A_41] : memref<10240x16xf32, #tpu.memory_space<vmem_shared>> -> memref<10240x16xf32, #tpu.memory_space<vmem_shared>>
        tpu.wait_indirect_dma semaphore(%run_scoped3A : memref<!tpu.dma_semaphore, #tpu.memory_space<semaphore_mem>>) src(%arg5 : memref<128x16xf32, #tpu.memory_space<vmem>>) dst(%dma_wait3A_42 : memref<10240x16xf32, #tpu.memory_space<vmem_shared>>)
        tpu.yield
      }) : () -> ()
    }
    %scan3A_22 = arith.constant 80 : i32
    %barrier3A_23 = arith.constant 0 : index
    tpu.barrier barrier_id(%barrier3A_23)
    %mul3A_24 = arith.constant 640 : i32
    %mul3A_25 = arith.muli %arg1, %mul3A_24 : i32
    %mul3A_26 = arith.constant 640 : i32
    %mul3A_27 = arith.muli %arg1, %mul3A_26 : i32
    "tpu.region"() ({
      %run_scoped3A = tpu.sem_alloc : memref<!tpu.dma_semaphore, #tpu.memory_space<semaphore_mem>>
      %dma_start3A = arith.constant 0 : i32
      %dma_start3A_28 = arith.constant 0 : i32
      %dma_start3A_29 = tpu.memref_slice %arg3[%arg0, %dma_start3A, %dma_start3A_28] : memref<2x10240x16xf32, #tpu.memory_space<hbm>> -> memref<1x10240x16xf32, #tpu.memory_space<hbm>>
      %dma_start3A_30 = tpu.memref_squeeze %dma_start3A_29 : memref<1x10240x16xf32, #tpu.memory_space<hbm>> -> memref<10240x16xf32, #tpu.memory_space<hbm>>
      %dma_start3A_31 = arith.constant 0 : i32
      %dma_start3A_32 = tpu.memref_slice %dma_start3A_30[%mul3A_27, %dma_start3A_31] : memref<10240x16xf32, #tpu.memory_space<hbm>> -> memref<640x16xf32, #tpu.memory_space<hbm>>
      %dma_start3A_33 = arith.constant 0 : i32
      %dma_start3A_34 = tpu.memref_slice %arg7[%mul3A_25, %dma_start3A_33] : memref<10240x16xf32, #tpu.memory_space<vmem_shared>> -> memref<640x16xf32, #tpu.memory_space<vmem_shared>>
      tpu.enqueue_dma source(%dma_start3A_34 : memref<640x16xf32, #tpu.memory_space<vmem_shared>>) target(%dma_start3A_32 : memref<640x16xf32, #tpu.memory_space<hbm>>) target_semaphore(%run_scoped3A : memref<!tpu.dma_semaphore, #tpu.memory_space<semaphore_mem>>)
      %dma_wait3A = arith.constant 0 : i32
      %dma_wait3A_35 = arith.constant 0 : i32
      %dma_wait3A_36 = tpu.memref_slice %arg3[%arg0, %dma_wait3A, %dma_wait3A_35] : memref<2x10240x16xf32, #tpu.memory_space<hbm>> -> memref<1x10240x16xf32, #tpu.memory_space<hbm>>
      %dma_wait3A_37 = tpu.memref_squeeze %dma_wait3A_36 : memref<1x10240x16xf32, #tpu.memory_space<hbm>> -> memref<10240x16xf32, #tpu.memory_space<hbm>>
      %dma_wait3A_38 = arith.constant 0 : i32
      %dma_wait3A_39 = tpu.memref_slice %dma_wait3A_37[%mul3A_27, %dma_wait3A_38] : memref<10240x16xf32, #tpu.memory_space<hbm>> -> memref<640x16xf32, #tpu.memory_space<hbm>>
      %dma_wait3A_40 = arith.constant 0 : i32
      %dma_wait3A_41 = tpu.memref_slice %arg7[%mul3A_25, %dma_wait3A_40] : memref<10240x16xf32, #tpu.memory_space<vmem_shared>> -> memref<640x16xf32, #tpu.memory_space<vmem_shared>>
      tpu.wait_dma2 semaphore(%run_scoped3A : memref<!tpu.dma_semaphore, #tpu.memory_space<semaphore_mem>>) src(%dma_wait3A_41 : memref<640x16xf32, #tpu.memory_space<vmem_shared>>) dst(%dma_wait3A_39 : memref<640x16xf32, #tpu.memory_space<hbm>>)
      tpu.yield
    }) : () -> ()
    return
  }
}

#map = affine_map<(d0, d1) -> (0, 0)>
#map1 = affine_map<(d0, d1) -> (0, 0, 0)>
module attributes {stable_mosaic.version = 14 : i64} {
  func.func @seg_kernel(%arg0: i32, %arg1: i32, %arg2: memref<10000x64xf32, #tpu.memory_space<hbm>>, %arg3: memref<2560x128xi32, #tpu.memory_space<hbm>>, %arg4: memref<2560x128xi32, #tpu.memory_space<hbm>>, %arg5: memref<2x10240x64xf32, #tpu.memory_space<hbm>>, %arg6: memref<120x128xi32, #tpu.memory_space<vmem>>, %arg7: memref<120x128xi32, #tpu.memory_space<vmem>>, %arg8: memref<128x64xf32, #tpu.memory_space<vmem>>, %arg9: memref<128x64xf32, #tpu.memory_space<vmem>>, %arg10: memref<128x64xf32, #tpu.memory_space<vmem>>, %arg11: memref<128x64xf32, #tpu.memory_space<vmem>>, %arg12: memref<128x64xf32, #tpu.memory_space<vmem>>, %arg13: memref<160x64xf32, #tpu.memory_space<vmem>>, %arg14: memref<10240x64xf32, #tpu.memory_space<vmem_shared>>, %arg15: memref<!tpu.dma_semaphore, #tpu.memory_space<semaphore_mem>>, %arg16: memref<!tpu.dma_semaphore, #tpu.memory_space<semaphore_mem>>, %arg17: memref<!tpu.dma_semaphore, #tpu.memory_space<semaphore_mem>>, %arg18: memref<!tpu.dma_semaphore, #tpu.memory_space<semaphore_mem>>, %arg19: memref<!tpu.dma_semaphore, #tpu.memory_space<semaphore_mem>>, %arg20: memref<!tpu.dma_semaphore, #tpu.memory_space<semaphore_mem>>, %arg21: memref<!tpu.dma_semaphore, #tpu.memory_space<semaphore_mem>>, %arg22: memref<!tpu.dma_semaphore, #tpu.memory_space<semaphore_mem>>, %arg23: memref<!tpu.dma_semaphore, #tpu.memory_space<semaphore_mem>>, %arg24: memref<!tpu.dma_semaphore, #tpu.memory_space<semaphore_mem>>) attributes {dimension_semantics = [#tpu.dimension_semantics<core_parallel>, #tpu.dimension_semantics<subcore_parallel>], iteration_bounds = array<i64: 2, 16>, scalar_prefetch = 0 : i64, scratch_operands = 19 : i64, tpu.core_type = #tpu.core_type<sc_vector_subcore>, window_params = [{transform_indices = #map}, {transform_indices = #map}, {transform_indices = #map}, {transform_indices = #map1}]} {
    %scan3A = arith.constant 0 : i32
    %scan3A_0 = arith.constant 160 : i32
    %scan3A_1 = arith.addi %scan3A, %scan3A_0 : i32
    %scan3A_2 = arith.constant 1 : i32
    scf.for %scan3A_30 = %scan3A to %scan3A_1 step %scan3A_2  : i32 {
      %mul3A_31 = arith.constant 1 : i32
      %mul3A_32 = arith.muli %scan3A_30, %mul3A_31 : i32
      %add3A_33 = arith.constant 0 : i32
      %add3A_34 = arith.addi %add3A_33, %mul3A_32 : i32
      %scan3A_35 = arith.constant 0 : i32
      %scan3A_36 = arith.constant 4 : i32
      %scan3A_37 = arith.addi %scan3A_35, %scan3A_36 : i32
      %scan3A_38 = arith.constant 1 : i32
      scf.for %scan3A_40 = %scan3A_35 to %scan3A_37 step %scan3A_38  : i32 {
        %mul3A_41 = arith.constant 1 : i32
        %mul3A_42 = arith.muli %scan3A_40, %mul3A_41 : i32
        %add3A_43 = arith.constant 0 : i32
        %add3A_44 = arith.addi %add3A_43, %mul3A_42 : i32
        %broadcast_in_dim3A = arith.constant 0.000000e+00 : f32
        %broadcast_in_dim3A_45 = vector.broadcast %broadcast_in_dim3A : f32 to vector<16xf32>
        %mul3A_46 = arith.constant 16 : i32
        %mul3A_47 = arith.muli %add3A_44, %mul3A_46 : i32
        %swap3A = arith.index_cast %add3A_34 : i32 to index
        %swap3A_48 = arith.index_cast %mul3A_47 : i32 to index
        %swap3A_49 = tpu.vector_load %arg13[%swap3A, %swap3A_48] {strides = array<i32>} : memref<160x64xf32, #tpu.memory_space<vmem>>, vector<1x16xf32>,
        %swap3A_50 = vector.shape_cast %swap3A_49 : vector<1x16xf32> to vector<16xf32>
        %swap3A_51 = vector.shape_cast %broadcast_in_dim3A_45 : vector<16xf32> to vector<1x16xf32>
        tpu.vector_store %arg13[%swap3A, %swap3A_48], %swap3A_51 {strides = array<i32>} : memref<160x64xf32, #tpu.memory_space<vmem>>, vector<1x16xf32>,
      }
      %scan3A_39 = arith.constant 4 : i32
    }
    %scan3A_3 = arith.constant 160 : i32
    %mul3A = arith.constant 640 : i32
    %mul3A_4 = arith.muli %arg1, %mul3A : i32
    %add3A = arith.constant 0 : i32
    %add3A_5 = arith.addi %mul3A_4, %add3A : i32
    "tpu.region"() ({
      %run_scoped3A = tpu.sem_alloc : memref<!tpu.dma_semaphore, #tpu.memory_space<semaphore_mem>>
      %dma_start3A = arith.constant 0 : i32
      %dma_start3A_30 = tpu.memref_slice %arg14[%add3A_5, %dma_start3A] : memref<10240x64xf32, #tpu.memory_space<vmem_shared>> -> memref<160x64xf32, #tpu.memory_space<vmem_shared>>
      %dma_start3A_31 = arith.constant 0 : i32
      %dma_start3A_32 = tpu.memref_slice %arg14[%add3A_5, %dma_start3A_31] : memref<10240x64xf32, #tpu.memory_space<vmem_shared>> -> memref<160x64xf32, #tpu.memory_space<vmem_shared>>
      tpu.enqueue_dma source(%arg13 : memref<160x64xf32, #tpu.memory_space<vmem>>) target(%dma_start3A_32 : memref<160x64xf32, #tpu.memory_space<vmem_shared>>) target_semaphore(%run_scoped3A : memref<!tpu.dma_semaphore, #tpu.memory_space<semaphore_mem>>)
      %dma_wait3A = arith.constant 0 : i32
      %dma_wait3A_33 = tpu.memref_slice %arg14[%add3A_5, %dma_wait3A] : memref<10240x64xf32, #tpu.memory_space<vmem_shared>> -> memref<160x64xf32, #tpu.memory_space<vmem_shared>>
      %dma_wait3A_34 = arith.constant 0 : i32
      %dma_wait3A_35 = tpu.memref_slice %arg14[%add3A_5, %dma_wait3A_34] : memref<10240x64xf32, #tpu.memory_space<vmem_shared>> -> memref<160x64xf32, #tpu.memory_space<vmem_shared>>
      tpu.wait_dma2 semaphore(%run_scoped3A : memref<!tpu.dma_semaphore, #tpu.memory_space<semaphore_mem>>) src(%arg13 : memref<160x64xf32, #tpu.memory_space<vmem>>) dst(%dma_wait3A_35 : memref<160x64xf32, #tpu.memory_space<vmem_shared>>)
      tpu.yield
    }) : () -> ()
    %mul3A_6 = arith.constant 640 : i32
    %mul3A_7 = arith.muli %arg1, %mul3A_6 : i32
    %add3A_8 = arith.constant 160 : i32
    %add3A_9 = arith.addi %mul3A_7, %add3A_8 : i32
    "tpu.region"() ({
      %run_scoped3A = tpu.sem_alloc : memref<!tpu.dma_semaphore, #tpu.memory_space<semaphore_mem>>
      %dma_start3A = arith.constant 0 : i32
      %dma_start3A_30 = tpu.memref_slice %arg14[%add3A_9, %dma_start3A] : memref<10240x64xf32, #tpu.memory_space<vmem_shared>> -> memref<160x64xf32, #tpu.memory_space<vmem_shared>>
      %dma_start3A_31 = arith.constant 0 : i32
      %dma_start3A_32 = tpu.memref_slice %arg14[%add3A_9, %dma_start3A_31] : memref<10240x64xf32, #tpu.memory_space<vmem_shared>> -> memref<160x64xf32, #tpu.memory_space<vmem_shared>>
      tpu.enqueue_dma source(%arg13 : memref<160x64xf32, #tpu.memory_space<vmem>>) target(%dma_start3A_32 : memref<160x64xf32, #tpu.memory_space<vmem_shared>>) target_semaphore(%run_scoped3A : memref<!tpu.dma_semaphore, #tpu.memory_space<semaphore_mem>>)
      %dma_wait3A = arith.constant 0 : i32
      %dma_wait3A_33 = tpu.memref_slice %arg14[%add3A_9, %dma_wait3A] : memref<10240x64xf32, #tpu.memory_space<vmem_shared>> -> memref<160x64xf32, #tpu.memory_space<vmem_shared>>
      %dma_wait3A_34 = arith.constant 0 : i32
      %dma_wait3A_35 = tpu.memref_slice %arg14[%add3A_9, %dma_wait3A_34] : memref<10240x64xf32, #tpu.memory_space<vmem_shared>> -> memref<160x64xf32, #tpu.memory_space<vmem_shared>>
      tpu.wait_dma2 semaphore(%run_scoped3A : memref<!tpu.dma_semaphore, #tpu.memory_space<semaphore_mem>>) src(%arg13 : memref<160x64xf32, #tpu.memory_space<vmem>>) dst(%dma_wait3A_35 : memref<160x64xf32, #tpu.memory_space<vmem_shared>>)
      tpu.yield
    }) : () -> ()
    %mul3A_10 = arith.constant 640 : i32
    %mul3A_11 = arith.muli %arg1, %mul3A_10 : i32
    %add3A_12 = arith.constant 320 : i32
    %add3A_13 = arith.addi %mul3A_11, %add3A_12 : i32
    "tpu.region"() ({
      %run_scoped3A = tpu.sem_alloc : memref<!tpu.dma_semaphore, #tpu.memory_space<semaphore_mem>>
      %dma_start3A = arith.constant 0 : i32
      %dma_start3A_30 = tpu.memref_slice %arg14[%add3A_13, %dma_start3A] : memref<10240x64xf32, #tpu.memory_space<vmem_shared>> -> memref<160x64xf32, #tpu.memory_space<vmem_shared>>
      %dma_start3A_31 = arith.constant 0 : i32
      %dma_start3A_32 = tpu.memref_slice %arg14[%add3A_13, %dma_start3A_31] : memref<10240x64xf32, #tpu.memory_space<vmem_shared>> -> memref<160x64xf32, #tpu.memory_space<vmem_shared>>
      tpu.enqueue_dma source(%arg13 : memref<160x64xf32, #tpu.memory_space<vmem>>) target(%dma_start3A_32 : memref<160x64xf32, #tpu.memory_space<vmem_shared>>) target_semaphore(%run_scoped3A : memref<!tpu.dma_semaphore, #tpu.memory_space<semaphore_mem>>)
      %dma_wait3A = arith.constant 0 : i32
      %dma_wait3A_33 = tpu.memref_slice %arg14[%add3A_13, %dma_wait3A] : memref<10240x64xf32, #tpu.memory_space<vmem_shared>> -> memref<160x64xf32, #tpu.memory_space<vmem_shared>>
      %dma_wait3A_34 = arith.constant 0 : i32
      %dma_wait3A_35 = tpu.memref_slice %arg14[%add3A_13, %dma_wait3A_34] : memref<10240x64xf32, #tpu.memory_space<vmem_shared>> -> memref<160x64xf32, #tpu.memory_space<vmem_shared>>
      tpu.wait_dma2 semaphore(%run_scoped3A : memref<!tpu.dma_semaphore, #tpu.memory_space<semaphore_mem>>) src(%arg13 : memref<160x64xf32, #tpu.memory_space<vmem>>) dst(%dma_wait3A_35 : memref<160x64xf32, #tpu.memory_space<vmem_shared>>)
      tpu.yield
    }) : () -> ()
    %mul3A_14 = arith.constant 640 : i32
    %mul3A_15 = arith.muli %arg1, %mul3A_14 : i32
    %add3A_16 = arith.constant 480 : i32
    %add3A_17 = arith.addi %mul3A_15, %add3A_16 : i32
    "tpu.region"() ({
      %run_scoped3A = tpu.sem_alloc : memref<!tpu.dma_semaphore, #tpu.memory_space<semaphore_mem>>
      %dma_start3A = arith.constant 0 : i32
      %dma_start3A_30 = tpu.memref_slice %arg14[%add3A_17, %dma_start3A] : memref<10240x64xf32, #tpu.memory_space<vmem_shared>> -> memref<160x64xf32, #tpu.memory_space<vmem_shared>>
      %dma_start3A_31 = arith.constant 0 : i32
      %dma_start3A_32 = tpu.memref_slice %arg14[%add3A_17, %dma_start3A_31] : memref<10240x64xf32, #tpu.memory_space<vmem_shared>> -> memref<160x64xf32, #tpu.memory_space<vmem_shared>>
      tpu.enqueue_dma source(%arg13 : memref<160x64xf32, #tpu.memory_space<vmem>>) target(%dma_start3A_32 : memref<160x64xf32, #tpu.memory_space<vmem_shared>>) target_semaphore(%run_scoped3A : memref<!tpu.dma_semaphore, #tpu.memory_space<semaphore_mem>>)
      %dma_wait3A = arith.constant 0 : i32
      %dma_wait3A_33 = tpu.memref_slice %arg14[%add3A_17, %dma_wait3A] : memref<10240x64xf32, #tpu.memory_space<vmem_shared>> -> memref<160x64xf32, #tpu.memory_space<vmem_shared>>
      %dma_wait3A_34 = arith.constant 0 : i32
      %dma_wait3A_35 = tpu.memref_slice %arg14[%add3A_17, %dma_wait3A_34] : memref<10240x64xf32, #tpu.memory_space<vmem_shared>> -> memref<160x64xf32, #tpu.memory_space<vmem_shared>>
      tpu.wait_dma2 semaphore(%run_scoped3A : memref<!tpu.dma_semaphore, #tpu.memory_space<semaphore_mem>>) src(%arg13 : memref<160x64xf32, #tpu.memory_space<vmem>>) dst(%dma_wait3A_35 : memref<160x64xf32, #tpu.memory_space<vmem_shared>>)
      tpu.yield
    }) : () -> ()
    %barrier3A = arith.constant 0 : index
    tpu.barrier barrier_id(%barrier3A)
    %eq3A = arith.constant 0 : i32
    %eq3A_18 = arith.cmpi eq, %arg0, %eq3A : i32
    %convert_element_type3A = arith.extui %eq3A_18 : i1 to i32
    %cond3A = arith.constant 0 : i32
    %cond3A_19 = arith.cmpi ne, %convert_element_type3A, %cond3A : i32
    scf.if %cond3A_19 {
      %mul3A_30 = arith.constant 120 : i32
      %mul3A_31 = arith.muli %arg1, %mul3A_30 : i32
      "tpu.region"() ({
        %run_scoped3A = tpu.sem_alloc : memref<!tpu.dma_semaphore, #tpu.memory_space<semaphore_mem>>
        %dma_start3A = arith.constant 0 : i32
        %dma_start3A_37 = arith.constant 0 : i32
        %dma_start3A_38 = tpu.memref_slice %arg6[%dma_start3A, %dma_start3A_37] : memref<120x128xi32, #tpu.memory_space<vmem>> -> memref<120x128xi32, #tpu.memory_space<vmem>>
        %dma_start3A_39 = arith.constant 0 : i32
        %dma_start3A_40 = tpu.memref_slice %arg3[%mul3A_31, %dma_start3A_39] : memref<2560x128xi32, #tpu.memory_space<hbm>> -> memref<120x128xi32, #tpu.memory_space<hbm>>
        %dma_start3A_41 = arith.constant 0 : i32
        %dma_start3A_42 = arith.constant 0 : i32
        %dma_start3A_43 = tpu.memref_slice %arg6[%dma_start3A_41, %dma_start3A_42] : memref<120x128xi32, #tpu.memory_space<vmem>> -> memref<120x128xi32, #tpu.memory_space<vmem>>
        %dma_start3A_44 = arith.constant 0 : i32
        %dma_start3A_45 = tpu.memref_slice %arg3[%mul3A_31, %dma_start3A_44] : memref<2560x128xi32, #tpu.memory_space<hbm>> -> memref<120x128xi32, #tpu.memory_space<hbm>>
        tpu.enqueue_dma source(%dma_start3A_45 : memref<120x128xi32, #tpu.memory_space<hbm>>) target(%dma_start3A_43 : memref<120x128xi32, #tpu.memory_space<vmem>>) target_semaphore(%run_scoped3A : memref<!tpu.dma_semaphore, #tpu.memory_space<semaphore_mem>>)
        %dma_wait3A = arith.constant 0 : i32
        %dma_wait3A_46 = arith.constant 0 : i32
        %dma_wait3A_47 = tpu.memref_slice %arg6[%dma_wait3A, %dma_wait3A_46] : memref<120x128xi32, #tpu.memory_space<vmem>> -> memref<120x128xi32, #tpu.memory_space<vmem>>
        %dma_wait3A_48 = arith.constant 0 : i32
        %dma_wait3A_49 = tpu.memref_slice %arg3[%mul3A_31, %dma_wait3A_48] : memref<2560x128xi32, #tpu.memory_space<hbm>> -> memref<120x128xi32, #tpu.memory_space<hbm>>
        %dma_wait3A_50 = arith.constant 0 : i32
        %dma_wait3A_51 = arith.constant 0 : i32
        %dma_wait3A_52 = tpu.memref_slice %arg6[%dma_wait3A_50, %dma_wait3A_51] : memref<120x128xi32, #tpu.memory_space<vmem>> -> memref<120x128xi32, #tpu.memory_space<vmem>>
        %dma_wait3A_53 = arith.constant 0 : i32
        %dma_wait3A_54 = tpu.memref_slice %arg3[%mul3A_31, %dma_wait3A_53] : memref<2560x128xi32, #tpu.memory_space<hbm>> -> memref<120x128xi32, #tpu.memory_space<hbm>>
        tpu.wait_dma2 semaphore(%run_scoped3A : memref<!tpu.dma_semaphore, #tpu.memory_space<semaphore_mem>>) src(%dma_wait3A_54 : memref<120x128xi32, #tpu.memory_space<hbm>>) dst(%dma_wait3A_52 : memref<120x128xi32, #tpu.memory_space<vmem>>)
        tpu.yield
      }) : () -> ()
      "tpu.region"() ({
        %run_scoped3A = tpu.sem_alloc : memref<!tpu.dma_semaphore, #tpu.memory_space<semaphore_mem>>
        %dma_start3A = arith.constant 0 : i32
        %dma_start3A_37 = arith.constant 0 : i32
        %dma_start3A_38 = tpu.memref_slice %arg7[%dma_start3A, %dma_start3A_37] : memref<120x128xi32, #tpu.memory_space<vmem>> -> memref<120x128xi32, #tpu.memory_space<vmem>>
        %dma_start3A_39 = arith.constant 0 : i32
        %dma_start3A_40 = tpu.memref_slice %arg4[%mul3A_31, %dma_start3A_39] : memref<2560x128xi32, #tpu.memory_space<hbm>> -> memref<120x128xi32, #tpu.memory_space<hbm>>
        %dma_start3A_41 = arith.constant 0 : i32
        %dma_start3A_42 = arith.constant 0 : i32
        %dma_start3A_43 = tpu.memref_slice %arg7[%dma_start3A_41, %dma_start3A_42] : memref<120x128xi32, #tpu.memory_space<vmem>> -> memref<120x128xi32, #tpu.memory_space<vmem>>
        %dma_start3A_44 = arith.constant 0 : i32
        %dma_start3A_45 = tpu.memref_slice %arg4[%mul3A_31, %dma_start3A_44] : memref<2560x128xi32, #tpu.memory_space<hbm>> -> memref<120x128xi32, #tpu.memory_space<hbm>>
        tpu.enqueue_dma source(%dma_start3A_45 : memref<120x128xi32, #tpu.memory_space<hbm>>) target(%dma_start3A_43 : memref<120x128xi32, #tpu.memory_space<vmem>>) target_semaphore(%run_scoped3A : memref<!tpu.dma_semaphore, #tpu.memory_space<semaphore_mem>>)
        %dma_wait3A = arith.constant 0 : i32
        %dma_wait3A_46 = arith.constant 0 : i32
        %dma_wait3A_47 = tpu.memref_slice %arg7[%dma_wait3A, %dma_wait3A_46] : memref<120x128xi32, #tpu.memory_space<vmem>> -> memref<120x128xi32, #tpu.memory_space<vmem>>
        %dma_wait3A_48 = arith.constant 0 : i32
        %dma_wait3A_49 = tpu.memref_slice %arg4[%mul3A_31, %dma_wait3A_48] : memref<2560x128xi32, #tpu.memory_space<hbm>> -> memref<120x128xi32, #tpu.memory_space<hbm>>
        %dma_wait3A_50 = arith.constant 0 : i32
        %dma_wait3A_51 = arith.constant 0 : i32
        %dma_wait3A_52 = tpu.memref_slice %arg7[%dma_wait3A_50, %dma_wait3A_51] : memref<120x128xi32, #tpu.memory_space<vmem>> -> memref<120x128xi32, #tpu.memory_space<vmem>>
        %dma_wait3A_53 = arith.constant 0 : i32
        %dma_wait3A_54 = tpu.memref_slice %arg4[%mul3A_31, %dma_wait3A_53] : memref<2560x128xi32, #tpu.memory_space<hbm>> -> memref<120x128xi32, #tpu.memory_space<hbm>>
        tpu.wait_dma2 semaphore(%run_scoped3A : memref<!tpu.dma_semaphore, #tpu.memory_space<semaphore_mem>>) src(%dma_wait3A_54 : memref<120x128xi32, #tpu.memory_space<hbm>>) dst(%dma_wait3A_52 : memref<120x128xi32, #tpu.memory_space<vmem>>)
        tpu.yield
      }) : () -> ()
      %scan3A_32 = arith.constant 0 : i32
      %scan3A_33 = arith.constant 24 : i32
      %scan3A_34 = arith.addi %scan3A_32, %scan3A_33 : i32
      %scan3A_35 = arith.constant 1 : i32
      scf.for %scan3A_37 = %scan3A_32 to %scan3A_34 step %scan3A_35  : i32 {
        %mul3A_38 = arith.constant 5 : i32
        %mul3A_39 = arith.muli %scan3A_37, %mul3A_38 : i32
        %add3A_40 = arith.constant 0 : i32
        %add3A_41 = arith.addi %add3A_40, %mul3A_39 : i32
        %add3A_42 = arith.constant 0 : i32
        %add3A_43 = arith.addi %add3A_41, %add3A_42 : i32
        %dma_start3A = arith.constant 0 : i32
        %dma_start3A_44 = tpu.memref_slice %arg6[%add3A_43, %dma_start3A] : memref<120x128xi32, #tpu.memory_space<vmem>> -> memref<1x128xi32, #tpu.memory_space<vmem>>
        %dma_start3A_45 = tpu.memref_squeeze %dma_start3A_44 : memref<1x128xi32, #tpu.memory_space<vmem>> -> memref<128xi32, #tpu.memory_space<vmem>>
        %dma_start3A_46 = arith.constant 0 : i32
        %dma_start3A_47 = arith.constant 0 : i32
        %dma_start3A_48 = tpu.memref_slice %arg2[%dma_start3A_46, %dma_start3A_47] : memref<10000x64xf32, #tpu.memory_space<hbm>> -> memref<10000x64xf32, #tpu.memory_space<hbm>>
        tpu.enqueue_indirect_dma source(%dma_start3A_48 : memref<10000x64xf32, #tpu.memory_space<hbm>>) target(%arg8 : memref<128x64xf32, #tpu.memory_space<vmem>>) offsets(%dma_start3A_45 : memref<128xi32, #tpu.memory_space<vmem>>) semaphore(%arg15 : memref<!tpu.dma_semaphore, #tpu.memory_space<semaphore_mem>>)
        %add3A_49 = arith.constant 1 : i32
        %add3A_50 = arith.addi %add3A_41, %add3A_49 : i32
        %dma_start3A_51 = arith.constant 0 : i32
        %dma_start3A_52 = tpu.memref_slice %arg6[%add3A_50, %dma_start3A_51] : memref<120x128xi32, #tpu.memory_space<vmem>> -> memref<1x128xi32, #tpu.memory_space<vmem>>
        %dma_start3A_53 = tpu.memref_squeeze %dma_start3A_52 : memref<1x128xi32, #tpu.memory_space<vmem>> -> memref<128xi32, #tpu.memory_space<vmem>>
        %dma_start3A_54 = arith.constant 0 : i32
        %dma_start3A_55 = arith.constant 0 : i32
        %dma_start3A_56 = tpu.memref_slice %arg2[%dma_start3A_54, %dma_start3A_55] : memref<10000x64xf32, #tpu.memory_space<hbm>> -> memref<10000x64xf32, #tpu.memory_space<hbm>>
        tpu.enqueue_indirect_dma source(%dma_start3A_56 : memref<10000x64xf32, #tpu.memory_space<hbm>>) target(%arg9 : memref<128x64xf32, #tpu.memory_space<vmem>>) offsets(%dma_start3A_53 : memref<128xi32, #tpu.memory_space<vmem>>) semaphore(%arg16 : memref<!tpu.dma_semaphore, #tpu.memory_space<semaphore_mem>>)
        %add3A_57 = arith.constant 2 : i32
        %add3A_58 = arith.addi %add3A_41, %add3A_57 : i32
        %dma_start3A_59 = arith.constant 0 : i32
        %dma_start3A_60 = tpu.memref_slice %arg6[%add3A_58, %dma_start3A_59] : memref<120x128xi32, #tpu.memory_space<vmem>> -> memref<1x128xi32, #tpu.memory_space<vmem>>
        %dma_start3A_61 = tpu.memref_squeeze %dma_start3A_60 : memref<1x128xi32, #tpu.memory_space<vmem>> -> memref<128xi32, #tpu.memory_space<vmem>>
        %dma_start3A_62 = arith.constant 0 : i32
        %dma_start3A_63 = arith.constant 0 : i32
        %dma_start3A_64 = tpu.memref_slice %arg2[%dma_start3A_62, %dma_start3A_63] : memref<10000x64xf32, #tpu.memory_space<hbm>> -> memref<10000x64xf32, #tpu.memory_space<hbm>>
        tpu.enqueue_indirect_dma source(%dma_start3A_64 : memref<10000x64xf32, #tpu.memory_space<hbm>>) target(%arg10 : memref<128x64xf32, #tpu.memory_space<vmem>>) offsets(%dma_start3A_61 : memref<128xi32, #tpu.memory_space<vmem>>) semaphore(%arg17 : memref<!tpu.dma_semaphore, #tpu.memory_space<semaphore_mem>>)
        %add3A_65 = arith.constant 3 : i32
        %add3A_66 = arith.addi %add3A_41, %add3A_65 : i32
        %dma_start3A_67 = arith.constant 0 : i32
        %dma_start3A_68 = tpu.memref_slice %arg6[%add3A_66, %dma_start3A_67] : memref<120x128xi32, #tpu.memory_space<vmem>> -> memref<1x128xi32, #tpu.memory_space<vmem>>
        %dma_start3A_69 = tpu.memref_squeeze %dma_start3A_68 : memref<1x128xi32, #tpu.memory_space<vmem>> -> memref<128xi32, #tpu.memory_space<vmem>>
        %dma_start3A_70 = arith.constant 0 : i32
        %dma_start3A_71 = arith.constant 0 : i32
        %dma_start3A_72 = tpu.memref_slice %arg2[%dma_start3A_70, %dma_start3A_71] : memref<10000x64xf32, #tpu.memory_space<hbm>> -> memref<10000x64xf32, #tpu.memory_space<hbm>>
        tpu.enqueue_indirect_dma source(%dma_start3A_72 : memref<10000x64xf32, #tpu.memory_space<hbm>>) target(%arg11 : memref<128x64xf32, #tpu.memory_space<vmem>>) offsets(%dma_start3A_69 : memref<128xi32, #tpu.memory_space<vmem>>) semaphore(%arg18 : memref<!tpu.dma_semaphore, #tpu.memory_space<semaphore_mem>>)
        %add3A_73 = arith.constant 4 : i32
        %add3A_74 = arith.addi %add3A_41, %add3A_73 : i32
        %dma_start3A_75 = arith.constant 0 : i32
        %dma_start3A_76 = tpu.memref_slice %arg6[%add3A_74, %dma_start3A_75] : memref<120x128xi32, #tpu.memory_space<vmem>> -> memref<1x128xi32, #tpu.memory_space<vmem>>
        %dma_start3A_77 = tpu.memref_squeeze %dma_start3A_76 : memref<1x128xi32, #tpu.memory_space<vmem>> -> memref<128xi32, #tpu.memory_space<vmem>>
        %dma_start3A_78 = arith.constant 0 : i32
        %dma_start3A_79 = arith.constant 0 : i32
        %dma_start3A_80 = tpu.memref_slice %arg2[%dma_start3A_78, %dma_start3A_79] : memref<10000x64xf32, #tpu.memory_space<hbm>> -> memref<10000x64xf32, #tpu.memory_space<hbm>>
        tpu.enqueue_indirect_dma source(%dma_start3A_80 : memref<10000x64xf32, #tpu.memory_space<hbm>>) target(%arg12 : memref<128x64xf32, #tpu.memory_space<vmem>>) offsets(%dma_start3A_77 : memref<128xi32, #tpu.memory_space<vmem>>) semaphore(%arg19 : memref<!tpu.dma_semaphore, #tpu.memory_space<semaphore_mem>>)
        %dma_wait3A = arith.constant 0 : i32
        %dma_wait3A_81 = tpu.memref_slice %arg6[%add3A_43, %dma_wait3A] : memref<120x128xi32, #tpu.memory_space<vmem>> -> memref<1x128xi32, #tpu.memory_space<vmem>>
        %dma_wait3A_82 = tpu.memref_squeeze %dma_wait3A_81 : memref<1x128xi32, #tpu.memory_space<vmem>> -> memref<128xi32, #tpu.memory_space<vmem>>
        %dma_wait3A_83 = arith.constant 0 : i32
        %dma_wait3A_84 = arith.constant 0 : i32
        %dma_wait3A_85 = tpu.memref_slice %arg2[%dma_wait3A_83, %dma_wait3A_84] : memref<10000x64xf32, #tpu.memory_space<hbm>> -> memref<10000x64xf32, #tpu.memory_space<hbm>>
        tpu.wait_indirect_dma semaphore(%arg15 : memref<!tpu.dma_semaphore, #tpu.memory_space<semaphore_mem>>) src(%dma_wait3A_85 : memref<10000x64xf32, #tpu.memory_space<hbm>>) dst(%arg8 : memref<128x64xf32, #tpu.memory_space<vmem>>)
        %add3A_86 = arith.constant 0 : i32
        %add3A_87 = arith.addi %add3A_41, %add3A_86 : i32
        %dma_start3A_88 = arith.constant 0 : i32
        %dma_start3A_89 = tpu.memref_slice %arg7[%add3A_87, %dma_start3A_88] : memref<120x128xi32, #tpu.memory_space<vmem>> -> memref<1x128xi32, #tpu.memory_space<vmem>>
        %dma_start3A_90 = tpu.memref_squeeze %dma_start3A_89 : memref<1x128xi32, #tpu.memory_space<vmem>> -> memref<128xi32, #tpu.memory_space<vmem>>
        %dma_start3A_91 = arith.constant 0 : i32
        %dma_start3A_92 = arith.constant 0 : i32
        %dma_start3A_93 = tpu.memref_slice %arg14[%dma_start3A_91, %dma_start3A_92] : memref<10240x64xf32, #tpu.memory_space<vmem_shared>> -> memref<10240x64xf32, #tpu.memory_space<vmem_shared>>
        tpu.enqueue_indirect_dma source(%arg8 : memref<128x64xf32, #tpu.memory_space<vmem>>) target(%dma_start3A_93 : memref<10240x64xf32, #tpu.memory_space<vmem_shared>>) offsets(%dma_start3A_90 : memref<128xi32, #tpu.memory_space<vmem>>) semaphore(%arg20 : memref<!tpu.dma_semaphore, #tpu.memory_space<semaphore_mem>>) {add = true}
        %dma_wait3A_94 = arith.constant 0 : i32
        %dma_wait3A_95 = tpu.memref_slice %arg6[%add3A_50, %dma_wait3A_94] : memref<120x128xi32, #tpu.memory_space<vmem>> -> memref<1x128xi32, #tpu.memory_space<vmem>>
        %dma_wait3A_96 = tpu.memref_squeeze %dma_wait3A_95 : memref<1x128xi32, #tpu.memory_space<vmem>> -> memref<128xi32, #tpu.memory_space<vmem>>
        %dma_wait3A_97 = arith.constant 0 : i32
        %dma_wait3A_98 = arith.constant 0 : i32
        %dma_wait3A_99 = tpu.memref_slice %arg2[%dma_wait3A_97, %dma_wait3A_98] : memref<10000x64xf32, #tpu.memory_space<hbm>> -> memref<10000x64xf32, #tpu.memory_space<hbm>>
        tpu.wait_indirect_dma semaphore(%arg16 : memref<!tpu.dma_semaphore, #tpu.memory_space<semaphore_mem>>) src(%dma_wait3A_99 : memref<10000x64xf32, #tpu.memory_space<hbm>>) dst(%arg9 : memref<128x64xf32, #tpu.memory_space<vmem>>)
        %add3A_100 = arith.constant 1 : i32
        %add3A_101 = arith.addi %add3A_41, %add3A_100 : i32
        %dma_start3A_102 = arith.constant 0 : i32
        %dma_start3A_103 = tpu.memref_slice %arg7[%add3A_101, %dma_start3A_102] : memref<120x128xi32, #tpu.memory_space<vmem>> -> memref<1x128xi32, #tpu.memory_space<vmem>>
        %dma_start3A_104 = tpu.memref_squeeze %dma_start3A_103 : memref<1x128xi32, #tpu.memory_space<vmem>> -> memref<128xi32, #tpu.memory_space<vmem>>
        %dma_start3A_105 = arith.constant 0 : i32
        %dma_start3A_106 = arith.constant 0 : i32
        %dma_start3A_107 = tpu.memref_slice %arg14[%dma_start3A_105, %dma_start3A_106] : memref<10240x64xf32, #tpu.memory_space<vmem_shared>> -> memref<10240x64xf32, #tpu.memory_space<vmem_shared>>
        tpu.enqueue_indirect_dma source(%arg9 : memref<128x64xf32, #tpu.memory_space<vmem>>) target(%dma_start3A_107 : memref<10240x64xf32, #tpu.memory_space<vmem_shared>>) offsets(%dma_start3A_104 : memref<128xi32, #tpu.memory_space<vmem>>) semaphore(%arg21 : memref<!tpu.dma_semaphore, #tpu.memory_space<semaphore_mem>>) {add = true}
        %dma_wait3A_108 = arith.constant 0 : i32
        %dma_wait3A_109 = tpu.memref_slice %arg6[%add3A_58, %dma_wait3A_108] : memref<120x128xi32, #tpu.memory_space<vmem>> -> memref<1x128xi32, #tpu.memory_space<vmem>>
        %dma_wait3A_110 = tpu.memref_squeeze %dma_wait3A_109 : memref<1x128xi32, #tpu.memory_space<vmem>> -> memref<128xi32, #tpu.memory_space<vmem>>
        %dma_wait3A_111 = arith.constant 0 : i32
        %dma_wait3A_112 = arith.constant 0 : i32
        %dma_wait3A_113 = tpu.memref_slice %arg2[%dma_wait3A_111, %dma_wait3A_112] : memref<10000x64xf32, #tpu.memory_space<hbm>> -> memref<10000x64xf32, #tpu.memory_space<hbm>>
        tpu.wait_indirect_dma semaphore(%arg17 : memref<!tpu.dma_semaphore, #tpu.memory_space<semaphore_mem>>) src(%dma_wait3A_113 : memref<10000x64xf32, #tpu.memory_space<hbm>>) dst(%arg10 : memref<128x64xf32, #tpu.memory_space<vmem>>)
        %add3A_114 = arith.constant 2 : i32
        %add3A_115 = arith.addi %add3A_41, %add3A_114 : i32
        %dma_start3A_116 = arith.constant 0 : i32
        %dma_start3A_117 = tpu.memref_slice %arg7[%add3A_115, %dma_start3A_116] : memref<120x128xi32, #tpu.memory_space<vmem>> -> memref<1x128xi32, #tpu.memory_space<vmem>>
        %dma_start3A_118 = tpu.memref_squeeze %dma_start3A_117 : memref<1x128xi32, #tpu.memory_space<vmem>> -> memref<128xi32, #tpu.memory_space<vmem>>
        %dma_start3A_119 = arith.constant 0 : i32
        %dma_start3A_120 = arith.constant 0 : i32
        %dma_start3A_121 = tpu.memref_slice %arg14[%dma_start3A_119, %dma_start3A_120] : memref<10240x64xf32, #tpu.memory_space<vmem_shared>> -> memref<10240x64xf32, #tpu.memory_space<vmem_shared>>
        tpu.enqueue_indirect_dma source(%arg10 : memref<128x64xf32, #tpu.memory_space<vmem>>) target(%dma_start3A_121 : memref<10240x64xf32, #tpu.memory_space<vmem_shared>>) offsets(%dma_start3A_118 : memref<128xi32, #tpu.memory_space<vmem>>) semaphore(%arg22 : memref<!tpu.dma_semaphore, #tpu.memory_space<semaphore_mem>>) {add = true}
        %dma_wait3A_122 = arith.constant 0 : i32
        %dma_wait3A_123 = tpu.memref_slice %arg6[%add3A_66, %dma_wait3A_122] : memref<120x128xi32, #tpu.memory_space<vmem>> -> memref<1x128xi32, #tpu.memory_space<vmem>>
        %dma_wait3A_124 = tpu.memref_squeeze %dma_wait3A_123 : memref<1x128xi32, #tpu.memory_space<vmem>> -> memref<128xi32, #tpu.memory_space<vmem>>
        %dma_wait3A_125 = arith.constant 0 : i32
        %dma_wait3A_126 = arith.constant 0 : i32
        %dma_wait3A_127 = tpu.memref_slice %arg2[%dma_wait3A_125, %dma_wait3A_126] : memref<10000x64xf32, #tpu.memory_space<hbm>> -> memref<10000x64xf32, #tpu.memory_space<hbm>>
        tpu.wait_indirect_dma semaphore(%arg18 : memref<!tpu.dma_semaphore, #tpu.memory_space<semaphore_mem>>) src(%dma_wait3A_127 : memref<10000x64xf32, #tpu.memory_space<hbm>>) dst(%arg11 : memref<128x64xf32, #tpu.memory_space<vmem>>)
        %add3A_128 = arith.constant 3 : i32
        %add3A_129 = arith.addi %add3A_41, %add3A_128 : i32
        %dma_start3A_130 = arith.constant 0 : i32
        %dma_start3A_131 = tpu.memref_slice %arg7[%add3A_129, %dma_start3A_130] : memref<120x128xi32, #tpu.memory_space<vmem>> -> memref<1x128xi32, #tpu.memory_space<vmem>>
        %dma_start3A_132 = tpu.memref_squeeze %dma_start3A_131 : memref<1x128xi32, #tpu.memory_space<vmem>> -> memref<128xi32, #tpu.memory_space<vmem>>
        %dma_start3A_133 = arith.constant 0 : i32
        %dma_start3A_134 = arith.constant 0 : i32
        %dma_start3A_135 = tpu.memref_slice %arg14[%dma_start3A_133, %dma_start3A_134] : memref<10240x64xf32, #tpu.memory_space<vmem_shared>> -> memref<10240x64xf32, #tpu.memory_space<vmem_shared>>
        tpu.enqueue_indirect_dma source(%arg11 : memref<128x64xf32, #tpu.memory_space<vmem>>) target(%dma_start3A_135 : memref<10240x64xf32, #tpu.memory_space<vmem_shared>>) offsets(%dma_start3A_132 : memref<128xi32, #tpu.memory_space<vmem>>) semaphore(%arg23 : memref<!tpu.dma_semaphore, #tpu.memory_space<semaphore_mem>>) {add = true}
        %dma_wait3A_136 = arith.constant 0 : i32
        %dma_wait3A_137 = tpu.memref_slice %arg6[%add3A_74, %dma_wait3A_136] : memref<120x128xi32, #tpu.memory_space<vmem>> -> memref<1x128xi32, #tpu.memory_space<vmem>>
        %dma_wait3A_138 = tpu.memref_squeeze %dma_wait3A_137 : memref<1x128xi32, #tpu.memory_space<vmem>> -> memref<128xi32, #tpu.memory_space<vmem>>
        %dma_wait3A_139 = arith.constant 0 : i32
        %dma_wait3A_140 = arith.constant 0 : i32
        %dma_wait3A_141 = tpu.memref_slice %arg2[%dma_wait3A_139, %dma_wait3A_140] : memref<10000x64xf32, #tpu.memory_space<hbm>> -> memref<10000x64xf32, #tpu.memory_space<hbm>>
        tpu.wait_indirect_dma semaphore(%arg19 : memref<!tpu.dma_semaphore, #tpu.memory_space<semaphore_mem>>) src(%dma_wait3A_141 : memref<10000x64xf32, #tpu.memory_space<hbm>>) dst(%arg12 : memref<128x64xf32, #tpu.memory_space<vmem>>)
        %add3A_142 = arith.constant 4 : i32
        %add3A_143 = arith.addi %add3A_41, %add3A_142 : i32
        %dma_start3A_144 = arith.constant 0 : i32
        %dma_start3A_145 = tpu.memref_slice %arg7[%add3A_143, %dma_start3A_144] : memref<120x128xi32, #tpu.memory_space<vmem>> -> memref<1x128xi32, #tpu.memory_space<vmem>>
        %dma_start3A_146 = tpu.memref_squeeze %dma_start3A_145 : memref<1x128xi32, #tpu.memory_space<vmem>> -> memref<128xi32, #tpu.memory_space<vmem>>
        %dma_start3A_147 = arith.constant 0 : i32
        %dma_start3A_148 = arith.constant 0 : i32
        %dma_start3A_149 = tpu.memref_slice %arg14[%dma_start3A_147, %dma_start3A_148] : memref<10240x64xf32, #tpu.memory_space<vmem_shared>> -> memref<10240x64xf32, #tpu.memory_space<vmem_shared>>
        tpu.enqueue_indirect_dma source(%arg12 : memref<128x64xf32, #tpu.memory_space<vmem>>) target(%dma_start3A_149 : memref<10240x64xf32, #tpu.memory_space<vmem_shared>>) offsets(%dma_start3A_146 : memref<128xi32, #tpu.memory_space<vmem>>) semaphore(%arg24 : memref<!tpu.dma_semaphore, #tpu.memory_space<semaphore_mem>>) {add = true}
        %dma_wait3A_150 = arith.constant 0 : i32
        %dma_wait3A_151 = tpu.memref_slice %arg7[%add3A_87, %dma_wait3A_150] : memref<120x128xi32, #tpu.memory_space<vmem>> -> memref<1x128xi32, #tpu.memory_space<vmem>>
        %dma_wait3A_152 = tpu.memref_squeeze %dma_wait3A_151 : memref<1x128xi32, #tpu.memory_space<vmem>> -> memref<128xi32, #tpu.memory_space<vmem>>
        %dma_wait3A_153 = arith.constant 0 : i32
        %dma_wait3A_154 = arith.constant 0 : i32
        %dma_wait3A_155 = tpu.memref_slice %arg14[%dma_wait3A_153, %dma_wait3A_154] : memref<10240x64xf32, #tpu.memory_space<vmem_shared>> -> memref<10240x64xf32, #tpu.memory_space<vmem_shared>>
        tpu.wait_indirect_dma semaphore(%arg20 : memref<!tpu.dma_semaphore, #tpu.memory_space<semaphore_mem>>) src(%arg8 : memref<128x64xf32, #tpu.memory_space<vmem>>) dst(%dma_wait3A_155 : memref<10240x64xf32, #tpu.memory_space<vmem_shared>>)
        %dma_wait3A_156 = arith.constant 0 : i32
        %dma_wait3A_157 = tpu.memref_slice %arg7[%add3A_101, %dma_wait3A_156] : memref<120x128xi32, #tpu.memory_space<vmem>> -> memref<1x128xi32, #tpu.memory_space<vmem>>
        %dma_wait3A_158 = tpu.memref_squeeze %dma_wait3A_157 : memref<1x128xi32, #tpu.memory_space<vmem>> -> memref<128xi32, #tpu.memory_space<vmem>>
        %dma_wait3A_159 = arith.constant 0 : i32
        %dma_wait3A_160 = arith.constant 0 : i32
        %dma_wait3A_161 = tpu.memref_slice %arg14[%dma_wait3A_159, %dma_wait3A_160] : memref<10240x64xf32, #tpu.memory_space<vmem_shared>> -> memref<10240x64xf32, #tpu.memory_space<vmem_shared>>
        tpu.wait_indirect_dma semaphore(%arg21 : memref<!tpu.dma_semaphore, #tpu.memory_space<semaphore_mem>>) src(%arg9 : memref<128x64xf32, #tpu.memory_space<vmem>>) dst(%dma_wait3A_161 : memref<10240x64xf32, #tpu.memory_space<vmem_shared>>)
        %dma_wait3A_162 = arith.constant 0 : i32
        %dma_wait3A_163 = tpu.memref_slice %arg7[%add3A_115, %dma_wait3A_162] : memref<120x128xi32, #tpu.memory_space<vmem>> -> memref<1x128xi32, #tpu.memory_space<vmem>>
        %dma_wait3A_164 = tpu.memref_squeeze %dma_wait3A_163 : memref<1x128xi32, #tpu.memory_space<vmem>> -> memref<128xi32, #tpu.memory_space<vmem>>
        %dma_wait3A_165 = arith.constant 0 : i32
        %dma_wait3A_166 = arith.constant 0 : i32
        %dma_wait3A_167 = tpu.memref_slice %arg14[%dma_wait3A_165, %dma_wait3A_166] : memref<10240x64xf32, #tpu.memory_space<vmem_shared>> -> memref<10240x64xf32, #tpu.memory_space<vmem_shared>>
        tpu.wait_indirect_dma semaphore(%arg22 : memref<!tpu.dma_semaphore, #tpu.memory_space<semaphore_mem>>) src(%arg10 : memref<128x64xf32, #tpu.memory_space<vmem>>) dst(%dma_wait3A_167 : memref<10240x64xf32, #tpu.memory_space<vmem_shared>>)
        %dma_wait3A_168 = arith.constant 0 : i32
        %dma_wait3A_169 = tpu.memref_slice %arg7[%add3A_129, %dma_wait3A_168] : memref<120x128xi32, #tpu.memory_space<vmem>> -> memref<1x128xi32, #tpu.memory_space<vmem>>
        %dma_wait3A_170 = tpu.memref_squeeze %dma_wait3A_169 : memref<1x128xi32, #tpu.memory_space<vmem>> -> memref<128xi32, #tpu.memory_space<vmem>>
        %dma_wait3A_171 = arith.constant 0 : i32
        %dma_wait3A_172 = arith.constant 0 : i32
        %dma_wait3A_173 = tpu.memref_slice %arg14[%dma_wait3A_171, %dma_wait3A_172] : memref<10240x64xf32, #tpu.memory_space<vmem_shared>> -> memref<10240x64xf32, #tpu.memory_space<vmem_shared>>
        tpu.wait_indirect_dma semaphore(%arg23 : memref<!tpu.dma_semaphore, #tpu.memory_space<semaphore_mem>>) src(%arg11 : memref<128x64xf32, #tpu.memory_space<vmem>>) dst(%dma_wait3A_173 : memref<10240x64xf32, #tpu.memory_space<vmem_shared>>)
        %dma_wait3A_174 = arith.constant 0 : i32
        %dma_wait3A_175 = tpu.memref_slice %arg7[%add3A_143, %dma_wait3A_174] : memref<120x128xi32, #tpu.memory_space<vmem>> -> memref<1x128xi32, #tpu.memory_space<vmem>>
        %dma_wait3A_176 = tpu.memref_squeeze %dma_wait3A_175 : memref<1x128xi32, #tpu.memory_space<vmem>> -> memref<128xi32, #tpu.memory_space<vmem>>
        %dma_wait3A_177 = arith.constant 0 : i32
        %dma_wait3A_178 = arith.constant 0 : i32
        %dma_wait3A_179 = tpu.memref_slice %arg14[%dma_wait3A_177, %dma_wait3A_178] : memref<10240x64xf32, #tpu.memory_space<vmem_shared>> -> memref<10240x64xf32, #tpu.memory_space<vmem_shared>>
        tpu.wait_indirect_dma semaphore(%arg24 : memref<!tpu.dma_semaphore, #tpu.memory_space<semaphore_mem>>) src(%arg12 : memref<128x64xf32, #tpu.memory_space<vmem>>) dst(%dma_wait3A_179 : memref<10240x64xf32, #tpu.memory_space<vmem_shared>>)
      }
      %scan3A_36 = arith.constant 24 : i32
    } else {
    }
    %eq3A_20 = arith.constant 1 : i32
    %eq3A_21 = arith.cmpi eq, %arg0, %eq3A_20 : i32
    %convert_element_type3A_22 = arith.extui %eq3A_21 : i1 to i32
    %cond3A_23 = arith.constant 0 : i32
    %cond3A_24 = arith.cmpi ne, %convert_element_type3A_22, %cond3A_23 : i32
    scf.if %cond3A_24 {
      %mul3A_30 = arith.constant 40 : i32
      %mul3A_31 = arith.muli %arg1, %mul3A_30 : i32
      %add3A_32 = arith.constant 1920 : i32
      %add3A_33 = arith.addi %add3A_32, %mul3A_31 : i32
      "tpu.region"() ({
        %run_scoped3A = tpu.sem_alloc : memref<!tpu.dma_semaphore, #tpu.memory_space<semaphore_mem>>
        %dma_start3A = arith.constant 0 : i32
        %dma_start3A_39 = arith.constant 0 : i32
        %dma_start3A_40 = tpu.memref_slice %arg6[%dma_start3A, %dma_start3A_39] : memref<120x128xi32, #tpu.memory_space<vmem>> -> memref<40x128xi32, #tpu.memory_space<vmem>>
        %dma_start3A_41 = arith.constant 0 : i32
        %dma_start3A_42 = tpu.memref_slice %arg3[%add3A_33, %dma_start3A_41] : memref<2560x128xi32, #tpu.memory_space<hbm>> -> memref<40x128xi32, #tpu.memory_space<hbm>>
        %dma_start3A_43 = arith.constant 0 : i32
        %dma_start3A_44 = arith.constant 0 : i32
        %dma_start3A_45 = tpu.memref_slice %arg6[%dma_start3A_43, %dma_start3A_44] : memref<120x128xi32, #tpu.memory_space<vmem>> -> memref<40x128xi32, #tpu.memory_space<vmem>>
        %dma_start3A_46 = arith.constant 0 : i32
        %dma_start3A_47 = tpu.memref_slice %arg3[%add3A_33, %dma_start3A_46] : memref<2560x128xi32, #tpu.memory_space<hbm>> -> memref<40x128xi32, #tpu.memory_space<hbm>>
        tpu.enqueue_dma source(%dma_start3A_47 : memref<40x128xi32, #tpu.memory_space<hbm>>) target(%dma_start3A_45 : memref<40x128xi32, #tpu.memory_space<vmem>>) target_semaphore(%run_scoped3A : memref<!tpu.dma_semaphore, #tpu.memory_space<semaphore_mem>>)
        %dma_wait3A = arith.constant 0 : i32
        %dma_wait3A_48 = arith.constant 0 : i32
        %dma_wait3A_49 = tpu.memref_slice %arg6[%dma_wait3A, %dma_wait3A_48] : memref<120x128xi32, #tpu.memory_space<vmem>> -> memref<40x128xi32, #tpu.memory_space<vmem>>
        %dma_wait3A_50 = arith.constant 0 : i32
        %dma_wait3A_51 = tpu.memref_slice %arg3[%add3A_33, %dma_wait3A_50] : memref<2560x128xi32, #tpu.memory_space<hbm>> -> memref<40x128xi32, #tpu.memory_space<hbm>>
        %dma_wait3A_52 = arith.constant 0 : i32
        %dma_wait3A_53 = arith.constant 0 : i32
        %dma_wait3A_54 = tpu.memref_slice %arg6[%dma_wait3A_52, %dma_wait3A_53] : memref<120x128xi32, #tpu.memory_space<vmem>> -> memref<40x128xi32, #tpu.memory_space<vmem>>
        %dma_wait3A_55 = arith.constant 0 : i32
        %dma_wait3A_56 = tpu.memref_slice %arg3[%add3A_33, %dma_wait3A_55] : memref<2560x128xi32, #tpu.memory_space<hbm>> -> memref<40x128xi32, #tpu.memory_space<hbm>>
        tpu.wait_dma2 semaphore(%run_scoped3A : memref<!tpu.dma_semaphore, #tpu.memory_space<semaphore_mem>>) src(%dma_wait3A_56 : memref<40x128xi32, #tpu.memory_space<hbm>>) dst(%dma_wait3A_54 : memref<40x128xi32, #tpu.memory_space<vmem>>)
        tpu.yield
      }) : () -> ()
      "tpu.region"() ({
        %run_scoped3A = tpu.sem_alloc : memref<!tpu.dma_semaphore, #tpu.memory_space<semaphore_mem>>
        %dma_start3A = arith.constant 0 : i32
        %dma_start3A_39 = arith.constant 0 : i32
        %dma_start3A_40 = tpu.memref_slice %arg7[%dma_start3A, %dma_start3A_39] : memref<120x128xi32, #tpu.memory_space<vmem>> -> memref<40x128xi32, #tpu.memory_space<vmem>>
        %dma_start3A_41 = arith.constant 0 : i32
        %dma_start3A_42 = tpu.memref_slice %arg4[%add3A_33, %dma_start3A_41] : memref<2560x128xi32, #tpu.memory_space<hbm>> -> memref<40x128xi32, #tpu.memory_space<hbm>>
        %dma_start3A_43 = arith.constant 0 : i32
        %dma_start3A_44 = arith.constant 0 : i32
        %dma_start3A_45 = tpu.memref_slice %arg7[%dma_start3A_43, %dma_start3A_44] : memref<120x128xi32, #tpu.memory_space<vmem>> -> memref<40x128xi32, #tpu.memory_space<vmem>>
        %dma_start3A_46 = arith.constant 0 : i32
        %dma_start3A_47 = tpu.memref_slice %arg4[%add3A_33, %dma_start3A_46] : memref<2560x128xi32, #tpu.memory_space<hbm>> -> memref<40x128xi32, #tpu.memory_space<hbm>>
        tpu.enqueue_dma source(%dma_start3A_47 : memref<40x128xi32, #tpu.memory_space<hbm>>) target(%dma_start3A_45 : memref<40x128xi32, #tpu.memory_space<vmem>>) target_semaphore(%run_scoped3A : memref<!tpu.dma_semaphore, #tpu.memory_space<semaphore_mem>>)
        %dma_wait3A = arith.constant 0 : i32
        %dma_wait3A_48 = arith.constant 0 : i32
        %dma_wait3A_49 = tpu.memref_slice %arg7[%dma_wait3A, %dma_wait3A_48] : memref<120x128xi32, #tpu.memory_space<vmem>> -> memref<40x128xi32, #tpu.memory_space<vmem>>
        %dma_wait3A_50 = arith.constant 0 : i32
        %dma_wait3A_51 = tpu.memref_slice %arg4[%add3A_33, %dma_wait3A_50] : memref<2560x128xi32, #tpu.memory_space<hbm>> -> memref<40x128xi32, #tpu.memory_space<hbm>>
        %dma_wait3A_52 = arith.constant 0 : i32
        %dma_wait3A_53 = arith.constant 0 : i32
        %dma_wait3A_54 = tpu.memref_slice %arg7[%dma_wait3A_52, %dma_wait3A_53] : memref<120x128xi32, #tpu.memory_space<vmem>> -> memref<40x128xi32, #tpu.memory_space<vmem>>
        %dma_wait3A_55 = arith.constant 0 : i32
        %dma_wait3A_56 = tpu.memref_slice %arg4[%add3A_33, %dma_wait3A_55] : memref<2560x128xi32, #tpu.memory_space<hbm>> -> memref<40x128xi32, #tpu.memory_space<hbm>>
        tpu.wait_dma2 semaphore(%run_scoped3A : memref<!tpu.dma_semaphore, #tpu.memory_space<semaphore_mem>>) src(%dma_wait3A_56 : memref<40x128xi32, #tpu.memory_space<hbm>>) dst(%dma_wait3A_54 : memref<40x128xi32, #tpu.memory_space<vmem>>)
        tpu.yield
      }) : () -> ()
      %scan3A_34 = arith.constant 0 : i32
      %scan3A_35 = arith.constant 8 : i32
      %scan3A_36 = arith.addi %scan3A_34, %scan3A_35 : i32
      %scan3A_37 = arith.constant 1 : i32
      scf.for %scan3A_39 = %scan3A_34 to %scan3A_36 step %scan3A_37  : i32 {
        %mul3A_40 = arith.constant 5 : i32
        %mul3A_41 = arith.muli %scan3A_39, %mul3A_40 : i32
        %add3A_42 = arith.constant 0 : i32
        %add3A_43 = arith.addi %add3A_42, %mul3A_41 : i32
        %add3A_44 = arith.constant 0 : i32
        %add3A_45 = arith.addi %add3A_43, %add3A_44 : i32
        %dma_start3A = arith.constant 0 : i32
        %dma_start3A_46 = tpu.memref_slice %arg6[%add3A_45, %dma_start3A] : memref<120x128xi32, #tpu.memory_space<vmem>> -> memref<1x128xi32, #tpu.memory_space<vmem>>
        %dma_start3A_47 = tpu.memref_squeeze %dma_start3A_46 : memref<1x128xi32, #tpu.memory_space<vmem>> -> memref<128xi32, #tpu.memory_space<vmem>>
        %dma_start3A_48 = arith.constant 0 : i32
        %dma_start3A_49 = arith.constant 0 : i32
        %dma_start3A_50 = tpu.memref_slice %arg2[%dma_start3A_48, %dma_start3A_49] : memref<10000x64xf32, #tpu.memory_space<hbm>> -> memref<10000x64xf32, #tpu.memory_space<hbm>>
        tpu.enqueue_indirect_dma source(%dma_start3A_50 : memref<10000x64xf32, #tpu.memory_space<hbm>>) target(%arg8 : memref<128x64xf32, #tpu.memory_space<vmem>>) offsets(%dma_start3A_47 : memref<128xi32, #tpu.memory_space<vmem>>) semaphore(%arg15 : memref<!tpu.dma_semaphore, #tpu.memory_space<semaphore_mem>>)
        %add3A_51 = arith.constant 1 : i32
        %add3A_52 = arith.addi %add3A_43, %add3A_51 : i32
        %dma_start3A_53 = arith.constant 0 : i32
        %dma_start3A_54 = tpu.memref_slice %arg6[%add3A_52, %dma_start3A_53] : memref<120x128xi32, #tpu.memory_space<vmem>> -> memref<1x128xi32, #tpu.memory_space<vmem>>
        %dma_start3A_55 = tpu.memref_squeeze %dma_start3A_54 : memref<1x128xi32, #tpu.memory_space<vmem>> -> memref<128xi32, #tpu.memory_space<vmem>>
        %dma_start3A_56 = arith.constant 0 : i32
        %dma_start3A_57 = arith.constant 0 : i32
        %dma_start3A_58 = tpu.memref_slice %arg2[%dma_start3A_56, %dma_start3A_57] : memref<10000x64xf32, #tpu.memory_space<hbm>> -> memref<10000x64xf32, #tpu.memory_space<hbm>>
        tpu.enqueue_indirect_dma source(%dma_start3A_58 : memref<10000x64xf32, #tpu.memory_space<hbm>>) target(%arg9 : memref<128x64xf32, #tpu.memory_space<vmem>>) offsets(%dma_start3A_55 : memref<128xi32, #tpu.memory_space<vmem>>) semaphore(%arg16 : memref<!tpu.dma_semaphore, #tpu.memory_space<semaphore_mem>>)
        %add3A_59 = arith.constant 2 : i32
        %add3A_60 = arith.addi %add3A_43, %add3A_59 : i32
        %dma_start3A_61 = arith.constant 0 : i32
        %dma_start3A_62 = tpu.memref_slice %arg6[%add3A_60, %dma_start3A_61] : memref<120x128xi32, #tpu.memory_space<vmem>> -> memref<1x128xi32, #tpu.memory_space<vmem>>
        %dma_start3A_63 = tpu.memref_squeeze %dma_start3A_62 : memref<1x128xi32, #tpu.memory_space<vmem>> -> memref<128xi32, #tpu.memory_space<vmem>>
        %dma_start3A_64 = arith.constant 0 : i32
        %dma_start3A_65 = arith.constant 0 : i32
        %dma_start3A_66 = tpu.memref_slice %arg2[%dma_start3A_64, %dma_start3A_65] : memref<10000x64xf32, #tpu.memory_space<hbm>> -> memref<10000x64xf32, #tpu.memory_space<hbm>>
        tpu.enqueue_indirect_dma source(%dma_start3A_66 : memref<10000x64xf32, #tpu.memory_space<hbm>>) target(%arg10 : memref<128x64xf32, #tpu.memory_space<vmem>>) offsets(%dma_start3A_63 : memref<128xi32, #tpu.memory_space<vmem>>) semaphore(%arg17 : memref<!tpu.dma_semaphore, #tpu.memory_space<semaphore_mem>>)
        %add3A_67 = arith.constant 3 : i32
        %add3A_68 = arith.addi %add3A_43, %add3A_67 : i32
        %dma_start3A_69 = arith.constant 0 : i32
        %dma_start3A_70 = tpu.memref_slice %arg6[%add3A_68, %dma_start3A_69] : memref<120x128xi32, #tpu.memory_space<vmem>> -> memref<1x128xi32, #tpu.memory_space<vmem>>
        %dma_start3A_71 = tpu.memref_squeeze %dma_start3A_70 : memref<1x128xi32, #tpu.memory_space<vmem>> -> memref<128xi32, #tpu.memory_space<vmem>>
        %dma_start3A_72 = arith.constant 0 : i32
        %dma_start3A_73 = arith.constant 0 : i32
        %dma_start3A_74 = tpu.memref_slice %arg2[%dma_start3A_72, %dma_start3A_73] : memref<10000x64xf32, #tpu.memory_space<hbm>> -> memref<10000x64xf32, #tpu.memory_space<hbm>>
        tpu.enqueue_indirect_dma source(%dma_start3A_74 : memref<10000x64xf32, #tpu.memory_space<hbm>>) target(%arg11 : memref<128x64xf32, #tpu.memory_space<vmem>>) offsets(%dma_start3A_71 : memref<128xi32, #tpu.memory_space<vmem>>) semaphore(%arg18 : memref<!tpu.dma_semaphore, #tpu.memory_space<semaphore_mem>>)
        %add3A_75 = arith.constant 4 : i32
        %add3A_76 = arith.addi %add3A_43, %add3A_75 : i32
        %dma_start3A_77 = arith.constant 0 : i32
        %dma_start3A_78 = tpu.memref_slice %arg6[%add3A_76, %dma_start3A_77] : memref<120x128xi32, #tpu.memory_space<vmem>> -> memref<1x128xi32, #tpu.memory_space<vmem>>
        %dma_start3A_79 = tpu.memref_squeeze %dma_start3A_78 : memref<1x128xi32, #tpu.memory_space<vmem>> -> memref<128xi32, #tpu.memory_space<vmem>>
        %dma_start3A_80 = arith.constant 0 : i32
        %dma_start3A_81 = arith.constant 0 : i32
        %dma_start3A_82 = tpu.memref_slice %arg2[%dma_start3A_80, %dma_start3A_81] : memref<10000x64xf32, #tpu.memory_space<hbm>> -> memref<10000x64xf32, #tpu.memory_space<hbm>>
        tpu.enqueue_indirect_dma source(%dma_start3A_82 : memref<10000x64xf32, #tpu.memory_space<hbm>>) target(%arg12 : memref<128x64xf32, #tpu.memory_space<vmem>>) offsets(%dma_start3A_79 : memref<128xi32, #tpu.memory_space<vmem>>) semaphore(%arg19 : memref<!tpu.dma_semaphore, #tpu.memory_space<semaphore_mem>>)
        %dma_wait3A = arith.constant 0 : i32
        %dma_wait3A_83 = tpu.memref_slice %arg6[%add3A_45, %dma_wait3A] : memref<120x128xi32, #tpu.memory_space<vmem>> -> memref<1x128xi32, #tpu.memory_space<vmem>>
        %dma_wait3A_84 = tpu.memref_squeeze %dma_wait3A_83 : memref<1x128xi32, #tpu.memory_space<vmem>> -> memref<128xi32, #tpu.memory_space<vmem>>
        %dma_wait3A_85 = arith.constant 0 : i32
        %dma_wait3A_86 = arith.constant 0 : i32
        %dma_wait3A_87 = tpu.memref_slice %arg2[%dma_wait3A_85, %dma_wait3A_86] : memref<10000x64xf32, #tpu.memory_space<hbm>> -> memref<10000x64xf32, #tpu.memory_space<hbm>>
        tpu.wait_indirect_dma semaphore(%arg15 : memref<!tpu.dma_semaphore, #tpu.memory_space<semaphore_mem>>) src(%dma_wait3A_87 : memref<10000x64xf32, #tpu.memory_space<hbm>>) dst(%arg8 : memref<128x64xf32, #tpu.memory_space<vmem>>)
        %add3A_88 = arith.constant 0 : i32
        %add3A_89 = arith.addi %add3A_43, %add3A_88 : i32
        %dma_start3A_90 = arith.constant 0 : i32
        %dma_start3A_91 = tpu.memref_slice %arg7[%add3A_89, %dma_start3A_90] : memref<120x128xi32, #tpu.memory_space<vmem>> -> memref<1x128xi32, #tpu.memory_space<vmem>>
        %dma_start3A_92 = tpu.memref_squeeze %dma_start3A_91 : memref<1x128xi32, #tpu.memory_space<vmem>> -> memref<128xi32, #tpu.memory_space<vmem>>
        %dma_start3A_93 = arith.constant 0 : i32
        %dma_start3A_94 = arith.constant 0 : i32
        %dma_start3A_95 = tpu.memref_slice %arg14[%dma_start3A_93, %dma_start3A_94] : memref<10240x64xf32, #tpu.memory_space<vmem_shared>> -> memref<10240x64xf32, #tpu.memory_space<vmem_shared>>
        tpu.enqueue_indirect_dma source(%arg8 : memref<128x64xf32, #tpu.memory_space<vmem>>) target(%dma_start3A_95 : memref<10240x64xf32, #tpu.memory_space<vmem_shared>>) offsets(%dma_start3A_92 : memref<128xi32, #tpu.memory_space<vmem>>) semaphore(%arg20 : memref<!tpu.dma_semaphore, #tpu.memory_space<semaphore_mem>>) {add = true}
        %dma_wait3A_96 = arith.constant 0 : i32
        %dma_wait3A_97 = tpu.memref_slice %arg6[%add3A_52, %dma_wait3A_96] : memref<120x128xi32, #tpu.memory_space<vmem>> -> memref<1x128xi32, #tpu.memory_space<vmem>>
        %dma_wait3A_98 = tpu.memref_squeeze %dma_wait3A_97 : memref<1x128xi32, #tpu.memory_space<vmem>> -> memref<128xi32, #tpu.memory_space<vmem>>
        %dma_wait3A_99 = arith.constant 0 : i32
        %dma_wait3A_100 = arith.constant 0 : i32
        %dma_wait3A_101 = tpu.memref_slice %arg2[%dma_wait3A_99, %dma_wait3A_100] : memref<10000x64xf32, #tpu.memory_space<hbm>> -> memref<10000x64xf32, #tpu.memory_space<hbm>>
        tpu.wait_indirect_dma semaphore(%arg16 : memref<!tpu.dma_semaphore, #tpu.memory_space<semaphore_mem>>) src(%dma_wait3A_101 : memref<10000x64xf32, #tpu.memory_space<hbm>>) dst(%arg9 : memref<128x64xf32, #tpu.memory_space<vmem>>)
        %add3A_102 = arith.constant 1 : i32
        %add3A_103 = arith.addi %add3A_43, %add3A_102 : i32
        %dma_start3A_104 = arith.constant 0 : i32
        %dma_start3A_105 = tpu.memref_slice %arg7[%add3A_103, %dma_start3A_104] : memref<120x128xi32, #tpu.memory_space<vmem>> -> memref<1x128xi32, #tpu.memory_space<vmem>>
        %dma_start3A_106 = tpu.memref_squeeze %dma_start3A_105 : memref<1x128xi32, #tpu.memory_space<vmem>> -> memref<128xi32, #tpu.memory_space<vmem>>
        %dma_start3A_107 = arith.constant 0 : i32
        %dma_start3A_108 = arith.constant 0 : i32
        %dma_start3A_109 = tpu.memref_slice %arg14[%dma_start3A_107, %dma_start3A_108] : memref<10240x64xf32, #tpu.memory_space<vmem_shared>> -> memref<10240x64xf32, #tpu.memory_space<vmem_shared>>
        tpu.enqueue_indirect_dma source(%arg9 : memref<128x64xf32, #tpu.memory_space<vmem>>) target(%dma_start3A_109 : memref<10240x64xf32, #tpu.memory_space<vmem_shared>>) offsets(%dma_start3A_106 : memref<128xi32, #tpu.memory_space<vmem>>) semaphore(%arg21 : memref<!tpu.dma_semaphore, #tpu.memory_space<semaphore_mem>>) {add = true}
        %dma_wait3A_110 = arith.constant 0 : i32
        %dma_wait3A_111 = tpu.memref_slice %arg6[%add3A_60, %dma_wait3A_110] : memref<120x128xi32, #tpu.memory_space<vmem>> -> memref<1x128xi32, #tpu.memory_space<vmem>>
        %dma_wait3A_112 = tpu.memref_squeeze %dma_wait3A_111 : memref<1x128xi32, #tpu.memory_space<vmem>> -> memref<128xi32, #tpu.memory_space<vmem>>
        %dma_wait3A_113 = arith.constant 0 : i32
        %dma_wait3A_114 = arith.constant 0 : i32
        %dma_wait3A_115 = tpu.memref_slice %arg2[%dma_wait3A_113, %dma_wait3A_114] : memref<10000x64xf32, #tpu.memory_space<hbm>> -> memref<10000x64xf32, #tpu.memory_space<hbm>>
        tpu.wait_indirect_dma semaphore(%arg17 : memref<!tpu.dma_semaphore, #tpu.memory_space<semaphore_mem>>) src(%dma_wait3A_115 : memref<10000x64xf32, #tpu.memory_space<hbm>>) dst(%arg10 : memref<128x64xf32, #tpu.memory_space<vmem>>)
        %add3A_116 = arith.constant 2 : i32
        %add3A_117 = arith.addi %add3A_43, %add3A_116 : i32
        %dma_start3A_118 = arith.constant 0 : i32
        %dma_start3A_119 = tpu.memref_slice %arg7[%add3A_117, %dma_start3A_118] : memref<120x128xi32, #tpu.memory_space<vmem>> -> memref<1x128xi32, #tpu.memory_space<vmem>>
        %dma_start3A_120 = tpu.memref_squeeze %dma_start3A_119 : memref<1x128xi32, #tpu.memory_space<vmem>> -> memref<128xi32, #tpu.memory_space<vmem>>
        %dma_start3A_121 = arith.constant 0 : i32
        %dma_start3A_122 = arith.constant 0 : i32
        %dma_start3A_123 = tpu.memref_slice %arg14[%dma_start3A_121, %dma_start3A_122] : memref<10240x64xf32, #tpu.memory_space<vmem_shared>> -> memref<10240x64xf32, #tpu.memory_space<vmem_shared>>
        tpu.enqueue_indirect_dma source(%arg10 : memref<128x64xf32, #tpu.memory_space<vmem>>) target(%dma_start3A_123 : memref<10240x64xf32, #tpu.memory_space<vmem_shared>>) offsets(%dma_start3A_120 : memref<128xi32, #tpu.memory_space<vmem>>) semaphore(%arg22 : memref<!tpu.dma_semaphore, #tpu.memory_space<semaphore_mem>>) {add = true}
        %dma_wait3A_124 = arith.constant 0 : i32
        %dma_wait3A_125 = tpu.memref_slice %arg6[%add3A_68, %dma_wait3A_124] : memref<120x128xi32, #tpu.memory_space<vmem>> -> memref<1x128xi32, #tpu.memory_space<vmem>>
        %dma_wait3A_126 = tpu.memref_squeeze %dma_wait3A_125 : memref<1x128xi32, #tpu.memory_space<vmem>> -> memref<128xi32, #tpu.memory_space<vmem>>
        %dma_wait3A_127 = arith.constant 0 : i32
        %dma_wait3A_128 = arith.constant 0 : i32
        %dma_wait3A_129 = tpu.memref_slice %arg2[%dma_wait3A_127, %dma_wait3A_128] : memref<10000x64xf32, #tpu.memory_space<hbm>> -> memref<10000x64xf32, #tpu.memory_space<hbm>>
        tpu.wait_indirect_dma semaphore(%arg18 : memref<!tpu.dma_semaphore, #tpu.memory_space<semaphore_mem>>) src(%dma_wait3A_129 : memref<10000x64xf32, #tpu.memory_space<hbm>>) dst(%arg11 : memref<128x64xf32, #tpu.memory_space<vmem>>)
        %add3A_130 = arith.constant 3 : i32
        %add3A_131 = arith.addi %add3A_43, %add3A_130 : i32
        %dma_start3A_132 = arith.constant 0 : i32
        %dma_start3A_133 = tpu.memref_slice %arg7[%add3A_131, %dma_start3A_132] : memref<120x128xi32, #tpu.memory_space<vmem>> -> memref<1x128xi32, #tpu.memory_space<vmem>>
        %dma_start3A_134 = tpu.memref_squeeze %dma_start3A_133 : memref<1x128xi32, #tpu.memory_space<vmem>> -> memref<128xi32, #tpu.memory_space<vmem>>
        %dma_start3A_135 = arith.constant 0 : i32
        %dma_start3A_136 = arith.constant 0 : i32
        %dma_start3A_137 = tpu.memref_slice %arg14[%dma_start3A_135, %dma_start3A_136] : memref<10240x64xf32, #tpu.memory_space<vmem_shared>> -> memref<10240x64xf32, #tpu.memory_space<vmem_shared>>
        tpu.enqueue_indirect_dma source(%arg11 : memref<128x64xf32, #tpu.memory_space<vmem>>) target(%dma_start3A_137 : memref<10240x64xf32, #tpu.memory_space<vmem_shared>>) offsets(%dma_start3A_134 : memref<128xi32, #tpu.memory_space<vmem>>) semaphore(%arg23 : memref<!tpu.dma_semaphore, #tpu.memory_space<semaphore_mem>>) {add = true}
        %dma_wait3A_138 = arith.constant 0 : i32
        %dma_wait3A_139 = tpu.memref_slice %arg6[%add3A_76, %dma_wait3A_138] : memref<120x128xi32, #tpu.memory_space<vmem>> -> memref<1x128xi32, #tpu.memory_space<vmem>>
        %dma_wait3A_140 = tpu.memref_squeeze %dma_wait3A_139 : memref<1x128xi32, #tpu.memory_space<vmem>> -> memref<128xi32, #tpu.memory_space<vmem>>
        %dma_wait3A_141 = arith.constant 0 : i32
        %dma_wait3A_142 = arith.constant 0 : i32
        %dma_wait3A_143 = tpu.memref_slice %arg2[%dma_wait3A_141, %dma_wait3A_142] : memref<10000x64xf32, #tpu.memory_space<hbm>> -> memref<10000x64xf32, #tpu.memory_space<hbm>>
        tpu.wait_indirect_dma semaphore(%arg19 : memref<!tpu.dma_semaphore, #tpu.memory_space<semaphore_mem>>) src(%dma_wait3A_143 : memref<10000x64xf32, #tpu.memory_space<hbm>>) dst(%arg12 : memref<128x64xf32, #tpu.memory_space<vmem>>)
        %add3A_144 = arith.constant 4 : i32
        %add3A_145 = arith.addi %add3A_43, %add3A_144 : i32
        %dma_start3A_146 = arith.constant 0 : i32
        %dma_start3A_147 = tpu.memref_slice %arg7[%add3A_145, %dma_start3A_146] : memref<120x128xi32, #tpu.memory_space<vmem>> -> memref<1x128xi32, #tpu.memory_space<vmem>>
        %dma_start3A_148 = tpu.memref_squeeze %dma_start3A_147 : memref<1x128xi32, #tpu.memory_space<vmem>> -> memref<128xi32, #tpu.memory_space<vmem>>
        %dma_start3A_149 = arith.constant 0 : i32
        %dma_start3A_150 = arith.constant 0 : i32
        %dma_start3A_151 = tpu.memref_slice %arg14[%dma_start3A_149, %dma_start3A_150] : memref<10240x64xf32, #tpu.memory_space<vmem_shared>> -> memref<10240x64xf32, #tpu.memory_space<vmem_shared>>
        tpu.enqueue_indirect_dma source(%arg12 : memref<128x64xf32, #tpu.memory_space<vmem>>) target(%dma_start3A_151 : memref<10240x64xf32, #tpu.memory_space<vmem_shared>>) offsets(%dma_start3A_148 : memref<128xi32, #tpu.memory_space<vmem>>) semaphore(%arg24 : memref<!tpu.dma_semaphore, #tpu.memory_space<semaphore_mem>>) {add = true}
        %dma_wait3A_152 = arith.constant 0 : i32
        %dma_wait3A_153 = tpu.memref_slice %arg7[%add3A_89, %dma_wait3A_152] : memref<120x128xi32, #tpu.memory_space<vmem>> -> memref<1x128xi32, #tpu.memory_space<vmem>>
        %dma_wait3A_154 = tpu.memref_squeeze %dma_wait3A_153 : memref<1x128xi32, #tpu.memory_space<vmem>> -> memref<128xi32, #tpu.memory_space<vmem>>
        %dma_wait3A_155 = arith.constant 0 : i32
        %dma_wait3A_156 = arith.constant 0 : i32
        %dma_wait3A_157 = tpu.memref_slice %arg14[%dma_wait3A_155, %dma_wait3A_156] : memref<10240x64xf32, #tpu.memory_space<vmem_shared>> -> memref<10240x64xf32, #tpu.memory_space<vmem_shared>>
        tpu.wait_indirect_dma semaphore(%arg20 : memref<!tpu.dma_semaphore, #tpu.memory_space<semaphore_mem>>) src(%arg8 : memref<128x64xf32, #tpu.memory_space<vmem>>) dst(%dma_wait3A_157 : memref<10240x64xf32, #tpu.memory_space<vmem_shared>>)
        %dma_wait3A_158 = arith.constant 0 : i32
        %dma_wait3A_159 = tpu.memref_slice %arg7[%add3A_103, %dma_wait3A_158] : memref<120x128xi32, #tpu.memory_space<vmem>> -> memref<1x128xi32, #tpu.memory_space<vmem>>
        %dma_wait3A_160 = tpu.memref_squeeze %dma_wait3A_159 : memref<1x128xi32, #tpu.memory_space<vmem>> -> memref<128xi32, #tpu.memory_space<vmem>>
        %dma_wait3A_161 = arith.constant 0 : i32
        %dma_wait3A_162 = arith.constant 0 : i32
        %dma_wait3A_163 = tpu.memref_slice %arg14[%dma_wait3A_161, %dma_wait3A_162] : memref<10240x64xf32, #tpu.memory_space<vmem_shared>> -> memref<10240x64xf32, #tpu.memory_space<vmem_shared>>
        tpu.wait_indirect_dma semaphore(%arg21 : memref<!tpu.dma_semaphore, #tpu.memory_space<semaphore_mem>>) src(%arg9 : memref<128x64xf32, #tpu.memory_space<vmem>>) dst(%dma_wait3A_163 : memref<10240x64xf32, #tpu.memory_space<vmem_shared>>)
        %dma_wait3A_164 = arith.constant 0 : i32
        %dma_wait3A_165 = tpu.memref_slice %arg7[%add3A_117, %dma_wait3A_164] : memref<120x128xi32, #tpu.memory_space<vmem>> -> memref<1x128xi32, #tpu.memory_space<vmem>>
        %dma_wait3A_166 = tpu.memref_squeeze %dma_wait3A_165 : memref<1x128xi32, #tpu.memory_space<vmem>> -> memref<128xi32, #tpu.memory_space<vmem>>
        %dma_wait3A_167 = arith.constant 0 : i32
        %dma_wait3A_168 = arith.constant 0 : i32
        %dma_wait3A_169 = tpu.memref_slice %arg14[%dma_wait3A_167, %dma_wait3A_168] : memref<10240x64xf32, #tpu.memory_space<vmem_shared>> -> memref<10240x64xf32, #tpu.memory_space<vmem_shared>>
        tpu.wait_indirect_dma semaphore(%arg22 : memref<!tpu.dma_semaphore, #tpu.memory_space<semaphore_mem>>) src(%arg10 : memref<128x64xf32, #tpu.memory_space<vmem>>) dst(%dma_wait3A_169 : memref<10240x64xf32, #tpu.memory_space<vmem_shared>>)
        %dma_wait3A_170 = arith.constant 0 : i32
        %dma_wait3A_171 = tpu.memref_slice %arg7[%add3A_131, %dma_wait3A_170] : memref<120x128xi32, #tpu.memory_space<vmem>> -> memref<1x128xi32, #tpu.memory_space<vmem>>
        %dma_wait3A_172 = tpu.memref_squeeze %dma_wait3A_171 : memref<1x128xi32, #tpu.memory_space<vmem>> -> memref<128xi32, #tpu.memory_space<vmem>>
        %dma_wait3A_173 = arith.constant 0 : i32
        %dma_wait3A_174 = arith.constant 0 : i32
        %dma_wait3A_175 = tpu.memref_slice %arg14[%dma_wait3A_173, %dma_wait3A_174] : memref<10240x64xf32, #tpu.memory_space<vmem_shared>> -> memref<10240x64xf32, #tpu.memory_space<vmem_shared>>
        tpu.wait_indirect_dma semaphore(%arg23 : memref<!tpu.dma_semaphore, #tpu.memory_space<semaphore_mem>>) src(%arg11 : memref<128x64xf32, #tpu.memory_space<vmem>>) dst(%dma_wait3A_175 : memref<10240x64xf32, #tpu.memory_space<vmem_shared>>)
        %dma_wait3A_176 = arith.constant 0 : i32
        %dma_wait3A_177 = tpu.memref_slice %arg7[%add3A_145, %dma_wait3A_176] : memref<120x128xi32, #tpu.memory_space<vmem>> -> memref<1x128xi32, #tpu.memory_space<vmem>>
        %dma_wait3A_178 = tpu.memref_squeeze %dma_wait3A_177 : memref<1x128xi32, #tpu.memory_space<vmem>> -> memref<128xi32, #tpu.memory_space<vmem>>
        %dma_wait3A_179 = arith.constant 0 : i32
        %dma_wait3A_180 = arith.constant 0 : i32
        %dma_wait3A_181 = tpu.memref_slice %arg14[%dma_wait3A_179, %dma_wait3A_180] : memref<10240x64xf32, #tpu.memory_space<vmem_shared>> -> memref<10240x64xf32, #tpu.memory_space<vmem_shared>>
        tpu.wait_indirect_dma semaphore(%arg24 : memref<!tpu.dma_semaphore, #tpu.memory_space<semaphore_mem>>) src(%arg12 : memref<128x64xf32, #tpu.memory_space<vmem>>) dst(%dma_wait3A_181 : memref<10240x64xf32, #tpu.memory_space<vmem_shared>>)
      }
      %scan3A_38 = arith.constant 8 : i32
    } else {
    }
    %barrier3A_25 = arith.constant 0 : index
    tpu.barrier barrier_id(%barrier3A_25)
    %mul3A_26 = arith.constant 640 : i32
    %mul3A_27 = arith.muli %arg1, %mul3A_26 : i32
    %mul3A_28 = arith.constant 640 : i32
    %mul3A_29 = arith.muli %arg1, %mul3A_28 : i32
    "tpu.region"() ({
      %run_scoped3A = tpu.sem_alloc : memref<!tpu.dma_semaphore, #tpu.memory_space<semaphore_mem>>
      %dma_start3A = arith.constant 0 : i32
      %dma_start3A_30 = arith.constant 0 : i32
      %dma_start3A_31 = tpu.memref_slice %arg5[%arg0, %dma_start3A, %dma_start3A_30] : memref<2x10240x64xf32, #tpu.memory_space<hbm>> -> memref<1x10240x64xf32, #tpu.memory_space<hbm>>
      %dma_start3A_32 = tpu.memref_squeeze %dma_start3A_31 : memref<1x10240x64xf32, #tpu.memory_space<hbm>> -> memref<10240x64xf32, #tpu.memory_space<hbm>>
      %dma_start3A_33 = arith.constant 0 : i32
      %dma_start3A_34 = tpu.memref_slice %dma_start3A_32[%mul3A_29, %dma_start3A_33] : memref<10240x64xf32, #tpu.memory_space<hbm>> -> memref<640x64xf32, #tpu.memory_space<hbm>>
      %dma_start3A_35 = arith.constant 0 : i32
      %dma_start3A_36 = tpu.memref_slice %arg14[%mul3A_27, %dma_start3A_35] : memref<10240x64xf32, #tpu.memory_space<vmem_shared>> -> memref<640x64xf32, #tpu.memory_space<vmem_shared>>
      tpu.enqueue_dma source(%dma_start3A_36 : memref<640x64xf32, #tpu.memory_space<vmem_shared>>) target(%dma_start3A_34 : memref<640x64xf32, #tpu.memory_space<hbm>>) target_semaphore(%run_scoped3A : memref<!tpu.dma_semaphore, #tpu.memory_space<semaphore_mem>>)
      %dma_wait3A = arith.constant 0 : i32
      %dma_wait3A_37 = arith.constant 0 : i32
      %dma_wait3A_38 = tpu.memref_slice %arg5[%arg0, %dma_wait3A, %dma_wait3A_37] : memref<2x10240x64xf32, #tpu.memory_space<hbm>> -> memref<1x10240x64xf32, #tpu.memory_space<hbm>>
      %dma_wait3A_39 = tpu.memref_squeeze %dma_wait3A_38 : memref<1x10240x64xf32, #tpu.memory_space<hbm>> -> memref<10240x64xf32, #tpu.memory_space<hbm>>
      %dma_wait3A_40 = arith.constant 0 : i32
      %dma_wait3A_41 = tpu.memref_slice %dma_wait3A_39[%mul3A_29, %dma_wait3A_40] : memref<10240x64xf32, #tpu.memory_space<hbm>> -> memref<640x64xf32, #tpu.memory_space<hbm>>
      %dma_wait3A_42 = arith.constant 0 : i32
      %dma_wait3A_43 = tpu.memref_slice %arg14[%mul3A_27, %dma_wait3A_42] : memref<10240x64xf32, #tpu.memory_space<vmem_shared>> -> memref<640x64xf32, #tpu.memory_space<vmem_shared>>
      tpu.wait_dma2 semaphore(%run_scoped3A : memref<!tpu.dma_semaphore, #tpu.memory_space<semaphore_mem>>) src(%dma_wait3A_43 : memref<640x64xf32, #tpu.memory_space<vmem_shared>>) dst(%dma_wait3A_41 : memref<640x64xf32, #tpu.memory_space<hbm>>)
      tpu.yield
    }) : () -> ()
    return
  }
}

#map = affine_map<(d0, d1) -> (0, 0)>
#map1 = affine_map<(d0, d1) -> (0, 0, 0)>
module attributes {stable_mosaic.version = 14 : i64} {
  func.func @seg_kernel(%arg0: i32, %arg1: i32, %arg2: memref<10000x48xf32, #tpu.memory_space<hbm>>, %arg3: memref<2560x128xi32, #tpu.memory_space<hbm>>, %arg4: memref<2560x128xi32, #tpu.memory_space<hbm>>, %arg5: memref<2x10240x48xf32, #tpu.memory_space<hbm>>, %arg6: memref<120x128xi32, #tpu.memory_space<vmem>>, %arg7: memref<120x128xi32, #tpu.memory_space<vmem>>, %arg8: memref<128x48xf32, #tpu.memory_space<vmem>>, %arg9: memref<128x48xf32, #tpu.memory_space<vmem>>, %arg10: memref<128x48xf32, #tpu.memory_space<vmem>>, %arg11: memref<128x48xf32, #tpu.memory_space<vmem>>, %arg12: memref<128x48xf32, #tpu.memory_space<vmem>>, %arg13: memref<160x48xf32, #tpu.memory_space<vmem>>, %arg14: memref<10240x48xf32, #tpu.memory_space<vmem_shared>>, %arg15: memref<!tpu.dma_semaphore, #tpu.memory_space<semaphore_mem>>, %arg16: memref<!tpu.dma_semaphore, #tpu.memory_space<semaphore_mem>>, %arg17: memref<!tpu.dma_semaphore, #tpu.memory_space<semaphore_mem>>, %arg18: memref<!tpu.dma_semaphore, #tpu.memory_space<semaphore_mem>>, %arg19: memref<!tpu.dma_semaphore, #tpu.memory_space<semaphore_mem>>, %arg20: memref<!tpu.dma_semaphore, #tpu.memory_space<semaphore_mem>>, %arg21: memref<!tpu.dma_semaphore, #tpu.memory_space<semaphore_mem>>, %arg22: memref<!tpu.dma_semaphore, #tpu.memory_space<semaphore_mem>>, %arg23: memref<!tpu.dma_semaphore, #tpu.memory_space<semaphore_mem>>, %arg24: memref<!tpu.dma_semaphore, #tpu.memory_space<semaphore_mem>>) attributes {dimension_semantics = [#tpu.dimension_semantics<core_parallel>, #tpu.dimension_semantics<subcore_parallel>], iteration_bounds = array<i64: 2, 16>, scalar_prefetch = 0 : i64, scratch_operands = 19 : i64, tpu.core_type = #tpu.core_type<sc_vector_subcore>, window_params = [{transform_indices = #map}, {transform_indices = #map}, {transform_indices = #map}, {transform_indices = #map1}]} {
    %scan3A = arith.constant 0 : i32
    %scan3A_0 = arith.constant 160 : i32
    %scan3A_1 = arith.addi %scan3A, %scan3A_0 : i32
    %scan3A_2 = arith.constant 1 : i32
    scf.for %scan3A_30 = %scan3A to %scan3A_1 step %scan3A_2  : i32 {
      %mul3A_31 = arith.constant 1 : i32
      %mul3A_32 = arith.muli %scan3A_30, %mul3A_31 : i32
      %add3A_33 = arith.constant 0 : i32
      %add3A_34 = arith.addi %add3A_33, %mul3A_32 : i32
      %scan3A_35 = arith.constant 0 : i32
      %scan3A_36 = arith.constant 3 : i32
      %scan3A_37 = arith.addi %scan3A_35, %scan3A_36 : i32
      %scan3A_38 = arith.constant 1 : i32
      scf.for %scan3A_40 = %scan3A_35 to %scan3A_37 step %scan3A_38  : i32 {
        %mul3A_41 = arith.constant 1 : i32
        %mul3A_42 = arith.muli %scan3A_40, %mul3A_41 : i32
        %add3A_43 = arith.constant 0 : i32
        %add3A_44 = arith.addi %add3A_43, %mul3A_42 : i32
        %broadcast_in_dim3A = arith.constant 0.000000e+00 : f32
        %broadcast_in_dim3A_45 = vector.broadcast %broadcast_in_dim3A : f32 to vector<16xf32>
        %mul3A_46 = arith.constant 16 : i32
        %mul3A_47 = arith.muli %add3A_44, %mul3A_46 : i32
        %swap3A = arith.index_cast %add3A_34 : i32 to index
        %swap3A_48 = arith.index_cast %mul3A_47 : i32 to index
        %swap3A_49 = tpu.vector_load %arg13[%swap3A, %swap3A_48] {strides = array<i32>} : memref<160x48xf32, #tpu.memory_space<vmem>>, vector<1x16xf32>,
        %swap3A_50 = vector.shape_cast %swap3A_49 : vector<1x16xf32> to vector<16xf32>
        %swap3A_51 = vector.shape_cast %broadcast_in_dim3A_45 : vector<16xf32> to vector<1x16xf32>
        tpu.vector_store %arg13[%swap3A, %swap3A_48], %swap3A_51 {strides = array<i32>} : memref<160x48xf32, #tpu.memory_space<vmem>>, vector<1x16xf32>,
      }
      %scan3A_39 = arith.constant 3 : i32
    }
    %scan3A_3 = arith.constant 160 : i32
    %mul3A = arith.constant 640 : i32
    %mul3A_4 = arith.muli %arg1, %mul3A : i32
    %add3A = arith.constant 0 : i32
    %add3A_5 = arith.addi %mul3A_4, %add3A : i32
    "tpu.region"() ({
      %run_scoped3A = tpu.sem_alloc : memref<!tpu.dma_semaphore, #tpu.memory_space<semaphore_mem>>
      %dma_start3A = arith.constant 0 : i32
      %dma_start3A_30 = tpu.memref_slice %arg14[%add3A_5, %dma_start3A] : memref<10240x48xf32, #tpu.memory_space<vmem_shared>> -> memref<160x48xf32, #tpu.memory_space<vmem_shared>>
      %dma_start3A_31 = arith.constant 0 : i32
      %dma_start3A_32 = tpu.memref_slice %arg14[%add3A_5, %dma_start3A_31] : memref<10240x48xf32, #tpu.memory_space<vmem_shared>> -> memref<160x48xf32, #tpu.memory_space<vmem_shared>>
      tpu.enqueue_dma source(%arg13 : memref<160x48xf32, #tpu.memory_space<vmem>>) target(%dma_start3A_32 : memref<160x48xf32, #tpu.memory_space<vmem_shared>>) target_semaphore(%run_scoped3A : memref<!tpu.dma_semaphore, #tpu.memory_space<semaphore_mem>>)
      %dma_wait3A = arith.constant 0 : i32
      %dma_wait3A_33 = tpu.memref_slice %arg14[%add3A_5, %dma_wait3A] : memref<10240x48xf32, #tpu.memory_space<vmem_shared>> -> memref<160x48xf32, #tpu.memory_space<vmem_shared>>
      %dma_wait3A_34 = arith.constant 0 : i32
      %dma_wait3A_35 = tpu.memref_slice %arg14[%add3A_5, %dma_wait3A_34] : memref<10240x48xf32, #tpu.memory_space<vmem_shared>> -> memref<160x48xf32, #tpu.memory_space<vmem_shared>>
      tpu.wait_dma2 semaphore(%run_scoped3A : memref<!tpu.dma_semaphore, #tpu.memory_space<semaphore_mem>>) src(%arg13 : memref<160x48xf32, #tpu.memory_space<vmem>>) dst(%dma_wait3A_35 : memref<160x48xf32, #tpu.memory_space<vmem_shared>>)
      tpu.yield
    }) : () -> ()
    %mul3A_6 = arith.constant 640 : i32
    %mul3A_7 = arith.muli %arg1, %mul3A_6 : i32
    %add3A_8 = arith.constant 160 : i32
    %add3A_9 = arith.addi %mul3A_7, %add3A_8 : i32
    "tpu.region"() ({
      %run_scoped3A = tpu.sem_alloc : memref<!tpu.dma_semaphore, #tpu.memory_space<semaphore_mem>>
      %dma_start3A = arith.constant 0 : i32
      %dma_start3A_30 = tpu.memref_slice %arg14[%add3A_9, %dma_start3A] : memref<10240x48xf32, #tpu.memory_space<vmem_shared>> -> memref<160x48xf32, #tpu.memory_space<vmem_shared>>
      %dma_start3A_31 = arith.constant 0 : i32
      %dma_start3A_32 = tpu.memref_slice %arg14[%add3A_9, %dma_start3A_31] : memref<10240x48xf32, #tpu.memory_space<vmem_shared>> -> memref<160x48xf32, #tpu.memory_space<vmem_shared>>
      tpu.enqueue_dma source(%arg13 : memref<160x48xf32, #tpu.memory_space<vmem>>) target(%dma_start3A_32 : memref<160x48xf32, #tpu.memory_space<vmem_shared>>) target_semaphore(%run_scoped3A : memref<!tpu.dma_semaphore, #tpu.memory_space<semaphore_mem>>)
      %dma_wait3A = arith.constant 0 : i32
      %dma_wait3A_33 = tpu.memref_slice %arg14[%add3A_9, %dma_wait3A] : memref<10240x48xf32, #tpu.memory_space<vmem_shared>> -> memref<160x48xf32, #tpu.memory_space<vmem_shared>>
      %dma_wait3A_34 = arith.constant 0 : i32
      %dma_wait3A_35 = tpu.memref_slice %arg14[%add3A_9, %dma_wait3A_34] : memref<10240x48xf32, #tpu.memory_space<vmem_shared>> -> memref<160x48xf32, #tpu.memory_space<vmem_shared>>
      tpu.wait_dma2 semaphore(%run_scoped3A : memref<!tpu.dma_semaphore, #tpu.memory_space<semaphore_mem>>) src(%arg13 : memref<160x48xf32, #tpu.memory_space<vmem>>) dst(%dma_wait3A_35 : memref<160x48xf32, #tpu.memory_space<vmem_shared>>)
      tpu.yield
    }) : () -> ()
    %mul3A_10 = arith.constant 640 : i32
    %mul3A_11 = arith.muli %arg1, %mul3A_10 : i32
    %add3A_12 = arith.constant 320 : i32
    %add3A_13 = arith.addi %mul3A_11, %add3A_12 : i32
    "tpu.region"() ({
      %run_scoped3A = tpu.sem_alloc : memref<!tpu.dma_semaphore, #tpu.memory_space<semaphore_mem>>
      %dma_start3A = arith.constant 0 : i32
      %dma_start3A_30 = tpu.memref_slice %arg14[%add3A_13, %dma_start3A] : memref<10240x48xf32, #tpu.memory_space<vmem_shared>> -> memref<160x48xf32, #tpu.memory_space<vmem_shared>>
      %dma_start3A_31 = arith.constant 0 : i32
      %dma_start3A_32 = tpu.memref_slice %arg14[%add3A_13, %dma_start3A_31] : memref<10240x48xf32, #tpu.memory_space<vmem_shared>> -> memref<160x48xf32, #tpu.memory_space<vmem_shared>>
      tpu.enqueue_dma source(%arg13 : memref<160x48xf32, #tpu.memory_space<vmem>>) target(%dma_start3A_32 : memref<160x48xf32, #tpu.memory_space<vmem_shared>>) target_semaphore(%run_scoped3A : memref<!tpu.dma_semaphore, #tpu.memory_space<semaphore_mem>>)
      %dma_wait3A = arith.constant 0 : i32
      %dma_wait3A_33 = tpu.memref_slice %arg14[%add3A_13, %dma_wait3A] : memref<10240x48xf32, #tpu.memory_space<vmem_shared>> -> memref<160x48xf32, #tpu.memory_space<vmem_shared>>
      %dma_wait3A_34 = arith.constant 0 : i32
      %dma_wait3A_35 = tpu.memref_slice %arg14[%add3A_13, %dma_wait3A_34] : memref<10240x48xf32, #tpu.memory_space<vmem_shared>> -> memref<160x48xf32, #tpu.memory_space<vmem_shared>>
      tpu.wait_dma2 semaphore(%run_scoped3A : memref<!tpu.dma_semaphore, #tpu.memory_space<semaphore_mem>>) src(%arg13 : memref<160x48xf32, #tpu.memory_space<vmem>>) dst(%dma_wait3A_35 : memref<160x48xf32, #tpu.memory_space<vmem_shared>>)
      tpu.yield
    }) : () -> ()
    %mul3A_14 = arith.constant 640 : i32
    %mul3A_15 = arith.muli %arg1, %mul3A_14 : i32
    %add3A_16 = arith.constant 480 : i32
    %add3A_17 = arith.addi %mul3A_15, %add3A_16 : i32
    "tpu.region"() ({
      %run_scoped3A = tpu.sem_alloc : memref<!tpu.dma_semaphore, #tpu.memory_space<semaphore_mem>>
      %dma_start3A = arith.constant 0 : i32
      %dma_start3A_30 = tpu.memref_slice %arg14[%add3A_17, %dma_start3A] : memref<10240x48xf32, #tpu.memory_space<vmem_shared>> -> memref<160x48xf32, #tpu.memory_space<vmem_shared>>
      %dma_start3A_31 = arith.constant 0 : i32
      %dma_start3A_32 = tpu.memref_slice %arg14[%add3A_17, %dma_start3A_31] : memref<10240x48xf32, #tpu.memory_space<vmem_shared>> -> memref<160x48xf32, #tpu.memory_space<vmem_shared>>
      tpu.enqueue_dma source(%arg13 : memref<160x48xf32, #tpu.memory_space<vmem>>) target(%dma_start3A_32 : memref<160x48xf32, #tpu.memory_space<vmem_shared>>) target_semaphore(%run_scoped3A : memref<!tpu.dma_semaphore, #tpu.memory_space<semaphore_mem>>)
      %dma_wait3A = arith.constant 0 : i32
      %dma_wait3A_33 = tpu.memref_slice %arg14[%add3A_17, %dma_wait3A] : memref<10240x48xf32, #tpu.memory_space<vmem_shared>> -> memref<160x48xf32, #tpu.memory_space<vmem_shared>>
      %dma_wait3A_34 = arith.constant 0 : i32
      %dma_wait3A_35 = tpu.memref_slice %arg14[%add3A_17, %dma_wait3A_34] : memref<10240x48xf32, #tpu.memory_space<vmem_shared>> -> memref<160x48xf32, #tpu.memory_space<vmem_shared>>
      tpu.wait_dma2 semaphore(%run_scoped3A : memref<!tpu.dma_semaphore, #tpu.memory_space<semaphore_mem>>) src(%arg13 : memref<160x48xf32, #tpu.memory_space<vmem>>) dst(%dma_wait3A_35 : memref<160x48xf32, #tpu.memory_space<vmem_shared>>)
      tpu.yield
    }) : () -> ()
    %barrier3A = arith.constant 0 : index
    tpu.barrier barrier_id(%barrier3A)
    %eq3A = arith.constant 0 : i32
    %eq3A_18 = arith.cmpi eq, %arg0, %eq3A : i32
    %convert_element_type3A = arith.extui %eq3A_18 : i1 to i32
    %cond3A = arith.constant 0 : i32
    %cond3A_19 = arith.cmpi ne, %convert_element_type3A, %cond3A : i32
    scf.if %cond3A_19 {
      %mul3A_30 = arith.constant 120 : i32
      %mul3A_31 = arith.muli %arg1, %mul3A_30 : i32
      "tpu.region"() ({
        %run_scoped3A = tpu.sem_alloc : memref<!tpu.dma_semaphore, #tpu.memory_space<semaphore_mem>>
        %dma_start3A = arith.constant 0 : i32
        %dma_start3A_37 = arith.constant 0 : i32
        %dma_start3A_38 = tpu.memref_slice %arg6[%dma_start3A, %dma_start3A_37] : memref<120x128xi32, #tpu.memory_space<vmem>> -> memref<120x128xi32, #tpu.memory_space<vmem>>
        %dma_start3A_39 = arith.constant 0 : i32
        %dma_start3A_40 = tpu.memref_slice %arg3[%mul3A_31, %dma_start3A_39] : memref<2560x128xi32, #tpu.memory_space<hbm>> -> memref<120x128xi32, #tpu.memory_space<hbm>>
        %dma_start3A_41 = arith.constant 0 : i32
        %dma_start3A_42 = arith.constant 0 : i32
        %dma_start3A_43 = tpu.memref_slice %arg6[%dma_start3A_41, %dma_start3A_42] : memref<120x128xi32, #tpu.memory_space<vmem>> -> memref<120x128xi32, #tpu.memory_space<vmem>>
        %dma_start3A_44 = arith.constant 0 : i32
        %dma_start3A_45 = tpu.memref_slice %arg3[%mul3A_31, %dma_start3A_44] : memref<2560x128xi32, #tpu.memory_space<hbm>> -> memref<120x128xi32, #tpu.memory_space<hbm>>
        tpu.enqueue_dma source(%dma_start3A_45 : memref<120x128xi32, #tpu.memory_space<hbm>>) target(%dma_start3A_43 : memref<120x128xi32, #tpu.memory_space<vmem>>) target_semaphore(%run_scoped3A : memref<!tpu.dma_semaphore, #tpu.memory_space<semaphore_mem>>)
        %dma_wait3A = arith.constant 0 : i32
        %dma_wait3A_46 = arith.constant 0 : i32
        %dma_wait3A_47 = tpu.memref_slice %arg6[%dma_wait3A, %dma_wait3A_46] : memref<120x128xi32, #tpu.memory_space<vmem>> -> memref<120x128xi32, #tpu.memory_space<vmem>>
        %dma_wait3A_48 = arith.constant 0 : i32
        %dma_wait3A_49 = tpu.memref_slice %arg3[%mul3A_31, %dma_wait3A_48] : memref<2560x128xi32, #tpu.memory_space<hbm>> -> memref<120x128xi32, #tpu.memory_space<hbm>>
        %dma_wait3A_50 = arith.constant 0 : i32
        %dma_wait3A_51 = arith.constant 0 : i32
        %dma_wait3A_52 = tpu.memref_slice %arg6[%dma_wait3A_50, %dma_wait3A_51] : memref<120x128xi32, #tpu.memory_space<vmem>> -> memref<120x128xi32, #tpu.memory_space<vmem>>
        %dma_wait3A_53 = arith.constant 0 : i32
        %dma_wait3A_54 = tpu.memref_slice %arg3[%mul3A_31, %dma_wait3A_53] : memref<2560x128xi32, #tpu.memory_space<hbm>> -> memref<120x128xi32, #tpu.memory_space<hbm>>
        tpu.wait_dma2 semaphore(%run_scoped3A : memref<!tpu.dma_semaphore, #tpu.memory_space<semaphore_mem>>) src(%dma_wait3A_54 : memref<120x128xi32, #tpu.memory_space<hbm>>) dst(%dma_wait3A_52 : memref<120x128xi32, #tpu.memory_space<vmem>>)
        tpu.yield
      }) : () -> ()
      "tpu.region"() ({
        %run_scoped3A = tpu.sem_alloc : memref<!tpu.dma_semaphore, #tpu.memory_space<semaphore_mem>>
        %dma_start3A = arith.constant 0 : i32
        %dma_start3A_37 = arith.constant 0 : i32
        %dma_start3A_38 = tpu.memref_slice %arg7[%dma_start3A, %dma_start3A_37] : memref<120x128xi32, #tpu.memory_space<vmem>> -> memref<120x128xi32, #tpu.memory_space<vmem>>
        %dma_start3A_39 = arith.constant 0 : i32
        %dma_start3A_40 = tpu.memref_slice %arg4[%mul3A_31, %dma_start3A_39] : memref<2560x128xi32, #tpu.memory_space<hbm>> -> memref<120x128xi32, #tpu.memory_space<hbm>>
        %dma_start3A_41 = arith.constant 0 : i32
        %dma_start3A_42 = arith.constant 0 : i32
        %dma_start3A_43 = tpu.memref_slice %arg7[%dma_start3A_41, %dma_start3A_42] : memref<120x128xi32, #tpu.memory_space<vmem>> -> memref<120x128xi32, #tpu.memory_space<vmem>>
        %dma_start3A_44 = arith.constant 0 : i32
        %dma_start3A_45 = tpu.memref_slice %arg4[%mul3A_31, %dma_start3A_44] : memref<2560x128xi32, #tpu.memory_space<hbm>> -> memref<120x128xi32, #tpu.memory_space<hbm>>
        tpu.enqueue_dma source(%dma_start3A_45 : memref<120x128xi32, #tpu.memory_space<hbm>>) target(%dma_start3A_43 : memref<120x128xi32, #tpu.memory_space<vmem>>) target_semaphore(%run_scoped3A : memref<!tpu.dma_semaphore, #tpu.memory_space<semaphore_mem>>)
        %dma_wait3A = arith.constant 0 : i32
        %dma_wait3A_46 = arith.constant 0 : i32
        %dma_wait3A_47 = tpu.memref_slice %arg7[%dma_wait3A, %dma_wait3A_46] : memref<120x128xi32, #tpu.memory_space<vmem>> -> memref<120x128xi32, #tpu.memory_space<vmem>>
        %dma_wait3A_48 = arith.constant 0 : i32
        %dma_wait3A_49 = tpu.memref_slice %arg4[%mul3A_31, %dma_wait3A_48] : memref<2560x128xi32, #tpu.memory_space<hbm>> -> memref<120x128xi32, #tpu.memory_space<hbm>>
        %dma_wait3A_50 = arith.constant 0 : i32
        %dma_wait3A_51 = arith.constant 0 : i32
        %dma_wait3A_52 = tpu.memref_slice %arg7[%dma_wait3A_50, %dma_wait3A_51] : memref<120x128xi32, #tpu.memory_space<vmem>> -> memref<120x128xi32, #tpu.memory_space<vmem>>
        %dma_wait3A_53 = arith.constant 0 : i32
        %dma_wait3A_54 = tpu.memref_slice %arg4[%mul3A_31, %dma_wait3A_53] : memref<2560x128xi32, #tpu.memory_space<hbm>> -> memref<120x128xi32, #tpu.memory_space<hbm>>
        tpu.wait_dma2 semaphore(%run_scoped3A : memref<!tpu.dma_semaphore, #tpu.memory_space<semaphore_mem>>) src(%dma_wait3A_54 : memref<120x128xi32, #tpu.memory_space<hbm>>) dst(%dma_wait3A_52 : memref<120x128xi32, #tpu.memory_space<vmem>>)
        tpu.yield
      }) : () -> ()
      %scan3A_32 = arith.constant 0 : i32
      %scan3A_33 = arith.constant 24 : i32
      %scan3A_34 = arith.addi %scan3A_32, %scan3A_33 : i32
      %scan3A_35 = arith.constant 1 : i32
      scf.for %scan3A_37 = %scan3A_32 to %scan3A_34 step %scan3A_35  : i32 {
        %mul3A_38 = arith.constant 5 : i32
        %mul3A_39 = arith.muli %scan3A_37, %mul3A_38 : i32
        %add3A_40 = arith.constant 0 : i32
        %add3A_41 = arith.addi %add3A_40, %mul3A_39 : i32
        %add3A_42 = arith.constant 0 : i32
        %add3A_43 = arith.addi %add3A_41, %add3A_42 : i32
        %dma_start3A = arith.constant 0 : i32
        %dma_start3A_44 = tpu.memref_slice %arg6[%add3A_43, %dma_start3A] : memref<120x128xi32, #tpu.memory_space<vmem>> -> memref<1x128xi32, #tpu.memory_space<vmem>>
        %dma_start3A_45 = tpu.memref_squeeze %dma_start3A_44 : memref<1x128xi32, #tpu.memory_space<vmem>> -> memref<128xi32, #tpu.memory_space<vmem>>
        %dma_start3A_46 = arith.constant 0 : i32
        %dma_start3A_47 = arith.constant 0 : i32
        %dma_start3A_48 = tpu.memref_slice %arg2[%dma_start3A_46, %dma_start3A_47] : memref<10000x48xf32, #tpu.memory_space<hbm>> -> memref<10000x48xf32, #tpu.memory_space<hbm>>
        tpu.enqueue_indirect_dma source(%dma_start3A_48 : memref<10000x48xf32, #tpu.memory_space<hbm>>) target(%arg8 : memref<128x48xf32, #tpu.memory_space<vmem>>) offsets(%dma_start3A_45 : memref<128xi32, #tpu.memory_space<vmem>>) semaphore(%arg15 : memref<!tpu.dma_semaphore, #tpu.memory_space<semaphore_mem>>)
        %add3A_49 = arith.constant 1 : i32
        %add3A_50 = arith.addi %add3A_41, %add3A_49 : i32
        %dma_start3A_51 = arith.constant 0 : i32
        %dma_start3A_52 = tpu.memref_slice %arg6[%add3A_50, %dma_start3A_51] : memref<120x128xi32, #tpu.memory_space<vmem>> -> memref<1x128xi32, #tpu.memory_space<vmem>>
        %dma_start3A_53 = tpu.memref_squeeze %dma_start3A_52 : memref<1x128xi32, #tpu.memory_space<vmem>> -> memref<128xi32, #tpu.memory_space<vmem>>
        %dma_start3A_54 = arith.constant 0 : i32
        %dma_start3A_55 = arith.constant 0 : i32
        %dma_start3A_56 = tpu.memref_slice %arg2[%dma_start3A_54, %dma_start3A_55] : memref<10000x48xf32, #tpu.memory_space<hbm>> -> memref<10000x48xf32, #tpu.memory_space<hbm>>
        tpu.enqueue_indirect_dma source(%dma_start3A_56 : memref<10000x48xf32, #tpu.memory_space<hbm>>) target(%arg9 : memref<128x48xf32, #tpu.memory_space<vmem>>) offsets(%dma_start3A_53 : memref<128xi32, #tpu.memory_space<vmem>>) semaphore(%arg16 : memref<!tpu.dma_semaphore, #tpu.memory_space<semaphore_mem>>)
        %add3A_57 = arith.constant 2 : i32
        %add3A_58 = arith.addi %add3A_41, %add3A_57 : i32
        %dma_start3A_59 = arith.constant 0 : i32
        %dma_start3A_60 = tpu.memref_slice %arg6[%add3A_58, %dma_start3A_59] : memref<120x128xi32, #tpu.memory_space<vmem>> -> memref<1x128xi32, #tpu.memory_space<vmem>>
        %dma_start3A_61 = tpu.memref_squeeze %dma_start3A_60 : memref<1x128xi32, #tpu.memory_space<vmem>> -> memref<128xi32, #tpu.memory_space<vmem>>
        %dma_start3A_62 = arith.constant 0 : i32
        %dma_start3A_63 = arith.constant 0 : i32
        %dma_start3A_64 = tpu.memref_slice %arg2[%dma_start3A_62, %dma_start3A_63] : memref<10000x48xf32, #tpu.memory_space<hbm>> -> memref<10000x48xf32, #tpu.memory_space<hbm>>
        tpu.enqueue_indirect_dma source(%dma_start3A_64 : memref<10000x48xf32, #tpu.memory_space<hbm>>) target(%arg10 : memref<128x48xf32, #tpu.memory_space<vmem>>) offsets(%dma_start3A_61 : memref<128xi32, #tpu.memory_space<vmem>>) semaphore(%arg17 : memref<!tpu.dma_semaphore, #tpu.memory_space<semaphore_mem>>)
        %add3A_65 = arith.constant 3 : i32
        %add3A_66 = arith.addi %add3A_41, %add3A_65 : i32
        %dma_start3A_67 = arith.constant 0 : i32
        %dma_start3A_68 = tpu.memref_slice %arg6[%add3A_66, %dma_start3A_67] : memref<120x128xi32, #tpu.memory_space<vmem>> -> memref<1x128xi32, #tpu.memory_space<vmem>>
        %dma_start3A_69 = tpu.memref_squeeze %dma_start3A_68 : memref<1x128xi32, #tpu.memory_space<vmem>> -> memref<128xi32, #tpu.memory_space<vmem>>
        %dma_start3A_70 = arith.constant 0 : i32
        %dma_start3A_71 = arith.constant 0 : i32
        %dma_start3A_72 = tpu.memref_slice %arg2[%dma_start3A_70, %dma_start3A_71] : memref<10000x48xf32, #tpu.memory_space<hbm>> -> memref<10000x48xf32, #tpu.memory_space<hbm>>
        tpu.enqueue_indirect_dma source(%dma_start3A_72 : memref<10000x48xf32, #tpu.memory_space<hbm>>) target(%arg11 : memref<128x48xf32, #tpu.memory_space<vmem>>) offsets(%dma_start3A_69 : memref<128xi32, #tpu.memory_space<vmem>>) semaphore(%arg18 : memref<!tpu.dma_semaphore, #tpu.memory_space<semaphore_mem>>)
        %add3A_73 = arith.constant 4 : i32
        %add3A_74 = arith.addi %add3A_41, %add3A_73 : i32
        %dma_start3A_75 = arith.constant 0 : i32
        %dma_start3A_76 = tpu.memref_slice %arg6[%add3A_74, %dma_start3A_75] : memref<120x128xi32, #tpu.memory_space<vmem>> -> memref<1x128xi32, #tpu.memory_space<vmem>>
        %dma_start3A_77 = tpu.memref_squeeze %dma_start3A_76 : memref<1x128xi32, #tpu.memory_space<vmem>> -> memref<128xi32, #tpu.memory_space<vmem>>
        %dma_start3A_78 = arith.constant 0 : i32
        %dma_start3A_79 = arith.constant 0 : i32
        %dma_start3A_80 = tpu.memref_slice %arg2[%dma_start3A_78, %dma_start3A_79] : memref<10000x48xf32, #tpu.memory_space<hbm>> -> memref<10000x48xf32, #tpu.memory_space<hbm>>
        tpu.enqueue_indirect_dma source(%dma_start3A_80 : memref<10000x48xf32, #tpu.memory_space<hbm>>) target(%arg12 : memref<128x48xf32, #tpu.memory_space<vmem>>) offsets(%dma_start3A_77 : memref<128xi32, #tpu.memory_space<vmem>>) semaphore(%arg19 : memref<!tpu.dma_semaphore, #tpu.memory_space<semaphore_mem>>)
        %dma_wait3A = arith.constant 0 : i32
        %dma_wait3A_81 = tpu.memref_slice %arg6[%add3A_43, %dma_wait3A] : memref<120x128xi32, #tpu.memory_space<vmem>> -> memref<1x128xi32, #tpu.memory_space<vmem>>
        %dma_wait3A_82 = tpu.memref_squeeze %dma_wait3A_81 : memref<1x128xi32, #tpu.memory_space<vmem>> -> memref<128xi32, #tpu.memory_space<vmem>>
        %dma_wait3A_83 = arith.constant 0 : i32
        %dma_wait3A_84 = arith.constant 0 : i32
        %dma_wait3A_85 = tpu.memref_slice %arg2[%dma_wait3A_83, %dma_wait3A_84] : memref<10000x48xf32, #tpu.memory_space<hbm>> -> memref<10000x48xf32, #tpu.memory_space<hbm>>
        tpu.wait_indirect_dma semaphore(%arg15 : memref<!tpu.dma_semaphore, #tpu.memory_space<semaphore_mem>>) src(%dma_wait3A_85 : memref<10000x48xf32, #tpu.memory_space<hbm>>) dst(%arg8 : memref<128x48xf32, #tpu.memory_space<vmem>>)
        %add3A_86 = arith.constant 0 : i32
        %add3A_87 = arith.addi %add3A_41, %add3A_86 : i32
        %dma_start3A_88 = arith.constant 0 : i32
        %dma_start3A_89 = tpu.memref_slice %arg7[%add3A_87, %dma_start3A_88] : memref<120x128xi32, #tpu.memory_space<vmem>> -> memref<1x128xi32, #tpu.memory_space<vmem>>
        %dma_start3A_90 = tpu.memref_squeeze %dma_start3A_89 : memref<1x128xi32, #tpu.memory_space<vmem>> -> memref<128xi32, #tpu.memory_space<vmem>>
        %dma_start3A_91 = arith.constant 0 : i32
        %dma_start3A_92 = arith.constant 0 : i32
        %dma_start3A_93 = tpu.memref_slice %arg14[%dma_start3A_91, %dma_start3A_92] : memref<10240x48xf32, #tpu.memory_space<vmem_shared>> -> memref<10240x48xf32, #tpu.memory_space<vmem_shared>>
        tpu.enqueue_indirect_dma source(%arg8 : memref<128x48xf32, #tpu.memory_space<vmem>>) target(%dma_start3A_93 : memref<10240x48xf32, #tpu.memory_space<vmem_shared>>) offsets(%dma_start3A_90 : memref<128xi32, #tpu.memory_space<vmem>>) semaphore(%arg20 : memref<!tpu.dma_semaphore, #tpu.memory_space<semaphore_mem>>) {add = true}
        %dma_wait3A_94 = arith.constant 0 : i32
        %dma_wait3A_95 = tpu.memref_slice %arg6[%add3A_50, %dma_wait3A_94] : memref<120x128xi32, #tpu.memory_space<vmem>> -> memref<1x128xi32, #tpu.memory_space<vmem>>
        %dma_wait3A_96 = tpu.memref_squeeze %dma_wait3A_95 : memref<1x128xi32, #tpu.memory_space<vmem>> -> memref<128xi32, #tpu.memory_space<vmem>>
        %dma_wait3A_97 = arith.constant 0 : i32
        %dma_wait3A_98 = arith.constant 0 : i32
        %dma_wait3A_99 = tpu.memref_slice %arg2[%dma_wait3A_97, %dma_wait3A_98] : memref<10000x48xf32, #tpu.memory_space<hbm>> -> memref<10000x48xf32, #tpu.memory_space<hbm>>
        tpu.wait_indirect_dma semaphore(%arg16 : memref<!tpu.dma_semaphore, #tpu.memory_space<semaphore_mem>>) src(%dma_wait3A_99 : memref<10000x48xf32, #tpu.memory_space<hbm>>) dst(%arg9 : memref<128x48xf32, #tpu.memory_space<vmem>>)
        %add3A_100 = arith.constant 1 : i32
        %add3A_101 = arith.addi %add3A_41, %add3A_100 : i32
        %dma_start3A_102 = arith.constant 0 : i32
        %dma_start3A_103 = tpu.memref_slice %arg7[%add3A_101, %dma_start3A_102] : memref<120x128xi32, #tpu.memory_space<vmem>> -> memref<1x128xi32, #tpu.memory_space<vmem>>
        %dma_start3A_104 = tpu.memref_squeeze %dma_start3A_103 : memref<1x128xi32, #tpu.memory_space<vmem>> -> memref<128xi32, #tpu.memory_space<vmem>>
        %dma_start3A_105 = arith.constant 0 : i32
        %dma_start3A_106 = arith.constant 0 : i32
        %dma_start3A_107 = tpu.memref_slice %arg14[%dma_start3A_105, %dma_start3A_106] : memref<10240x48xf32, #tpu.memory_space<vmem_shared>> -> memref<10240x48xf32, #tpu.memory_space<vmem_shared>>
        tpu.enqueue_indirect_dma source(%arg9 : memref<128x48xf32, #tpu.memory_space<vmem>>) target(%dma_start3A_107 : memref<10240x48xf32, #tpu.memory_space<vmem_shared>>) offsets(%dma_start3A_104 : memref<128xi32, #tpu.memory_space<vmem>>) semaphore(%arg21 : memref<!tpu.dma_semaphore, #tpu.memory_space<semaphore_mem>>) {add = true}
        %dma_wait3A_108 = arith.constant 0 : i32
        %dma_wait3A_109 = tpu.memref_slice %arg6[%add3A_58, %dma_wait3A_108] : memref<120x128xi32, #tpu.memory_space<vmem>> -> memref<1x128xi32, #tpu.memory_space<vmem>>
        %dma_wait3A_110 = tpu.memref_squeeze %dma_wait3A_109 : memref<1x128xi32, #tpu.memory_space<vmem>> -> memref<128xi32, #tpu.memory_space<vmem>>
        %dma_wait3A_111 = arith.constant 0 : i32
        %dma_wait3A_112 = arith.constant 0 : i32
        %dma_wait3A_113 = tpu.memref_slice %arg2[%dma_wait3A_111, %dma_wait3A_112] : memref<10000x48xf32, #tpu.memory_space<hbm>> -> memref<10000x48xf32, #tpu.memory_space<hbm>>
        tpu.wait_indirect_dma semaphore(%arg17 : memref<!tpu.dma_semaphore, #tpu.memory_space<semaphore_mem>>) src(%dma_wait3A_113 : memref<10000x48xf32, #tpu.memory_space<hbm>>) dst(%arg10 : memref<128x48xf32, #tpu.memory_space<vmem>>)
        %add3A_114 = arith.constant 2 : i32
        %add3A_115 = arith.addi %add3A_41, %add3A_114 : i32
        %dma_start3A_116 = arith.constant 0 : i32
        %dma_start3A_117 = tpu.memref_slice %arg7[%add3A_115, %dma_start3A_116] : memref<120x128xi32, #tpu.memory_space<vmem>> -> memref<1x128xi32, #tpu.memory_space<vmem>>
        %dma_start3A_118 = tpu.memref_squeeze %dma_start3A_117 : memref<1x128xi32, #tpu.memory_space<vmem>> -> memref<128xi32, #tpu.memory_space<vmem>>
        %dma_start3A_119 = arith.constant 0 : i32
        %dma_start3A_120 = arith.constant 0 : i32
        %dma_start3A_121 = tpu.memref_slice %arg14[%dma_start3A_119, %dma_start3A_120] : memref<10240x48xf32, #tpu.memory_space<vmem_shared>> -> memref<10240x48xf32, #tpu.memory_space<vmem_shared>>
        tpu.enqueue_indirect_dma source(%arg10 : memref<128x48xf32, #tpu.memory_space<vmem>>) target(%dma_start3A_121 : memref<10240x48xf32, #tpu.memory_space<vmem_shared>>) offsets(%dma_start3A_118 : memref<128xi32, #tpu.memory_space<vmem>>) semaphore(%arg22 : memref<!tpu.dma_semaphore, #tpu.memory_space<semaphore_mem>>) {add = true}
        %dma_wait3A_122 = arith.constant 0 : i32
        %dma_wait3A_123 = tpu.memref_slice %arg6[%add3A_66, %dma_wait3A_122] : memref<120x128xi32, #tpu.memory_space<vmem>> -> memref<1x128xi32, #tpu.memory_space<vmem>>
        %dma_wait3A_124 = tpu.memref_squeeze %dma_wait3A_123 : memref<1x128xi32, #tpu.memory_space<vmem>> -> memref<128xi32, #tpu.memory_space<vmem>>
        %dma_wait3A_125 = arith.constant 0 : i32
        %dma_wait3A_126 = arith.constant 0 : i32
        %dma_wait3A_127 = tpu.memref_slice %arg2[%dma_wait3A_125, %dma_wait3A_126] : memref<10000x48xf32, #tpu.memory_space<hbm>> -> memref<10000x48xf32, #tpu.memory_space<hbm>>
        tpu.wait_indirect_dma semaphore(%arg18 : memref<!tpu.dma_semaphore, #tpu.memory_space<semaphore_mem>>) src(%dma_wait3A_127 : memref<10000x48xf32, #tpu.memory_space<hbm>>) dst(%arg11 : memref<128x48xf32, #tpu.memory_space<vmem>>)
        %add3A_128 = arith.constant 3 : i32
        %add3A_129 = arith.addi %add3A_41, %add3A_128 : i32
        %dma_start3A_130 = arith.constant 0 : i32
        %dma_start3A_131 = tpu.memref_slice %arg7[%add3A_129, %dma_start3A_130] : memref<120x128xi32, #tpu.memory_space<vmem>> -> memref<1x128xi32, #tpu.memory_space<vmem>>
        %dma_start3A_132 = tpu.memref_squeeze %dma_start3A_131 : memref<1x128xi32, #tpu.memory_space<vmem>> -> memref<128xi32, #tpu.memory_space<vmem>>
        %dma_start3A_133 = arith.constant 0 : i32
        %dma_start3A_134 = arith.constant 0 : i32
        %dma_start3A_135 = tpu.memref_slice %arg14[%dma_start3A_133, %dma_start3A_134] : memref<10240x48xf32, #tpu.memory_space<vmem_shared>> -> memref<10240x48xf32, #tpu.memory_space<vmem_shared>>
        tpu.enqueue_indirect_dma source(%arg11 : memref<128x48xf32, #tpu.memory_space<vmem>>) target(%dma_start3A_135 : memref<10240x48xf32, #tpu.memory_space<vmem_shared>>) offsets(%dma_start3A_132 : memref<128xi32, #tpu.memory_space<vmem>>) semaphore(%arg23 : memref<!tpu.dma_semaphore, #tpu.memory_space<semaphore_mem>>) {add = true}
        %dma_wait3A_136 = arith.constant 0 : i32
        %dma_wait3A_137 = tpu.memref_slice %arg6[%add3A_74, %dma_wait3A_136] : memref<120x128xi32, #tpu.memory_space<vmem>> -> memref<1x128xi32, #tpu.memory_space<vmem>>
        %dma_wait3A_138 = tpu.memref_squeeze %dma_wait3A_137 : memref<1x128xi32, #tpu.memory_space<vmem>> -> memref<128xi32, #tpu.memory_space<vmem>>
        %dma_wait3A_139 = arith.constant 0 : i32
        %dma_wait3A_140 = arith.constant 0 : i32
        %dma_wait3A_141 = tpu.memref_slice %arg2[%dma_wait3A_139, %dma_wait3A_140] : memref<10000x48xf32, #tpu.memory_space<hbm>> -> memref<10000x48xf32, #tpu.memory_space<hbm>>
        tpu.wait_indirect_dma semaphore(%arg19 : memref<!tpu.dma_semaphore, #tpu.memory_space<semaphore_mem>>) src(%dma_wait3A_141 : memref<10000x48xf32, #tpu.memory_space<hbm>>) dst(%arg12 : memref<128x48xf32, #tpu.memory_space<vmem>>)
        %add3A_142 = arith.constant 4 : i32
        %add3A_143 = arith.addi %add3A_41, %add3A_142 : i32
        %dma_start3A_144 = arith.constant 0 : i32
        %dma_start3A_145 = tpu.memref_slice %arg7[%add3A_143, %dma_start3A_144] : memref<120x128xi32, #tpu.memory_space<vmem>> -> memref<1x128xi32, #tpu.memory_space<vmem>>
        %dma_start3A_146 = tpu.memref_squeeze %dma_start3A_145 : memref<1x128xi32, #tpu.memory_space<vmem>> -> memref<128xi32, #tpu.memory_space<vmem>>
        %dma_start3A_147 = arith.constant 0 : i32
        %dma_start3A_148 = arith.constant 0 : i32
        %dma_start3A_149 = tpu.memref_slice %arg14[%dma_start3A_147, %dma_start3A_148] : memref<10240x48xf32, #tpu.memory_space<vmem_shared>> -> memref<10240x48xf32, #tpu.memory_space<vmem_shared>>
        tpu.enqueue_indirect_dma source(%arg12 : memref<128x48xf32, #tpu.memory_space<vmem>>) target(%dma_start3A_149 : memref<10240x48xf32, #tpu.memory_space<vmem_shared>>) offsets(%dma_start3A_146 : memref<128xi32, #tpu.memory_space<vmem>>) semaphore(%arg24 : memref<!tpu.dma_semaphore, #tpu.memory_space<semaphore_mem>>) {add = true}
        %dma_wait3A_150 = arith.constant 0 : i32
        %dma_wait3A_151 = tpu.memref_slice %arg7[%add3A_87, %dma_wait3A_150] : memref<120x128xi32, #tpu.memory_space<vmem>> -> memref<1x128xi32, #tpu.memory_space<vmem>>
        %dma_wait3A_152 = tpu.memref_squeeze %dma_wait3A_151 : memref<1x128xi32, #tpu.memory_space<vmem>> -> memref<128xi32, #tpu.memory_space<vmem>>
        %dma_wait3A_153 = arith.constant 0 : i32
        %dma_wait3A_154 = arith.constant 0 : i32
        %dma_wait3A_155 = tpu.memref_slice %arg14[%dma_wait3A_153, %dma_wait3A_154] : memref<10240x48xf32, #tpu.memory_space<vmem_shared>> -> memref<10240x48xf32, #tpu.memory_space<vmem_shared>>
        tpu.wait_indirect_dma semaphore(%arg20 : memref<!tpu.dma_semaphore, #tpu.memory_space<semaphore_mem>>) src(%arg8 : memref<128x48xf32, #tpu.memory_space<vmem>>) dst(%dma_wait3A_155 : memref<10240x48xf32, #tpu.memory_space<vmem_shared>>)
        %dma_wait3A_156 = arith.constant 0 : i32
        %dma_wait3A_157 = tpu.memref_slice %arg7[%add3A_101, %dma_wait3A_156] : memref<120x128xi32, #tpu.memory_space<vmem>> -> memref<1x128xi32, #tpu.memory_space<vmem>>
        %dma_wait3A_158 = tpu.memref_squeeze %dma_wait3A_157 : memref<1x128xi32, #tpu.memory_space<vmem>> -> memref<128xi32, #tpu.memory_space<vmem>>
        %dma_wait3A_159 = arith.constant 0 : i32
        %dma_wait3A_160 = arith.constant 0 : i32
        %dma_wait3A_161 = tpu.memref_slice %arg14[%dma_wait3A_159, %dma_wait3A_160] : memref<10240x48xf32, #tpu.memory_space<vmem_shared>> -> memref<10240x48xf32, #tpu.memory_space<vmem_shared>>
        tpu.wait_indirect_dma semaphore(%arg21 : memref<!tpu.dma_semaphore, #tpu.memory_space<semaphore_mem>>) src(%arg9 : memref<128x48xf32, #tpu.memory_space<vmem>>) dst(%dma_wait3A_161 : memref<10240x48xf32, #tpu.memory_space<vmem_shared>>)
        %dma_wait3A_162 = arith.constant 0 : i32
        %dma_wait3A_163 = tpu.memref_slice %arg7[%add3A_115, %dma_wait3A_162] : memref<120x128xi32, #tpu.memory_space<vmem>> -> memref<1x128xi32, #tpu.memory_space<vmem>>
        %dma_wait3A_164 = tpu.memref_squeeze %dma_wait3A_163 : memref<1x128xi32, #tpu.memory_space<vmem>> -> memref<128xi32, #tpu.memory_space<vmem>>
        %dma_wait3A_165 = arith.constant 0 : i32
        %dma_wait3A_166 = arith.constant 0 : i32
        %dma_wait3A_167 = tpu.memref_slice %arg14[%dma_wait3A_165, %dma_wait3A_166] : memref<10240x48xf32, #tpu.memory_space<vmem_shared>> -> memref<10240x48xf32, #tpu.memory_space<vmem_shared>>
        tpu.wait_indirect_dma semaphore(%arg22 : memref<!tpu.dma_semaphore, #tpu.memory_space<semaphore_mem>>) src(%arg10 : memref<128x48xf32, #tpu.memory_space<vmem>>) dst(%dma_wait3A_167 : memref<10240x48xf32, #tpu.memory_space<vmem_shared>>)
        %dma_wait3A_168 = arith.constant 0 : i32
        %dma_wait3A_169 = tpu.memref_slice %arg7[%add3A_129, %dma_wait3A_168] : memref<120x128xi32, #tpu.memory_space<vmem>> -> memref<1x128xi32, #tpu.memory_space<vmem>>
        %dma_wait3A_170 = tpu.memref_squeeze %dma_wait3A_169 : memref<1x128xi32, #tpu.memory_space<vmem>> -> memref<128xi32, #tpu.memory_space<vmem>>
        %dma_wait3A_171 = arith.constant 0 : i32
        %dma_wait3A_172 = arith.constant 0 : i32
        %dma_wait3A_173 = tpu.memref_slice %arg14[%dma_wait3A_171, %dma_wait3A_172] : memref<10240x48xf32, #tpu.memory_space<vmem_shared>> -> memref<10240x48xf32, #tpu.memory_space<vmem_shared>>
        tpu.wait_indirect_dma semaphore(%arg23 : memref<!tpu.dma_semaphore, #tpu.memory_space<semaphore_mem>>) src(%arg11 : memref<128x48xf32, #tpu.memory_space<vmem>>) dst(%dma_wait3A_173 : memref<10240x48xf32, #tpu.memory_space<vmem_shared>>)
        %dma_wait3A_174 = arith.constant 0 : i32
        %dma_wait3A_175 = tpu.memref_slice %arg7[%add3A_143, %dma_wait3A_174] : memref<120x128xi32, #tpu.memory_space<vmem>> -> memref<1x128xi32, #tpu.memory_space<vmem>>
        %dma_wait3A_176 = tpu.memref_squeeze %dma_wait3A_175 : memref<1x128xi32, #tpu.memory_space<vmem>> -> memref<128xi32, #tpu.memory_space<vmem>>
        %dma_wait3A_177 = arith.constant 0 : i32
        %dma_wait3A_178 = arith.constant 0 : i32
        %dma_wait3A_179 = tpu.memref_slice %arg14[%dma_wait3A_177, %dma_wait3A_178] : memref<10240x48xf32, #tpu.memory_space<vmem_shared>> -> memref<10240x48xf32, #tpu.memory_space<vmem_shared>>
        tpu.wait_indirect_dma semaphore(%arg24 : memref<!tpu.dma_semaphore, #tpu.memory_space<semaphore_mem>>) src(%arg12 : memref<128x48xf32, #tpu.memory_space<vmem>>) dst(%dma_wait3A_179 : memref<10240x48xf32, #tpu.memory_space<vmem_shared>>)
      }
      %scan3A_36 = arith.constant 24 : i32
    } else {
    }
    %eq3A_20 = arith.constant 1 : i32
    %eq3A_21 = arith.cmpi eq, %arg0, %eq3A_20 : i32
    %convert_element_type3A_22 = arith.extui %eq3A_21 : i1 to i32
    %cond3A_23 = arith.constant 0 : i32
    %cond3A_24 = arith.cmpi ne, %convert_element_type3A_22, %cond3A_23 : i32
    scf.if %cond3A_24 {
      %mul3A_30 = arith.constant 40 : i32
      %mul3A_31 = arith.muli %arg1, %mul3A_30 : i32
      %add3A_32 = arith.constant 1920 : i32
      %add3A_33 = arith.addi %add3A_32, %mul3A_31 : i32
      "tpu.region"() ({
        %run_scoped3A = tpu.sem_alloc : memref<!tpu.dma_semaphore, #tpu.memory_space<semaphore_mem>>
        %dma_start3A = arith.constant 0 : i32
        %dma_start3A_39 = arith.constant 0 : i32
        %dma_start3A_40 = tpu.memref_slice %arg6[%dma_start3A, %dma_start3A_39] : memref<120x128xi32, #tpu.memory_space<vmem>> -> memref<40x128xi32, #tpu.memory_space<vmem>>
        %dma_start3A_41 = arith.constant 0 : i32
        %dma_start3A_42 = tpu.memref_slice %arg3[%add3A_33, %dma_start3A_41] : memref<2560x128xi32, #tpu.memory_space<hbm>> -> memref<40x128xi32, #tpu.memory_space<hbm>>
        %dma_start3A_43 = arith.constant 0 : i32
        %dma_start3A_44 = arith.constant 0 : i32
        %dma_start3A_45 = tpu.memref_slice %arg6[%dma_start3A_43, %dma_start3A_44] : memref<120x128xi32, #tpu.memory_space<vmem>> -> memref<40x128xi32, #tpu.memory_space<vmem>>
        %dma_start3A_46 = arith.constant 0 : i32
        %dma_start3A_47 = tpu.memref_slice %arg3[%add3A_33, %dma_start3A_46] : memref<2560x128xi32, #tpu.memory_space<hbm>> -> memref<40x128xi32, #tpu.memory_space<hbm>>
        tpu.enqueue_dma source(%dma_start3A_47 : memref<40x128xi32, #tpu.memory_space<hbm>>) target(%dma_start3A_45 : memref<40x128xi32, #tpu.memory_space<vmem>>) target_semaphore(%run_scoped3A : memref<!tpu.dma_semaphore, #tpu.memory_space<semaphore_mem>>)
        %dma_wait3A = arith.constant 0 : i32
        %dma_wait3A_48 = arith.constant 0 : i32
        %dma_wait3A_49 = tpu.memref_slice %arg6[%dma_wait3A, %dma_wait3A_48] : memref<120x128xi32, #tpu.memory_space<vmem>> -> memref<40x128xi32, #tpu.memory_space<vmem>>
        %dma_wait3A_50 = arith.constant 0 : i32
        %dma_wait3A_51 = tpu.memref_slice %arg3[%add3A_33, %dma_wait3A_50] : memref<2560x128xi32, #tpu.memory_space<hbm>> -> memref<40x128xi32, #tpu.memory_space<hbm>>
        %dma_wait3A_52 = arith.constant 0 : i32
        %dma_wait3A_53 = arith.constant 0 : i32
        %dma_wait3A_54 = tpu.memref_slice %arg6[%dma_wait3A_52, %dma_wait3A_53] : memref<120x128xi32, #tpu.memory_space<vmem>> -> memref<40x128xi32, #tpu.memory_space<vmem>>
        %dma_wait3A_55 = arith.constant 0 : i32
        %dma_wait3A_56 = tpu.memref_slice %arg3[%add3A_33, %dma_wait3A_55] : memref<2560x128xi32, #tpu.memory_space<hbm>> -> memref<40x128xi32, #tpu.memory_space<hbm>>
        tpu.wait_dma2 semaphore(%run_scoped3A : memref<!tpu.dma_semaphore, #tpu.memory_space<semaphore_mem>>) src(%dma_wait3A_56 : memref<40x128xi32, #tpu.memory_space<hbm>>) dst(%dma_wait3A_54 : memref<40x128xi32, #tpu.memory_space<vmem>>)
        tpu.yield
      }) : () -> ()
      "tpu.region"() ({
        %run_scoped3A = tpu.sem_alloc : memref<!tpu.dma_semaphore, #tpu.memory_space<semaphore_mem>>
        %dma_start3A = arith.constant 0 : i32
        %dma_start3A_39 = arith.constant 0 : i32
        %dma_start3A_40 = tpu.memref_slice %arg7[%dma_start3A, %dma_start3A_39] : memref<120x128xi32, #tpu.memory_space<vmem>> -> memref<40x128xi32, #tpu.memory_space<vmem>>
        %dma_start3A_41 = arith.constant 0 : i32
        %dma_start3A_42 = tpu.memref_slice %arg4[%add3A_33, %dma_start3A_41] : memref<2560x128xi32, #tpu.memory_space<hbm>> -> memref<40x128xi32, #tpu.memory_space<hbm>>
        %dma_start3A_43 = arith.constant 0 : i32
        %dma_start3A_44 = arith.constant 0 : i32
        %dma_start3A_45 = tpu.memref_slice %arg7[%dma_start3A_43, %dma_start3A_44] : memref<120x128xi32, #tpu.memory_space<vmem>> -> memref<40x128xi32, #tpu.memory_space<vmem>>
        %dma_start3A_46 = arith.constant 0 : i32
        %dma_start3A_47 = tpu.memref_slice %arg4[%add3A_33, %dma_start3A_46] : memref<2560x128xi32, #tpu.memory_space<hbm>> -> memref<40x128xi32, #tpu.memory_space<hbm>>
        tpu.enqueue_dma source(%dma_start3A_47 : memref<40x128xi32, #tpu.memory_space<hbm>>) target(%dma_start3A_45 : memref<40x128xi32, #tpu.memory_space<vmem>>) target_semaphore(%run_scoped3A : memref<!tpu.dma_semaphore, #tpu.memory_space<semaphore_mem>>)
        %dma_wait3A = arith.constant 0 : i32
        %dma_wait3A_48 = arith.constant 0 : i32
        %dma_wait3A_49 = tpu.memref_slice %arg7[%dma_wait3A, %dma_wait3A_48] : memref<120x128xi32, #tpu.memory_space<vmem>> -> memref<40x128xi32, #tpu.memory_space<vmem>>
        %dma_wait3A_50 = arith.constant 0 : i32
        %dma_wait3A_51 = tpu.memref_slice %arg4[%add3A_33, %dma_wait3A_50] : memref<2560x128xi32, #tpu.memory_space<hbm>> -> memref<40x128xi32, #tpu.memory_space<hbm>>
        %dma_wait3A_52 = arith.constant 0 : i32
        %dma_wait3A_53 = arith.constant 0 : i32
        %dma_wait3A_54 = tpu.memref_slice %arg7[%dma_wait3A_52, %dma_wait3A_53] : memref<120x128xi32, #tpu.memory_space<vmem>> -> memref<40x128xi32, #tpu.memory_space<vmem>>
        %dma_wait3A_55 = arith.constant 0 : i32
        %dma_wait3A_56 = tpu.memref_slice %arg4[%add3A_33, %dma_wait3A_55] : memref<2560x128xi32, #tpu.memory_space<hbm>> -> memref<40x128xi32, #tpu.memory_space<hbm>>
        tpu.wait_dma2 semaphore(%run_scoped3A : memref<!tpu.dma_semaphore, #tpu.memory_space<semaphore_mem>>) src(%dma_wait3A_56 : memref<40x128xi32, #tpu.memory_space<hbm>>) dst(%dma_wait3A_54 : memref<40x128xi32, #tpu.memory_space<vmem>>)
        tpu.yield
      }) : () -> ()
      %scan3A_34 = arith.constant 0 : i32
      %scan3A_35 = arith.constant 8 : i32
      %scan3A_36 = arith.addi %scan3A_34, %scan3A_35 : i32
      %scan3A_37 = arith.constant 1 : i32
      scf.for %scan3A_39 = %scan3A_34 to %scan3A_36 step %scan3A_37  : i32 {
        %mul3A_40 = arith.constant 5 : i32
        %mul3A_41 = arith.muli %scan3A_39, %mul3A_40 : i32
        %add3A_42 = arith.constant 0 : i32
        %add3A_43 = arith.addi %add3A_42, %mul3A_41 : i32
        %add3A_44 = arith.constant 0 : i32
        %add3A_45 = arith.addi %add3A_43, %add3A_44 : i32
        %dma_start3A = arith.constant 0 : i32
        %dma_start3A_46 = tpu.memref_slice %arg6[%add3A_45, %dma_start3A] : memref<120x128xi32, #tpu.memory_space<vmem>> -> memref<1x128xi32, #tpu.memory_space<vmem>>
        %dma_start3A_47 = tpu.memref_squeeze %dma_start3A_46 : memref<1x128xi32, #tpu.memory_space<vmem>> -> memref<128xi32, #tpu.memory_space<vmem>>
        %dma_start3A_48 = arith.constant 0 : i32
        %dma_start3A_49 = arith.constant 0 : i32
        %dma_start3A_50 = tpu.memref_slice %arg2[%dma_start3A_48, %dma_start3A_49] : memref<10000x48xf32, #tpu.memory_space<hbm>> -> memref<10000x48xf32, #tpu.memory_space<hbm>>
        tpu.enqueue_indirect_dma source(%dma_start3A_50 : memref<10000x48xf32, #tpu.memory_space<hbm>>) target(%arg8 : memref<128x48xf32, #tpu.memory_space<vmem>>) offsets(%dma_start3A_47 : memref<128xi32, #tpu.memory_space<vmem>>) semaphore(%arg15 : memref<!tpu.dma_semaphore, #tpu.memory_space<semaphore_mem>>)
        %add3A_51 = arith.constant 1 : i32
        %add3A_52 = arith.addi %add3A_43, %add3A_51 : i32
        %dma_start3A_53 = arith.constant 0 : i32
        %dma_start3A_54 = tpu.memref_slice %arg6[%add3A_52, %dma_start3A_53] : memref<120x128xi32, #tpu.memory_space<vmem>> -> memref<1x128xi32, #tpu.memory_space<vmem>>
        %dma_start3A_55 = tpu.memref_squeeze %dma_start3A_54 : memref<1x128xi32, #tpu.memory_space<vmem>> -> memref<128xi32, #tpu.memory_space<vmem>>
        %dma_start3A_56 = arith.constant 0 : i32
        %dma_start3A_57 = arith.constant 0 : i32
        %dma_start3A_58 = tpu.memref_slice %arg2[%dma_start3A_56, %dma_start3A_57] : memref<10000x48xf32, #tpu.memory_space<hbm>> -> memref<10000x48xf32, #tpu.memory_space<hbm>>
        tpu.enqueue_indirect_dma source(%dma_start3A_58 : memref<10000x48xf32, #tpu.memory_space<hbm>>) target(%arg9 : memref<128x48xf32, #tpu.memory_space<vmem>>) offsets(%dma_start3A_55 : memref<128xi32, #tpu.memory_space<vmem>>) semaphore(%arg16 : memref<!tpu.dma_semaphore, #tpu.memory_space<semaphore_mem>>)
        %add3A_59 = arith.constant 2 : i32
        %add3A_60 = arith.addi %add3A_43, %add3A_59 : i32
        %dma_start3A_61 = arith.constant 0 : i32
        %dma_start3A_62 = tpu.memref_slice %arg6[%add3A_60, %dma_start3A_61] : memref<120x128xi32, #tpu.memory_space<vmem>> -> memref<1x128xi32, #tpu.memory_space<vmem>>
        %dma_start3A_63 = tpu.memref_squeeze %dma_start3A_62 : memref<1x128xi32, #tpu.memory_space<vmem>> -> memref<128xi32, #tpu.memory_space<vmem>>
        %dma_start3A_64 = arith.constant 0 : i32
        %dma_start3A_65 = arith.constant 0 : i32
        %dma_start3A_66 = tpu.memref_slice %arg2[%dma_start3A_64, %dma_start3A_65] : memref<10000x48xf32, #tpu.memory_space<hbm>> -> memref<10000x48xf32, #tpu.memory_space<hbm>>
        tpu.enqueue_indirect_dma source(%dma_start3A_66 : memref<10000x48xf32, #tpu.memory_space<hbm>>) target(%arg10 : memref<128x48xf32, #tpu.memory_space<vmem>>) offsets(%dma_start3A_63 : memref<128xi32, #tpu.memory_space<vmem>>) semaphore(%arg17 : memref<!tpu.dma_semaphore, #tpu.memory_space<semaphore_mem>>)
        %add3A_67 = arith.constant 3 : i32
        %add3A_68 = arith.addi %add3A_43, %add3A_67 : i32
        %dma_start3A_69 = arith.constant 0 : i32
        %dma_start3A_70 = tpu.memref_slice %arg6[%add3A_68, %dma_start3A_69] : memref<120x128xi32, #tpu.memory_space<vmem>> -> memref<1x128xi32, #tpu.memory_space<vmem>>
        %dma_start3A_71 = tpu.memref_squeeze %dma_start3A_70 : memref<1x128xi32, #tpu.memory_space<vmem>> -> memref<128xi32, #tpu.memory_space<vmem>>
        %dma_start3A_72 = arith.constant 0 : i32
        %dma_start3A_73 = arith.constant 0 : i32
        %dma_start3A_74 = tpu.memref_slice %arg2[%dma_start3A_72, %dma_start3A_73] : memref<10000x48xf32, #tpu.memory_space<hbm>> -> memref<10000x48xf32, #tpu.memory_space<hbm>>
        tpu.enqueue_indirect_dma source(%dma_start3A_74 : memref<10000x48xf32, #tpu.memory_space<hbm>>) target(%arg11 : memref<128x48xf32, #tpu.memory_space<vmem>>) offsets(%dma_start3A_71 : memref<128xi32, #tpu.memory_space<vmem>>) semaphore(%arg18 : memref<!tpu.dma_semaphore, #tpu.memory_space<semaphore_mem>>)
        %add3A_75 = arith.constant 4 : i32
        %add3A_76 = arith.addi %add3A_43, %add3A_75 : i32
        %dma_start3A_77 = arith.constant 0 : i32
        %dma_start3A_78 = tpu.memref_slice %arg6[%add3A_76, %dma_start3A_77] : memref<120x128xi32, #tpu.memory_space<vmem>> -> memref<1x128xi32, #tpu.memory_space<vmem>>
        %dma_start3A_79 = tpu.memref_squeeze %dma_start3A_78 : memref<1x128xi32, #tpu.memory_space<vmem>> -> memref<128xi32, #tpu.memory_space<vmem>>
        %dma_start3A_80 = arith.constant 0 : i32
        %dma_start3A_81 = arith.constant 0 : i32
        %dma_start3A_82 = tpu.memref_slice %arg2[%dma_start3A_80, %dma_start3A_81] : memref<10000x48xf32, #tpu.memory_space<hbm>> -> memref<10000x48xf32, #tpu.memory_space<hbm>>
        tpu.enqueue_indirect_dma source(%dma_start3A_82 : memref<10000x48xf32, #tpu.memory_space<hbm>>) target(%arg12 : memref<128x48xf32, #tpu.memory_space<vmem>>) offsets(%dma_start3A_79 : memref<128xi32, #tpu.memory_space<vmem>>) semaphore(%arg19 : memref<!tpu.dma_semaphore, #tpu.memory_space<semaphore_mem>>)
        %dma_wait3A = arith.constant 0 : i32
        %dma_wait3A_83 = tpu.memref_slice %arg6[%add3A_45, %dma_wait3A] : memref<120x128xi32, #tpu.memory_space<vmem>> -> memref<1x128xi32, #tpu.memory_space<vmem>>
        %dma_wait3A_84 = tpu.memref_squeeze %dma_wait3A_83 : memref<1x128xi32, #tpu.memory_space<vmem>> -> memref<128xi32, #tpu.memory_space<vmem>>
        %dma_wait3A_85 = arith.constant 0 : i32
        %dma_wait3A_86 = arith.constant 0 : i32
        %dma_wait3A_87 = tpu.memref_slice %arg2[%dma_wait3A_85, %dma_wait3A_86] : memref<10000x48xf32, #tpu.memory_space<hbm>> -> memref<10000x48xf32, #tpu.memory_space<hbm>>
        tpu.wait_indirect_dma semaphore(%arg15 : memref<!tpu.dma_semaphore, #tpu.memory_space<semaphore_mem>>) src(%dma_wait3A_87 : memref<10000x48xf32, #tpu.memory_space<hbm>>) dst(%arg8 : memref<128x48xf32, #tpu.memory_space<vmem>>)
        %add3A_88 = arith.constant 0 : i32
        %add3A_89 = arith.addi %add3A_43, %add3A_88 : i32
        %dma_start3A_90 = arith.constant 0 : i32
        %dma_start3A_91 = tpu.memref_slice %arg7[%add3A_89, %dma_start3A_90] : memref<120x128xi32, #tpu.memory_space<vmem>> -> memref<1x128xi32, #tpu.memory_space<vmem>>
        %dma_start3A_92 = tpu.memref_squeeze %dma_start3A_91 : memref<1x128xi32, #tpu.memory_space<vmem>> -> memref<128xi32, #tpu.memory_space<vmem>>
        %dma_start3A_93 = arith.constant 0 : i32
        %dma_start3A_94 = arith.constant 0 : i32
        %dma_start3A_95 = tpu.memref_slice %arg14[%dma_start3A_93, %dma_start3A_94] : memref<10240x48xf32, #tpu.memory_space<vmem_shared>> -> memref<10240x48xf32, #tpu.memory_space<vmem_shared>>
        tpu.enqueue_indirect_dma source(%arg8 : memref<128x48xf32, #tpu.memory_space<vmem>>) target(%dma_start3A_95 : memref<10240x48xf32, #tpu.memory_space<vmem_shared>>) offsets(%dma_start3A_92 : memref<128xi32, #tpu.memory_space<vmem>>) semaphore(%arg20 : memref<!tpu.dma_semaphore, #tpu.memory_space<semaphore_mem>>) {add = true}
        %dma_wait3A_96 = arith.constant 0 : i32
        %dma_wait3A_97 = tpu.memref_slice %arg6[%add3A_52, %dma_wait3A_96] : memref<120x128xi32, #tpu.memory_space<vmem>> -> memref<1x128xi32, #tpu.memory_space<vmem>>
        %dma_wait3A_98 = tpu.memref_squeeze %dma_wait3A_97 : memref<1x128xi32, #tpu.memory_space<vmem>> -> memref<128xi32, #tpu.memory_space<vmem>>
        %dma_wait3A_99 = arith.constant 0 : i32
        %dma_wait3A_100 = arith.constant 0 : i32
        %dma_wait3A_101 = tpu.memref_slice %arg2[%dma_wait3A_99, %dma_wait3A_100] : memref<10000x48xf32, #tpu.memory_space<hbm>> -> memref<10000x48xf32, #tpu.memory_space<hbm>>
        tpu.wait_indirect_dma semaphore(%arg16 : memref<!tpu.dma_semaphore, #tpu.memory_space<semaphore_mem>>) src(%dma_wait3A_101 : memref<10000x48xf32, #tpu.memory_space<hbm>>) dst(%arg9 : memref<128x48xf32, #tpu.memory_space<vmem>>)
        %add3A_102 = arith.constant 1 : i32
        %add3A_103 = arith.addi %add3A_43, %add3A_102 : i32
        %dma_start3A_104 = arith.constant 0 : i32
        %dma_start3A_105 = tpu.memref_slice %arg7[%add3A_103, %dma_start3A_104] : memref<120x128xi32, #tpu.memory_space<vmem>> -> memref<1x128xi32, #tpu.memory_space<vmem>>
        %dma_start3A_106 = tpu.memref_squeeze %dma_start3A_105 : memref<1x128xi32, #tpu.memory_space<vmem>> -> memref<128xi32, #tpu.memory_space<vmem>>
        %dma_start3A_107 = arith.constant 0 : i32
        %dma_start3A_108 = arith.constant 0 : i32
        %dma_start3A_109 = tpu.memref_slice %arg14[%dma_start3A_107, %dma_start3A_108] : memref<10240x48xf32, #tpu.memory_space<vmem_shared>> -> memref<10240x48xf32, #tpu.memory_space<vmem_shared>>
        tpu.enqueue_indirect_dma source(%arg9 : memref<128x48xf32, #tpu.memory_space<vmem>>) target(%dma_start3A_109 : memref<10240x48xf32, #tpu.memory_space<vmem_shared>>) offsets(%dma_start3A_106 : memref<128xi32, #tpu.memory_space<vmem>>) semaphore(%arg21 : memref<!tpu.dma_semaphore, #tpu.memory_space<semaphore_mem>>) {add = true}
        %dma_wait3A_110 = arith.constant 0 : i32
        %dma_wait3A_111 = tpu.memref_slice %arg6[%add3A_60, %dma_wait3A_110] : memref<120x128xi32, #tpu.memory_space<vmem>> -> memref<1x128xi32, #tpu.memory_space<vmem>>
        %dma_wait3A_112 = tpu.memref_squeeze %dma_wait3A_111 : memref<1x128xi32, #tpu.memory_space<vmem>> -> memref<128xi32, #tpu.memory_space<vmem>>
        %dma_wait3A_113 = arith.constant 0 : i32
        %dma_wait3A_114 = arith.constant 0 : i32
        %dma_wait3A_115 = tpu.memref_slice %arg2[%dma_wait3A_113, %dma_wait3A_114] : memref<10000x48xf32, #tpu.memory_space<hbm>> -> memref<10000x48xf32, #tpu.memory_space<hbm>>
        tpu.wait_indirect_dma semaphore(%arg17 : memref<!tpu.dma_semaphore, #tpu.memory_space<semaphore_mem>>) src(%dma_wait3A_115 : memref<10000x48xf32, #tpu.memory_space<hbm>>) dst(%arg10 : memref<128x48xf32, #tpu.memory_space<vmem>>)
        %add3A_116 = arith.constant 2 : i32
        %add3A_117 = arith.addi %add3A_43, %add3A_116 : i32
        %dma_start3A_118 = arith.constant 0 : i32
        %dma_start3A_119 = tpu.memref_slice %arg7[%add3A_117, %dma_start3A_118] : memref<120x128xi32, #tpu.memory_space<vmem>> -> memref<1x128xi32, #tpu.memory_space<vmem>>
        %dma_start3A_120 = tpu.memref_squeeze %dma_start3A_119 : memref<1x128xi32, #tpu.memory_space<vmem>> -> memref<128xi32, #tpu.memory_space<vmem>>
        %dma_start3A_121 = arith.constant 0 : i32
        %dma_start3A_122 = arith.constant 0 : i32
        %dma_start3A_123 = tpu.memref_slice %arg14[%dma_start3A_121, %dma_start3A_122] : memref<10240x48xf32, #tpu.memory_space<vmem_shared>> -> memref<10240x48xf32, #tpu.memory_space<vmem_shared>>
        tpu.enqueue_indirect_dma source(%arg10 : memref<128x48xf32, #tpu.memory_space<vmem>>) target(%dma_start3A_123 : memref<10240x48xf32, #tpu.memory_space<vmem_shared>>) offsets(%dma_start3A_120 : memref<128xi32, #tpu.memory_space<vmem>>) semaphore(%arg22 : memref<!tpu.dma_semaphore, #tpu.memory_space<semaphore_mem>>) {add = true}
        %dma_wait3A_124 = arith.constant 0 : i32
        %dma_wait3A_125 = tpu.memref_slice %arg6[%add3A_68, %dma_wait3A_124] : memref<120x128xi32, #tpu.memory_space<vmem>> -> memref<1x128xi32, #tpu.memory_space<vmem>>
        %dma_wait3A_126 = tpu.memref_squeeze %dma_wait3A_125 : memref<1x128xi32, #tpu.memory_space<vmem>> -> memref<128xi32, #tpu.memory_space<vmem>>
        %dma_wait3A_127 = arith.constant 0 : i32
        %dma_wait3A_128 = arith.constant 0 : i32
        %dma_wait3A_129 = tpu.memref_slice %arg2[%dma_wait3A_127, %dma_wait3A_128] : memref<10000x48xf32, #tpu.memory_space<hbm>> -> memref<10000x48xf32, #tpu.memory_space<hbm>>
        tpu.wait_indirect_dma semaphore(%arg18 : memref<!tpu.dma_semaphore, #tpu.memory_space<semaphore_mem>>) src(%dma_wait3A_129 : memref<10000x48xf32, #tpu.memory_space<hbm>>) dst(%arg11 : memref<128x48xf32, #tpu.memory_space<vmem>>)
        %add3A_130 = arith.constant 3 : i32
        %add3A_131 = arith.addi %add3A_43, %add3A_130 : i32
        %dma_start3A_132 = arith.constant 0 : i32
        %dma_start3A_133 = tpu.memref_slice %arg7[%add3A_131, %dma_start3A_132] : memref<120x128xi32, #tpu.memory_space<vmem>> -> memref<1x128xi32, #tpu.memory_space<vmem>>
        %dma_start3A_134 = tpu.memref_squeeze %dma_start3A_133 : memref<1x128xi32, #tpu.memory_space<vmem>> -> memref<128xi32, #tpu.memory_space<vmem>>
        %dma_start3A_135 = arith.constant 0 : i32
        %dma_start3A_136 = arith.constant 0 : i32
        %dma_start3A_137 = tpu.memref_slice %arg14[%dma_start3A_135, %dma_start3A_136] : memref<10240x48xf32, #tpu.memory_space<vmem_shared>> -> memref<10240x48xf32, #tpu.memory_space<vmem_shared>>
        tpu.enqueue_indirect_dma source(%arg11 : memref<128x48xf32, #tpu.memory_space<vmem>>) target(%dma_start3A_137 : memref<10240x48xf32, #tpu.memory_space<vmem_shared>>) offsets(%dma_start3A_134 : memref<128xi32, #tpu.memory_space<vmem>>) semaphore(%arg23 : memref<!tpu.dma_semaphore, #tpu.memory_space<semaphore_mem>>) {add = true}
        %dma_wait3A_138 = arith.constant 0 : i32
        %dma_wait3A_139 = tpu.memref_slice %arg6[%add3A_76, %dma_wait3A_138] : memref<120x128xi32, #tpu.memory_space<vmem>> -> memref<1x128xi32, #tpu.memory_space<vmem>>
        %dma_wait3A_140 = tpu.memref_squeeze %dma_wait3A_139 : memref<1x128xi32, #tpu.memory_space<vmem>> -> memref<128xi32, #tpu.memory_space<vmem>>
        %dma_wait3A_141 = arith.constant 0 : i32
        %dma_wait3A_142 = arith.constant 0 : i32
        %dma_wait3A_143 = tpu.memref_slice %arg2[%dma_wait3A_141, %dma_wait3A_142] : memref<10000x48xf32, #tpu.memory_space<hbm>> -> memref<10000x48xf32, #tpu.memory_space<hbm>>
        tpu.wait_indirect_dma semaphore(%arg19 : memref<!tpu.dma_semaphore, #tpu.memory_space<semaphore_mem>>) src(%dma_wait3A_143 : memref<10000x48xf32, #tpu.memory_space<hbm>>) dst(%arg12 : memref<128x48xf32, #tpu.memory_space<vmem>>)
        %add3A_144 = arith.constant 4 : i32
        %add3A_145 = arith.addi %add3A_43, %add3A_144 : i32
        %dma_start3A_146 = arith.constant 0 : i32
        %dma_start3A_147 = tpu.memref_slice %arg7[%add3A_145, %dma_start3A_146] : memref<120x128xi32, #tpu.memory_space<vmem>> -> memref<1x128xi32, #tpu.memory_space<vmem>>
        %dma_start3A_148 = tpu.memref_squeeze %dma_start3A_147 : memref<1x128xi32, #tpu.memory_space<vmem>> -> memref<128xi32, #tpu.memory_space<vmem>>
        %dma_start3A_149 = arith.constant 0 : i32
        %dma_start3A_150 = arith.constant 0 : i32
        %dma_start3A_151 = tpu.memref_slice %arg14[%dma_start3A_149, %dma_start3A_150] : memref<10240x48xf32, #tpu.memory_space<vmem_shared>> -> memref<10240x48xf32, #tpu.memory_space<vmem_shared>>
        tpu.enqueue_indirect_dma source(%arg12 : memref<128x48xf32, #tpu.memory_space<vmem>>) target(%dma_start3A_151 : memref<10240x48xf32, #tpu.memory_space<vmem_shared>>) offsets(%dma_start3A_148 : memref<128xi32, #tpu.memory_space<vmem>>) semaphore(%arg24 : memref<!tpu.dma_semaphore, #tpu.memory_space<semaphore_mem>>) {add = true}
        %dma_wait3A_152 = arith.constant 0 : i32
        %dma_wait3A_153 = tpu.memref_slice %arg7[%add3A_89, %dma_wait3A_152] : memref<120x128xi32, #tpu.memory_space<vmem>> -> memref<1x128xi32, #tpu.memory_space<vmem>>
        %dma_wait3A_154 = tpu.memref_squeeze %dma_wait3A_153 : memref<1x128xi32, #tpu.memory_space<vmem>> -> memref<128xi32, #tpu.memory_space<vmem>>
        %dma_wait3A_155 = arith.constant 0 : i32
        %dma_wait3A_156 = arith.constant 0 : i32
        %dma_wait3A_157 = tpu.memref_slice %arg14[%dma_wait3A_155, %dma_wait3A_156] : memref<10240x48xf32, #tpu.memory_space<vmem_shared>> -> memref<10240x48xf32, #tpu.memory_space<vmem_shared>>
        tpu.wait_indirect_dma semaphore(%arg20 : memref<!tpu.dma_semaphore, #tpu.memory_space<semaphore_mem>>) src(%arg8 : memref<128x48xf32, #tpu.memory_space<vmem>>) dst(%dma_wait3A_157 : memref<10240x48xf32, #tpu.memory_space<vmem_shared>>)
        %dma_wait3A_158 = arith.constant 0 : i32
        %dma_wait3A_159 = tpu.memref_slice %arg7[%add3A_103, %dma_wait3A_158] : memref<120x128xi32, #tpu.memory_space<vmem>> -> memref<1x128xi32, #tpu.memory_space<vmem>>
        %dma_wait3A_160 = tpu.memref_squeeze %dma_wait3A_159 : memref<1x128xi32, #tpu.memory_space<vmem>> -> memref<128xi32, #tpu.memory_space<vmem>>
        %dma_wait3A_161 = arith.constant 0 : i32
        %dma_wait3A_162 = arith.constant 0 : i32
        %dma_wait3A_163 = tpu.memref_slice %arg14[%dma_wait3A_161, %dma_wait3A_162] : memref<10240x48xf32, #tpu.memory_space<vmem_shared>> -> memref<10240x48xf32, #tpu.memory_space<vmem_shared>>
        tpu.wait_indirect_dma semaphore(%arg21 : memref<!tpu.dma_semaphore, #tpu.memory_space<semaphore_mem>>) src(%arg9 : memref<128x48xf32, #tpu.memory_space<vmem>>) dst(%dma_wait3A_163 : memref<10240x48xf32, #tpu.memory_space<vmem_shared>>)
        %dma_wait3A_164 = arith.constant 0 : i32
        %dma_wait3A_165 = tpu.memref_slice %arg7[%add3A_117, %dma_wait3A_164] : memref<120x128xi32, #tpu.memory_space<vmem>> -> memref<1x128xi32, #tpu.memory_space<vmem>>
        %dma_wait3A_166 = tpu.memref_squeeze %dma_wait3A_165 : memref<1x128xi32, #tpu.memory_space<vmem>> -> memref<128xi32, #tpu.memory_space<vmem>>
        %dma_wait3A_167 = arith.constant 0 : i32
        %dma_wait3A_168 = arith.constant 0 : i32
        %dma_wait3A_169 = tpu.memref_slice %arg14[%dma_wait3A_167, %dma_wait3A_168] : memref<10240x48xf32, #tpu.memory_space<vmem_shared>> -> memref<10240x48xf32, #tpu.memory_space<vmem_shared>>
        tpu.wait_indirect_dma semaphore(%arg22 : memref<!tpu.dma_semaphore, #tpu.memory_space<semaphore_mem>>) src(%arg10 : memref<128x48xf32, #tpu.memory_space<vmem>>) dst(%dma_wait3A_169 : memref<10240x48xf32, #tpu.memory_space<vmem_shared>>)
        %dma_wait3A_170 = arith.constant 0 : i32
        %dma_wait3A_171 = tpu.memref_slice %arg7[%add3A_131, %dma_wait3A_170] : memref<120x128xi32, #tpu.memory_space<vmem>> -> memref<1x128xi32, #tpu.memory_space<vmem>>
        %dma_wait3A_172 = tpu.memref_squeeze %dma_wait3A_171 : memref<1x128xi32, #tpu.memory_space<vmem>> -> memref<128xi32, #tpu.memory_space<vmem>>
        %dma_wait3A_173 = arith.constant 0 : i32
        %dma_wait3A_174 = arith.constant 0 : i32
        %dma_wait3A_175 = tpu.memref_slice %arg14[%dma_wait3A_173, %dma_wait3A_174] : memref<10240x48xf32, #tpu.memory_space<vmem_shared>> -> memref<10240x48xf32, #tpu.memory_space<vmem_shared>>
        tpu.wait_indirect_dma semaphore(%arg23 : memref<!tpu.dma_semaphore, #tpu.memory_space<semaphore_mem>>) src(%arg11 : memref<128x48xf32, #tpu.memory_space<vmem>>) dst(%dma_wait3A_175 : memref<10240x48xf32, #tpu.memory_space<vmem_shared>>)
        %dma_wait3A_176 = arith.constant 0 : i32
        %dma_wait3A_177 = tpu.memref_slice %arg7[%add3A_145, %dma_wait3A_176] : memref<120x128xi32, #tpu.memory_space<vmem>> -> memref<1x128xi32, #tpu.memory_space<vmem>>
        %dma_wait3A_178 = tpu.memref_squeeze %dma_wait3A_177 : memref<1x128xi32, #tpu.memory_space<vmem>> -> memref<128xi32, #tpu.memory_space<vmem>>
        %dma_wait3A_179 = arith.constant 0 : i32
        %dma_wait3A_180 = arith.constant 0 : i32
        %dma_wait3A_181 = tpu.memref_slice %arg14[%dma_wait3A_179, %dma_wait3A_180] : memref<10240x48xf32, #tpu.memory_space<vmem_shared>> -> memref<10240x48xf32, #tpu.memory_space<vmem_shared>>
        tpu.wait_indirect_dma semaphore(%arg24 : memref<!tpu.dma_semaphore, #tpu.memory_space<semaphore_mem>>) src(%arg12 : memref<128x48xf32, #tpu.memory_space<vmem>>) dst(%dma_wait3A_181 : memref<10240x48xf32, #tpu.memory_space<vmem_shared>>)
      }
      %scan3A_38 = arith.constant 8 : i32
    } else {
    }
    %barrier3A_25 = arith.constant 0 : index
    tpu.barrier barrier_id(%barrier3A_25)
    %mul3A_26 = arith.constant 640 : i32
    %mul3A_27 = arith.muli %arg1, %mul3A_26 : i32
    %mul3A_28 = arith.constant 640 : i32
    %mul3A_29 = arith.muli %arg1, %mul3A_28 : i32
    "tpu.region"() ({
      %run_scoped3A = tpu.sem_alloc : memref<!tpu.dma_semaphore, #tpu.memory_space<semaphore_mem>>
      %dma_start3A = arith.constant 0 : i32
      %dma_start3A_30 = arith.constant 0 : i32
      %dma_start3A_31 = tpu.memref_slice %arg5[%arg0, %dma_start3A, %dma_start3A_30] : memref<2x10240x48xf32, #tpu.memory_space<hbm>> -> memref<1x10240x48xf32, #tpu.memory_space<hbm>>
      %dma_start3A_32 = tpu.memref_squeeze %dma_start3A_31 : memref<1x10240x48xf32, #tpu.memory_space<hbm>> -> memref<10240x48xf32, #tpu.memory_space<hbm>>
      %dma_start3A_33 = arith.constant 0 : i32
      %dma_start3A_34 = tpu.memref_slice %dma_start3A_32[%mul3A_29, %dma_start3A_33] : memref<10240x48xf32, #tpu.memory_space<hbm>> -> memref<640x48xf32, #tpu.memory_space<hbm>>
      %dma_start3A_35 = arith.constant 0 : i32
      %dma_start3A_36 = tpu.memref_slice %arg14[%mul3A_27, %dma_start3A_35] : memref<10240x48xf32, #tpu.memory_space<vmem_shared>> -> memref<640x48xf32, #tpu.memory_space<vmem_shared>>
      tpu.enqueue_dma source(%dma_start3A_36 : memref<640x48xf32, #tpu.memory_space<vmem_shared>>) target(%dma_start3A_34 : memref<640x48xf32, #tpu.memory_space<hbm>>) target_semaphore(%run_scoped3A : memref<!tpu.dma_semaphore, #tpu.memory_space<semaphore_mem>>)
      %dma_wait3A = arith.constant 0 : i32
      %dma_wait3A_37 = arith.constant 0 : i32
      %dma_wait3A_38 = tpu.memref_slice %arg5[%arg0, %dma_wait3A, %dma_wait3A_37] : memref<2x10240x48xf32, #tpu.memory_space<hbm>> -> memref<1x10240x48xf32, #tpu.memory_space<hbm>>
      %dma_wait3A_39 = tpu.memref_squeeze %dma_wait3A_38 : memref<1x10240x48xf32, #tpu.memory_space<hbm>> -> memref<10240x48xf32, #tpu.memory_space<hbm>>
      %dma_wait3A_40 = arith.constant 0 : i32
      %dma_wait3A_41 = tpu.memref_slice %dma_wait3A_39[%mul3A_29, %dma_wait3A_40] : memref<10240x48xf32, #tpu.memory_space<hbm>> -> memref<640x48xf32, #tpu.memory_space<hbm>>
      %dma_wait3A_42 = arith.constant 0 : i32
      %dma_wait3A_43 = tpu.memref_slice %arg14[%mul3A_27, %dma_wait3A_42] : memref<10240x48xf32, #tpu.memory_space<vmem_shared>> -> memref<640x48xf32, #tpu.memory_space<vmem_shared>>
      tpu.wait_dma2 semaphore(%run_scoped3A : memref<!tpu.dma_semaphore, #tpu.memory_space<semaphore_mem>>) src(%dma_wait3A_43 : memref<640x48xf32, #tpu.memory_space<vmem_shared>>) dst(%dma_wait3A_41 : memref<640x48xf32, #tpu.memory_space<hbm>>)
      tpu.yield
    }) : () -> ()
    return
  }
}

module attributes {stable_mosaic.version = 14 : i64} {
  func.func @body(%arg0: memref<10000x128xf32, #tpu.memory_space<vmem>>, %arg1: memref<128x32xf32, #tpu.memory_space<vmem>>, %arg2: memref<10000x32xf32, #tpu.memory_space<vmem>>) attributes {dimension_semantics = [], scalar_prefetch = 0 : i64, scratch_operands = 0 : i64, tpu.core_type = #tpu.core_type<tc>} {
    %get3A = arith.constant 0 : index
    %get3A_0 = arith.constant 0 : index
    %get3A_1 = vector.load %arg0[%get3A, %get3A_0] : memref<10000x128xf32, #tpu.memory_space<vmem>>, vector<10000x128xf32>
    %get3A_2 = arith.constant 0 : index
    %get3A_3 = arith.constant 0 : index
    %get3A_4 = vector.load %arg1[%get3A_2, %get3A_3] : memref<128x32xf32, #tpu.memory_space<vmem>>, vector<128x32xf32>
    %dot_general3A = arith.constant dense<0.000000e+00> : vector<10000x32xf32>
    %dot_general3A_5 = tpu.matmul %get3A_1, %get3A_4, %dot_general3A {dimension_numbers = #tpu.dot_dimension_numbers<[1], [0], [0], [1], [0, 0, 1, 1], [], []>, transpose_lhs_hint = false} : vector<10000x128xf32>, vector<128x32xf32>, vector<10000x32xf32> -> vector<10000x32xf32>
    %swap3A = arith.constant 0 : index
    %swap3A_6 = arith.constant 0 : index
    %swap3A_7 = vector.load %arg2[%swap3A, %swap3A_6] : memref<10000x32xf32, #tpu.memory_space<vmem>>, vector<10000x32xf32>
    tpu.vector_store %arg2[%swap3A, %swap3A_6], %dot_general3A_5 {strides = array<i32>} : memref<10000x32xf32, #tpu.memory_space<vmem>>, vector<10000x32xf32>,
    return
  }
}

module attributes {stable_mosaic.version = 14 : i64} {
  func.func @body(%arg0: memref<10000x32xf32, #tpu.memory_space<vmem>>, %arg1: memref<2x10240x16xf32, #tpu.memory_space<vmem>>, %arg2: memref<10000x1xf32, #tpu.memory_space<vmem>>, %arg3: memref<10000x32xf32, #tpu.memory_space<vmem>>) attributes {dimension_semantics = [], scalar_prefetch = 0 : i64, scratch_operands = 0 : i64, tpu.core_type = #tpu.core_type<tc>} {
    %get3A = arith.constant 0 : index
    %get3A_0 = arith.constant 0 : index
    %get3A_1 = arith.constant 0 : index
    %get3A_2 = vector.load %arg1[%get3A, %get3A_0, %get3A_1] : memref<2x10240x16xf32, #tpu.memory_space<vmem>>, vector<1x10000x1xf32>
    %get3A_3 = vector.shape_cast %get3A_2 : vector<1x10000x1xf32> to vector<10000x1xf32>
    %get3A_4 = arith.constant 1 : index
    %get3A_5 = arith.constant 0 : index
    %get3A_6 = arith.constant 0 : index
    %get3A_7 = vector.load %arg1[%get3A_4, %get3A_5, %get3A_6] : memref<2x10240x16xf32, #tpu.memory_space<vmem>>, vector<1x10000x1xf32>
    %get3A_8 = vector.shape_cast %get3A_7 : vector<1x10000x1xf32> to vector<10000x1xf32>
    %add3A = arith.addf %get3A_3, %get3A_8 : vector<10000x1xf32>
    %add3A_9 = arith.constant 1.000000e+00 : f32
    %add3A_10 = vector.broadcast %add3A_9 : f32 to vector<10000x1xf32>
    %add3A_11 = arith.addf %add3A, %add3A_10 : vector<10000x1xf32>
    %rsqrt3A = math.rsqrt %add3A_11 : vector<10000x1xf32>
    %swap3A = arith.constant 0 : index
    %swap3A_12 = arith.constant 0 : index
    %swap3A_13 = vector.load %arg2[%swap3A, %swap3A_12] : memref<10000x1xf32, #tpu.memory_space<vmem>>, vector<10000x1xf32>
    tpu.vector_store %arg2[%swap3A, %swap3A_12], %rsqrt3A {strides = array<i32>} : memref<10000x1xf32, #tpu.memory_space<vmem>>, vector<10000x1xf32>,
    %get3A_14 = arith.constant 0 : index
    %get3A_15 = arith.constant 0 : index
    %get3A_16 = vector.load %arg0[%get3A_14, %get3A_15] : memref<10000x32xf32, #tpu.memory_space<vmem>>, vector<10000x32xf32>
    %mul3A = vector.broadcast %rsqrt3A : vector<10000x1xf32> to vector<10000x32xf32>
    %mul3A_17 = arith.mulf %get3A_16, %mul3A : vector<10000x32xf32>
    %swap3A_18 = arith.constant 0 : index
    %swap3A_19 = arith.constant 0 : index
    %swap3A_20 = vector.load %arg3[%swap3A_18, %swap3A_19] : memref<10000x32xf32, #tpu.memory_space<vmem>>, vector<10000x32xf32>
    tpu.vector_store %arg3[%swap3A_18, %swap3A_19], %mul3A_17 {strides = array<i32>} : memref<10000x32xf32, #tpu.memory_space<vmem>>, vector<10000x32xf32>,
    return
  }
}

module attributes {stable_mosaic.version = 14 : i64} {
  func.func @body(%arg0: memref<2x10240x32xf32, #tpu.memory_space<vmem>>, %arg1: memref<10000x32xf32, #tpu.memory_space<vmem>>, %arg2: memref<10000x1xf32, #tpu.memory_space<vmem>>, %arg3: memref<1x32xf32, #tpu.memory_space<vmem>>, %arg4: memref<32x48xf32, #tpu.memory_space<vmem>>, %arg5: memref<10000x48xf32, #tpu.memory_space<vmem>>) attributes {dimension_semantics = [], scalar_prefetch = 0 : i64, scratch_operands = 0 : i64, tpu.core_type = #tpu.core_type<tc>} {
    %get3A = arith.constant 0 : index
    %get3A_0 = arith.constant 0 : index
    %get3A_1 = vector.load %arg2[%get3A, %get3A_0] : memref<10000x1xf32, #tpu.memory_space<vmem>>, vector<10000x1xf32>
    %get3A_2 = arith.constant 0 : index
    %get3A_3 = arith.constant 0 : index
    %get3A_4 = arith.constant 0 : index
    %get3A_5 = vector.load %arg0[%get3A_2, %get3A_3, %get3A_4] : memref<2x10240x32xf32, #tpu.memory_space<vmem>>, vector<1x10000x32xf32>
    %get3A_6 = vector.shape_cast %get3A_5 : vector<1x10000x32xf32> to vector<10000x32xf32>
    %get3A_7 = arith.constant 1 : index
    %get3A_8 = arith.constant 0 : index
    %get3A_9 = arith.constant 0 : index
    %get3A_10 = vector.load %arg0[%get3A_7, %get3A_8, %get3A_9] : memref<2x10240x32xf32, #tpu.memory_space<vmem>>, vector<1x10000x32xf32>
    %get3A_11 = vector.shape_cast %get3A_10 : vector<1x10000x32xf32> to vector<10000x32xf32>
    %add3A = arith.addf %get3A_6, %get3A_11 : vector<10000x32xf32>
    %get3A_12 = arith.constant 0 : index
    %get3A_13 = arith.constant 0 : index
    %get3A_14 = vector.load %arg1[%get3A_12, %get3A_13] : memref<10000x32xf32, #tpu.memory_space<vmem>>, vector<10000x32xf32>
    %add3A_15 = arith.addf %add3A, %get3A_14 : vector<10000x32xf32>
    %mul3A = vector.broadcast %get3A_1 : vector<10000x1xf32> to vector<10000x32xf32>
    %mul3A_16 = arith.mulf %add3A_15, %mul3A : vector<10000x32xf32>
    %get3A_17 = arith.constant 0 : index
    %get3A_18 = arith.constant 0 : index
    %get3A_19 = vector.load %arg3[%get3A_17, %get3A_18] : memref<1x32xf32, #tpu.memory_space<vmem>>, vector<1x32xf32>
    %add3A_20 = vector.broadcast %get3A_19 : vector<1x32xf32> to vector<10000x32xf32>
    %add3A_21 = arith.addf %mul3A_16, %add3A_20 : vector<10000x32xf32>
    %max3A = arith.constant 0.000000e+00 : f32
    %max3A_22 = vector.broadcast %max3A : f32 to vector<10000x32xf32>
    %max3A_23 = arith.maximumf %add3A_21, %max3A_22 : vector<10000x32xf32>
    %get3A_24 = arith.constant 0 : index
    %get3A_25 = arith.constant 0 : index
    %get3A_26 = vector.load %arg4[%get3A_24, %get3A_25] : memref<32x48xf32, #tpu.memory_space<vmem>>, vector<32x48xf32>
    %dot_general3A = arith.constant dense<0.000000e+00> : vector<10000x48xf32>
    %dot_general3A_27 = tpu.matmul %max3A_23, %get3A_26, %dot_general3A {dimension_numbers = #tpu.dot_dimension_numbers<[1], [0], [0], [1], [0, 0, 1, 1], [], []>, transpose_lhs_hint = false} : vector<10000x32xf32>, vector<32x48xf32>, vector<10000x48xf32> -> vector<10000x48xf32>
    %mul3A_28 = vector.broadcast %get3A_1 : vector<10000x1xf32> to vector<10000x48xf32>
    %mul3A_29 = arith.mulf %dot_general3A_27, %mul3A_28 : vector<10000x48xf32>
    %swap3A = arith.constant 0 : index
    %swap3A_30 = arith.constant 0 : index
    %swap3A_31 = vector.load %arg5[%swap3A, %swap3A_30] : memref<10000x48xf32, #tpu.memory_space<vmem>>, vector<10000x48xf32>
    tpu.vector_store %arg5[%swap3A, %swap3A_30], %mul3A_29 {strides = array<i32>} : memref<10000x48xf32, #tpu.memory_space<vmem>>, vector<10000x48xf32>,
    return
  }
}

module attributes {stable_mosaic.version = 14 : i64} {
  func.func @body(%arg0: memref<2x10240x48xf32, #tpu.memory_space<vmem>>, %arg1: memref<10000x48xf32, #tpu.memory_space<vmem>>, %arg2: memref<10000x1xf32, #tpu.memory_space<vmem>>, %arg3: memref<1x48xf32, #tpu.memory_space<vmem>>, %arg4: memref<48x64xf32, #tpu.memory_space<vmem>>, %arg5: memref<10000x64xf32, #tpu.memory_space<vmem>>) attributes {dimension_semantics = [], scalar_prefetch = 0 : i64, scratch_operands = 0 : i64, tpu.core_type = #tpu.core_type<tc>} {
    %get3A = arith.constant 0 : index
    %get3A_0 = arith.constant 0 : index
    %get3A_1 = vector.load %arg2[%get3A, %get3A_0] : memref<10000x1xf32, #tpu.memory_space<vmem>>, vector<10000x1xf32>
    %get3A_2 = arith.constant 0 : index
    %get3A_3 = arith.constant 0 : index
    %get3A_4 = arith.constant 0 : index
    %get3A_5 = vector.load %arg0[%get3A_2, %get3A_3, %get3A_4] : memref<2x10240x48xf32, #tpu.memory_space<vmem>>, vector<1x10000x48xf32>
    %get3A_6 = vector.shape_cast %get3A_5 : vector<1x10000x48xf32> to vector<10000x48xf32>
    %get3A_7 = arith.constant 1 : index
    %get3A_8 = arith.constant 0 : index
    %get3A_9 = arith.constant 0 : index
    %get3A_10 = vector.load %arg0[%get3A_7, %get3A_8, %get3A_9] : memref<2x10240x48xf32, #tpu.memory_space<vmem>>, vector<1x10000x48xf32>
    %get3A_11 = vector.shape_cast %get3A_10 : vector<1x10000x48xf32> to vector<10000x48xf32>
    %add3A = arith.addf %get3A_6, %get3A_11 : vector<10000x48xf32>
    %get3A_12 = arith.constant 0 : index
    %get3A_13 = arith.constant 0 : index
    %get3A_14 = vector.load %arg1[%get3A_12, %get3A_13] : memref<10000x48xf32, #tpu.memory_space<vmem>>, vector<10000x48xf32>
    %add3A_15 = arith.addf %add3A, %get3A_14 : vector<10000x48xf32>
    %mul3A = vector.broadcast %get3A_1 : vector<10000x1xf32> to vector<10000x48xf32>
    %mul3A_16 = arith.mulf %add3A_15, %mul3A : vector<10000x48xf32>
    %get3A_17 = arith.constant 0 : index
    %get3A_18 = arith.constant 0 : index
    %get3A_19 = vector.load %arg3[%get3A_17, %get3A_18] : memref<1x48xf32, #tpu.memory_space<vmem>>, vector<1x48xf32>
    %add3A_20 = vector.broadcast %get3A_19 : vector<1x48xf32> to vector<10000x48xf32>
    %add3A_21 = arith.addf %mul3A_16, %add3A_20 : vector<10000x48xf32>
    %max3A = arith.constant 0.000000e+00 : f32
    %max3A_22 = vector.broadcast %max3A : f32 to vector<10000x48xf32>
    %max3A_23 = arith.maximumf %add3A_21, %max3A_22 : vector<10000x48xf32>
    %get3A_24 = arith.constant 0 : index
    %get3A_25 = arith.constant 0 : index
    %get3A_26 = vector.load %arg4[%get3A_24, %get3A_25] : memref<48x64xf32, #tpu.memory_space<vmem>>, vector<48x64xf32>
    %dot_general3A = arith.constant dense<0.000000e+00> : vector<10000x64xf32>
    %dot_general3A_27 = tpu.matmul %max3A_23, %get3A_26, %dot_general3A {dimension_numbers = #tpu.dot_dimension_numbers<[1], [0], [0], [1], [0, 0, 1, 1], [], []>, transpose_lhs_hint = false} : vector<10000x48xf32>, vector<48x64xf32>, vector<10000x64xf32> -> vector<10000x64xf32>
    %mul3A_28 = vector.broadcast %get3A_1 : vector<10000x1xf32> to vector<10000x64xf32>
    %mul3A_29 = arith.mulf %dot_general3A_27, %mul3A_28 : vector<10000x64xf32>
    %swap3A = arith.constant 0 : index
    %swap3A_30 = arith.constant 0 : index
    %swap3A_31 = vector.load %arg5[%swap3A, %swap3A_30] : memref<10000x64xf32, #tpu.memory_space<vmem>>, vector<10000x64xf32>
    tpu.vector_store %arg5[%swap3A, %swap3A_30], %mul3A_29 {strides = array<i32>} : memref<10000x64xf32, #tpu.memory_space<vmem>>, vector<10000x64xf32>,
    return
  }
}

module attributes {stable_mosaic.version = 14 : i64} {
  func.func @body(%arg0: memref<2x10240x64xf32, #tpu.memory_space<vmem>>, %arg1: memref<10000x64xf32, #tpu.memory_space<vmem>>, %arg2: memref<10000x1xf32, #tpu.memory_space<vmem>>, %arg3: memref<1x64xf32, #tpu.memory_space<vmem>>, %arg4: memref<1x10000xi32, #tpu.memory_space<vmem>>, %arg5: memref<64x32xf32, #tpu.memory_space<vmem>>, %arg6: memref<1x32xf32, #tpu.memory_space<vmem>>, %arg7: memref<32x2xf32, #tpu.memory_space<vmem>>, %arg8: memref<1x2xf32, #tpu.memory_space<vmem>>, %arg9: memref<128x2xf32, #tpu.memory_space<vmem>>) attributes {dimension_semantics = [], scalar_prefetch = 0 : i64, scratch_operands = 0 : i64, tpu.core_type = #tpu.core_type<tc>} {
    %get3A = arith.constant 0 : index
    %get3A_0 = arith.constant 0 : index
    %get3A_1 = vector.load %arg2[%get3A, %get3A_0] : memref<10000x1xf32, #tpu.memory_space<vmem>>, vector<10000x1xf32>
    %get3A_2 = arith.constant 0 : index
    %get3A_3 = arith.constant 0 : index
    %get3A_4 = arith.constant 0 : index
    %get3A_5 = vector.load %arg0[%get3A_2, %get3A_3, %get3A_4] : memref<2x10240x64xf32, #tpu.memory_space<vmem>>, vector<1x10000x64xf32>
    %get3A_6 = vector.shape_cast %get3A_5 : vector<1x10000x64xf32> to vector<10000x64xf32>
    %get3A_7 = arith.constant 1 : index
    %get3A_8 = arith.constant 0 : index
    %get3A_9 = arith.constant 0 : index
    %get3A_10 = vector.load %arg0[%get3A_7, %get3A_8, %get3A_9] : memref<2x10240x64xf32, #tpu.memory_space<vmem>>, vector<1x10000x64xf32>
    %get3A_11 = vector.shape_cast %get3A_10 : vector<1x10000x64xf32> to vector<10000x64xf32>
    %add3A = arith.addf %get3A_6, %get3A_11 : vector<10000x64xf32>
    %get3A_12 = arith.constant 0 : index
    %get3A_13 = arith.constant 0 : index
    %get3A_14 = vector.load %arg1[%get3A_12, %get3A_13] : memref<10000x64xf32, #tpu.memory_space<vmem>>, vector<10000x64xf32>
    %add3A_15 = arith.addf %add3A, %get3A_14 : vector<10000x64xf32>
    %mul3A = vector.broadcast %get3A_1 : vector<10000x1xf32> to vector<10000x64xf32>
    %mul3A_16 = arith.mulf %add3A_15, %mul3A : vector<10000x64xf32>
    %get3A_17 = arith.constant 0 : index
    %get3A_18 = arith.constant 0 : index
    %get3A_19 = vector.load %arg3[%get3A_17, %get3A_18] : memref<1x64xf32, #tpu.memory_space<vmem>>, vector<1x64xf32>
    %add3A_20 = vector.broadcast %get3A_19 : vector<1x64xf32> to vector<10000x64xf32>
    %add3A_21 = arith.addf %mul3A_16, %add3A_20 : vector<10000x64xf32>
    %max3A = arith.constant 0.000000e+00 : f32
    %max3A_22 = vector.broadcast %max3A : f32 to vector<10000x64xf32>
    %max3A_23 = arith.maximumf %add3A_21, %max3A_22 : vector<10000x64xf32>
    %iota3A = tpu.iota {dimensions = array<i32: 0>} : vector<128x10000xi32>
    %get3A_24 = arith.constant 0 : index
    %get3A_25 = arith.constant 0 : index
    %get3A_26 = vector.load %arg4[%get3A_24, %get3A_25] : memref<1x10000xi32, #tpu.memory_space<vmem>>, vector<1x10000xi32>
    %eq3A = vector.broadcast %get3A_26 : vector<1x10000xi32> to vector<128x10000xi32>
    %eq3A_27 = arith.cmpi eq, %iota3A, %eq3A : vector<128x10000xi32>
    %convert_element_type3A = arith.extui %eq3A_27 : vector<128x10000xi1> to vector<128x10000xi32>
    %convert_element_type3A_28 = arith.sitofp %convert_element_type3A : vector<128x10000xi32> to vector<128x10000xf32>
    %dot_general3A = arith.constant dense<0.000000e+00> : vector<128x64xf32>
    %dot_general3A_29 = tpu.matmul %convert_element_type3A_28, %max3A_23, %dot_general3A {dimension_numbers = #tpu.dot_dimension_numbers<[1], [0], [0], [1], [0, 0, 1, 1], [], []>, transpose_lhs_hint = false} : vector<128x10000xf32>, vector<10000x64xf32>, vector<128x64xf32> -> vector<128x64xf32>
    %reduce_sum3A = arith.constant dense<0.000000e+00> : vector<128xf32>
    %reduce_sum3A_30 = vector.multi_reduction <add>, %convert_element_type3A_28, %reduce_sum3A [1] : vector<128x10000xf32> to vector<128xf32>
    %broadcast_in_dim3A = vector.shape_cast %reduce_sum3A_30 : vector<128xf32> to vector<128x1xf32>
    %max3A_31 = arith.constant 1.000000e+00 : f32
    %max3A_32 = vector.broadcast %max3A_31 : f32 to vector<128x1xf32>
    %max3A_33 = arith.maximumf %broadcast_in_dim3A, %max3A_32 : vector<128x1xf32>
    %div3A = vector.broadcast %max3A_33 : vector<128x1xf32> to vector<128x64xf32>
    %div3A_34 = arith.divf %dot_general3A_29, %div3A : vector<128x64xf32>
    %get3A_35 = arith.constant 0 : index
    %get3A_36 = arith.constant 0 : index
    %get3A_37 = vector.load %arg5[%get3A_35, %get3A_36] : memref<64x32xf32, #tpu.memory_space<vmem>>, vector<64x32xf32>
    %dot_general3A_38 = arith.constant dense<0.000000e+00> : vector<128x32xf32>
    %dot_general3A_39 = tpu.matmul %div3A_34, %get3A_37, %dot_general3A_38 {dimension_numbers = #tpu.dot_dimension_numbers<[1], [0], [0], [1], [0, 0, 1, 1], [], []>, transpose_lhs_hint = false} : vector<128x64xf32>, vector<64x32xf32>, vector<128x32xf32> -> vector<128x32xf32>
    %get3A_40 = arith.constant 0 : index
    %get3A_41 = arith.constant 0 : index
    %get3A_42 = vector.load %arg6[%get3A_40, %get3A_41] : memref<1x32xf32, #tpu.memory_space<vmem>>, vector<1x32xf32>
    %add3A_43 = vector.broadcast %get3A_42 : vector<1x32xf32> to vector<128x32xf32>
    %add3A_44 = arith.addf %dot_general3A_39, %add3A_43 : vector<128x32xf32>
    %max3A_45 = arith.constant 0.000000e+00 : f32
    %max3A_46 = vector.broadcast %max3A_45 : f32 to vector<128x32xf32>
    %max3A_47 = arith.maximumf %add3A_44, %max3A_46 : vector<128x32xf32>
    %get3A_48 = arith.constant 0 : index
    %get3A_49 = arith.constant 0 : index
    %get3A_50 = vector.load %arg7[%get3A_48, %get3A_49] : memref<32x2xf32, #tpu.memory_space<vmem>>, vector<32x2xf32>
    %dot_general3A_51 = arith.constant dense<0.000000e+00> : vector<128x2xf32>
    %dot_general3A_52 = tpu.matmul %max3A_47, %get3A_50, %dot_general3A_51 {dimension_numbers = #tpu.dot_dimension_numbers<[1], [0], [0], [1], [0, 0, 1, 1], [], []>, transpose_lhs_hint = false} : vector<128x32xf32>, vector<32x2xf32>, vector<128x2xf32> -> vector<128x2xf32>
    %get3A_53 = arith.constant 0 : index
    %get3A_54 = arith.constant 0 : index
    %get3A_55 = vector.load %arg8[%get3A_53, %get3A_54] : memref<1x2xf32, #tpu.memory_space<vmem>>, vector<1x2xf32>
    %add3A_56 = vector.broadcast %get3A_55 : vector<1x2xf32> to vector<128x2xf32>
    %add3A_57 = arith.addf %dot_general3A_52, %add3A_56 : vector<128x2xf32>
    %reduce_max3A = arith.constant dense<0xFF800000> : vector<128xf32>
    %reduce_max3A_58 = vector.multi_reduction <maximumf>, %add3A_57, %reduce_max3A [1] : vector<128x2xf32> to vector<128xf32>
    %broadcast_in_dim3A_59 = vector.shape_cast %reduce_max3A_58 : vector<128xf32> to vector<128x1xf32>
    %sub3A = vector.broadcast %broadcast_in_dim3A_59 : vector<128x1xf32> to vector<128x2xf32>
    %sub3A_60 = arith.subf %add3A_57, %sub3A : vector<128x2xf32>
    %exp3A = math.exp %sub3A_60 : vector<128x2xf32>
    %reduce_sum3A_61 = arith.constant dense<0.000000e+00> : vector<128xf32>
    %reduce_sum3A_62 = vector.multi_reduction <add>, %exp3A, %reduce_sum3A_61 [1] : vector<128x2xf32> to vector<128xf32>
    %broadcast_in_dim3A_63 = vector.shape_cast %reduce_sum3A_62 : vector<128xf32> to vector<128x1xf32>
    %div3A_64 = vector.broadcast %broadcast_in_dim3A_63 : vector<128x1xf32> to vector<128x2xf32>
    %div3A_65 = arith.divf %exp3A, %div3A_64 : vector<128x2xf32>
    %swap3A = arith.constant 0 : index
    %swap3A_66 = arith.constant 0 : index
    %swap3A_67 = vector.load %arg9[%swap3A, %swap3A_66] : memref<128x2xf32, #tpu.memory_space<vmem>>, vector<128x2xf32>
    tpu.vector_store %arg9[%swap3A, %swap3A_66], %div3A_65 {strides = array<i32>} : memref<128x2xf32, #tpu.memory_space<vmem>>, vector<128x2xf32>,
    return
  }
}

</mosaic_0001>

<sc_bundles>
// kernel: kernel.11.cloned.1.call-start
scs
__scs_entry_jumppad:
0x0: {  	(pc) =	sbr.rel $0x88, $3  }
0x1: {  	(tag) =	ssettag $0x0;
	lr =	simm.s32 $0x1  }
0x2: {  	[smem:$0x3F94] =	sst lr;
	_ =	strace $0xD0000000  }
0x3: {  	_ = 	snop  }
0x4: {  	_ = 	snop  }
0x5: {  	_ = 	snop  }
0x6: {  	_ = 	snop  }
0x7: {  	_ = 	snop  }
__scs_overlays_trampoline_lowered:
0x8: {  	[smem:$0x3FA3] =	sst s0  }
0x9: {  	[smem:$0x3FA4] =	sst s1  }
0xa: {  	[smem:$0x3FA5] =	sst s2  }
0xb: {  	[smem:$0x3FA6] =	sst s3  }
0xc: {  	[smem:$0x3FA7] =	sst s4  }
0xd: {  	[smem:$0x3FA8] =	sst s5  }
0xe: {  	[smem:$0x3FA9] =	sst s6  }
0xf: {  	[smem:$0x3FAA] =	sst s7  }
0x10: {  	[smem:$0x3FAB] =	sst s8  }
0x11: {  	[smem:$0x3FAC] =	sst s9;
	s0 =	simm.s32 @!p0 $0x0  }
0x12: {  	s1 =	sld [smem:$0x3F92];
	s0 =	simm.s32 @p0 $0x1  }
0x13: {  	[smem:$0x3FAD] =	sst s0;
	s0 =	simm.s32 @!p1 $0x0  }
0x14: {  	s2 =	sld [smem:$0x3F91];
	s0 =	simm.s32 @p1 $0x1  }
0x15: {  	[smem:$0x3FAE] =	sst s0;
	s0 =	simm.s32 @!p2 $0x0  }
0x16: {  	s3 =	sld [smem:$0x3FDB];
	s0 =	simm.s32 @p2 $0x1  }
0x17: {  	s4 =	simm.s32 $0x1BF5;
	[smem:$0x3FB0] =	sst s0  }
0x18: {  	s0 =	sld [smem:$0x3F93];
	_ =	swait.ge [sflag:s4], $0x0  }
0x19: {  	s7 =	sld [smem:$0x3F94]  }
0x1a: {  	s8 =	sadd.s32 $0xFFFFE003, lr  }
0x1b: {  	s9 =	sadd.s32 $0xFFFFFEF7, lr;
	s5 =	simm.s32 $0xFFFFFFFF;
	p2 =	slt.u32 s8, $0xFFFFF086  }
0x1c: {  	p1 =	slt.u32 s9, $0xF7A;
	s5 =	simm.s32 @!p2 $0x0  }
0x1d: {  	s5 =	simm.s32 @p1 $0x1;
	p0 =	seq.s32 s7, s2  }
0x1e: {  	s7 =	smul.u32 @!p0 $0xF7A, s2;
	p2 =	seq.s32 @!p0 s5, $0x0  }
0x1f: {  	s9 =	smul.u32 $0xF7A, s1;
	s8 =	simm.s32 @!p0 $0x1BF5;
	p2 =	por !p2, p0  }
0x20: {  	[sflag:s8] =	ssyncset.s32 @!p0 $0xFFFFF086;
	s6 =	sadd.s32 @!p0 s3, s7;
	s7 =	simm.s32 @!p0 $0x108  }
0x21: {  	s3 =	sadd.s32 s3, s9;
	s6 =	sadd.s32 @!p0 $0x88, s6;
	s7 =	simm.s32 @p2 $0x1082  }
0x22: {  	[simem:s7], [sflag:s8] =	dma.local @!p0 [hbm:s6], $0xF7A  }
0x23: {  	s9 =	sor.u32 $0xD0000000, s2;
	s6 =	simm.s32 $0x108;
	_ =	swait.ge @!p0 [sflag:s8], $0x0  }
0x24: {  	s3 =	sadd.s32 $0x88, s3;
	s6 =	simm.s32 @!p1 $0x1082;
	[sflag:s4] =	ssyncset.s32 $0xFFFFF086  }
0x25: {  	[simem:s6], [sflag:s4] =	dma.local [hbm:s3], $0xF7A  }
0x26: {  	[smem:$0x3F94] =	sst s1;
	(tag) =	ssettag s2;
	_ =	strace s9  }
0x27: {  	s1 =	sld [smem:$0x3FA4]  }
0x28: {  	s2 =	sld [smem:$0x3FA5]  }
0x29: {  	s4 =	sld [smem:$0x3FA7]  }
0x2a: {  	p0 =	seq.s32 s5, $0x0;
	s5 =	sld [smem:$0x3FA8]  }
0x2b: {  	s6 =	sld [smem:$0x3FA9]  }
0x2c: {  	s7 =	sld [smem:$0x3FAA]  }
0x2d: {  	s3 =	simm.s32 $0x108;
	s8 =	sld [smem:$0x3FAB]  }
0x2e: {  	s3 =	simm.s32 @!p0 $0x1082;
	s9 =	sld [smem:$0x3FAC]  }
0x2f: {  	lr =	sadd.s32 s0, s3;
	s0 =	sld [smem:$0x3FA3]  }
0x30: {  	s3 =	sld [smem:$0x3FA6]  }
0x31: {  	[smem:$0x3FAF] =	sst s10  }
0x32: {  	s10 =	sld [smem:$0x3FAD];
	_ =	sdelay $0x3  }
0x33: {  	p0 =	seq.s32 s10, $0x1;
	s10 =	sld [smem:$0x3FAF];
	_ =	sdelay $0x3  }
0x34: {  	[smem:$0x3FAF] =	sst s10  }
0x35: {  	s10 =	sld [smem:$0x3FAE];
	_ =	sdelay $0x3  }
0x36: {  	p1 =	seq.s32 s10, $0x1;
	s10 =	sld [smem:$0x3FAF];
	_ =	sdelay $0x3  }
0x37: {  	[smem:$0x3FAF] =	sst s10  }
0x38: {  	s10 =	sld [smem:$0x3FB0]  }
0x39: {  	_ = 	snop;
	(pc) =	sbr.ind lr, $3  }
0x3a: {  	_ = 	snop  }
0x3b: {  	_ = 	snop  }
0x3c: {  	p2 =	seq.s32 s10, $0x1;
	s10 =	sld [smem:$0x3FAF]  }
0x3d: {  	_ =	shalt  }
0x3e: {  	_ =	shalt  }
0x3f: {  	_ =	shalt  }
0x40: {  	_ =	shalt  }
0x41: {  	_ =	shalt  }
0x42: {  	_ =	shalt  }
0x43: {  	_ =	shalt  }
0x44: {  	_ =	shalt  }
0x45: {  	_ =	shalt  }
0x46: {  	_ =	shalt  }
0x47: {  	_ =	shalt  }
0x48: {  	_ =	shalt  }
0x49: {  	_ =	shalt  }
0x4a: {  	_ =	shalt  }
0x4b: {  	_ =	shalt  }
0x4c: {  	_ =	shalt  }
0x4d: {  	_ =	shalt  }
0x4e: {  	_ =	shalt  }
0x4f: {  	_ =	shalt  }
0x50: {  	_ =	shalt  }
0x51: {  	_ =	shalt  }
0x52: {  	_ =	shalt  }
0x53: {  	_ =	shalt  }
0x54: {  	_ =	shalt  }
0x55: {  	_ =	shalt  }
0x56: {  	_ =	shalt  }
0x57: {  	_ =	shalt  }
0x58: {  	_ =	shalt  }
0x59: {  	_ =	shalt  }
0x5a: {  	_ =	shalt  }
0x5b: {  	_ =	shalt  }
0x5c: {  	_ =	shalt  }
0x5d: {  	_ =	shalt  }
0x5e: {  	_ =	shalt  }
0x5f: {  	_ =	shalt  }
0x60: {  	_ =	shalt  }
0x61: {  	_ =	shalt  }
0x62: {  	_ =	shalt  }
0x63: {  	_ =	shalt  }
0x64: {  	_ =	shalt  }
0x65: {  	_ =	shalt  }
0x66: {  	_ =	shalt  }
0x67: {  	_ =	shalt  }
0x68: {  	_ =	shalt  }
0x69: {  	_ =	shalt  }
0x6a: {  	_ =	shalt  }
0x6b: {  	_ =	shalt  }
0x6c: {  	_ =	shalt  }
0x6d: {  	_ =	shalt  }
0x6e: {  	_ =	shalt  }
0x6f: {  	_ =	shalt  }
0x70: {  	_ =	shalt  }
0x71: {  	_ =	shalt  }
0x72: {  	_ =	shalt  }
0x73: {  	_ =	shalt  }
0x74: {  	_ =	shalt  }
0x75: {  	_ =	shalt  }
0x76: {  	_ =	shalt  }
0x77: {  	_ =	shalt  }
0x78: {  	_ =	shalt  }
0x79: {  	_ =	shalt  }
0x7a: {  	_ =	shalt  }
0x7b: {  	_ =	shalt  }
0x7c: {  	_ =	shalt  }
0x7d: {  	_ =	shalt  }
0x7e: {  	_ =	shalt  }
0x7f: {  	_ =	shalt  }
0x80: {  	_ =	shalt  }
0x81: {  	_ =	shalt  }
0x82: {  	_ =	shalt  }
0x83: {  	_ =	shalt  }
0x84: {  	_ =	shalt  }
0x85: {  	_ =	shalt  }
0x86: {  	_ =	shalt  }
0x87: {  	_ =	shalt  }
.Lfunc_end0:
.L_simem_size_0:
called_computation_lowered:
.L_overlay_start_0:
0x88: {  	s2 =	sld [smem:$0x3FD9]  }
0x89: {  	s3 =	sld [smem:$0x3FFE];
	_ =	sdelay $0x1  }
0x8a: {  	s1 =	srdreg.scid  }
0x8b: {  	s0 =	sand.u32 $0x1, s1  }
0x8c: {  	s16 =	sshll.u32 s0, $0xA;
	s2 =	sadd.s32 s3, s2  }
0x8d: {  	s2 =	sadd.s32 s2, s16  }
0x8e: {  	[smem:$0x3FBB] =	sst s2  }
0x8f: {  	_ = 	snop  }
0x90: {  	(tm) =	ssettm $0x1  }
0x91: {  	s17 =	sld [smem:$0x3FFB];
	_ =	sdelay $0x3  }
0x92: {  	_ =	strace s17  }
0x93: {  	s2 =	sld [smem:$0x3FFC];
	_ =	sdelay $0x3  }
0x94: {  	_ =	strace s2  }
0x95: {  	s2 =	sld [smem:$0x3FFD];
	_ =	sdelay $0x3  }
0x96: {  	_ =	strace s2  }
0x97: {  	_ =	strace $0x8FFFFFFF  }
0x98: {  	s18 =	sld [smem:$0x3FDB];
	_ =	sdelay $0x1  }
0x99: {  	s19 =	simm.s32 $_scs_section_size  }
0x9a: {  	s4 =	simm.s32 $_size__tile_overlayer_lowered;
	s5 =	simm.s32 $_tile_overlayer_lowered  }
0x9b: {  	s22 =	simm.s32 $0x1BFF;
	s21 =	sshll.u32 s5, $0x1;
	s2 =	sadd.s32 s19, s18  }
0x9c: {  	s6 =	simm.s32 $0x0;
	s20 =	sshll.u32 s4, $0x1;
	s4 =	sadd.s32 s21, s2  }
0x9d: {  	[timem:s6], [sflag:s22] =	dma.local [hbm:s4], s20  }
0x9e: {  	_ =	swait.ge [sflag:s22], s20  }
0x9f: {  	s3 =	ssub.s32 $0x0, s20;
	[sflag:s22] =	ssyncset.done $0x0  }
0xa0: {  	[sflag:s22] =	ssyncadd.s32 s3;
	_ =	sdelay $0x1  }
0xa1: {  	s23 =	simm.s32 $0x1B8B  }
0xa2: {  	_ =	swait.ge [sflag:s23], $0x1  }
0xa3: {  	[sflag:s23] =	ssyncset.done $0x0  }
0xa4: {  	s25 =	simm.s32 $0x1B8E;
	s24 =	sld [smem:$0x3FFE];
	[sflag:s23] =	ssyncadd.s32 $0xFFFFFFFF  }
0xa5: {  	s26 =	simm.s32 $execute0_lowered;
	[smem:$0x3FD2] =	sst s25  }
0xa6: {  	s4 =	sshll.u32 s26, $0x1;
	_ =	strace $0x80000046;
	[dreg:$0x1] =	wrdreg $0xFFFFFFFF  }
0xa7: {  	s28 =	simm.s32 $_size_execute0_lowered;
	s2 =	sadd.s32 s2, s4;
	[dreg:$0x0] =	wrdreg $0x0  }
0xa8: {  	s4 =	sshll.u32 s28, $0x1;
	[dreg:$0x2] =	wrdreg s2  }
0xa9: {  	[dreg:$0x3] =	wrdreg s4  }
0xaa: {  	[dreg:$0x4] =	wrdreg $0xC0  }
0xab: {  	_ =	task [dreg:s6], $0x5FFFF  }
0xac: {  	[dreg:$0x1] =	wrdreg $0xFFFFFFFF  }
0xad: {  	[dreg:$0x0] =	wrdreg $0x60  }
0xae: {  	[dreg:$0x2] =	wrdreg s24  }
0xaf: {  	[dreg:$0x3] =	wrdreg $0x44000  }
0xb0: {  	[dreg:$0x4] =	wrdreg $0x9  }
0xb1: {  	_ =	task.clear_ibuf [dreg:s6], $0x5FFFF;
	_ =	strace $0x90000046  }
0xb2: {  	s29 =	simm.s32 $0x9;
	_ =	strace $0x80000048  }
0xb3: {  	_ =	swait.ge [sflag:s29], $0x1  }
0xb4: {  	[sflag:s29] =	ssyncadd.s32 $0xFFFFFFFF  }
0xb5: {  	_ =	strace $0x90000048  }
0xb6: {  	_ =	sfence  }
0xb7: {  	s30 =	sld [smem:$0x0];
	_ =	sdelay $0x2  }
0xb8: {  	s31 =	sshll.u32 s1, $0xD;
	s1 =	sshrl.u32 s1, $0x2  }
0xb9: {  	s3 =	sand.u32 $0x4000, s31;
	s1 =	sadd.s32 s1, s30  }
0xba: {  	s0 =	sor.u32 s3, s0;
	s1 =	sshll.u32 s1, $0x11  }
0xbb: {  	s0 =	sor.u32 s1, s0  }
0xbc: {  	s0 =	sadd.s32 $0x8F2B, s0  }
0xbd: {  	[sflag:s0] =	ssyncadd.remote.s32 $0x1  }
0xbe: {  	_ =	sfence.sel $0xFFFF  }
0xbf: {  	[dreg:$0x0] =	wrdreg $0xFFFFFFFF;
	(pc) =	sbr.abs _section_cstart, $3  }
0xc0: {  	[dreg:$0x1] =	wrdreg $0xFFFFFFFF  }
0xc1: {  	_ =	task.clear_ibuf [dreg:s6], $0x2FFFF;
	_ =	strace $0x9FFFFFFF  }
0xc2: {  	(tm) =	ssettm $0x7FFFFFFF  }
0xc3: {  	_ =	shalt  }
tec
execute0_lowered:
.L_overlay_start_1:
0x0: {  	(tag) =	ssettag $0x1  }
0x1: {  	s0 =	srdreg.scid;
	s4 =	rddreg [dreg:$0x0]  }
0x2: {  	s2 =	rddreg [dreg:$0x1];
	s1 =	stileid.u32  }
0x3: {  	s3 =	simm.s32 $0x0;
	s11 =	simm.s32 $0x2800;
	s15 =	simm.s32 $0x0  }
0x4: {  	s5 =	sand.u32 $0x1, s0;
	s0 =	rddreg [dreg:$0x2];
	s7 =	smul.u32 $0xA000, s1  }
0x5: {  	[smem:$0x7FF] =	sst s3;
	s10 =	smul.u32 $0x2800, s1;
	s31 =	sshll.u32 s1, $0x6  }
0x6: {  	s6 =	sshll.u32 s5, $0x4;
	s8 =	smul.u32 $0x5000, s5;
	s5 =	ssub.s32 $0x2, s5  }
0x7: {  	_ =	strace $0x80000047;
	s6 =	sor.u32 s1, s6;
	s9 =	sshrl.u32 s5, $0x1  }
0x8: {  	s7 =	sshrl.u32 s7, $0x2;
	s13 =	sshrl.u32 s10, $0x3;
	s6 =	smul.u32 $0x500, s6  }
0x9: {  	s8 =	sadd.s32 s8, s4;
	s9 =	ssub.s32 s5, s9;
	s7 =	sadd.s32 s7, s2  }
0xa: {  	s5 =	sadd.s32 s10, s2;
	s10 =	simm.s32 $0x80;
	s12 =	sadd.s32 $0xC800, s8  }
0xb: {  	s8 =	simm.s32 $0x1;
	s14 =	sshrl.u32 s5, $0x3;
	s6 =	sadd.s32 s6, s4  }
0xc: {  	s12 =	sadd.s32 s13, s12;
	s13 =	sor.u32 $0x1C01, s31;
	s4 =	sadd.s32 $0x2800, s6  }
0xd: {  	v0 =	vimm.f32 $1.000000000e+00;
	v1 =	vimm.f32 $0.0e+00;
	s6 =	sadd.s32 $0x1400, s7;
	s7 =	smax.u32 s9, $0x1;
	s9 =	simm.s32 $0x3000  }
.LBB2_1:
0xe: {  	[tilespmem:s3], [sflag:$0x1] =	stream.linear.gather [hbm4b:s4+s3], $0x2800, $0x38;
	[tilespmem:$0x6C00] =	vst v63  }
0xf: {  	_ =	swait.ge [sflag:s8], $0x2800  }
0x10: {  	[sflag:s8] =	ssyncset.done $0x0  }
0x11: {  	s16 =	simm.s32 $0x0;
	[sflag:s8] =	ssyncadd.s32 $0xFFFFD800  }
.LBB2_2:
0x12: {  	p0 =	sne.s32 s16, $0x1FC0  }
.Ltmp0:
0x13: {  	_ = 	snop;
	(pc) =	sbr.rel @p0 .LBB2_2-.Ltmp0, $3  }
0x14: {  	_ =	sdelay $0x1  }
0x15: {  	s17 =	sshra.s32 s16, $0x2  }
0x16: {  	s16 =	sadd.s32 $0x40, s16;
	[tilespmem:s17+$0x2800] =	vst v0  }
0x17: {  	s16 =	simm.s32 $0x40;
	s17 =	simm.s32 $0x0  }
.LBB2_4:
0x18: {  	p0 =	sne.s32 s16, $0x4FC0;
	[tilespmem:s17+$0x3000] =	vst v1;
	s17 =	smov.u32 s16;
	s16 =	sadd.s32 $0x40, s16  }
.Ltmp1:
0x19: {  	(pc) =	sbr.rel @p0 .LBB2_4-.Ltmp1, $2  }
0x1a: {  	_ =	sdelay $0x2  }
0x1b: {  	s17 =	sshra.s32 s17, $0x2  }
0x1c: {  	[tilespmem:s17+$0x3000] =	vst v1  }
0x1d: {  	[spmem:s5] =	stream.linear.scatter [tilespmem:s9], [sflag:$0x1], $0x1400, $0x38;
	[tilespmem:$0x6C00] =	vst v63  }
0x1e: {  	_ =	swait.ge [sflag:s8], $0x1400  }
0x1f: {  	[sflag:s8] =	ssyncset.done $0x0  }
0x20: {  	[sflag:s8] =	ssyncadd.s32 $0xFFFFEC00  }
0x21: {  	[spmem:s6] =	stream.linear.scatter [tilespmem:s9], [sflag:$0x1], $0x1400, $0x38;
	[tilespmem:$0x6C00] =	vst v63  }
0x22: {  	_ =	swait.ge [sflag:s8], $0x1400  }
0x23: {  	[sflag:s8] =	ssyncset.done $0x0  }
0x24: {  	[sflag:s8] =	ssyncadd.s32 $0xFFFFEC00  }
0x25: {  	s16 =	simm.s32 $0x0;
	[bflag:$0x0] =	sbarrier.arrive $0xFFFF  }
0x26: {  	[spmem:s2] =	stream.indirect.scatter.add.f32 [tilespmem:s11], [sflag:$0x1], $0x10, s16, s10, $0xb8;
	[tilespmem:$0x6C00] =	vst v63  }
0x27: {  	_ =	swait.ge [sflag:s8], $0x800  }
0x28: {  	s16 =	simm.s32 $0x200;
	[sflag:s8] =	ssyncset.done $0x0  }
.LBB2_6:
0x29: {  	s17 =	sshra.s32 s16, $0x2;
	[sflag:s8] =	ssyncadd.s32 $0xFFFFF800;
	p0 =	sne.s32 s16, $0x9E00  }
0x2a: {  	[spmem:s2] =	stream.indirect.scatter.add.f32 [tilespmem:s11], [sflag:$0x1], $0x10, s17, s10, $0xb8;
	[tilespmem:$0x6C00] =	vst v63  }
.Ltmp2:
0x2b: {  	_ = 	snop;
	(pc) =	sbr.rel @p0 .LBB2_6-.Ltmp2, $4  }
0x2c: {  	_ = 	snop  }
0x2d: {  	s16 =	sadd.s32 $0x200, s16  }
0x2e: {  	_ =	swait.ge [sflag:s8], $0x800  }
0x2f: {  	[sflag:s8] =	ssyncset.done $0x0  }
0x30: {  	s15 =	sadd.s32 $0x1, s15  }
0x31: {  	[sflag:s8] =	ssyncadd.s32 $0xFFFFF800;
	p0 =	sne.s32 s15, s7  }
.Ltmp3:
0x32: {  	[bflag:$0x0] =	sbarrier.arrive $0xFFFF;
	(pc) =	sbr.rel @p0 .LBB2_1-.Ltmp3, $4  }
0x33: {  	[hbm:s12], [sflag:s13] =	dma.local [spmem:s14], $0x500  }
0x34: {  	_ =	swait.ge [sflag:s8], $0x500  }
0x35: {  	[sflag:s8] =	ssyncset.done $0x0  }
0x36: {  	[sflag:s8] =	ssyncadd.s32 $0xFFFFFB00  }
0x37: {  	_ =	sfence.sel $0x180000  }
0x38: {  	[bflag:$0x0] =	sbarrier.arrive $0xFFFF  }
0x39: {  	p0 =	sne.s32 s1, $0x0;
	_ =	strace $0x90000047  }
0x3a: {  	s0 =	sadd.s32 @!p0 $0x100000, s0;
	[bflag:$0x2] =	sbarrier.arrive $0xFFFF  }
0x3b: {  	[sflag:s0] =	ssyncadd.tile.s32 @!p0 $0x1;
	_ =	shalt  }
.Lfunc_end2:
_tile_overlayer_lowered:
.L_overlay_start_2:
0x3c: {  	(tag) =	ssettag $0x2  }
0x3d: {  	s0 =	rddreg [dreg:$0x0];
	s2 =	stileid.u32  }
0x3e: {  	s1 =	rddreg [dreg:$0x1];
	p0 =	sne.s32 s2, $0x0  }
0x3f: {  	s3 =	rddreg [dreg:$0x2];
	[bflag:$0x3] =	sbarrier.arrive $0xFFFF;
	s2 =	simm.s32 @!p0 $0x1C01  }
0x40: {  	[timem:s3], [sflag:s2] =	dma.local @!p0 [hbm:s0], s1  }
0x41: {  	s0 =	simm.s32 @!p0 $0x1  }
0x42: {  	_ =	swait.ge @!p0 [sflag:s0], s1  }
0x43: {  	s1 =	ssub.s32 @!p0 $0x0, s1;
	[sflag:s0] =	ssyncset.done @!p0 $0x0  }
0x44: {  	[sflag:s0] =	ssyncadd.s32 @!p0 s1  }
0x45: {  	[bflag:$0x3] =	sbarrier.arrive $0xFFFF  }
0x46: {  	_ =	shalt  }

// kernel: kernel.14.cloned.1.call-start
scs
__scs_entry_jumppad:
0x0: {  	(pc) =	sbr.rel $0x88, $3  }
0x1: {  	(tag) =	ssettag $0x0;
	lr =	simm.s32 $0x1  }
0x2: {  	[smem:$0x3F94] =	sst lr;
	_ =	strace $0xD0000000  }
0x3: {  	_ = 	snop  }
0x4: {  	_ = 	snop  }
0x5: {  	_ = 	snop  }
0x6: {  	_ = 	snop  }
0x7: {  	_ = 	snop  }
__scs_overlays_trampoline_lowered:
0x8: {  	[smem:$0x3FA3] =	sst s0  }
0x9: {  	[smem:$0x3FA4] =	sst s1  }
0xa: {  	[smem:$0x3FA5] =	sst s2  }
0xb: {  	[smem:$0x3FA6] =	sst s3  }
0xc: {  	[smem:$0x3FA7] =	sst s4  }
0xd: {  	[smem:$0x3FA8] =	sst s5  }
0xe: {  	[smem:$0x3FA9] =	sst s6  }
0xf: {  	[smem:$0x3FAA] =	sst s7  }
0x10: {  	[smem:$0x3FAB] =	sst s8  }
0x11: {  	[smem:$0x3FAC] =	sst s9;
	s0 =	simm.s32 @!p0 $0x0  }
0x12: {  	s1 =	sld [smem:$0x3F92];
	s0 =	simm.s32 @p0 $0x1  }
0x13: {  	[smem:$0x3FAD] =	sst s0;
	s0 =	simm.s32 @!p1 $0x0  }
0x14: {  	s2 =	sld [smem:$0x3F91];
	s0 =	simm.s32 @p1 $0x1  }
0x15: {  	[smem:$0x3FAE] =	sst s0;
	s0 =	simm.s32 @!p2 $0x0  }
0x16: {  	s3 =	sld [smem:$0x3FDB];
	s0 =	simm.s32 @p2 $0x1  }
0x17: {  	s4 =	simm.s32 $0x1BF5;
	[smem:$0x3FB0] =	sst s0  }
0x18: {  	s0 =	sld [smem:$0x3F93];
	_ =	swait.ge [sflag:s4], $0x0  }
0x19: {  	s7 =	sld [smem:$0x3F94]  }
0x1a: {  	s8 =	sadd.s32 $0xFFFFE003, lr  }
0x1b: {  	s9 =	sadd.s32 $0xFFFFFEF7, lr;
	s5 =	simm.s32 $0xFFFFFFFF;
	p2 =	slt.u32 s8, $0xFFFFF086  }
0x1c: {  	p1 =	slt.u32 s9, $0xF7A;
	s5 =	simm.s32 @!p2 $0x0  }
0x1d: {  	s5 =	simm.s32 @p1 $0x1;
	p0 =	seq.s32 s7, s2  }
0x1e: {  	s7 =	smul.u32 @!p0 $0xF7A, s2;
	p2 =	seq.s32 @!p0 s5, $0x0  }
0x1f: {  	s9 =	smul.u32 $0xF7A, s1;
	s8 =	simm.s32 @!p0 $0x1BF5;
	p2 =	por !p2, p0  }
0x20: {  	[sflag:s8] =	ssyncset.s32 @!p0 $0xFFFFF086;
	s6 =	sadd.s32 @!p0 s3, s7;
	s7 =	simm.s32 @!p0 $0x108  }
0x21: {  	s3 =	sadd.s32 s3, s9;
	s6 =	sadd.s32 @!p0 $0x88, s6;
	s7 =	simm.s32 @p2 $0x1082  }
0x22: {  	[simem:s7], [sflag:s8] =	dma.local @!p0 [hbm:s6], $0xF7A  }
0x23: {  	s9 =	sor.u32 $0xD0000000, s2;
	s6 =	simm.s32 $0x108;
	_ =	swait.ge @!p0 [sflag:s8], $0x0  }
0x24: {  	s3 =	sadd.s32 $0x88, s3;
	s6 =	simm.s32 @!p1 $0x1082;
	[sflag:s4] =	ssyncset.s32 $0xFFFFF086  }
0x25: {  	[simem:s6], [sflag:s4] =	dma.local [hbm:s3], $0xF7A  }
0x26: {  	[smem:$0x3F94] =	sst s1;
	(tag) =	ssettag s2;
	_ =	strace s9  }
0x27: {  	s1 =	sld [smem:$0x3FA4]  }
0x28: {  	s2 =	sld [smem:$0x3FA5]  }
0x29: {  	s4 =	sld [smem:$0x3FA7]  }
0x2a: {  	p0 =	seq.s32 s5, $0x0;
	s5 =	sld [smem:$0x3FA8]  }
0x2b: {  	s6 =	sld [smem:$0x3FA9]  }
0x2c: {  	s7 =	sld [smem:$0x3FAA]  }
0x2d: {  	s3 =	simm.s32 $0x108;
	s8 =	sld [smem:$0x3FAB]  }
0x2e: {  	s3 =	simm.s32 @!p0 $0x1082;
	s9 =	sld [smem:$0x3FAC]  }
0x2f: {  	lr =	sadd.s32 s0, s3;
	s0 =	sld [smem:$0x3FA3]  }
0x30: {  	s3 =	sld [smem:$0x3FA6]  }
0x31: {  	[smem:$0x3FAF] =	sst s10  }
0x32: {  	s10 =	sld [smem:$0x3FAD];
	_ =	sdelay $0x3  }
0x33: {  	p0 =	seq.s32 s10, $0x1;
	s10 =	sld [smem:$0x3FAF];
	_ =	sdelay $0x3  }
0x34: {  	[smem:$0x3FAF] =	sst s10  }
0x35: {  	s10 =	sld [smem:$0x3FAE];
	_ =	sdelay $0x3  }
0x36: {  	p1 =	seq.s32 s10, $0x1;
	s10 =	sld [smem:$0x3FAF];
	_ =	sdelay $0x3  }
0x37: {  	[smem:$0x3FAF] =	sst s10  }
0x38: {  	s10 =	sld [smem:$0x3FB0]  }
0x39: {  	_ = 	snop;
	(pc) =	sbr.ind lr, $3  }
0x3a: {  	_ = 	snop  }
0x3b: {  	_ = 	snop  }
0x3c: {  	p2 =	seq.s32 s10, $0x1;
	s10 =	sld [smem:$0x3FAF]  }
0x3d: {  	_ =	shalt  }
0x3e: {  	_ =	shalt  }
0x3f: {  	_ =	shalt  }
0x40: {  	_ =	shalt  }
0x41: {  	_ =	shalt  }
0x42: {  	_ =	shalt  }
0x43: {  	_ =	shalt  }
0x44: {  	_ =	shalt  }
0x45: {  	_ =	shalt  }
0x46: {  	_ =	shalt  }
0x47: {  	_ =	shalt  }
0x48: {  	_ =	shalt  }
0x49: {  	_ =	shalt  }
0x4a: {  	_ =	shalt  }
0x4b: {  	_ =	shalt  }
0x4c: {  	_ =	shalt  }
0x4d: {  	_ =	shalt  }
0x4e: {  	_ =	shalt  }
0x4f: {  	_ =	shalt  }
0x50: {  	_ =	shalt  }
0x51: {  	_ =	shalt  }
0x52: {  	_ =	shalt  }
0x53: {  	_ =	shalt  }
0x54: {  	_ =	shalt  }
0x55: {  	_ =	shalt  }
0x56: {  	_ =	shalt  }
0x57: {  	_ =	shalt  }
0x58: {  	_ =	shalt  }
0x59: {  	_ =	shalt  }
0x5a: {  	_ =	shalt  }
0x5b: {  	_ =	shalt  }
0x5c: {  	_ =	shalt  }
0x5d: {  	_ =	shalt  }
0x5e: {  	_ =	shalt  }
0x5f: {  	_ =	shalt  }
0x60: {  	_ =	shalt  }
0x61: {  	_ =	shalt  }
0x62: {  	_ =	shalt  }
0x63: {  	_ =	shalt  }
0x64: {  	_ =	shalt  }
0x65: {  	_ =	shalt  }
0x66: {  	_ =	shalt  }
0x67: {  	_ =	shalt  }
0x68: {  	_ =	shalt  }
0x69: {  	_ =	shalt  }
0x6a: {  	_ =	shalt  }
0x6b: {  	_ =	shalt  }
0x6c: {  	_ =	shalt  }
0x6d: {  	_ =	shalt  }
0x6e: {  	_ =	shalt  }
0x6f: {  	_ =	shalt  }
0x70: {  	_ =	shalt  }
0x71: {  	_ =	shalt  }
0x72: {  	_ =	shalt  }
0x73: {  	_ =	shalt  }
0x74: {  	_ =	shalt  }
0x75: {  	_ =	shalt  }
0x76: {  	_ =	shalt  }
0x77: {  	_ =	shalt  }
0x78: {  	_ =	shalt  }
0x79: {  	_ =	shalt  }
0x7a: {  	_ =	shalt  }
0x7b: {  	_ =	shalt  }
0x7c: {  	_ =	shalt  }
0x7d: {  	_ =	shalt  }
0x7e: {  	_ =	shalt  }
0x7f: {  	_ =	shalt  }
0x80: {  	_ =	shalt  }
0x81: {  	_ =	shalt  }
0x82: {  	_ =	shalt  }
0x83: {  	_ =	shalt  }
0x84: {  	_ =	shalt  }
0x85: {  	_ =	shalt  }
0x86: {  	_ =	shalt  }
0x87: {  	_ =	shalt  }
.Lfunc_end0:
.L_simem_size_0:
called_computation.1_lowered:
.L_overlay_start_0:
0x88: {  	s2 =	sld [smem:$0x3FD9]  }
0x89: {  	s3 =	sld [smem:$0x3FFE];
	_ =	sdelay $0x1  }
0x8a: {  	s1 =	srdreg.scid  }
0x8b: {  	s0 =	sand.u32 $0x1, s1  }
0x8c: {  	s16 =	sshll.u32 s0, $0xA;
	s2 =	sadd.s32 s3, s2  }
0x8d: {  	s2 =	sadd.s32 s2, s16  }
0x8e: {  	[smem:$0x3FBB] =	sst s2  }
0x8f: {  	_ = 	snop  }
0x90: {  	(tm) =	ssettm $0x1  }
0x91: {  	s17 =	sld [smem:$0x3FFB];
	_ =	sdelay $0x3  }
0x92: {  	_ =	strace s17  }
0x93: {  	s2 =	sld [smem:$0x3FFC];
	_ =	sdelay $0x3  }
0x94: {  	_ =	strace s2  }
0x95: {  	s2 =	sld [smem:$0x3FFD];
	_ =	sdelay $0x3  }
0x96: {  	_ =	strace s2  }
0x97: {  	_ =	strace $0x8FFFFFFF  }
0x98: {  	s18 =	sld [smem:$0x3FDB];
	_ =	sdelay $0x1  }
0x99: {  	s19 =	simm.s32 $_scs_section_size  }
0x9a: {  	s4 =	simm.s32 $_size__tile_overlayer_lowered;
	s5 =	simm.s32 $_tile_overlayer_lowered  }
0x9b: {  	s22 =	simm.s32 $0x1BFF;
	s21 =	sshll.u32 s5, $0x1;
	s2 =	sadd.s32 s19, s18  }
0x9c: {  	s6 =	simm.s32 $0x0;
	s20 =	sshll.u32 s4, $0x1;
	s4 =	sadd.s32 s21, s2  }
0x9d: {  	[timem:s6], [sflag:s22] =	dma.local [hbm:s4], s20  }
0x9e: {  	_ =	swait.ge [sflag:s22], s20  }
0x9f: {  	s3 =	ssub.s32 $0x0, s20;
	[sflag:s22] =	ssyncset.done $0x0  }
0xa0: {  	[sflag:s22] =	ssyncadd.s32 s3;
	_ =	sdelay $0x1  }
0xa1: {  	s23 =	simm.s32 $0x1B8B  }
0xa2: {  	_ =	swait.ge [sflag:s23], $0x1  }
0xa3: {  	[sflag:s23] =	ssyncset.done $0x0  }
0xa4: {  	s25 =	simm.s32 $0x1B8E;
	s24 =	sld [smem:$0x3FFE];
	[sflag:s23] =	ssyncadd.s32 $0xFFFFFFFF  }
0xa5: {  	s26 =	simm.s32 $execute0_lowered;
	[smem:$0x3FD2] =	sst s25  }
0xa6: {  	s4 =	sshll.u32 s26, $0x1;
	_ =	strace $0x80000049;
	[dreg:$0x1] =	wrdreg $0xFFFFFFFF  }
0xa7: {  	s28 =	simm.s32 $_size_execute0_lowered;
	s2 =	sadd.s32 s2, s4;
	[dreg:$0x0] =	wrdreg $0x0  }
0xa8: {  	s4 =	sshll.u32 s28, $0x1;
	[dreg:$0x2] =	wrdreg s2  }
0xa9: {  	[dreg:$0x3] =	wrdreg s4  }
0xaa: {  	[dreg:$0x4] =	wrdreg $0xC0  }
0xab: {  	_ =	task [dreg:s6], $0x5FFFF  }
0xac: {  	[dreg:$0x1] =	wrdreg $0xFFFFFFFF  }
0xad: {  	[dreg:$0x0] =	wrdreg $0x60  }
0xae: {  	[dreg:$0x2] =	wrdreg s24  }
0xaf: {  	[dreg:$0x3] =	wrdreg $0xDC000  }
0xb0: {  	[dreg:$0x4] =	wrdreg $0x9  }
0xb1: {  	_ =	task.clear_ibuf [dreg:s6], $0x5FFFF;
	_ =	strace $0x90000049  }
0xb2: {  	s29 =	simm.s32 $0x9;
	_ =	strace $0x8000004B  }
0xb3: {  	_ =	swait.ge [sflag:s29], $0x1  }
0xb4: {  	[sflag:s29] =	ssyncadd.s32 $0xFFFFFFFF  }
0xb5: {  	_ =	strace $0x9000004B  }
0xb6: {  	_ =	sfence  }
0xb7: {  	s30 =	sld [smem:$0x0];
	_ =	sdelay $0x2  }
0xb8: {  	s31 =	sshll.u32 s1, $0xD;
	s1 =	sshrl.u32 s1, $0x2  }
0xb9: {  	s3 =	sand.u32 $0x4000, s31;
	s1 =	sadd.s32 s1, s30  }
0xba: {  	s0 =	sor.u32 s3, s0;
	s1 =	sshll.u32 s1, $0x11  }
0xbb: {  	s0 =	sor.u32 s1, s0  }
0xbc: {  	s0 =	sadd.s32 $0x8F2B, s0  }
0xbd: {  	[sflag:s0] =	ssyncadd.remote.s32 $0x1  }
0xbe: {  	_ =	sfence.sel $0xFFFF  }
0xbf: {  	[dreg:$0x0] =	wrdreg $0xFFFFFFFF;
	(pc) =	sbr.abs _section_cstart, $3  }
0xc0: {  	[dreg:$0x1] =	wrdreg $0xFFFFFFFF  }
0xc1: {  	_ =	task.clear_ibuf [dreg:s6], $0x2FFFF;
	_ =	strace $0x9FFFFFFF  }
0xc2: {  	(tm) =	ssettm $0x7FFFFFFF  }
0xc3: {  	_ =	shalt  }
tec
execute0_lowered:
.L_overlay_start_1:
0x0: {  	(tag) =	ssettag $0x1  }
0x1: {  	s0 =	rddreg [dreg:$0x0]  }
0x2: {  	s1 =	rddreg [dreg:$0x1];
	s2 =	simm.s32 $0x0  }
0x3: {  	s3 =	srdreg.scid;
	s14 =	stileid.u32;
	s15 =	simm.s32 $0xB  }
0x4: {  	s17 =	simm.s32 $0x80;
	s18 =	simm.s32 $0x7800;
	s19 =	simm.s32 $0x8800  }
0x5: {  	s20 =	simm.s32 $0x9800;
	s21 =	simm.s32 $0xA800;
	s28 =	simm.s32 $0x4  }
0x6: {  	s29 =	simm.s32 $0x5;
	s30 =	simm.s32 $0x6;
	s6 =	smul.u32 $0x14000, s14  }
0x7: {  	s31 =	simm.s32 $0x7;
	s16 =	simm.s32 $0x9;
	s11 =	smul.u32 $0x5000, s14  }
0x8: {  	[smem:$0x7FF] =	sst s2;
	s3 =	sand.u32 $0x1, s3;
	s12 =	smul.u32 $0x1400, s14  }
0x9: {  	s4 =	sadd.s32 $0xC800, s0;
	s9 =	sadd.s32 $0x16800, s0;
	s14 =	smul.u32 $0x780, s14  }
0xa: {  	s10 =	sadd.s32 $0x2800, s0;
	s5 =	smul.u32 $0xA000, s3;
	_ =	strace $0x8000004A  }
0xb: {  	s22 =	ssub.s32 $0x2, s3;
	p0 =	seq.s32 s3, $0x1;
	s6 =	sshrl.u32 s6, $0x2  }
0xc: {  	s7 =	sshrl.u32 s22, $0x1;
	s12 =	sshrl.u32 s12, $0x3;
	s24 =	sadd.s32 s9, s14  }
0xd: {  	s25 =	sadd.s32 s10, s14;
	s26 =	sshrl.u32 s11, $0x3;
	s14 =	simm.s32 $0xC800  }
0xe: {  	s0 =	sadd.s32 s5, s0;
	s8 =	sadd.s32 s6, s1;
	s13 =	ssub.s32 s22, s7  }
0xf: {  	s5 =	sadd.s32 s11, s1;
	s23 =	sadd.s32 $0x7800, s12;
	[dreg:$0x3] =	wrdreg s24  }
0x10: {  	[dreg:$0x4] =	wrdreg s25;
	s22 =	simm.s32 $0xB800;
	s25 =	simm.s32 $0x2  }
.Ltmp0:
0x11: {  	s6 =	sadd.s32 $0x1400, s8;
	s7 =	sadd.s32 $0x2800, s8;
	(pc) =	sbr.rel .LBB2_1-.Ltmp0, $4  }
0x12: {  	s8 =	sadd.s32 $0x3C00, s8;
	s9 =	sadd.s32 s9, s23;
	s3 =	sadd.s32 s10, s23  }
0x13: {  	s0 =	sadd.s32 $0x20800, s0;
	s13 =	smax.u32 s13, $0x1;
	[dreg:$0x5] =	wrdreg s9  }
0x14: {  	s23 =	simm.s32 $0x1;
	[dreg:$0x6] =	wrdreg s3;
	s24 =	sadd.s32 s26, s0  }
0x15: {  	v0 =	vimm.f32 $0.0e+00;
	s26 =	simm.s32 $0x3;
	s0 =	simm.s32 $0x8;
	s9 =	simm.s32 $0xA  }
.LBB2_6:
0x16: {  	s3 =	sshra.s32 s10, $0x2;
	[sflag:s9] =	ssyncadd.s32 $0xFFFFF000  }
0x17: {  	[tilespmem:s18], [sflag:$0x1] =	stream.indirect.gather [hbm4b:s4+s17], $0x20, s3, s17, $0xb8;
	[tilespmem:$0x12C00] =	vst v63  }
0x18: {  	s10 =	sadd.s32 $0x80, s3  }
0x19: {  	[tilespmem:s19], [sflag:$0x2] =	stream.indirect.gather [hbm4b:s4+s17], $0x20, s10, s17, $0xb8;
	[tilespmem:$0x12C00] =	vst v63  }
0x1a: {  	s12 =	sadd.s32 $0x100, s3  }
0x1b: {  	[tilespmem:s20], [sflag:$0x3] =	stream.indirect.gather [hbm4b:s4+s17], $0x20, s12, s17, $0xb8;
	[tilespmem:$0x12C00] =	vst v63  }
0x1c: {  	s11 =	sadd.s32 $0x180, s3  }
0x1d: {  	[tilespmem:s21], [sflag:$0x4] =	stream.indirect.gather [hbm4b:s4+s17], $0x20, s11, s17, $0xb8;
	[tilespmem:$0x12C00] =	vst v63  }
0x1e: {  	s12 =	sadd.s32 $0x200, s3  }
0x1f: {  	[tilespmem:s22], [sflag:$0x5] =	stream.indirect.gather [hbm4b:s4+s17], $0x20, s12, s17, $0xb8;
	[tilespmem:$0x12C00] =	vst v63  }
0x20: {  	_ =	swait.ge [sflag:s23], $0x1000  }
0x21: {  	[sflag:s23] =	ssyncset.done $0x0  }
0x22: {  	s11 =	sadd.s32 $0x3C00, s3;
	[sflag:s23] =	ssyncadd.s32 $0xFFFFF000  }
0x23: {  	[spmem:s1] =	stream.indirect.scatter.add.f32 [tilespmem:s18], [sflag:$0x6], $0x20, s11, s17, $0xb8;
	[tilespmem:$0x12C00] =	vst v63  }
0x24: {  	_ =	swait.ge [sflag:s25], $0x1000  }
0x25: {  	[sflag:s25] =	ssyncset.done $0x0  }
0x26: {  	s12 =	sadd.s32 $0x3C80, s3;
	[sflag:s25] =	ssyncadd.s32 $0xFFFFF000  }
0x27: {  	[spmem:s1] =	stream.indirect.scatter.add.f32 [tilespmem:s19], [sflag:$0x7], $0x20, s12, s17, $0xb8;
	[tilespmem:$0x12C00] =	vst v63  }
0x28: {  	_ =	swait.ge [sflag:s26], $0x1000  }
0x29: {  	[sflag:s26] =	ssyncset.done $0x0  }
0x2a: {  	s11 =	sadd.s32 $0x3D00, s3;
	[sflag:s26] =	ssyncadd.s32 $0xFFFFF000  }
0x2b: {  	[spmem:s1] =	stream.indirect.scatter.add.f32 [tilespmem:s20], [sflag:$0x8], $0x20, s11, s17, $0xb8;
	[tilespmem:$0x12C00] =	vst v63  }
0x2c: {  	_ =	swait.ge [sflag:s28], $0x1000  }
0x2d: {  	[sflag:s28] =	ssyncset.done $0x0  }
0x2e: {  	s12 =	sadd.s32 $0x3D80, s3;
	[sflag:s28] =	ssyncadd.s32 $0xFFFFF000  }
0x2f: {  	[spmem:s1] =	stream.indirect.scatter.add.f32 [tilespmem:s21], [sflag:$0x9], $0x20, s12, s17, $0xb8;
	[tilespmem:$0x12C00] =	vst v63  }
0x30: {  	_ =	swait.ge [sflag:s29], $0x1000  }
0x31: {  	[sflag:s29] =	ssyncset.done $0x0  }
0x32: {  	s3 =	sadd.s32 $0x3E00, s3;
	[sflag:s29] =	ssyncadd.s32 $0xFFFFF000  }
0x33: {  	[spmem:s1] =	stream.indirect.scatter.add.f32 [tilespmem:s22], [sflag:$0xA], $0x20, s3, s17, $0xb8;
	[tilespmem:$0x12C00] =	vst v63  }
0x34: {  	_ =	swait.ge [sflag:s30], $0x1000  }
0x35: {  	[sflag:s30] =	ssyncset.done $0x0  }
0x36: {  	[sflag:s30] =	ssyncadd.s32 $0xFFFFF000  }
0x37: {  	_ =	swait.ge [sflag:s31], $0x1000  }
0x38: {  	[sflag:s31] =	ssyncset.done $0x0  }
0x39: {  	[sflag:s31] =	ssyncadd.s32 $0xFFFFF000  }
0x3a: {  	_ =	swait.ge [sflag:s0], $0x1000  }
0x3b: {  	[sflag:s0] =	ssyncset.done $0x0  }
0x3c: {  	[sflag:s0] =	ssyncadd.s32 $0xFFFFF000  }
0x3d: {  	_ =	swait.ge [sflag:s16], $0x1000  }
0x3e: {  	[sflag:s16] =	ssyncset.done $0x0  }
0x3f: {  	[sflag:s16] =	ssyncadd.s32 $0xFFFFF000  }
0x40: {  	_ =	swait.ge [sflag:s9], $0x1000  }
0x41: {  	[sflag:s9] =	ssyncset.done $0x0  }
0x42: {  	[sflag:s9] =	ssyncadd.s32 $0xFFFFF000  }
.LBB2_10:
0x43: {  	s3 =	stileid.u32;
	s2 =	sadd.s32 $0x1, s2  }
0x44: {  	[bflag:$0x0] =	sbarrier.arrive $0xFFFF;
	s3 =	sshll.u32 s3, $0x6;
	p1 =	sne.s32 s2, s13  }
.Ltmp1:
0x45: {  	s10 =	sshrl.u32 s5, $0x3;
	s3 =	sor.u32 $0x1C0B, s3;
	(pc) =	sbr.rel @!p1 .LBB2_11-.Ltmp1, $4  }
0x46: {  	[hbm:s24], [sflag:s3] =	dma.local [spmem:s10], $0xA00  }
0x47: {  	_ =	swait.ge [sflag:s15], $0xA00  }
0x48: {  	[sflag:s15] =	ssyncset.done $0x0  }
0x49: {  	[sflag:s15] =	ssyncadd.s32 $0xFFFFF600  }
.LBB2_1:
0x4a: {  	s10 =	simm.s32 $0x80;
	s3 =	simm.s32 $0x0  }
.LBB2_2:
0x4b: {  	p1 =	sne.s32 s10, $0x4F80;
	[tilespmem:s3+$0xC800] =	vst v0;
	s11 =	smov.u32 s10;
	s10 =	sadd.s32 $0x80, s10  }
.Ltmp2:
0x4c: {  	[tilespmem:s3+$0xC810] =	vst v0;
	(pc) =	sbr.rel @p1 .LBB2_2-.Ltmp2, $2  }
0x4d: {  	_ =	sdelay $0x2  }
0x4e: {  	s3 =	sshra.s32 s11, $0x2  }
0x4f: {  	[tilespmem:s3+$0xC800] =	vst v0  }
0x50: {  	[tilespmem:s3+$0xC810] =	vst v0  }
0x51: {  	[spmem:s5] =	stream.linear.scatter [tilespmem:s14], [sflag:$0xB], $0x1400, $0x38;
	[tilespmem:$0x12C00] =	vst v63  }
0x52: {  	_ =	swait.ge [sflag:s15], $0x1400  }
0x53: {  	[sflag:s15] =	ssyncset.done $0x0  }
0x54: {  	[sflag:s15] =	ssyncadd.s32 $0xFFFFEC00  }
0x55: {  	[spmem:s6] =	stream.linear.scatter [tilespmem:s14], [sflag:$0xB], $0x1400, $0x38;
	[tilespmem:$0x12C00] =	vst v63  }
0x56: {  	_ =	swait.ge [sflag:s15], $0x1400  }
0x57: {  	[sflag:s15] =	ssyncset.done $0x0  }
0x58: {  	[sflag:s15] =	ssyncadd.s32 $0xFFFFEC00  }
0x59: {  	[spmem:s7] =	stream.linear.scatter [tilespmem:s14], [sflag:$0xB], $0x1400, $0x38;
	[tilespmem:$0x12C00] =	vst v63  }
0x5a: {  	_ =	swait.ge [sflag:s15], $0x1400  }
0x5b: {  	[sflag:s15] =	ssyncset.done $0x0  }
0x5c: {  	[sflag:s15] =	ssyncadd.s32 $0xFFFFEC00  }
0x5d: {  	[spmem:s8] =	stream.linear.scatter [tilespmem:s14], [sflag:$0xB], $0x1400, $0x38;
	[tilespmem:$0x12C00] =	vst v63  }
.Ltmp3:
0x5e: {  	_ =	swait.ge [sflag:s15], $0x1400;
	(pc) =	sbr.rel @!p0 .LBB2_4-.Ltmp3, $4  }
0x5f: {  	[sflag:s15] =	ssyncset.done $0x0  }
0x60: {  	[sflag:s15] =	ssyncadd.s32 $0xFFFFEC00  }
0x61: {  	[bflag:$0x0] =	sbarrier.arrive $0xFFFF  }
0x62: {  	s3 =	simm.s32 $0x0  }
0x63: {  	s10 =	rddreg [dreg:$0x5]  }
0x64: {  	[tilespmem:s3], [sflag:$0xB] =	stream.linear.gather [hbm4b:s10+s3], $0x1400, $0x38;
	[tilespmem:$0x12C00] =	vst v63  }
0x65: {  	_ =	swait.ge [sflag:s15], $0x1400  }
0x66: {  	[sflag:s15] =	ssyncset.done $0x0  }
0x67: {  	s11 =	simm.s32 $0x3C00;
	s12 =	rddreg [dreg:$0x6];
	[sflag:s15] =	ssyncadd.s32 $0xFFFFEC00  }
0x68: {  	[tilespmem:s11], [sflag:$0xB] =	stream.linear.gather [hbm4b:s12+s3], $0x1400, $0x38;
	[tilespmem:$0x12C00] =	vst v63  }
0x69: {  	_ =	swait.ge [sflag:s15], $0x1400  }
0x6a: {  	[sflag:s15] =	ssyncset.done $0x0  }
0x6b: {  	s12 =	simm.s32 $0x0;
	[sflag:s15] =	ssyncadd.s32 $0xFFFFEC00  }
0x6c: {  	[tilespmem:s18], [sflag:$0x1] =	stream.indirect.gather [hbm4b:s4+s17], $0x20, s12, s17, $0xb8;
	[tilespmem:$0x12C00] =	vst v63  }
0x6d: {  	s10 =	simm.s32 $0x80  }
0x6e: {  	[tilespmem:s19], [sflag:$0x2] =	stream.indirect.gather [hbm4b:s4+s17], $0x20, s10, s17, $0xb8;
	[tilespmem:$0x12C00] =	vst v63  }
0x6f: {  	s11 =	simm.s32 $0x100  }
0x70: {  	[tilespmem:s20], [sflag:$0x3] =	stream.indirect.gather [hbm4b:s4+s17], $0x20, s11, s17, $0xb8;
	[tilespmem:$0x12C00] =	vst v63  }
0x71: {  	s12 =	simm.s32 $0x180  }
0x72: {  	[tilespmem:s21], [sflag:$0x4] =	stream.indirect.gather [hbm4b:s4+s17], $0x20, s12, s17, $0xb8;
	[tilespmem:$0x12C00] =	vst v63  }
0x73: {  	s10 =	simm.s32 $0x200  }
0x74: {  	[tilespmem:s22], [sflag:$0x5] =	stream.indirect.gather [hbm4b:s4+s17], $0x20, s10, s17, $0xb8;
	[tilespmem:$0x12C00] =	vst v63  }
0x75: {  	_ =	swait.ge [sflag:s23], $0x1000  }
0x76: {  	[sflag:s23] =	ssyncset.done $0x0  }
0x77: {  	s11 =	simm.s32 $0x3C00;
	[sflag:s23] =	ssyncadd.s32 $0xFFFFF000  }
0x78: {  	[spmem:s1] =	stream.indirect.scatter.add.f32 [tilespmem:s18], [sflag:$0x6], $0x20, s11, s17, $0xb8;
	[tilespmem:$0x12C00] =	vst v63  }
0x79: {  	_ =	swait.ge [sflag:s25], $0x1000  }
0x7a: {  	[sflag:s25] =	ssyncset.done $0x0  }
0x7b: {  	s12 =	simm.s32 $0x3C80;
	[sflag:s25] =	ssyncadd.s32 $0xFFFFF000  }
0x7c: {  	[spmem:s1] =	stream.indirect.scatter.add.f32 [tilespmem:s19], [sflag:$0x7], $0x20, s12, s17, $0xb8;
	[tilespmem:$0x12C00] =	vst v63  }
0x7d: {  	_ =	swait.ge [sflag:s26], $0x1000  }
0x7e: {  	[sflag:s26] =	ssyncset.done $0x0  }
0x7f: {  	s10 =	simm.s32 $0x3D00;
	[sflag:s26] =	ssyncadd.s32 $0xFFFFF000  }
0x80: {  	[spmem:s1] =	stream.indirect.scatter.add.f32 [tilespmem:s20], [sflag:$0x8], $0x20, s10, s17, $0xb8;
	[tilespmem:$0x12C00] =	vst v63  }
0x81: {  	_ =	swait.ge [sflag:s28], $0x1000  }
0x82: {  	[sflag:s28] =	ssyncset.done $0x0  }
0x83: {  	s11 =	simm.s32 $0x3D80;
	[sflag:s28] =	ssyncadd.s32 $0xFFFFF000  }
0x84: {  	[spmem:s1] =	stream.indirect.scatter.add.f32 [tilespmem:s21], [sflag:$0x9], $0x20, s11, s17, $0xb8;
	[tilespmem:$0x12C00] =	vst v63  }
0x85: {  	_ =	swait.ge [sflag:s29], $0x1000  }
0x86: {  	[sflag:s29] =	ssyncset.done $0x0  }
0x87: {  	s12 =	simm.s32 $0x3E00;
	[sflag:s29] =	ssyncadd.s32 $0xFFFFF000  }
0x88: {  	[spmem:s1] =	stream.indirect.scatter.add.f32 [tilespmem:s22], [sflag:$0xA], $0x20, s12, s17, $0xb8;
	[tilespmem:$0x12C00] =	vst v63  }
0x89: {  	_ =	swait.ge [sflag:s30], $0x1000  }
0x8a: {  	[sflag:s30] =	ssyncset.done $0x0  }
0x8b: {  	[sflag:s30] =	ssyncadd.s32 $0xFFFFF000  }
0x8c: {  	_ =	swait.ge [sflag:s31], $0x1000  }
0x8d: {  	[sflag:s31] =	ssyncset.done $0x0  }
0x8e: {  	[sflag:s31] =	ssyncadd.s32 $0xFFFFF000  }
0x8f: {  	_ =	swait.ge [sflag:s0], $0x1000  }
0x90: {  	[sflag:s0] =	ssyncset.done $0x0  }
0x91: {  	[sflag:s0] =	ssyncadd.s32 $0xFFFFF000  }
0x92: {  	_ =	swait.ge [sflag:s16], $0x1000  }
0x93: {  	[sflag:s16] =	ssyncset.done $0x0  }
0x94: {  	[sflag:s16] =	ssyncadd.s32 $0xFFFFF000  }
0x95: {  	_ =	swait.ge [sflag:s9], $0x1000  }
0x96: {  	s3 =	simm.s32 $0x1400;
	s10 =	simm.s32 $0xA00;
	[sflag:s9] =	ssyncset.done $0x0  }
.LBB2_8:
0x97: {  	s12 =	sshra.s32 s10, $0x2  }
0x98: {  	[sflag:s9] =	ssyncadd.s32 $0xFFFFF000;
	s10 =	smov.u32 s3;
	s11 =	sadd.s32 $0xA00, s3  }
0x99: {  	[tilespmem:s18], [sflag:$0x1] =	stream.indirect.gather [hbm4b:s4+s17], $0x20, s12, s17, $0xb8;
	[tilespmem:$0x12C00] =	vst v63  }
0x9a: {  	p1 =	sne.s32 s3, $0x4600;
	s3 =	sadd.s32 $0x80, s12  }
0x9b: {  	[tilespmem:s19], [sflag:$0x2] =	stream.indirect.gather [hbm4b:s4+s17], $0x20, s3, s17, $0xb8;
	[tilespmem:$0x12C00] =	vst v63  }
0x9c: {  	s3 =	sadd.s32 $0x100, s12  }
0x9d: {  	[tilespmem:s20], [sflag:$0x3] =	stream.indirect.gather [hbm4b:s4+s17], $0x20, s3, s17, $0xb8;
	[tilespmem:$0x12C00] =	vst v63  }
0x9e: {  	s3 =	sadd.s32 $0x180, s12  }
0x9f: {  	[tilespmem:s21], [sflag:$0x4] =	stream.indirect.gather [hbm4b:s4+s17], $0x20, s3, s17, $0xb8;
	[tilespmem:$0x12C00] =	vst v63  }
0xa0: {  	s3 =	sadd.s32 $0x200, s12  }
0xa1: {  	[tilespmem:s22], [sflag:$0x5] =	stream.indirect.gather [hbm4b:s4+s17], $0x20, s3, s17, $0xb8;
	[tilespmem:$0x12C00] =	vst v63  }
0xa2: {  	_ =	swait.ge [sflag:s23], $0x1000  }
0xa3: {  	[sflag:s23] =	ssyncset.done $0x0  }
0xa4: {  	s3 =	sadd.s32 $0x3C00, s12;
	[sflag:s23] =	ssyncadd.s32 $0xFFFFF000  }
0xa5: {  	[spmem:s1] =	stream.indirect.scatter.add.f32 [tilespmem:s18], [sflag:$0x6], $0x20, s3, s17, $0xb8;
	[tilespmem:$0x12C00] =	vst v63  }
0xa6: {  	_ =	swait.ge [sflag:s25], $0x1000  }
0xa7: {  	[sflag:s25] =	ssyncset.done $0x0  }
0xa8: {  	s3 =	sadd.s32 $0x3C80, s12;
	[sflag:s25] =	ssyncadd.s32 $0xFFFFF000  }
0xa9: {  	[spmem:s1] =	stream.indirect.scatter.add.f32 [tilespmem:s19], [sflag:$0x7], $0x20, s3, s17, $0xb8;
	[tilespmem:$0x12C00] =	vst v63  }
0xaa: {  	_ =	swait.ge [sflag:s26], $0x1000  }
0xab: {  	[sflag:s26] =	ssyncset.done $0x0  }
0xac: {  	s3 =	sadd.s32 $0x3D00, s12;
	[sflag:s26] =	ssyncadd.s32 $0xFFFFF000  }
0xad: {  	[spmem:s1] =	stream.indirect.scatter.add.f32 [tilespmem:s20], [sflag:$0x8], $0x20, s3, s17, $0xb8;
	[tilespmem:$0x12C00] =	vst v63  }
0xae: {  	_ =	swait.ge [sflag:s28], $0x1000  }
0xaf: {  	[sflag:s28] =	ssyncset.done $0x0  }
0xb0: {  	s3 =	sadd.s32 $0x3D80, s12;
	[sflag:s28] =	ssyncadd.s32 $0xFFFFF000  }
0xb1: {  	[spmem:s1] =	stream.indirect.scatter.add.f32 [tilespmem:s21], [sflag:$0x9], $0x20, s3, s17, $0xb8;
	[tilespmem:$0x12C00] =	vst v63  }
0xb2: {  	_ =	swait.ge [sflag:s29], $0x1000  }
0xb3: {  	[sflag:s29] =	ssyncset.done $0x0  }
0xb4: {  	s3 =	sadd.s32 $0x3E00, s12;
	[sflag:s29] =	ssyncadd.s32 $0xFFFFF000  }
0xb5: {  	[spmem:s1] =	stream.indirect.scatter.add.f32 [tilespmem:s22], [sflag:$0xA], $0x20, s3, s17, $0xb8;
	[tilespmem:$0x12C00] =	vst v63  }
0xb6: {  	_ =	swait.ge [sflag:s30], $0x1000  }
0xb7: {  	[sflag:s30] =	ssyncset.done $0x0  }
0xb8: {  	[sflag:s30] =	ssyncadd.s32 $0xFFFFF000  }
0xb9: {  	_ =	swait.ge [sflag:s31], $0x1000  }
0xba: {  	[sflag:s31] =	ssyncset.done $0x0  }
0xbb: {  	[sflag:s31] =	ssyncadd.s32 $0xFFFFF000  }
0xbc: {  	_ =	swait.ge [sflag:s0], $0x1000  }
0xbd: {  	[sflag:s0] =	ssyncset.done $0x0  }
0xbe: {  	[sflag:s0] =	ssyncadd.s32 $0xFFFFF000  }
.Ltmp4:
0xbf: {  	_ =	swait.ge [sflag:s16], $0x1000;
	(pc) =	sbr.rel @p1 .LBB2_8-.Ltmp4, $4  }
0xc0: {  	[sflag:s16] =	ssyncset.done $0x0  }
0xc1: {  	[sflag:s16] =	ssyncadd.s32 $0xFFFFF000  }
0xc2: {  	_ =	swait.ge [sflag:s9], $0x1000  }
0xc3: {  	s3 =	smov.u32 s11;
	[sflag:s9] =	ssyncset.done $0x0  }
0xc4: {  	s3 =	sshra.s32 s10, $0x2;
	[sflag:s9] =	ssyncadd.s32 $0xFFFFF000  }
0xc5: {  	[tilespmem:s18], [sflag:$0x1] =	stream.indirect.gather [hbm4b:s4+s17], $0x20, s3, s17, $0xb8;
	[tilespmem:$0x12C00] =	vst v63  }
0xc6: {  	s10 =	sadd.s32 $0x80, s3  }
0xc7: {  	[tilespmem:s19], [sflag:$0x2] =	stream.indirect.gather [hbm4b:s4+s17], $0x20, s10, s17, $0xb8;
	[tilespmem:$0x12C00] =	vst v63  }
0xc8: {  	s12 =	sadd.s32 $0x100, s3  }
0xc9: {  	[tilespmem:s20], [sflag:$0x3] =	stream.indirect.gather [hbm4b:s4+s17], $0x20, s12, s17, $0xb8;
	[tilespmem:$0x12C00] =	vst v63  }
0xca: {  	s11 =	sadd.s32 $0x180, s3  }
0xcb: {  	[tilespmem:s21], [sflag:$0x4] =	stream.indirect.gather [hbm4b:s4+s17], $0x20, s11, s17, $0xb8;
	[tilespmem:$0x12C00] =	vst v63  }
0xcc: {  	s12 =	sadd.s32 $0x200, s3  }
0xcd: {  	[tilespmem:s22], [sflag:$0x5] =	stream.indirect.gather [hbm4b:s4+s17], $0x20, s12, s17, $0xb8;
	[tilespmem:$0x12C00] =	vst v63  }
0xce: {  	_ =	swait.ge [sflag:s23], $0x1000  }
0xcf: {  	[sflag:s23] =	ssyncset.done $0x0  }
0xd0: {  	s11 =	sadd.s32 $0x3C00, s3;
	[sflag:s23] =	ssyncadd.s32 $0xFFFFF000  }
0xd1: {  	[spmem:s1] =	stream.indirect.scatter.add.f32 [tilespmem:s18], [sflag:$0x6], $0x20, s11, s17, $0xb8;
	[tilespmem:$0x12C00] =	vst v63  }
0xd2: {  	_ =	swait.ge [sflag:s25], $0x1000  }
0xd3: {  	[sflag:s25] =	ssyncset.done $0x0  }
0xd4: {  	s12 =	sadd.s32 $0x3C80, s3;
	[sflag:s25] =	ssyncadd.s32 $0xFFFFF000  }
0xd5: {  	[spmem:s1] =	stream.indirect.scatter.add.f32 [tilespmem:s19], [sflag:$0x7], $0x20, s12, s17, $0xb8;
	[tilespmem:$0x12C00] =	vst v63  }
0xd6: {  	_ =	swait.ge [sflag:s26], $0x1000  }
0xd7: {  	[sflag:s26] =	ssyncset.done $0x0  }
0xd8: {  	s11 =	sadd.s32 $0x3D00, s3;
	[sflag:s26] =	ssyncadd.s32 $0xFFFFF000  }
0xd9: {  	[spmem:s1] =	stream.indirect.scatter.add.f32 [tilespmem:s20], [sflag:$0x8], $0x20, s11, s17, $0xb8;
	[tilespmem:$0x12C00] =	vst v63  }
0xda: {  	_ =	swait.ge [sflag:s28], $0x1000  }
0xdb: {  	[sflag:s28] =	ssyncset.done $0x0  }
0xdc: {  	s12 =	sadd.s32 $0x3D80, s3;
	[sflag:s28] =	ssyncadd.s32 $0xFFFFF000  }
0xdd: {  	[spmem:s1] =	stream.indirect.scatter.add.f32 [tilespmem:s21], [sflag:$0x9], $0x20, s12, s17, $0xb8;
	[tilespmem:$0x12C00] =	vst v63  }
0xde: {  	_ =	swait.ge [sflag:s29], $0x1000  }
0xdf: {  	[sflag:s29] =	ssyncset.done $0x0  }
0xe0: {  	s3 =	sadd.s32 $0x3E00, s3;
	[sflag:s29] =	ssyncadd.s32 $0xFFFFF000  }
0xe1: {  	[spmem:s1] =	stream.indirect.scatter.add.f32 [tilespmem:s22], [sflag:$0xA], $0x20, s3, s17, $0xb8;
	[tilespmem:$0x12C00] =	vst v63  }
0xe2: {  	_ =	swait.ge [sflag:s30], $0x1000  }
0xe3: {  	[sflag:s30] =	ssyncset.done $0x0  }
0xe4: {  	[sflag:s30] =	ssyncadd.s32 $0xFFFFF000  }
0xe5: {  	_ =	swait.ge [sflag:s31], $0x1000  }
0xe6: {  	[sflag:s31] =	ssyncset.done $0x0  }
0xe7: {  	[sflag:s31] =	ssyncadd.s32 $0xFFFFF000  }
0xe8: {  	_ =	swait.ge [sflag:s0], $0x1000  }
0xe9: {  	[sflag:s0] =	ssyncset.done $0x0  }
0xea: {  	[sflag:s0] =	ssyncadd.s32 $0xFFFFF000  }
0xeb: {  	_ =	swait.ge [sflag:s16], $0x1000  }
.Ltmp5:
0xec: {  	[sflag:s16] =	ssyncset.done $0x0;
	(pc) =	sbr.rel .LBB2_10-.Ltmp5, $4  }
0xed: {  	[sflag:s16] =	ssyncadd.s32 $0xFFFFF000  }
0xee: {  	_ =	swait.ge [sflag:s9], $0x1000  }
0xef: {  	[sflag:s9] =	ssyncset.done $0x0  }
0xf0: {  	[sflag:s9] =	ssyncadd.s32 $0xFFFFF000  }
.LBB2_4:
0xf1: {  	s10 =	rddreg [dreg:$0x3]  }
0xf2: {  	[tilespmem:s3], [sflag:$0xB] =	stream.linear.gather [hbm4b:s10+s3], $0x3C00, $0x38;
	[tilespmem:$0x12C00] =	vst v63  }
0xf3: {  	_ =	swait.ge [sflag:s15], $0x3C00  }
0xf4: {  	[sflag:s15] =	ssyncset.done $0x0  }
0xf5: {  	s11 =	simm.s32 $0x3C00;
	s12 =	rddreg [dreg:$0x4];
	[sflag:s15] =	ssyncadd.s32 $0xFFFFC400  }
0xf6: {  	[tilespmem:s11], [sflag:$0xB] =	stream.linear.gather [hbm4b:s12+s3], $0x3C00, $0x38;
	[tilespmem:$0x12C00] =	vst v63  }
0xf7: {  	_ =	swait.ge [sflag:s15], $0x3C00  }
0xf8: {  	[sflag:s15] =	ssyncset.done $0x0  }
0xf9: {  	s12 =	simm.s32 $0x0;
	[sflag:s15] =	ssyncadd.s32 $0xFFFFC400  }
0xfa: {  	[tilespmem:s18], [sflag:$0x1] =	stream.indirect.gather [hbm4b:s4+s17], $0x20, s12, s17, $0xb8;
	[tilespmem:$0x12C00] =	vst v63  }
0xfb: {  	s10 =	simm.s32 $0x80  }
0xfc: {  	[tilespmem:s19], [sflag:$0x2] =	stream.indirect.gather [hbm4b:s4+s17], $0x20, s10, s17, $0xb8;
	[tilespmem:$0x12C00] =	vst v63  }
0xfd: {  	s11 =	simm.s32 $0x100  }
0xfe: {  	[tilespmem:s20], [sflag:$0x3] =	stream.indirect.gather [hbm4b:s4+s17], $0x20, s11, s17, $0xb8;
	[tilespmem:$0x12C00] =	vst v63  }
0xff: {  	s12 =	simm.s32 $0x180  }
0x100: {  	[tilespmem:s21], [sflag:$0x4] =	stream.indirect.gather [hbm4b:s4+s17], $0x20, s12, s17, $0xb8;
	[tilespmem:$0x12C00] =	vst v63  }
0x101: {  	s10 =	simm.s32 $0x200  }
0x102: {  	[tilespmem:s22], [sflag:$0x5] =	stream.indirect.gather [hbm4b:s4+s17], $0x20, s10, s17, $0xb8;
	[tilespmem:$0x12C00] =	vst v63  }
0x103: {  	_ =	swait.ge [sflag:s23], $0x1000  }
0x104: {  	[sflag:s23] =	ssyncset.done $0x0  }
0x105: {  	s11 =	simm.s32 $0x3C00;
	[sflag:s23] =	ssyncadd.s32 $0xFFFFF000  }
0x106: {  	[spmem:s1] =	stream.indirect.scatter.add.f32 [tilespmem:s18], [sflag:$0x6], $0x20, s11, s17, $0xb8;
	[tilespmem:$0x12C00] =	vst v63  }
0x107: {  	_ =	swait.ge [sflag:s25], $0x1000  }
0x108: {  	[sflag:s25] =	ssyncset.done $0x0  }
0x109: {  	s12 =	simm.s32 $0x3C80;
	[sflag:s25] =	ssyncadd.s32 $0xFFFFF000  }
0x10a: {  	[spmem:s1] =	stream.indirect.scatter.add.f32 [tilespmem:s19], [sflag:$0x7], $0x20, s12, s17, $0xb8;
	[tilespmem:$0x12C00] =	vst v63  }
0x10b: {  	_ =	swait.ge [sflag:s26], $0x1000  }
0x10c: {  	[sflag:s26] =	ssyncset.done $0x0  }
0x10d: {  	s10 =	simm.s32 $0x3D00;
	[sflag:s26] =	ssyncadd.s32 $0xFFFFF000  }
0x10e: {  	[spmem:s1] =	stream.indirect.scatter.add.f32 [tilespmem:s20], [sflag:$0x8], $0x20, s10, s17, $0xb8;
	[tilespmem:$0x12C00] =	vst v63  }
0x10f: {  	_ =	swait.ge [sflag:s28], $0x1000  }
0x110: {  	[sflag:s28] =	ssyncset.done $0x0  }
0x111: {  	s11 =	simm.s32 $0x3D80;
	[sflag:s28] =	ssyncadd.s32 $0xFFFFF000  }
0x112: {  	[spmem:s1] =	stream.indirect.scatter.add.f32 [tilespmem:s21], [sflag:$0x9], $0x20, s11, s17, $0xb8;
	[tilespmem:$0x12C00] =	vst v63  }
0x113: {  	_ =	swait.ge [sflag:s29], $0x1000  }
0x114: {  	[sflag:s29] =	ssyncset.done $0x0  }
0x115: {  	s12 =	simm.s32 $0x3E00;
	[sflag:s29] =	ssyncadd.s32 $0xFFFFF000  }
0x116: {  	[spmem:s1] =	stream.indirect.scatter.add.f32 [tilespmem:s22], [sflag:$0xA], $0x20, s12, s17, $0xb8;
	[tilespmem:$0x12C00] =	vst v63  }
0x117: {  	_ =	swait.ge [sflag:s30], $0x1000  }
0x118: {  	[sflag:s30] =	ssyncset.done $0x0  }
0x119: {  	[sflag:s30] =	ssyncadd.s32 $0xFFFFF000  }
0x11a: {  	_ =	swait.ge [sflag:s31], $0x1000  }
0x11b: {  	[sflag:s31] =	ssyncset.done $0x0  }
0x11c: {  	[sflag:s31] =	ssyncadd.s32 $0xFFFFF000  }
0x11d: {  	_ =	swait.ge [sflag:s0], $0x1000  }
0x11e: {  	[sflag:s0] =	ssyncset.done $0x0  }
0x11f: {  	[sflag:s0] =	ssyncadd.s32 $0xFFFFF000  }
0x120: {  	_ =	swait.ge [sflag:s16], $0x1000  }
0x121: {  	[sflag:s16] =	ssyncset.done $0x0  }
0x122: {  	[sflag:s16] =	ssyncadd.s32 $0xFFFFF000  }
0x123: {  	_ =	swait.ge [sflag:s9], $0x1000  }
0x124: {  	s10 =	simm.s32 $0xA00;
	s11 =	simm.s32 $0x1400;
	[sflag:s9] =	ssyncset.done $0x0  }
.LBB2_5:
0x125: {  	s12 =	sshra.s32 s10, $0x2  }
0x126: {  	[sflag:s9] =	ssyncadd.s32 $0xFFFFF000;
	s10 =	smov.u32 s11;
	s3 =	sadd.s32 $0xA00, s11  }
0x127: {  	[tilespmem:s18], [sflag:$0x1] =	stream.indirect.gather [hbm4b:s4+s17], $0x20, s12, s17, $0xb8;
	[tilespmem:$0x12C00] =	vst v63  }
0x128: {  	p1 =	seq.s32 s11, $0xE600;
	s11 =	sadd.s32 $0x80, s12  }
0x129: {  	[tilespmem:s19], [sflag:$0x2] =	stream.indirect.gather [hbm4b:s4+s17], $0x20, s11, s17, $0xb8;
	[tilespmem:$0x12C00] =	vst v63  }
0x12a: {  	s11 =	sadd.s32 $0x100, s12  }
0x12b: {  	[tilespmem:s20], [sflag:$0x3] =	stream.indirect.gather [hbm4b:s4+s17], $0x20, s11, s17, $0xb8;
	[tilespmem:$0x12C00] =	vst v63  }
0x12c: {  	s11 =	sadd.s32 $0x180, s12  }
0x12d: {  	[tilespmem:s21], [sflag:$0x4] =	stream.indirect.gather [hbm4b:s4+s17], $0x20, s11, s17, $0xb8;
	[tilespmem:$0x12C00] =	vst v63  }
0x12e: {  	s11 =	sadd.s32 $0x200, s12  }
0x12f: {  	[tilespmem:s22], [sflag:$0x5] =	stream.indirect.gather [hbm4b:s4+s17], $0x20, s11, s17, $0xb8;
	[tilespmem:$0x12C00] =	vst v63  }
0x130: {  	_ =	swait.ge [sflag:s23], $0x1000  }
0x131: {  	[sflag:s23] =	ssyncset.done $0x0  }
0x132: {  	s11 =	sadd.s32 $0x3C00, s12;
	[sflag:s23] =	ssyncadd.s32 $0xFFFFF000  }
0x133: {  	[spmem:s1] =	stream.indirect.scatter.add.f32 [tilespmem:s18], [sflag:$0x6], $0x20, s11, s17, $0xb8;
	[tilespmem:$0x12C00] =	vst v63  }
0x134: {  	_ =	swait.ge [sflag:s25], $0x1000  }
0x135: {  	[sflag:s25] =	ssyncset.done $0x0  }
0x136: {  	s11 =	sadd.s32 $0x3C80, s12;
	[sflag:s25] =	ssyncadd.s32 $0xFFFFF000  }
0x137: {  	[spmem:s1] =	stream.indirect.scatter.add.f32 [tilespmem:s19], [sflag:$0x7], $0x20, s11, s17, $0xb8;
	[tilespmem:$0x12C00] =	vst v63  }
0x138: {  	_ =	swait.ge [sflag:s26], $0x1000  }
0x139: {  	[sflag:s26] =	ssyncset.done $0x0  }
0x13a: {  	s11 =	sadd.s32 $0x3D00, s12;
	[sflag:s26] =	ssyncadd.s32 $0xFFFFF000  }
0x13b: {  	[spmem:s1] =	stream.indirect.scatter.add.f32 [tilespmem:s20], [sflag:$0x8], $0x20, s11, s17, $0xb8;
	[tilespmem:$0x12C00] =	vst v63  }
0x13c: {  	_ =	swait.ge [sflag:s28], $0x1000  }
0x13d: {  	[sflag:s28] =	ssyncset.done $0x0  }
0x13e: {  	s11 =	sadd.s32 $0x3D80, s12;
	[sflag:s28] =	ssyncadd.s32 $0xFFFFF000  }
0x13f: {  	[spmem:s1] =	stream.indirect.scatter.add.f32 [tilespmem:s21], [sflag:$0x9], $0x20, s11, s17, $0xb8;
	[tilespmem:$0x12C00] =	vst v63  }
0x140: {  	_ =	swait.ge [sflag:s29], $0x1000  }
0x141: {  	[sflag:s29] =	ssyncset.done $0x0  }
0x142: {  	s11 =	sadd.s32 $0x3E00, s12;
	[sflag:s29] =	ssyncadd.s32 $0xFFFFF000  }
0x143: {  	[spmem:s1] =	stream.indirect.scatter.add.f32 [tilespmem:s22], [sflag:$0xA], $0x20, s11, s17, $0xb8;
	[tilespmem:$0x12C00] =	vst v63  }
0x144: {  	_ =	swait.ge [sflag:s30], $0x1000  }
0x145: {  	[sflag:s30] =	ssyncset.done $0x0  }
0x146: {  	[sflag:s30] =	ssyncadd.s32 $0xFFFFF000  }
0x147: {  	_ =	swait.ge [sflag:s31], $0x1000  }
0x148: {  	[sflag:s31] =	ssyncset.done $0x0  }
0x149: {  	[sflag:s31] =	ssyncadd.s32 $0xFFFFF000  }
0x14a: {  	_ =	swait.ge [sflag:s0], $0x1000  }
0x14b: {  	[sflag:s0] =	ssyncset.done $0x0  }
0x14c: {  	[sflag:s0] =	ssyncadd.s32 $0xFFFFF000  }
.Ltmp6:
0x14d: {  	_ =	swait.ge [sflag:s16], $0x1000;
	(pc) =	sbr.rel @!p1 .LBB2_5-.Ltmp6, $4  }
0x14e: {  	[sflag:s16] =	ssyncset.done $0x0  }
0x14f: {  	[sflag:s16] =	ssyncadd.s32 $0xFFFFF000  }
0x150: {  	_ =	swait.ge [sflag:s9], $0x1000  }
0x151: {  	s11 =	smov.u32 s3;
	[sflag:s9] =	ssyncset.done $0x0  }
.Ltmp7:
0x152: {  	_ = 	snop;
	(pc) =	sbr.rel .LBB2_6-.Ltmp7, $1  }
0x153: {  	_ =	sdelay $0x3  }
.LBB2_11:
0x154: {  	_ =	sfence.sel $0x180000  }
0x155: {  	[bflag:$0x0] =	sbarrier.arrive $0xFFFF  }
0x156: {  	_ =	strace $0x9000004A  }
0x157: {  	s0 =	stileid.u32;
	[bflag:$0x2] =	sbarrier.arrive $0xFFFF  }
0x158: {  	p0 =	sne.s32 s0, $0x0;
	s0 =	rddreg [dreg:$0x2]  }
0x159: {  	s0 =	sadd.s32 @!p0 $0x100000, s0  }
0x15a: {  	[sflag:s0] =	ssyncadd.tile.s32 @!p0 $0x1;
	_ =	shalt  }
.Lfunc_end2:
_tile_overlayer_lowered:
.L_overlay_start_2:
0x15b: {  	(tag) =	ssettag $0x2  }
0x15c: {  	s0 =	rddreg [dreg:$0x0];
	s2 =	stileid.u32  }
0x15d: {  	s1 =	rddreg [dreg:$0x1];
	p0 =	sne.s32 s2, $0x0  }
0x15e: {  	s3 =	rddreg [dreg:$0x2];
	[bflag:$0x3] =	sbarrier.arrive $0xFFFF;
	s2 =	simm.s32 @!p0 $0x1C0B  }
0x15f: {  	[timem:s3], [sflag:s2] =	dma.local @!p0 [hbm:s0], s1  }
0x160: {  	s0 =	simm.s32 @!p0 $0xB  }
0x161: {  	_ =	swait.ge @!p0 [sflag:s0], s1  }
0x162: {  	s1 =	ssub.s32 @!p0 $0x0, s1;
	[sflag:s0] =	ssyncset.done @!p0 $0x0  }
0x163: {  	[sflag:s0] =	ssyncadd.s32 @!p0 s1  }
0x164: {  	[bflag:$0x3] =	sbarrier.arrive $0xFFFF  }
0x165: {  	_ =	shalt  }

// kernel: kernel.17.cloned.1.call-start
scs
__scs_entry_jumppad:
0x0: {  	(pc) =	sbr.rel $0x88, $3  }
0x1: {  	(tag) =	ssettag $0x0;
	lr =	simm.s32 $0x1  }
0x2: {  	[smem:$0x3F94] =	sst lr;
	_ =	strace $0xD0000000  }
0x3: {  	_ = 	snop  }
0x4: {  	_ = 	snop  }
0x5: {  	_ = 	snop  }
0x6: {  	_ = 	snop  }
0x7: {  	_ = 	snop  }
__scs_overlays_trampoline_lowered:
0x8: {  	[smem:$0x3FA3] =	sst s0  }
0x9: {  	[smem:$0x3FA4] =	sst s1  }
0xa: {  	[smem:$0x3FA5] =	sst s2  }
0xb: {  	[smem:$0x3FA6] =	sst s3  }
0xc: {  	[smem:$0x3FA7] =	sst s4  }
0xd: {  	[smem:$0x3FA8] =	sst s5  }
0xe: {  	[smem:$0x3FA9] =	sst s6  }
0xf: {  	[smem:$0x3FAA] =	sst s7  }
0x10: {  	[smem:$0x3FAB] =	sst s8  }
0x11: {  	[smem:$0x3FAC] =	sst s9;
	s0 =	simm.s32 @!p0 $0x0  }
0x12: {  	s1 =	sld [smem:$0x3F92];
	s0 =	simm.s32 @p0 $0x1  }
0x13: {  	[smem:$0x3FAD] =	sst s0;
	s0 =	simm.s32 @!p1 $0x0  }
0x14: {  	s2 =	sld [smem:$0x3F91];
	s0 =	simm.s32 @p1 $0x1  }
0x15: {  	[smem:$0x3FAE] =	sst s0;
	s0 =	simm.s32 @!p2 $0x0  }
0x16: {  	s3 =	sld [smem:$0x3FDB];
	s0 =	simm.s32 @p2 $0x1  }
0x17: {  	s4 =	simm.s32 $0x1BF5;
	[smem:$0x3FB0] =	sst s0  }
0x18: {  	s0 =	sld [smem:$0x3F93];
	_ =	swait.ge [sflag:s4], $0x0  }
0x19: {  	s7 =	sld [smem:$0x3F94]  }
0x1a: {  	s8 =	sadd.s32 $0xFFFFE003, lr  }
0x1b: {  	s9 =	sadd.s32 $0xFFFFFEF7, lr;
	s5 =	simm.s32 $0xFFFFFFFF;
	p2 =	slt.u32 s8, $0xFFFFF086  }
0x1c: {  	p1 =	slt.u32 s9, $0xF7A;
	s5 =	simm.s32 @!p2 $0x0  }
0x1d: {  	s5 =	simm.s32 @p1 $0x1;
	p0 =	seq.s32 s7, s2  }
0x1e: {  	s7 =	smul.u32 @!p0 $0xF7A, s2;
	p2 =	seq.s32 @!p0 s5, $0x0  }
0x1f: {  	s9 =	smul.u32 $0xF7A, s1;
	s8 =	simm.s32 @!p0 $0x1BF5;
	p2 =	por !p2, p0  }
0x20: {  	[sflag:s8] =	ssyncset.s32 @!p0 $0xFFFFF086;
	s6 =	sadd.s32 @!p0 s3, s7;
	s7 =	simm.s32 @!p0 $0x108  }
0x21: {  	s3 =	sadd.s32 s3, s9;
	s6 =	sadd.s32 @!p0 $0x88, s6;
	s7 =	simm.s32 @p2 $0x1082  }
0x22: {  	[simem:s7], [sflag:s8] =	dma.local @!p0 [hbm:s6], $0xF7A  }
0x23: {  	s9 =	sor.u32 $0xD0000000, s2;
	s6 =	simm.s32 $0x108;
	_ =	swait.ge @!p0 [sflag:s8], $0x0  }
0x24: {  	s3 =	sadd.s32 $0x88, s3;
	s6 =	simm.s32 @!p1 $0x1082;
	[sflag:s4] =	ssyncset.s32 $0xFFFFF086  }
0x25: {  	[simem:s6], [sflag:s4] =	dma.local [hbm:s3], $0xF7A  }
0x26: {  	[smem:$0x3F94] =	sst s1;
	(tag) =	ssettag s2;
	_ =	strace s9  }
0x27: {  	s1 =	sld [smem:$0x3FA4]  }
0x28: {  	s2 =	sld [smem:$0x3FA5]  }
0x29: {  	s4 =	sld [smem:$0x3FA7]  }
0x2a: {  	p0 =	seq.s32 s5, $0x0;
	s5 =	sld [smem:$0x3FA8]  }
0x2b: {  	s6 =	sld [smem:$0x3FA9]  }
0x2c: {  	s7 =	sld [smem:$0x3FAA]  }
0x2d: {  	s3 =	simm.s32 $0x108;
	s8 =	sld [smem:$0x3FAB]  }
0x2e: {  	s3 =	simm.s32 @!p0 $0x1082;
	s9 =	sld [smem:$0x3FAC]  }
0x2f: {  	lr =	sadd.s32 s0, s3;
	s0 =	sld [smem:$0x3FA3]  }
0x30: {  	s3 =	sld [smem:$0x3FA6]  }
0x31: {  	[smem:$0x3FAF] =	sst s10  }
0x32: {  	s10 =	sld [smem:$0x3FAD];
	_ =	sdelay $0x3  }
0x33: {  	p0 =	seq.s32 s10, $0x1;
	s10 =	sld [smem:$0x3FAF];
	_ =	sdelay $0x3  }
0x34: {  	[smem:$0x3FAF] =	sst s10  }
0x35: {  	s10 =	sld [smem:$0x3FAE];
	_ =	sdelay $0x3  }
0x36: {  	p1 =	seq.s32 s10, $0x1;
	s10 =	sld [smem:$0x3FAF];
	_ =	sdelay $0x3  }
0x37: {  	[smem:$0x3FAF] =	sst s10  }
0x38: {  	s10 =	sld [smem:$0x3FB0]  }
0x39: {  	_ = 	snop;
	(pc) =	sbr.ind lr, $3  }
0x3a: {  	_ = 	snop  }
0x3b: {  	_ = 	snop  }
0x3c: {  	p2 =	seq.s32 s10, $0x1;
	s10 =	sld [smem:$0x3FAF]  }
0x3d: {  	_ =	shalt  }
0x3e: {  	_ =	shalt  }
0x3f: {  	_ =	shalt  }
0x40: {  	_ =	shalt  }
0x41: {  	_ =	shalt  }
0x42: {  	_ =	shalt  }
0x43: {  	_ =	shalt  }
0x44: {  	_ =	shalt  }
0x45: {  	_ =	shalt  }
0x46: {  	_ =	shalt  }
0x47: {  	_ =	shalt  }
0x48: {  	_ =	shalt  }
0x49: {  	_ =	shalt  }
0x4a: {  	_ =	shalt  }
0x4b: {  	_ =	shalt  }
0x4c: {  	_ =	shalt  }
0x4d: {  	_ =	shalt  }
0x4e: {  	_ =	shalt  }
0x4f: {  	_ =	shalt  }
0x50: {  	_ =	shalt  }
0x51: {  	_ =	shalt  }
0x52: {  	_ =	shalt  }
0x53: {  	_ =	shalt  }
0x54: {  	_ =	shalt  }
0x55: {  	_ =	shalt  }
0x56: {  	_ =	shalt  }
0x57: {  	_ =	shalt  }
0x58: {  	_ =	shalt  }
0x59: {  	_ =	shalt  }
0x5a: {  	_ =	shalt  }
0x5b: {  	_ =	shalt  }
0x5c: {  	_ =	shalt  }
0x5d: {  	_ =	shalt  }
0x5e: {  	_ =	shalt  }
0x5f: {  	_ =	shalt  }
0x60: {  	_ =	shalt  }
0x61: {  	_ =	shalt  }
0x62: {  	_ =	shalt  }
0x63: {  	_ =	shalt  }
0x64: {  	_ =	shalt  }
0x65: {  	_ =	shalt  }
0x66: {  	_ =	shalt  }
0x67: {  	_ =	shalt  }
0x68: {  	_ =	shalt  }
0x69: {  	_ =	shalt  }
0x6a: {  	_ =	shalt  }
0x6b: {  	_ =	shalt  }
0x6c: {  	_ =	shalt  }
0x6d: {  	_ =	shalt  }
0x6e: {  	_ =	shalt  }
0x6f: {  	_ =	shalt  }
0x70: {  	_ =	shalt  }
0x71: {  	_ =	shalt  }
0x72: {  	_ =	shalt  }
0x73: {  	_ =	shalt  }
0x74: {  	_ =	shalt  }
0x75: {  	_ =	shalt  }
0x76: {  	_ =	shalt  }
0x77: {  	_ =	shalt  }
0x78: {  	_ =	shalt  }
0x79: {  	_ =	shalt  }
0x7a: {  	_ =	shalt  }
0x7b: {  	_ =	shalt  }
0x7c: {  	_ =	shalt  }
0x7d: {  	_ =	shalt  }
0x7e: {  	_ =	shalt  }
0x7f: {  	_ =	shalt  }
0x80: {  	_ =	shalt  }
0x81: {  	_ =	shalt  }
0x82: {  	_ =	shalt  }
0x83: {  	_ =	shalt  }
0x84: {  	_ =	shalt  }
0x85: {  	_ =	shalt  }
0x86: {  	_ =	shalt  }
0x87: {  	_ =	shalt  }
.Lfunc_end0:
.L_simem_size_0:
called_computation.2_lowered:
.L_overlay_start_0:
0x88: {  	s2 =	sld [smem:$0x3FD9]  }
0x89: {  	s3 =	sld [smem:$0x3FFE];
	_ =	sdelay $0x1  }
0x8a: {  	s1 =	srdreg.scid  }
0x8b: {  	s0 =	sand.u32 $0x1, s1  }
0x8c: {  	s16 =	sshll.u32 s0, $0xA;
	s2 =	sadd.s32 s3, s2  }
0x8d: {  	s2 =	sadd.s32 s2, s16  }
0x8e: {  	[smem:$0x3FBB] =	sst s2  }
0x8f: {  	_ = 	snop  }
0x90: {  	(tm) =	ssettm $0x1  }
0x91: {  	s17 =	sld [smem:$0x3FFB];
	_ =	sdelay $0x3  }
0x92: {  	_ =	strace s17  }
0x93: {  	s2 =	sld [smem:$0x3FFC];
	_ =	sdelay $0x3  }
0x94: {  	_ =	strace s2  }
0x95: {  	s2 =	sld [smem:$0x3FFD];
	_ =	sdelay $0x3  }
0x96: {  	_ =	strace s2  }
0x97: {  	_ =	strace $0x8FFFFFFF  }
0x98: {  	s18 =	sld [smem:$0x3FDB];
	_ =	sdelay $0x1  }
0x99: {  	s19 =	simm.s32 $_scs_section_size  }
0x9a: {  	s4 =	simm.s32 $_size__tile_overlayer_lowered;
	s5 =	simm.s32 $_tile_overlayer_lowered  }
0x9b: {  	s22 =	simm.s32 $0x1BFF;
	s21 =	sshll.u32 s5, $0x1;
	s2 =	sadd.s32 s19, s18  }
0x9c: {  	s6 =	simm.s32 $0x0;
	s20 =	sshll.u32 s4, $0x1;
	s4 =	sadd.s32 s21, s2  }
0x9d: {  	[timem:s6], [sflag:s22] =	dma.local [hbm:s4], s20  }
0x9e: {  	_ =	swait.ge [sflag:s22], s20  }
0x9f: {  	s3 =	ssub.s32 $0x0, s20;
	[sflag:s22] =	ssyncset.done $0x0  }
0xa0: {  	[sflag:s22] =	ssyncadd.s32 s3;
	_ =	sdelay $0x1  }
0xa1: {  	s23 =	simm.s32 $0x1B8B  }
0xa2: {  	_ =	swait.ge [sflag:s23], $0x1  }
0xa3: {  	[sflag:s23] =	ssyncset.done $0x0  }
0xa4: {  	s25 =	simm.s32 $0x1B8E;
	s24 =	sld [smem:$0x3FFE];
	[sflag:s23] =	ssyncadd.s32 $0xFFFFFFFF  }
0xa5: {  	s26 =	simm.s32 $execute0_lowered;
	[smem:$0x3FD2] =	sst s25  }
0xa6: {  	s4 =	sshll.u32 s26, $0x1;
	_ =	strace $0x8000004C;
	[dreg:$0x1] =	wrdreg $0xFFFFFFFF  }
0xa7: {  	s28 =	simm.s32 $_size_execute0_lowered;
	s2 =	sadd.s32 s2, s4;
	[dreg:$0x0] =	wrdreg $0x0  }
0xa8: {  	s4 =	sshll.u32 s28, $0x1;
	[dreg:$0x2] =	wrdreg s2  }
0xa9: {  	[dreg:$0x3] =	wrdreg s4  }
0xaa: {  	[dreg:$0x4] =	wrdreg $0xC0  }
0xab: {  	_ =	task [dreg:s6], $0x5FFFF  }
0xac: {  	[dreg:$0x1] =	wrdreg $0xFFFFFFFF  }
0xad: {  	[dreg:$0x0] =	wrdreg $0x60  }
0xae: {  	[dreg:$0x2] =	wrdreg s24  }
0xaf: {  	[dreg:$0x3] =	wrdreg $0x10E000  }
0xb0: {  	[dreg:$0x4] =	wrdreg $0x9  }
0xb1: {  	_ =	task.clear_ibuf [dreg:s6], $0x5FFFF;
	_ =	strace $0x9000004C  }
0xb2: {  	s29 =	simm.s32 $0x9;
	_ =	strace $0x8000004E  }
0xb3: {  	_ =	swait.ge [sflag:s29], $0x1  }
0xb4: {  	[sflag:s29] =	ssyncadd.s32 $0xFFFFFFFF  }
0xb5: {  	_ =	strace $0x9000004E  }
0xb6: {  	_ =	sfence  }
0xb7: {  	s30 =	sld [smem:$0x0];
	_ =	sdelay $0x2  }
0xb8: {  	s31 =	sshll.u32 s1, $0xD;
	s1 =	sshrl.u32 s1, $0x2  }
0xb9: {  	s3 =	sand.u32 $0x4000, s31;
	s1 =	sadd.s32 s1, s30  }
0xba: {  	s0 =	sor.u32 s3, s0;
	s1 =	sshll.u32 s1, $0x11  }
0xbb: {  	s0 =	sor.u32 s1, s0  }
0xbc: {  	s0 =	sadd.s32 $0x8F2B, s0  }
0xbd: {  	[sflag:s0] =	ssyncadd.remote.s32 $0x1  }
0xbe: {  	_ =	sfence.sel $0xFFFF  }
0xbf: {  	[dreg:$0x0] =	wrdreg $0xFFFFFFFF;
	(pc) =	sbr.abs _section_cstart, $3  }
0xc0: {  	[dreg:$0x1] =	wrdreg $0xFFFFFFFF  }
0xc1: {  	_ =	task.clear_ibuf [dreg:s6], $0x2FFFF;
	_ =	strace $0x9FFFFFFF  }
0xc2: {  	(tm) =	ssettm $0x7FFFFFFF  }
0xc3: {  	_ =	shalt  }
tec
execute0_lowered:
.L_overlay_start_1:
0x0: {  	(tag) =	ssettag $0x1  }
0x1: {  	s0 =	rddreg [dreg:$0x0]  }
0x2: {  	s1 =	rddreg [dreg:$0x1];
	s2 =	simm.s32 $0x0  }
0x3: {  	s3 =	srdreg.scid;
	s14 =	stileid.u32;
	s15 =	simm.s32 $0xB  }
0x4: {  	s17 =	simm.s32 $0x80;
	s18 =	simm.s32 $0x7800;
	s19 =	simm.s32 $0x9000  }
0x5: {  	s20 =	simm.s32 $0xA800;
	s21 =	simm.s32 $0xC000;
	s28 =	simm.s32 $0x4  }
0x6: {  	s29 =	simm.s32 $0x5;
	s30 =	simm.s32 $0x6;
	s6 =	smul.u32 $0x1E000, s14  }
0x7: {  	s31 =	simm.s32 $0x7;
	s16 =	simm.s32 $0x9;
	s11 =	smul.u32 $0x7800, s14  }
0x8: {  	[smem:$0x7FF] =	sst s2;
	s3 =	sand.u32 $0x1, s3;
	s12 =	smul.u32 $0x1400, s14  }
0x9: {  	s4 =	sadd.s32 $0x20800, s0;
	s9 =	sadd.s32 $0x16800, s0;
	s14 =	smul.u32 $0x780, s14  }
0xa: {  	s10 =	sadd.s32 $0x2800, s0;
	s5 =	smul.u32 $0xF000, s3;
	_ =	strace $0x8000004D  }
0xb: {  	s22 =	ssub.s32 $0x2, s3;
	p0 =	seq.s32 s3, $0x1;
	s6 =	sshrl.u32 s6, $0x2  }
0xc: {  	s7 =	sshrl.u32 s22, $0x1;
	s12 =	sshrl.u32 s12, $0x3;
	s24 =	sadd.s32 s9, s14  }
0xd: {  	s25 =	sadd.s32 s10, s14;
	s26 =	sshrl.u32 s11, $0x3;
	s14 =	simm.s32 $0xF000  }
0xe: {  	s0 =	sadd.s32 s5, s0;
	s8 =	sadd.s32 s6, s1;
	s13 =	ssub.s32 s22, s7  }
0xf: {  	s5 =	sadd.s32 s11, s1;
	s23 =	sadd.s32 $0x7800, s12;
	[dreg:$0x3] =	wrdreg s24  }
0x10: {  	[dreg:$0x4] =	wrdreg s25;
	s22 =	simm.s32 $0xD800;
	s25 =	simm.s32 $0x2  }
.Ltmp0:
0x11: {  	s6 =	sadd.s32 $0x1E00, s8;
	s7 =	sadd.s32 $0x3C00, s8;
	(pc) =	sbr.rel .LBB2_1-.Ltmp0, $4  }
0x12: {  	s8 =	sadd.s32 $0x5A00, s8;
	s9 =	sadd.s32 s9, s23;
	s3 =	sadd.s32 s10, s23  }
0x13: {  	s0 =	sadd.s32 $0x2F400, s0;
	s13 =	smax.u32 s13, $0x1;
	[dreg:$0x5] =	wrdreg s9  }
0x14: {  	s23 =	simm.s32 $0x1;
	[dreg:$0x6] =	wrdreg s3;
	s24 =	sadd.s32 s26, s0  }
0x15: {  	v0 =	vimm.f32 $0.0e+00;
	s26 =	simm.s32 $0x3;
	s0 =	simm.s32 $0x8;
	s9 =	simm.s32 $0xA  }
.LBB2_6:
0x16: {  	s3 =	sshra.s32 s10, $0x2;
	[sflag:s9] =	ssyncadd.s32 $0xFFFFE800  }
0x17: {  	[tilespmem:s18], [sflag:$0x1] =	stream.indirect.gather [hbm4b:s4+s17], $0x30, s3, s17, $0xb8;
	[tilespmem:$0x18600] =	vst v63  }
0x18: {  	s10 =	sadd.s32 $0x80, s3  }
0x19: {  	[tilespmem:s19], [sflag:$0x2] =	stream.indirect.gather [hbm4b:s4+s17], $0x30, s10, s17, $0xb8;
	[tilespmem:$0x18600] =	vst v63  }
0x1a: {  	s12 =	sadd.s32 $0x100, s3  }
0x1b: {  	[tilespmem:s20], [sflag:$0x3] =	stream.indirect.gather [hbm4b:s4+s17], $0x30, s12, s17, $0xb8;
	[tilespmem:$0x18600] =	vst v63  }
0x1c: {  	s11 =	sadd.s32 $0x180, s3  }
0x1d: {  	[tilespmem:s21], [sflag:$0x4] =	stream.indirect.gather [hbm4b:s4+s17], $0x30, s11, s17, $0xb8;
	[tilespmem:$0x18600] =	vst v63  }
0x1e: {  	s12 =	sadd.s32 $0x200, s3  }
0x1f: {  	[tilespmem:s22], [sflag:$0x5] =	stream.indirect.gather [hbm4b:s4+s17], $0x30, s12, s17, $0xb8;
	[tilespmem:$0x18600] =	vst v63  }
0x20: {  	_ =	swait.ge [sflag:s23], $0x1800  }
0x21: {  	[sflag:s23] =	ssyncset.done $0x0  }
0x22: {  	s11 =	sadd.s32 $0x3C00, s3;
	[sflag:s23] =	ssyncadd.s32 $0xFFFFE800  }
0x23: {  	[spmem:s1] =	stream.indirect.scatter.add.f32 [tilespmem:s18], [sflag:$0x6], $0x30, s11, s17, $0xb8;
	[tilespmem:$0x18600] =	vst v63  }
0x24: {  	_ =	swait.ge [sflag:s25], $0x1800  }
0x25: {  	[sflag:s25] =	ssyncset.done $0x0  }
0x26: {  	s12 =	sadd.s32 $0x3C80, s3;
	[sflag:s25] =	ssyncadd.s32 $0xFFFFE800  }
0x27: {  	[spmem:s1] =	stream.indirect.scatter.add.f32 [tilespmem:s19], [sflag:$0x7], $0x30, s12, s17, $0xb8;
	[tilespmem:$0x18600] =	vst v63  }
0x28: {  	_ =	swait.ge [sflag:s26], $0x1800  }
0x29: {  	[sflag:s26] =	ssyncset.done $0x0  }
0x2a: {  	s11 =	sadd.s32 $0x3D00, s3;
	[sflag:s26] =	ssyncadd.s32 $0xFFFFE800  }
0x2b: {  	[spmem:s1] =	stream.indirect.scatter.add.f32 [tilespmem:s20], [sflag:$0x8], $0x30, s11, s17, $0xb8;
	[tilespmem:$0x18600] =	vst v63  }
0x2c: {  	_ =	swait.ge [sflag:s28], $0x1800  }
0x2d: {  	[sflag:s28] =	ssyncset.done $0x0  }
0x2e: {  	s12 =	sadd.s32 $0x3D80, s3;
	[sflag:s28] =	ssyncadd.s32 $0xFFFFE800  }
0x2f: {  	[spmem:s1] =	stream.indirect.scatter.add.f32 [tilespmem:s21], [sflag:$0x9], $0x30, s12, s17, $0xb8;
	[tilespmem:$0x18600] =	vst v63  }
0x30: {  	_ =	swait.ge [sflag:s29], $0x1800  }
0x31: {  	[sflag:s29] =	ssyncset.done $0x0  }
0x32: {  	s3 =	sadd.s32 $0x3E00, s3;
	[sflag:s29] =	ssyncadd.s32 $0xFFFFE800  }
0x33: {  	[spmem:s1] =	stream.indirect.scatter.add.f32 [tilespmem:s22], [sflag:$0xA], $0x30, s3, s17, $0xb8;
	[tilespmem:$0x18600] =	vst v63  }
0x34: {  	_ =	swait.ge [sflag:s30], $0x1800  }
0x35: {  	[sflag:s30] =	ssyncset.done $0x0  }
0x36: {  	[sflag:s30] =	ssyncadd.s32 $0xFFFFE800  }
0x37: {  	_ =	swait.ge [sflag:s31], $0x1800  }
0x38: {  	[sflag:s31] =	ssyncset.done $0x0  }
0x39: {  	[sflag:s31] =	ssyncadd.s32 $0xFFFFE800  }
0x3a: {  	_ =	swait.ge [sflag:s0], $0x1800  }
0x3b: {  	[sflag:s0] =	ssyncset.done $0x0  }
0x3c: {  	[sflag:s0] =	ssyncadd.s32 $0xFFFFE800  }
0x3d: {  	_ =	swait.ge [sflag:s16], $0x1800  }
0x3e: {  	[sflag:s16] =	ssyncset.done $0x0  }
0x3f: {  	[sflag:s16] =	ssyncadd.s32 $0xFFFFE800  }
0x40: {  	_ =	swait.ge [sflag:s9], $0x1800  }
0x41: {  	[sflag:s9] =	ssyncset.done $0x0  }
0x42: {  	[sflag:s9] =	ssyncadd.s32 $0xFFFFE800  }
.LBB2_10:
0x43: {  	s3 =	stileid.u32;
	s2 =	sadd.s32 $0x1, s2  }
0x44: {  	[bflag:$0x0] =	sbarrier.arrive $0xFFFF;
	s3 =	sshll.u32 s3, $0x6;
	p1 =	sne.s32 s2, s13  }
.Ltmp1:
0x45: {  	s10 =	sshrl.u32 s5, $0x3;
	s3 =	sor.u32 $0x1C0B, s3;
	(pc) =	sbr.rel @!p1 .LBB2_11-.Ltmp1, $4  }
0x46: {  	[hbm:s24], [sflag:s3] =	dma.local [spmem:s10], $0xF00  }
0x47: {  	_ =	swait.ge [sflag:s15], $0xF00  }
0x48: {  	[sflag:s15] =	ssyncset.done $0x0  }
0x49: {  	[sflag:s15] =	ssyncadd.s32 $0xFFFFF100  }
.LBB2_1:
0x4a: {  	s10 =	simm.s32 $0xC0;
	s11 =	simm.s32 $0x0  }
.LBB2_2:
0x4b: {  	p1 =	sne.s32 s10, $0x7740;
	[tilespmem:s11+$0xF020] =	vst v0;
	s3 =	smov.u32 s10;
	s10 =	sadd.s32 $0xC0, s10  }
.Ltmp2:
0x4c: {  	[tilespmem:s11+$0xF000] =	vst v0;
	(pc) =	sbr.rel @p1 .LBB2_2-.Ltmp2, $2  }
0x4d: {  	[tilespmem:s11+$0xF010] =	vst v0;
	_ =	sdelay $0x2  }
0x4e: {  	s11 =	sshra.s32 s3, $0x2  }
0x4f: {  	[tilespmem:s11+$0xF020] =	vst v0  }
0x50: {  	[tilespmem:s11+$0xF000] =	vst v0  }
0x51: {  	[tilespmem:s11+$0xF010] =	vst v0  }
0x52: {  	[spmem:s5] =	stream.linear.scatter [tilespmem:s14], [sflag:$0xB], $0x1E00, $0x38;
	[tilespmem:$0x18600] =	vst v63  }
0x53: {  	_ =	swait.ge [sflag:s15], $0x1E00  }
0x54: {  	[sflag:s15] =	ssyncset.done $0x0  }
0x55: {  	[sflag:s15] =	ssyncadd.s32 $0xFFFFE200  }
0x56: {  	[spmem:s6] =	stream.linear.scatter [tilespmem:s14], [sflag:$0xB], $0x1E00, $0x38;
	[tilespmem:$0x18600] =	vst v63  }
0x57: {  	_ =	swait.ge [sflag:s15], $0x1E00  }
0x58: {  	[sflag:s15] =	ssyncset.done $0x0  }
0x59: {  	[sflag:s15] =	ssyncadd.s32 $0xFFFFE200  }
0x5a: {  	[spmem:s7] =	stream.linear.scatter [tilespmem:s14], [sflag:$0xB], $0x1E00, $0x38;
	[tilespmem:$0x18600] =	vst v63  }
0x5b: {  	_ =	swait.ge [sflag:s15], $0x1E00  }
0x5c: {  	[sflag:s15] =	ssyncset.done $0x0  }
0x5d: {  	[sflag:s15] =	ssyncadd.s32 $0xFFFFE200  }
0x5e: {  	[spmem:s8] =	stream.linear.scatter [tilespmem:s14], [sflag:$0xB], $0x1E00, $0x38;
	[tilespmem:$0x18600] =	vst v63  }
.Ltmp3:
0x5f: {  	_ =	swait.ge [sflag:s15], $0x1E00;
	(pc) =	sbr.rel @!p0 .LBB2_4-.Ltmp3, $4  }
0x60: {  	[sflag:s15] =	ssyncset.done $0x0  }
0x61: {  	[sflag:s15] =	ssyncadd.s32 $0xFFFFE200  }
0x62: {  	[bflag:$0x0] =	sbarrier.arrive $0xFFFF  }
0x63: {  	s3 =	simm.s32 $0x0  }
0x64: {  	s10 =	rddreg [dreg:$0x5]  }
0x65: {  	[tilespmem:s3], [sflag:$0xB] =	stream.linear.gather [hbm4b:s10+s3], $0x1400, $0x38;
	[tilespmem:$0x18600] =	vst v63  }
0x66: {  	_ =	swait.ge [sflag:s15], $0x1400  }
0x67: {  	[sflag:s15] =	ssyncset.done $0x0  }
0x68: {  	s11 =	simm.s32 $0x3C00;
	s12 =	rddreg [dreg:$0x6];
	[sflag:s15] =	ssyncadd.s32 $0xFFFFEC00  }
0x69: {  	[tilespmem:s11], [sflag:$0xB] =	stream.linear.gather [hbm4b:s12+s3], $0x1400, $0x38;
	[tilespmem:$0x18600] =	vst v63  }
0x6a: {  	_ =	swait.ge [sflag:s15], $0x1400  }
0x6b: {  	[sflag:s15] =	ssyncset.done $0x0  }
0x6c: {  	s12 =	simm.s32 $0x0;
	[sflag:s15] =	ssyncadd.s32 $0xFFFFEC00  }
0x6d: {  	[tilespmem:s18], [sflag:$0x1] =	stream.indirect.gather [hbm4b:s4+s17], $0x30, s12, s17, $0xb8;
	[tilespmem:$0x18600] =	vst v63  }
0x6e: {  	s10 =	simm.s32 $0x80  }
0x6f: {  	[tilespmem:s19], [sflag:$0x2] =	stream.indirect.gather [hbm4b:s4+s17], $0x30, s10, s17, $0xb8;
	[tilespmem:$0x18600] =	vst v63  }
0x70: {  	s11 =	simm.s32 $0x100  }
0x71: {  	[tilespmem:s20], [sflag:$0x3] =	stream.indirect.gather [hbm4b:s4+s17], $0x30, s11, s17, $0xb8;
	[tilespmem:$0x18600] =	vst v63  }
0x72: {  	s12 =	simm.s32 $0x180  }
0x73: {  	[tilespmem:s21], [sflag:$0x4] =	stream.indirect.gather [hbm4b:s4+s17], $0x30, s12, s17, $0xb8;
	[tilespmem:$0x18600] =	vst v63  }
0x74: {  	s10 =	simm.s32 $0x200  }
0x75: {  	[tilespmem:s22], [sflag:$0x5] =	stream.indirect.gather [hbm4b:s4+s17], $0x30, s10, s17, $0xb8;
	[tilespmem:$0x18600] =	vst v63  }
0x76: {  	_ =	swait.ge [sflag:s23], $0x1800  }
0x77: {  	[sflag:s23] =	ssyncset.done $0x0  }
0x78: {  	s11 =	simm.s32 $0x3C00;
	[sflag:s23] =	ssyncadd.s32 $0xFFFFE800  }
0x79: {  	[spmem:s1] =	stream.indirect.scatter.add.f32 [tilespmem:s18], [sflag:$0x6], $0x30, s11, s17, $0xb8;
	[tilespmem:$0x18600] =	vst v63  }
0x7a: {  	_ =	swait.ge [sflag:s25], $0x1800  }
0x7b: {  	[sflag:s25] =	ssyncset.done $0x0  }
0x7c: {  	s12 =	simm.s32 $0x3C80;
	[sflag:s25] =	ssyncadd.s32 $0xFFFFE800  }
0x7d: {  	[spmem:s1] =	stream.indirect.scatter.add.f32 [tilespmem:s19], [sflag:$0x7], $0x30, s12, s17, $0xb8;
	[tilespmem:$0x18600] =	vst v63  }
0x7e: {  	_ =	swait.ge [sflag:s26], $0x1800  }
0x7f: {  	[sflag:s26] =	ssyncset.done $0x0  }
0x80: {  	s10 =	simm.s32 $0x3D00;
	[sflag:s26] =	ssyncadd.s32 $0xFFFFE800  }
0x81: {  	[spmem:s1] =	stream.indirect.scatter.add.f32 [tilespmem:s20], [sflag:$0x8], $0x30, s10, s17, $0xb8;
	[tilespmem:$0x18600] =	vst v63  }
0x82: {  	_ =	swait.ge [sflag:s28], $0x1800  }
0x83: {  	[sflag:s28] =	ssyncset.done $0x0  }
0x84: {  	s11 =	simm.s32 $0x3D80;
	[sflag:s28] =	ssyncadd.s32 $0xFFFFE800  }
0x85: {  	[spmem:s1] =	stream.indirect.scatter.add.f32 [tilespmem:s21], [sflag:$0x9], $0x30, s11, s17, $0xb8;
	[tilespmem:$0x18600] =	vst v63  }
0x86: {  	_ =	swait.ge [sflag:s29], $0x1800  }
0x87: {  	[sflag:s29] =	ssyncset.done $0x0  }
0x88: {  	s12 =	simm.s32 $0x3E00;
	[sflag:s29] =	ssyncadd.s32 $0xFFFFE800  }
0x89: {  	[spmem:s1] =	stream.indirect.scatter.add.f32 [tilespmem:s22], [sflag:$0xA], $0x30, s12, s17, $0xb8;
	[tilespmem:$0x18600] =	vst v63  }
0x8a: {  	_ =	swait.ge [sflag:s30], $0x1800  }
0x8b: {  	[sflag:s30] =	ssyncset.done $0x0  }
0x8c: {  	[sflag:s30] =	ssyncadd.s32 $0xFFFFE800  }
0x8d: {  	_ =	swait.ge [sflag:s31], $0x1800  }
0x8e: {  	[sflag:s31] =	ssyncset.done $0x0  }
0x8f: {  	[sflag:s31] =	ssyncadd.s32 $0xFFFFE800  }
0x90: {  	_ =	swait.ge [sflag:s0], $0x1800  }
0x91: {  	[sflag:s0] =	ssyncset.done $0x0  }
0x92: {  	[sflag:s0] =	ssyncadd.s32 $0xFFFFE800  }
0x93: {  	_ =	swait.ge [sflag:s16], $0x1800  }
0x94: {  	[sflag:s16] =	ssyncset.done $0x0  }
0x95: {  	[sflag:s16] =	ssyncadd.s32 $0xFFFFE800  }
0x96: {  	_ =	swait.ge [sflag:s9], $0x1800  }
0x97: {  	s3 =	simm.s32 $0x1400;
	s10 =	simm.s32 $0xA00;
	[sflag:s9] =	ssyncset.done $0x0  }
.LBB2_8:
0x98: {  	s12 =	sshra.s32 s10, $0x2  }
0x99: {  	[sflag:s9] =	ssyncadd.s32 $0xFFFFE800;
	s10 =	smov.u32 s3;
	s11 =	sadd.s32 $0xA00, s3  }
0x9a: {  	[tilespmem:s18], [sflag:$0x1] =	stream.indirect.gather [hbm4b:s4+s17], $0x30, s12, s17, $0xb8;
	[tilespmem:$0x18600] =	vst v63  }
0x9b: {  	p1 =	sne.s32 s3, $0x4600;
	s3 =	sadd.s32 $0x80, s12  }
0x9c: {  	[tilespmem:s19], [sflag:$0x2] =	stream.indirect.gather [hbm4b:s4+s17], $0x30, s3, s17, $0xb8;
	[tilespmem:$0x18600] =	vst v63  }
0x9d: {  	s3 =	sadd.s32 $0x100, s12  }
0x9e: {  	[tilespmem:s20], [sflag:$0x3] =	stream.indirect.gather [hbm4b:s4+s17], $0x30, s3, s17, $0xb8;
	[tilespmem:$0x18600] =	vst v63  }
0x9f: {  	s3 =	sadd.s32 $0x180, s12  }
0xa0: {  	[tilespmem:s21], [sflag:$0x4] =	stream.indirect.gather [hbm4b:s4+s17], $0x30, s3, s17, $0xb8;
	[tilespmem:$0x18600] =	vst v63  }
0xa1: {  	s3 =	sadd.s32 $0x200, s12  }
0xa2: {  	[tilespmem:s22], [sflag:$0x5] =	stream.indirect.gather [hbm4b:s4+s17], $0x30, s3, s17, $0xb8;
	[tilespmem:$0x18600] =	vst v63  }
0xa3: {  	_ =	swait.ge [sflag:s23], $0x1800  }
0xa4: {  	[sflag:s23] =	ssyncset.done $0x0  }
0xa5: {  	s3 =	sadd.s32 $0x3C00, s12;
	[sflag:s23] =	ssyncadd.s32 $0xFFFFE800  }
0xa6: {  	[spmem:s1] =	stream.indirect.scatter.add.f32 [tilespmem:s18], [sflag:$0x6], $0x30, s3, s17, $0xb8;
	[tilespmem:$0x18600] =	vst v63  }
0xa7: {  	_ =	swait.ge [sflag:s25], $0x1800  }
0xa8: {  	[sflag:s25] =	ssyncset.done $0x0  }
0xa9: {  	s3 =	sadd.s32 $0x3C80, s12;
	[sflag:s25] =	ssyncadd.s32 $0xFFFFE800  }
0xaa: {  	[spmem:s1] =	stream.indirect.scatter.add.f32 [tilespmem:s19], [sflag:$0x7], $0x30, s3, s17, $0xb8;
	[tilespmem:$0x18600] =	vst v63  }
0xab: {  	_ =	swait.ge [sflag:s26], $0x1800  }
0xac: {  	[sflag:s26] =	ssyncset.done $0x0  }
0xad: {  	s3 =	sadd.s32 $0x3D00, s12;
	[sflag:s26] =	ssyncadd.s32 $0xFFFFE800  }
0xae: {  	[spmem:s1] =	stream.indirect.scatter.add.f32 [tilespmem:s20], [sflag:$0x8], $0x30, s3, s17, $0xb8;
	[tilespmem:$0x18600] =	vst v63  }
0xaf: {  	_ =	swait.ge [sflag:s28], $0x1800  }
0xb0: {  	[sflag:s28] =	ssyncset.done $0x0  }
0xb1: {  	s3 =	sadd.s32 $0x3D80, s12;
	[sflag:s28] =	ssyncadd.s32 $0xFFFFE800  }
0xb2: {  	[spmem:s1] =	stream.indirect.scatter.add.f32 [tilespmem:s21], [sflag:$0x9], $0x30, s3, s17, $0xb8;
	[tilespmem:$0x18600] =	vst v63  }
0xb3: {  	_ =	swait.ge [sflag:s29], $0x1800  }
0xb4: {  	[sflag:s29] =	ssyncset.done $0x0  }
0xb5: {  	s3 =	sadd.s32 $0x3E00, s12;
	[sflag:s29] =	ssyncadd.s32 $0xFFFFE800  }
0xb6: {  	[spmem:s1] =	stream.indirect.scatter.add.f32 [tilespmem:s22], [sflag:$0xA], $0x30, s3, s17, $0xb8;
	[tilespmem:$0x18600] =	vst v63  }
0xb7: {  	_ =	swait.ge [sflag:s30], $0x1800  }
0xb8: {  	[sflag:s30] =	ssyncset.done $0x0  }
0xb9: {  	[sflag:s30] =	ssyncadd.s32 $0xFFFFE800  }
0xba: {  	_ =	swait.ge [sflag:s31], $0x1800  }
0xbb: {  	[sflag:s31] =	ssyncset.done $0x0  }
0xbc: {  	[sflag:s31] =	ssyncadd.s32 $0xFFFFE800  }
0xbd: {  	_ =	swait.ge [sflag:s0], $0x1800  }
0xbe: {  	[sflag:s0] =	ssyncset.done $0x0  }
0xbf: {  	[sflag:s0] =	ssyncadd.s32 $0xFFFFE800  }
.Ltmp4:
0xc0: {  	_ =	swait.ge [sflag:s16], $0x1800;
	(pc) =	sbr.rel @p1 .LBB2_8-.Ltmp4, $4  }
0xc1: {  	[sflag:s16] =	ssyncset.done $0x0  }
0xc2: {  	[sflag:s16] =	ssyncadd.s32 $0xFFFFE800  }
0xc3: {  	_ =	swait.ge [sflag:s9], $0x1800  }
0xc4: {  	s3 =	smov.u32 s11;
	[sflag:s9] =	ssyncset.done $0x0  }
0xc5: {  	s3 =	sshra.s32 s10, $0x2;
	[sflag:s9] =	ssyncadd.s32 $0xFFFFE800  }
0xc6: {  	[tilespmem:s18], [sflag:$0x1] =	stream.indirect.gather [hbm4b:s4+s17], $0x30, s3, s17, $0xb8;
	[tilespmem:$0x18600] =	vst v63  }
0xc7: {  	s10 =	sadd.s32 $0x80, s3  }
0xc8: {  	[tilespmem:s19], [sflag:$0x2] =	stream.indirect.gather [hbm4b:s4+s17], $0x30, s10, s17, $0xb8;
	[tilespmem:$0x18600] =	vst v63  }
0xc9: {  	s12 =	sadd.s32 $0x100, s3  }
0xca: {  	[tilespmem:s20], [sflag:$0x3] =	stream.indirect.gather [hbm4b:s4+s17], $0x30, s12, s17, $0xb8;
	[tilespmem:$0x18600] =	vst v63  }
0xcb: {  	s11 =	sadd.s32 $0x180, s3  }
0xcc: {  	[tilespmem:s21], [sflag:$0x4] =	stream.indirect.gather [hbm4b:s4+s17], $0x30, s11, s17, $0xb8;
	[tilespmem:$0x18600] =	vst v63  }
0xcd: {  	s12 =	sadd.s32 $0x200, s3  }
0xce: {  	[tilespmem:s22], [sflag:$0x5] =	stream.indirect.gather [hbm4b:s4+s17], $0x30, s12, s17, $0xb8;
	[tilespmem:$0x18600] =	vst v63  }
0xcf: {  	_ =	swait.ge [sflag:s23], $0x1800  }
0xd0: {  	[sflag:s23] =	ssyncset.done $0x0  }
0xd1: {  	s11 =	sadd.s32 $0x3C00, s3;
	[sflag:s23] =	ssyncadd.s32 $0xFFFFE800  }
0xd2: {  	[spmem:s1] =	stream.indirect.scatter.add.f32 [tilespmem:s18], [sflag:$0x6], $0x30, s11, s17, $0xb8;
	[tilespmem:$0x18600] =	vst v63  }
0xd3: {  	_ =	swait.ge [sflag:s25], $0x1800  }
0xd4: {  	[sflag:s25] =	ssyncset.done $0x0  }
0xd5: {  	s12 =	sadd.s32 $0x3C80, s3;
	[sflag:s25] =	ssyncadd.s32 $0xFFFFE800  }
0xd6: {  	[spmem:s1] =	stream.indirect.scatter.add.f32 [tilespmem:s19], [sflag:$0x7], $0x30, s12, s17, $0xb8;
	[tilespmem:$0x18600] =	vst v63  }
0xd7: {  	_ =	swait.ge [sflag:s26], $0x1800  }
0xd8: {  	[sflag:s26] =	ssyncset.done $0x0  }
0xd9: {  	s11 =	sadd.s32 $0x3D00, s3;
	[sflag:s26] =	ssyncadd.s32 $0xFFFFE800  }
0xda: {  	[spmem:s1] =	stream.indirect.scatter.add.f32 [tilespmem:s20], [sflag:$0x8], $0x30, s11, s17, $0xb8;
	[tilespmem:$0x18600] =	vst v63  }
0xdb: {  	_ =	swait.ge [sflag:s28], $0x1800  }
0xdc: {  	[sflag:s28] =	ssyncset.done $0x0  }
0xdd: {  	s12 =	sadd.s32 $0x3D80, s3;
	[sflag:s28] =	ssyncadd.s32 $0xFFFFE800  }
0xde: {  	[spmem:s1] =	stream.indirect.scatter.add.f32 [tilespmem:s21], [sflag:$0x9], $0x30, s12, s17, $0xb8;
	[tilespmem:$0x18600] =	vst v63  }
0xdf: {  	_ =	swait.ge [sflag:s29], $0x1800  }
0xe0: {  	[sflag:s29] =	ssyncset.done $0x0  }
0xe1: {  	s3 =	sadd.s32 $0x3E00, s3;
	[sflag:s29] =	ssyncadd.s32 $0xFFFFE800  }
0xe2: {  	[spmem:s1] =	stream.indirect.scatter.add.f32 [tilespmem:s22], [sflag:$0xA], $0x30, s3, s17, $0xb8;
	[tilespmem:$0x18600] =	vst v63  }
0xe3: {  	_ =	swait.ge [sflag:s30], $0x1800  }
0xe4: {  	[sflag:s30] =	ssyncset.done $0x0  }
0xe5: {  	[sflag:s30] =	ssyncadd.s32 $0xFFFFE800  }
0xe6: {  	_ =	swait.ge [sflag:s31], $0x1800  }
0xe7: {  	[sflag:s31] =	ssyncset.done $0x0  }
0xe8: {  	[sflag:s31] =	ssyncadd.s32 $0xFFFFE800  }
0xe9: {  	_ =	swait.ge [sflag:s0], $0x1800  }
0xea: {  	[sflag:s0] =	ssyncset.done $0x0  }
0xeb: {  	[sflag:s0] =	ssyncadd.s32 $0xFFFFE800  }
0xec: {  	_ =	swait.ge [sflag:s16], $0x1800  }
.Ltmp5:
0xed: {  	[sflag:s16] =	ssyncset.done $0x0;
	(pc) =	sbr.rel .LBB2_10-.Ltmp5, $4  }
0xee: {  	[sflag:s16] =	ssyncadd.s32 $0xFFFFE800  }
0xef: {  	_ =	swait.ge [sflag:s9], $0x1800  }
0xf0: {  	[sflag:s9] =	ssyncset.done $0x0  }
0xf1: {  	[sflag:s9] =	ssyncadd.s32 $0xFFFFE800  }
.LBB2_4:
0xf2: {  	s10 =	rddreg [dreg:$0x3]  }
0xf3: {  	[tilespmem:s3], [sflag:$0xB] =	stream.linear.gather [hbm4b:s10+s3], $0x3C00, $0x38;
	[tilespmem:$0x18600] =	vst v63  }
0xf4: {  	_ =	swait.ge [sflag:s15], $0x3C00  }
0xf5: {  	[sflag:s15] =	ssyncset.done $0x0  }
0xf6: {  	s11 =	simm.s32 $0x3C00;
	s12 =	rddreg [dreg:$0x4];
	[sflag:s15] =	ssyncadd.s32 $0xFFFFC400  }
0xf7: {  	[tilespmem:s11], [sflag:$0xB] =	stream.linear.gather [hbm4b:s12+s3], $0x3C00, $0x38;
	[tilespmem:$0x18600] =	vst v63  }
0xf8: {  	_ =	swait.ge [sflag:s15], $0x3C00  }
0xf9: {  	[sflag:s15] =	ssyncset.done $0x0  }
0xfa: {  	s12 =	simm.s32 $0x0;
	[sflag:s15] =	ssyncadd.s32 $0xFFFFC400  }
0xfb: {  	[tilespmem:s18], [sflag:$0x1] =	stream.indirect.gather [hbm4b:s4+s17], $0x30, s12, s17, $0xb8;
	[tilespmem:$0x18600] =	vst v63  }
0xfc: {  	s10 =	simm.s32 $0x80  }
0xfd: {  	[tilespmem:s19], [sflag:$0x2] =	stream.indirect.gather [hbm4b:s4+s17], $0x30, s10, s17, $0xb8;
	[tilespmem:$0x18600] =	vst v63  }
0xfe: {  	s11 =	simm.s32 $0x100  }
0xff: {  	[tilespmem:s20], [sflag:$0x3] =	stream.indirect.gather [hbm4b:s4+s17], $0x30, s11, s17, $0xb8;
	[tilespmem:$0x18600] =	vst v63  }
0x100: {  	s12 =	simm.s32 $0x180  }
0x101: {  	[tilespmem:s21], [sflag:$0x4] =	stream.indirect.gather [hbm4b:s4+s17], $0x30, s12, s17, $0xb8;
	[tilespmem:$0x18600] =	vst v63  }
0x102: {  	s10 =	simm.s32 $0x200  }
0x103: {  	[tilespmem:s22], [sflag:$0x5] =	stream.indirect.gather [hbm4b:s4+s17], $0x30, s10, s17, $0xb8;
	[tilespmem:$0x18600] =	vst v63  }
0x104: {  	_ =	swait.ge [sflag:s23], $0x1800  }
0x105: {  	[sflag:s23] =	ssyncset.done $0x0  }
0x106: {  	s11 =	simm.s32 $0x3C00;
	[sflag:s23] =	ssyncadd.s32 $0xFFFFE800  }
0x107: {  	[spmem:s1] =	stream.indirect.scatter.add.f32 [tilespmem:s18], [sflag:$0x6], $0x30, s11, s17, $0xb8;
	[tilespmem:$0x18600] =	vst v63  }
0x108: {  	_ =	swait.ge [sflag:s25], $0x1800  }
0x109: {  	[sflag:s25] =	ssyncset.done $0x0  }
0x10a: {  	s12 =	simm.s32 $0x3C80;
	[sflag:s25] =	ssyncadd.s32 $0xFFFFE800  }
0x10b: {  	[spmem:s1] =	stream.indirect.scatter.add.f32 [tilespmem:s19], [sflag:$0x7], $0x30, s12, s17, $0xb8;
	[tilespmem:$0x18600] =	vst v63  }
0x10c: {  	_ =	swait.ge [sflag:s26], $0x1800  }
0x10d: {  	[sflag:s26] =	ssyncset.done $0x0  }
0x10e: {  	s10 =	simm.s32 $0x3D00;
	[sflag:s26] =	ssyncadd.s32 $0xFFFFE800  }
0x10f: {  	[spmem:s1] =	stream.indirect.scatter.add.f32 [tilespmem:s20], [sflag:$0x8], $0x30, s10, s17, $0xb8;
	[tilespmem:$0x18600] =	vst v63  }
0x110: {  	_ =	swait.ge [sflag:s28], $0x1800  }
0x111: {  	[sflag:s28] =	ssyncset.done $0x0  }
0x112: {  	s11 =	simm.s32 $0x3D80;
	[sflag:s28] =	ssyncadd.s32 $0xFFFFE800  }
0x113: {  	[spmem:s1] =	stream.indirect.scatter.add.f32 [tilespmem:s21], [sflag:$0x9], $0x30, s11, s17, $0xb8;
	[tilespmem:$0x18600] =	vst v63  }
0x114: {  	_ =	swait.ge [sflag:s29], $0x1800  }
0x115: {  	[sflag:s29] =	ssyncset.done $0x0  }
0x116: {  	s12 =	simm.s32 $0x3E00;
	[sflag:s29] =	ssyncadd.s32 $0xFFFFE800  }
0x117: {  	[spmem:s1] =	stream.indirect.scatter.add.f32 [tilespmem:s22], [sflag:$0xA], $0x30, s12, s17, $0xb8;
	[tilespmem:$0x18600] =	vst v63  }
0x118: {  	_ =	swait.ge [sflag:s30], $0x1800  }
0x119: {  	[sflag:s30] =	ssyncset.done $0x0  }
0x11a: {  	[sflag:s30] =	ssyncadd.s32 $0xFFFFE800  }
0x11b: {  	_ =	swait.ge [sflag:s31], $0x1800  }
0x11c: {  	[sflag:s31] =	ssyncset.done $0x0  }
0x11d: {  	[sflag:s31] =	ssyncadd.s32 $0xFFFFE800  }
0x11e: {  	_ =	swait.ge [sflag:s0], $0x1800  }
0x11f: {  	[sflag:s0] =	ssyncset.done $0x0  }
0x120: {  	[sflag:s0] =	ssyncadd.s32 $0xFFFFE800  }
0x121: {  	_ =	swait.ge [sflag:s16], $0x1800  }
0x122: {  	[sflag:s16] =	ssyncset.done $0x0  }
0x123: {  	[sflag:s16] =	ssyncadd.s32 $0xFFFFE800  }
0x124: {  	_ =	swait.ge [sflag:s9], $0x1800  }
0x125: {  	s10 =	simm.s32 $0xA00;
	s11 =	simm.s32 $0x1400;
	[sflag:s9] =	ssyncset.done $0x0  }
.LBB2_5:
0x126: {  	s12 =	sshra.s32 s10, $0x2  }
0x127: {  	[sflag:s9] =	ssyncadd.s32 $0xFFFFE800;
	s10 =	smov.u32 s11;
	s3 =	sadd.s32 $0xA00, s11  }
0x128: {  	[tilespmem:s18], [sflag:$0x1] =	stream.indirect.gather [hbm4b:s4+s17], $0x30, s12, s17, $0xb8;
	[tilespmem:$0x18600] =	vst v63  }
0x129: {  	p1 =	seq.s32 s11, $0xE600;
	s11 =	sadd.s32 $0x80, s12  }
0x12a: {  	[tilespmem:s19], [sflag:$0x2] =	stream.indirect.gather [hbm4b:s4+s17], $0x30, s11, s17, $0xb8;
	[tilespmem:$0x18600] =	vst v63  }
0x12b: {  	s11 =	sadd.s32 $0x100, s12  }
0x12c: {  	[tilespmem:s20], [sflag:$0x3] =	stream.indirect.gather [hbm4b:s4+s17], $0x30, s11, s17, $0xb8;
	[tilespmem:$0x18600] =	vst v63  }
0x12d: {  	s11 =	sadd.s32 $0x180, s12  }
0x12e: {  	[tilespmem:s21], [sflag:$0x4] =	stream.indirect.gather [hbm4b:s4+s17], $0x30, s11, s17, $0xb8;
	[tilespmem:$0x18600] =	vst v63  }
0x12f: {  	s11 =	sadd.s32 $0x200, s12  }
0x130: {  	[tilespmem:s22], [sflag:$0x5] =	stream.indirect.gather [hbm4b:s4+s17], $0x30, s11, s17, $0xb8;
	[tilespmem:$0x18600] =	vst v63  }
0x131: {  	_ =	swait.ge [sflag:s23], $0x1800  }
0x132: {  	[sflag:s23] =	ssyncset.done $0x0  }
0x133: {  	s11 =	sadd.s32 $0x3C00, s12;
	[sflag:s23] =	ssyncadd.s32 $0xFFFFE800  }
0x134: {  	[spmem:s1] =	stream.indirect.scatter.add.f32 [tilespmem:s18], [sflag:$0x6], $0x30, s11, s17, $0xb8;
	[tilespmem:$0x18600] =	vst v63  }
0x135: {  	_ =	swait.ge [sflag:s25], $0x1800  }
0x136: {  	[sflag:s25] =	ssyncset.done $0x0  }
0x137: {  	s11 =	sadd.s32 $0x3C80, s12;
	[sflag:s25] =	ssyncadd.s32 $0xFFFFE800  }
0x138: {  	[spmem:s1] =	stream.indirect.scatter.add.f32 [tilespmem:s19], [sflag:$0x7], $0x30, s11, s17, $0xb8;
	[tilespmem:$0x18600] =	vst v63  }
0x139: {  	_ =	swait.ge [sflag:s26], $0x1800  }
0x13a: {  	[sflag:s26] =	ssyncset.done $0x0  }
0x13b: {  	s11 =	sadd.s32 $0x3D00, s12;
	[sflag:s26] =	ssyncadd.s32 $0xFFFFE800  }
0x13c: {  	[spmem:s1] =	stream.indirect.scatter.add.f32 [tilespmem:s20], [sflag:$0x8], $0x30, s11, s17, $0xb8;
	[tilespmem:$0x18600] =	vst v63  }
0x13d: {  	_ =	swait.ge [sflag:s28], $0x1800  }
0x13e: {  	[sflag:s28] =	ssyncset.done $0x0  }
0x13f: {  	s11 =	sadd.s32 $0x3D80, s12;
	[sflag:s28] =	ssyncadd.s32 $0xFFFFE800  }
0x140: {  	[spmem:s1] =	stream.indirect.scatter.add.f32 [tilespmem:s21], [sflag:$0x9], $0x30, s11, s17, $0xb8;
	[tilespmem:$0x18600] =	vst v63  }
0x141: {  	_ =	swait.ge [sflag:s29], $0x1800  }
0x142: {  	[sflag:s29] =	ssyncset.done $0x0  }
0x143: {  	s11 =	sadd.s32 $0x3E00, s12;
	[sflag:s29] =	ssyncadd.s32 $0xFFFFE800  }
0x144: {  	[spmem:s1] =	stream.indirect.scatter.add.f32 [tilespmem:s22], [sflag:$0xA], $0x30, s11, s17, $0xb8;
	[tilespmem:$0x18600] =	vst v63  }
0x145: {  	_ =	swait.ge [sflag:s30], $0x1800  }
0x146: {  	[sflag:s30] =	ssyncset.done $0x0  }
0x147: {  	[sflag:s30] =	ssyncadd.s32 $0xFFFFE800  }
0x148: {  	_ =	swait.ge [sflag:s31], $0x1800  }
0x149: {  	[sflag:s31] =	ssyncset.done $0x0  }
0x14a: {  	[sflag:s31] =	ssyncadd.s32 $0xFFFFE800  }
0x14b: {  	_ =	swait.ge [sflag:s0], $0x1800  }
0x14c: {  	[sflag:s0] =	ssyncset.done $0x0  }
0x14d: {  	[sflag:s0] =	ssyncadd.s32 $0xFFFFE800  }
.Ltmp6:
0x14e: {  	_ =	swait.ge [sflag:s16], $0x1800;
	(pc) =	sbr.rel @!p1 .LBB2_5-.Ltmp6, $4  }
0x14f: {  	[sflag:s16] =	ssyncset.done $0x0  }
0x150: {  	[sflag:s16] =	ssyncadd.s32 $0xFFFFE800  }
0x151: {  	_ =	swait.ge [sflag:s9], $0x1800  }
0x152: {  	s11 =	smov.u32 s3;
	[sflag:s9] =	ssyncset.done $0x0  }
.Ltmp7:
0x153: {  	_ = 	snop;
	(pc) =	sbr.rel .LBB2_6-.Ltmp7, $1  }
0x154: {  	_ =	sdelay $0x3  }
.LBB2_11:
0x155: {  	_ =	sfence.sel $0x180000  }
0x156: {  	[bflag:$0x0] =	sbarrier.arrive $0xFFFF  }
0x157: {  	_ =	strace $0x9000004D  }
0x158: {  	s0 =	stileid.u32;
	[bflag:$0x2] =	sbarrier.arrive $0xFFFF  }
0x159: {  	p0 =	sne.s32 s0, $0x0;
	s0 =	rddreg [dreg:$0x2]  }
0x15a: {  	s0 =	sadd.s32 @!p0 $0x100000, s0  }
0x15b: {  	[sflag:s0] =	ssyncadd.tile.s32 @!p0 $0x1;
	_ =	shalt  }
.Lfunc_end2:
_tile_overlayer_lowered:
.L_overlay_start_2:
0x15c: {  	(tag) =	ssettag $0x2  }
0x15d: {  	s0 =	rddreg [dreg:$0x0];
	s2 =	stileid.u32  }
0x15e: {  	s1 =	rddreg [dreg:$0x1];
	p0 =	sne.s32 s2, $0x0  }
0x15f: {  	s3 =	rddreg [dreg:$0x2];
	[bflag:$0x3] =	sbarrier.arrive $0xFFFF;
	s2 =	simm.s32 @!p0 $0x1C0B  }
0x160: {  	[timem:s3], [sflag:s2] =	dma.local @!p0 [hbm:s0], s1  }
0x161: {  	s0 =	simm.s32 @!p0 $0xB  }
0x162: {  	_ =	swait.ge @!p0 [sflag:s0], s1  }
0x163: {  	s1 =	ssub.s32 @!p0 $0x0, s1;
	[sflag:s0] =	ssyncset.done @!p0 $0x0  }
0x164: {  	[sflag:s0] =	ssyncadd.s32 @!p0 s1  }
0x165: {  	[bflag:$0x3] =	sbarrier.arrive $0xFFFF  }
0x166: {  	_ =	shalt  }

// kernel: kernel.20.cloned.1.call-start
scs
__scs_entry_jumppad:
0x0: {  	(pc) =	sbr.rel $0x88, $3  }
0x1: {  	(tag) =	ssettag $0x0;
	lr =	simm.s32 $0x1  }
0x2: {  	[smem:$0x3F94] =	sst lr;
	_ =	strace $0xD0000000  }
0x3: {  	_ = 	snop  }
0x4: {  	_ = 	snop  }
0x5: {  	_ = 	snop  }
0x6: {  	_ = 	snop  }
0x7: {  	_ = 	snop  }
__scs_overlays_trampoline_lowered:
0x8: {  	[smem:$0x3FA3] =	sst s0  }
0x9: {  	[smem:$0x3FA4] =	sst s1  }
0xa: {  	[smem:$0x3FA5] =	sst s2  }
0xb: {  	[smem:$0x3FA6] =	sst s3  }
0xc: {  	[smem:$0x3FA7] =	sst s4  }
0xd: {  	[smem:$0x3FA8] =	sst s5  }
0xe: {  	[smem:$0x3FA9] =	sst s6  }
0xf: {  	[smem:$0x3FAA] =	sst s7  }
0x10: {  	[smem:$0x3FAB] =	sst s8  }
0x11: {  	[smem:$0x3FAC] =	sst s9;
	s0 =	simm.s32 @!p0 $0x0  }
0x12: {  	s1 =	sld [smem:$0x3F92];
	s0 =	simm.s32 @p0 $0x1  }
0x13: {  	[smem:$0x3FAD] =	sst s0;
	s0 =	simm.s32 @!p1 $0x0  }
0x14: {  	s2 =	sld [smem:$0x3F91];
	s0 =	simm.s32 @p1 $0x1  }
0x15: {  	[smem:$0x3FAE] =	sst s0;
	s0 =	simm.s32 @!p2 $0x0  }
0x16: {  	s3 =	sld [smem:$0x3FDB];
	s0 =	simm.s32 @p2 $0x1  }
0x17: {  	s4 =	simm.s32 $0x1BF5;
	[smem:$0x3FB0] =	sst s0  }
0x18: {  	s0 =	sld [smem:$0x3F93];
	_ =	swait.ge [sflag:s4], $0x0  }
0x19: {  	s7 =	sld [smem:$0x3F94]  }
0x1a: {  	s8 =	sadd.s32 $0xFFFFE003, lr  }
0x1b: {  	s9 =	sadd.s32 $0xFFFFFEF7, lr;
	s5 =	simm.s32 $0xFFFFFFFF;
	p2 =	slt.u32 s8, $0xFFFFF086  }
0x1c: {  	p1 =	slt.u32 s9, $0xF7A;
	s5 =	simm.s32 @!p2 $0x0  }
0x1d: {  	s5 =	simm.s32 @p1 $0x1;
	p0 =	seq.s32 s7, s2  }
0x1e: {  	s7 =	smul.u32 @!p0 $0xF7A, s2;
	p2 =	seq.s32 @!p0 s5, $0x0  }
0x1f: {  	s9 =	smul.u32 $0xF7A, s1;
	s8 =	simm.s32 @!p0 $0x1BF5;
	p2 =	por !p2, p0  }
0x20: {  	[sflag:s8] =	ssyncset.s32 @!p0 $0xFFFFF086;
	s6 =	sadd.s32 @!p0 s3, s7;
	s7 =	simm.s32 @!p0 $0x108  }
0x21: {  	s3 =	sadd.s32 s3, s9;
	s6 =	sadd.s32 @!p0 $0x88, s6;
	s7 =	simm.s32 @p2 $0x1082  }
0x22: {  	[simem:s7], [sflag:s8] =	dma.local @!p0 [hbm:s6], $0xF7A  }
0x23: {  	s9 =	sor.u32 $0xD0000000, s2;
	s6 =	simm.s32 $0x108;
	_ =	swait.ge @!p0 [sflag:s8], $0x0  }
0x24: {  	s3 =	sadd.s32 $0x88, s3;
	s6 =	simm.s32 @!p1 $0x1082;
	[sflag:s4] =	ssyncset.s32 $0xFFFFF086  }
0x25: {  	[simem:s6], [sflag:s4] =	dma.local [hbm:s3], $0xF7A  }
0x26: {  	[smem:$0x3F94] =	sst s1;
	(tag) =	ssettag s2;
	_ =	strace s9  }
0x27: {  	s1 =	sld [smem:$0x3FA4]  }
0x28: {  	s2 =	sld [smem:$0x3FA5]  }
0x29: {  	s4 =	sld [smem:$0x3FA7]  }
0x2a: {  	p0 =	seq.s32 s5, $0x0;
	s5 =	sld [smem:$0x3FA8]  }
0x2b: {  	s6 =	sld [smem:$0x3FA9]  }
0x2c: {  	s7 =	sld [smem:$0x3FAA]  }
0x2d: {  	s3 =	simm.s32 $0x108;
	s8 =	sld [smem:$0x3FAB]  }
0x2e: {  	s3 =	simm.s32 @!p0 $0x1082;
	s9 =	sld [smem:$0x3FAC]  }
0x2f: {  	lr =	sadd.s32 s0, s3;
	s0 =	sld [smem:$0x3FA3]  }
0x30: {  	s3 =	sld [smem:$0x3FA6]  }
0x31: {  	[smem:$0x3FAF] =	sst s10  }
0x32: {  	s10 =	sld [smem:$0x3FAD];
	_ =	sdelay $0x3  }
0x33: {  	p0 =	seq.s32 s10, $0x1;
	s10 =	sld [smem:$0x3FAF];
	_ =	sdelay $0x3  }
0x34: {  	[smem:$0x3FAF] =	sst s10  }
0x35: {  	s10 =	sld [smem:$0x3FAE];
	_ =	sdelay $0x3  }
0x36: {  	p1 =	seq.s32 s10, $0x1;
	s10 =	sld [smem:$0x3FAF];
	_ =	sdelay $0x3  }
0x37: {  	[smem:$0x3FAF] =	sst s10  }
0x38: {  	s10 =	sld [smem:$0x3FB0]  }
0x39: {  	_ = 	snop;
	(pc) =	sbr.ind lr, $3  }
0x3a: {  	_ = 	snop  }
0x3b: {  	_ = 	snop  }
0x3c: {  	p2 =	seq.s32 s10, $0x1;
	s10 =	sld [smem:$0x3FAF]  }
0x3d: {  	_ =	shalt  }
0x3e: {  	_ =	shalt  }
0x3f: {  	_ =	shalt  }
0x40: {  	_ =	shalt  }
0x41: {  	_ =	shalt  }
0x42: {  	_ =	shalt  }
0x43: {  	_ =	shalt  }
0x44: {  	_ =	shalt  }
0x45: {  	_ =	shalt  }
0x46: {  	_ =	shalt  }
0x47: {  	_ =	shalt  }
0x48: {  	_ =	shalt  }
0x49: {  	_ =	shalt  }
0x4a: {  	_ =	shalt  }
0x4b: {  	_ =	shalt  }
0x4c: {  	_ =	shalt  }
0x4d: {  	_ =	shalt  }
0x4e: {  	_ =	shalt  }
0x4f: {  	_ =	shalt  }
0x50: {  	_ =	shalt  }
0x51: {  	_ =	shalt  }
0x52: {  	_ =	shalt  }
0x53: {  	_ =	shalt  }
0x54: {  	_ =	shalt  }
0x55: {  	_ =	shalt  }
0x56: {  	_ =	shalt  }
0x57: {  	_ =	shalt  }
0x58: {  	_ =	shalt  }
0x59: {  	_ =	shalt  }
0x5a: {  	_ =	shalt  }
0x5b: {  	_ =	shalt  }
0x5c: {  	_ =	shalt  }
0x5d: {  	_ =	shalt  }
0x5e: {  	_ =	shalt  }
0x5f: {  	_ =	shalt  }
0x60: {  	_ =	shalt  }
0x61: {  	_ =	shalt  }
0x62: {  	_ =	shalt  }
0x63: {  	_ =	shalt  }
0x64: {  	_ =	shalt  }
0x65: {  	_ =	shalt  }
0x66: {  	_ =	shalt  }
0x67: {  	_ =	shalt  }
0x68: {  	_ =	shalt  }
0x69: {  	_ =	shalt  }
0x6a: {  	_ =	shalt  }
0x6b: {  	_ =	shalt  }
0x6c: {  	_ =	shalt  }
0x6d: {  	_ =	shalt  }
0x6e: {  	_ =	shalt  }
0x6f: {  	_ =	shalt  }
0x70: {  	_ =	shalt  }
0x71: {  	_ =	shalt  }
0x72: {  	_ =	shalt  }
0x73: {  	_ =	shalt  }
0x74: {  	_ =	shalt  }
0x75: {  	_ =	shalt  }
0x76: {  	_ =	shalt  }
0x77: {  	_ =	shalt  }
0x78: {  	_ =	shalt  }
0x79: {  	_ =	shalt  }
0x7a: {  	_ =	shalt  }
0x7b: {  	_ =	shalt  }
0x7c: {  	_ =	shalt  }
0x7d: {  	_ =	shalt  }
0x7e: {  	_ =	shalt  }
0x7f: {  	_ =	shalt  }
0x80: {  	_ =	shalt  }
0x81: {  	_ =	shalt  }
0x82: {  	_ =	shalt  }
0x83: {  	_ =	shalt  }
0x84: {  	_ =	shalt  }
0x85: {  	_ =	shalt  }
0x86: {  	_ =	shalt  }
0x87: {  	_ =	shalt  }
.Lfunc_end0:
.L_simem_size_0:
called_computation.3_lowered:
.L_overlay_start_0:
0x88: {  	s2 =	sld [smem:$0x3FD9]  }
0x89: {  	s3 =	sld [smem:$0x3FFE];
	_ =	sdelay $0x1  }
0x8a: {  	s1 =	srdreg.scid  }
0x8b: {  	s0 =	sand.u32 $0x1, s1  }
0x8c: {  	s16 =	sshll.u32 s0, $0xA;
	s2 =	sadd.s32 s3, s2  }
0x8d: {  	s2 =	sadd.s32 s2, s16  }
0x8e: {  	[smem:$0x3FBB] =	sst s2  }
0x8f: {  	_ = 	snop  }
0x90: {  	(tm) =	ssettm $0x1  }
0x91: {  	s17 =	sld [smem:$0x3FFB];
	_ =	sdelay $0x3  }
0x92: {  	_ =	strace s17  }
0x93: {  	s2 =	sld [smem:$0x3FFC];
	_ =	sdelay $0x3  }
0x94: {  	_ =	strace s2  }
0x95: {  	s2 =	sld [smem:$0x3FFD];
	_ =	sdelay $0x3  }
0x96: {  	_ =	strace s2  }
0x97: {  	_ =	strace $0x8FFFFFFF  }
0x98: {  	s18 =	sld [smem:$0x3FDB];
	_ =	sdelay $0x1  }
0x99: {  	s19 =	simm.s32 $_scs_section_size  }
0x9a: {  	s4 =	simm.s32 $_size__tile_overlayer_lowered;
	s5 =	simm.s32 $_tile_overlayer_lowered  }
0x9b: {  	s22 =	simm.s32 $0x1BFF;
	s21 =	sshll.u32 s5, $0x1;
	s2 =	sadd.s32 s19, s18  }
0x9c: {  	s6 =	simm.s32 $0x0;
	s20 =	sshll.u32 s4, $0x1;
	s4 =	sadd.s32 s21, s2  }
0x9d: {  	[timem:s6], [sflag:s22] =	dma.local [hbm:s4], s20  }
0x9e: {  	_ =	swait.ge [sflag:s22], s20  }
0x9f: {  	s3 =	ssub.s32 $0x0, s20;
	[sflag:s22] =	ssyncset.done $0x0  }
0xa0: {  	[sflag:s22] =	ssyncadd.s32 s3;
	_ =	sdelay $0x1  }
0xa1: {  	s23 =	simm.s32 $0x1B8B  }
0xa2: {  	_ =	swait.ge [sflag:s23], $0x1  }
0xa3: {  	[sflag:s23] =	ssyncset.done $0x0  }
0xa4: {  	s25 =	simm.s32 $0x1B8E;
	s24 =	sld [smem:$0x3FFE];
	[sflag:s23] =	ssyncadd.s32 $0xFFFFFFFF  }
0xa5: {  	s26 =	simm.s32 $execute0_lowered;
	[smem:$0x3FD2] =	sst s25  }
0xa6: {  	s4 =	sshll.u32 s26, $0x1;
	_ =	strace $0x8000004F;
	[dreg:$0x1] =	wrdreg $0xFFFFFFFF  }
0xa7: {  	s28 =	simm.s32 $_size_execute0_lowered;
	s2 =	sadd.s32 s2, s4;
	[dreg:$0x0] =	wrdreg $0x0  }
0xa8: {  	s4 =	sshll.u32 s28, $0x1;
	[dreg:$0x2] =	wrdreg s2  }
0xa9: {  	[dreg:$0x3] =	wrdreg s4  }
0xaa: {  	[dreg:$0x4] =	wrdreg $0xC0  }
0xab: {  	_ =	task [dreg:s6], $0x5FFFF  }
0xac: {  	[dreg:$0x1] =	wrdreg $0xFFFFFFFF  }
0xad: {  	[dreg:$0x0] =	wrdreg $0x60  }
0xae: {  	[dreg:$0x2] =	wrdreg s24  }
0xaf: {  	[dreg:$0x3] =	wrdreg $0x140000  }
0xb0: {  	[dreg:$0x4] =	wrdreg $0x9  }
0xb1: {  	_ =	task.clear_ibuf [dreg:s6], $0x5FFFF;
	_ =	strace $0x9000004F  }
0xb2: {  	s29 =	simm.s32 $0x9;
	_ =	strace $0x80000051  }
0xb3: {  	_ =	swait.ge [sflag:s29], $0x1  }
0xb4: {  	[sflag:s29] =	ssyncadd.s32 $0xFFFFFFFF  }
0xb5: {  	_ =	strace $0x90000051  }
0xb6: {  	_ =	sfence  }
0xb7: {  	s30 =	sld [smem:$0x0];
	_ =	sdelay $0x2  }
0xb8: {  	s31 =	sshll.u32 s1, $0xD;
	s1 =	sshrl.u32 s1, $0x2  }
0xb9: {  	s3 =	sand.u32 $0x4000, s31;
	s1 =	sadd.s32 s1, s30  }
0xba: {  	s0 =	sor.u32 s3, s0;
	s1 =	sshll.u32 s1, $0x11  }
0xbb: {  	s0 =	sor.u32 s1, s0  }
0xbc: {  	s0 =	sadd.s32 $0x8F2B, s0  }
0xbd: {  	[sflag:s0] =	ssyncadd.remote.s32 $0x1  }
0xbe: {  	_ =	sfence.sel $0xFFFF  }
0xbf: {  	[dreg:$0x0] =	wrdreg $0xFFFFFFFF;
	(pc) =	sbr.abs _section_cstart, $3  }
0xc0: {  	[dreg:$0x1] =	wrdreg $0xFFFFFFFF  }
0xc1: {  	_ =	task.clear_ibuf [dreg:s6], $0x2FFFF;
	_ =	strace $0x9FFFFFFF  }
0xc2: {  	(tm) =	ssettm $0x7FFFFFFF  }
0xc3: {  	_ =	shalt  }
tec
execute0_lowered:
.L_overlay_start_1:
0x0: {  	(tag) =	ssettag $0x1  }
0x1: {  	s0 =	rddreg [dreg:$0x0]  }
0x2: {  	s1 =	rddreg [dreg:$0x1];
	s2 =	simm.s32 $0x0  }
0x3: {  	s3 =	srdreg.scid;
	s14 =	stileid.u32;
	s15 =	simm.s32 $0xB  }
0x4: {  	s17 =	simm.s32 $0x80;
	s18 =	simm.s32 $0x7800;
	s19 =	simm.s32 $0x9800  }
0x5: {  	s20 =	simm.s32 $0xB800;
	s21 =	simm.s32 $0xD800;
	s28 =	simm.s32 $0x4  }
0x6: {  	s29 =	simm.s32 $0x5;
	s30 =	simm.s32 $0x6;
	s6 =	smul.u32 $0x28000, s14  }
0x7: {  	s31 =	simm.s32 $0x7;
	s16 =	simm.s32 $0x9;
	s11 =	smul.u32 $0xA000, s14  }
0x8: {  	[smem:$0x7FF] =	sst s2;
	s3 =	sand.u32 $0x1, s3;
	s12 =	smul.u32 $0x1400, s14  }
0x9: {  	s4 =	sadd.s32 $0x20800, s0;
	s9 =	sadd.s32 $0x16800, s0;
	s14 =	smul.u32 $0x780, s14  }
0xa: {  	s10 =	sadd.s32 $0x2800, s0;
	s5 =	smul.u32 $0x14000, s3;
	_ =	strace $0x80000050  }
0xb: {  	s22 =	ssub.s32 $0x2, s3;
	p0 =	seq.s32 s3, $0x1;
	s6 =	sshrl.u32 s6, $0x2  }
0xc: {  	s7 =	sshrl.u32 s22, $0x1;
	s12 =	sshrl.u32 s12, $0x3;
	s24 =	sadd.s32 s9, s14  }
0xd: {  	s25 =	sadd.s32 s10, s14;
	s26 =	sshrl.u32 s11, $0x3;
	s14 =	simm.s32 $0x11800  }
0xe: {  	s0 =	sadd.s32 s5, s0;
	s8 =	sadd.s32 s6, s1;
	s13 =	ssub.s32 s22, s7  }
0xf: {  	s5 =	sadd.s32 s11, s1;
	s23 =	sadd.s32 $0x7800, s12;
	[dreg:$0x3] =	wrdreg s24  }
0x10: {  	[dreg:$0x4] =	wrdreg s25;
	s22 =	simm.s32 $0xF800;
	s25 =	simm.s32 $0x2  }
.Ltmp0:
0x11: {  	s6 =	sadd.s32 $0x2800, s8;
	s7 =	sadd.s32 $0x5000, s8;
	(pc) =	sbr.rel .LBB2_1-.Ltmp0, $4  }
0x12: {  	s8 =	sadd.s32 $0x7800, s8;
	s9 =	sadd.s32 s9, s23;
	s3 =	sadd.s32 s10, s23  }
0x13: {  	s0 =	sadd.s32 $0x34200, s0;
	s13 =	smax.u32 s13, $0x1;
	[dreg:$0x5] =	wrdreg s9  }
0x14: {  	s23 =	simm.s32 $0x1;
	[dreg:$0x6] =	wrdreg s3;
	s24 =	sadd.s32 s26, s0  }
0x15: {  	v0 =	vimm.f32 $0.0e+00;
	s26 =	simm.s32 $0x3;
	s0 =	simm.s32 $0x8;
	s9 =	simm.s32 $0xA  }
.LBB2_6:
0x16: {  	s3 =	sshra.s32 s10, $0x2;
	[sflag:s9] =	ssyncadd.s32 $0xFFFFE000  }
0x17: {  	[tilespmem:s18], [sflag:$0x1] =	stream.indirect.gather [hbm4b:s4+s17], $0x40, s3, s17, $0xb8;
	[tilespmem:$0x1E000] =	vst v63  }
0x18: {  	s10 =	sadd.s32 $0x80, s3  }
0x19: {  	[tilespmem:s19], [sflag:$0x2] =	stream.indirect.gather [hbm4b:s4+s17], $0x40, s10, s17, $0xb8;
	[tilespmem:$0x1E000] =	vst v63  }
0x1a: {  	s12 =	sadd.s32 $0x100, s3  }
0x1b: {  	[tilespmem:s20], [sflag:$0x3] =	stream.indirect.gather [hbm4b:s4+s17], $0x40, s12, s17, $0xb8;
	[tilespmem:$0x1E000] =	vst v63  }
0x1c: {  	s11 =	sadd.s32 $0x180, s3  }
0x1d: {  	[tilespmem:s21], [sflag:$0x4] =	stream.indirect.gather [hbm4b:s4+s17], $0x40, s11, s17, $0xb8;
	[tilespmem:$0x1E000] =	vst v63  }
0x1e: {  	s12 =	sadd.s32 $0x200, s3  }
0x1f: {  	[tilespmem:s22], [sflag:$0x5] =	stream.indirect.gather [hbm4b:s4+s17], $0x40, s12, s17, $0xb8;
	[tilespmem:$0x1E000] =	vst v63  }
0x20: {  	_ =	swait.ge [sflag:s23], $0x2000  }
0x21: {  	[sflag:s23] =	ssyncset.done $0x0  }
0x22: {  	s11 =	sadd.s32 $0x3C00, s3;
	[sflag:s23] =	ssyncadd.s32 $0xFFFFE000  }
0x23: {  	[spmem:s1] =	stream.indirect.scatter.add.f32 [tilespmem:s18], [sflag:$0x6], $0x40, s11, s17, $0xb8;
	[tilespmem:$0x1E000] =	vst v63  }
0x24: {  	_ =	swait.ge [sflag:s25], $0x2000  }
0x25: {  	[sflag:s25] =	ssyncset.done $0x0  }
0x26: {  	s12 =	sadd.s32 $0x3C80, s3;
	[sflag:s25] =	ssyncadd.s32 $0xFFFFE000  }
0x27: {  	[spmem:s1] =	stream.indirect.scatter.add.f32 [tilespmem:s19], [sflag:$0x7], $0x40, s12, s17, $0xb8;
	[tilespmem:$0x1E000] =	vst v63  }
0x28: {  	_ =	swait.ge [sflag:s26], $0x2000  }
0x29: {  	[sflag:s26] =	ssyncset.done $0x0  }
0x2a: {  	s11 =	sadd.s32 $0x3D00, s3;
	[sflag:s26] =	ssyncadd.s32 $0xFFFFE000  }
0x2b: {  	[spmem:s1] =	stream.indirect.scatter.add.f32 [tilespmem:s20], [sflag:$0x8], $0x40, s11, s17, $0xb8;
	[tilespmem:$0x1E000] =	vst v63  }
0x2c: {  	_ =	swait.ge [sflag:s28], $0x2000  }
0x2d: {  	[sflag:s28] =	ssyncset.done $0x0  }
0x2e: {  	s12 =	sadd.s32 $0x3D80, s3;
	[sflag:s28] =	ssyncadd.s32 $0xFFFFE000  }
0x2f: {  	[spmem:s1] =	stream.indirect.scatter.add.f32 [tilespmem:s21], [sflag:$0x9], $0x40, s12, s17, $0xb8;
	[tilespmem:$0x1E000] =	vst v63  }
0x30: {  	_ =	swait.ge [sflag:s29], $0x2000  }
0x31: {  	[sflag:s29] =	ssyncset.done $0x0  }
0x32: {  	s3 =	sadd.s32 $0x3E00, s3;
	[sflag:s29] =	ssyncadd.s32 $0xFFFFE000  }
0x33: {  	[spmem:s1] =	stream.indirect.scatter.add.f32 [tilespmem:s22], [sflag:$0xA], $0x40, s3, s17, $0xb8;
	[tilespmem:$0x1E000] =	vst v63  }
0x34: {  	_ =	swait.ge [sflag:s30], $0x2000  }
0x35: {  	[sflag:s30] =	ssyncset.done $0x0  }
0x36: {  	[sflag:s30] =	ssyncadd.s32 $0xFFFFE000  }
0x37: {  	_ =	swait.ge [sflag:s31], $0x2000  }
0x38: {  	[sflag:s31] =	ssyncset.done $0x0  }
0x39: {  	[sflag:s31] =	ssyncadd.s32 $0xFFFFE000  }
0x3a: {  	_ =	swait.ge [sflag:s0], $0x2000  }
0x3b: {  	[sflag:s0] =	ssyncset.done $0x0  }
0x3c: {  	[sflag:s0] =	ssyncadd.s32 $0xFFFFE000  }
0x3d: {  	_ =	swait.ge [sflag:s16], $0x2000  }
0x3e: {  	[sflag:s16] =	ssyncset.done $0x0  }
0x3f: {  	[sflag:s16] =	ssyncadd.s32 $0xFFFFE000  }
0x40: {  	_ =	swait.ge [sflag:s9], $0x2000  }
0x41: {  	[sflag:s9] =	ssyncset.done $0x0  }
0x42: {  	[sflag:s9] =	ssyncadd.s32 $0xFFFFE000  }
.LBB2_10:
0x43: {  	s3 =	stileid.u32;
	s2 =	sadd.s32 $0x1, s2  }
0x44: {  	[bflag:$0x0] =	sbarrier.arrive $0xFFFF;
	s3 =	sshll.u32 s3, $0x6;
	p1 =	sne.s32 s2, s13  }
.Ltmp1:
0x45: {  	s10 =	sshrl.u32 s5, $0x3;
	s3 =	sor.u32 $0x1C0B, s3;
	(pc) =	sbr.rel @!p1 .LBB2_11-.Ltmp1, $4  }
0x46: {  	[hbm:s24], [sflag:s3] =	dma.local [spmem:s10], $0x1400  }
0x47: {  	_ =	swait.ge [sflag:s15], $0x1400  }
0x48: {  	[sflag:s15] =	ssyncset.done $0x0  }
0x49: {  	[sflag:s15] =	ssyncadd.s32 $0xFFFFEC00  }
.LBB2_1:
0x4a: {  	s11 =	simm.s32 $0x100;
	s10 =	simm.s32 $0x0  }
.LBB2_2:
0x4b: {  	p1 =	sne.s32 s11, $0x9F00;
	[tilespmem:s10+$0x11830] =	vst v0;
	s3 =	smov.u32 s11;
	s11 =	sadd.s32 $0x100, s11  }
.Ltmp2:
0x4c: {  	[tilespmem:s10+$0x11820] =	vst v0;
	(pc) =	sbr.rel @p1 .LBB2_2-.Ltmp2, $3  }
0x4d: {  	[tilespmem:s10+$0x11800] =	vst v0  }
0x4e: {  	[tilespmem:s10+$0x11810] =	vst v0;
	_ =	sdelay $0x1  }
0x4f: {  	s10 =	sshra.s32 s3, $0x2  }
0x50: {  	[tilespmem:s10+$0x11830] =	vst v0  }
0x51: {  	[tilespmem:s10+$0x11820] =	vst v0  }
0x52: {  	[tilespmem:s10+$0x11800] =	vst v0  }
0x53: {  	[tilespmem:s10+$0x11810] =	vst v0  }
0x54: {  	[spmem:s5] =	stream.linear.scatter [tilespmem:s14], [sflag:$0xB], $0x2800, $0x38;
	[tilespmem:$0x1E000] =	vst v63  }
0x55: {  	_ =	swait.ge [sflag:s15], $0x2800  }
0x56: {  	[sflag:s15] =	ssyncset.done $0x0  }
0x57: {  	[sflag:s15] =	ssyncadd.s32 $0xFFFFD800  }
0x58: {  	[spmem:s6] =	stream.linear.scatter [tilespmem:s14], [sflag:$0xB], $0x2800, $0x38;
	[tilespmem:$0x1E000] =	vst v63  }
0x59: {  	_ =	swait.ge [sflag:s15], $0x2800  }
0x5a: {  	[sflag:s15] =	ssyncset.done $0x0  }
0x5b: {  	[sflag:s15] =	ssyncadd.s32 $0xFFFFD800  }
0x5c: {  	[spmem:s7] =	stream.linear.scatter [tilespmem:s14], [sflag:$0xB], $0x2800, $0x38;
	[tilespmem:$0x1E000] =	vst v63  }
0x5d: {  	_ =	swait.ge [sflag:s15], $0x2800  }
0x5e: {  	[sflag:s15] =	ssyncset.done $0x0  }
0x5f: {  	[sflag:s15] =	ssyncadd.s32 $0xFFFFD800  }
0x60: {  	[spmem:s8] =	stream.linear.scatter [tilespmem:s14], [sflag:$0xB], $0x2800, $0x38;
	[tilespmem:$0x1E000] =	vst v63  }
.Ltmp3:
0x61: {  	_ =	swait.ge [sflag:s15], $0x2800;
	(pc) =	sbr.rel @!p0 .LBB2_4-.Ltmp3, $4  }
0x62: {  	[sflag:s15] =	ssyncset.done $0x0  }
0x63: {  	[sflag:s15] =	ssyncadd.s32 $0xFFFFD800  }
0x64: {  	[bflag:$0x0] =	sbarrier.arrive $0xFFFF  }
0x65: {  	s3 =	simm.s32 $0x0  }
0x66: {  	s10 =	rddreg [dreg:$0x5]  }
0x67: {  	[tilespmem:s3], [sflag:$0xB] =	stream.linear.gather [hbm4b:s10+s3], $0x1400, $0x38;
	[tilespmem:$0x1E000] =	vst v63  }
0x68: {  	_ =	swait.ge [sflag:s15], $0x1400  }
0x69: {  	[sflag:s15] =	ssyncset.done $0x0  }
0x6a: {  	s11 =	simm.s32 $0x3C00;
	s12 =	rddreg [dreg:$0x6];
	[sflag:s15] =	ssyncadd.s32 $0xFFFFEC00  }
0x6b: {  	[tilespmem:s11], [sflag:$0xB] =	stream.linear.gather [hbm4b:s12+s3], $0x1400, $0x38;
	[tilespmem:$0x1E000] =	vst v63  }
0x6c: {  	_ =	swait.ge [sflag:s15], $0x1400  }
0x6d: {  	[sflag:s15] =	ssyncset.done $0x0  }
0x6e: {  	s12 =	simm.s32 $0x0;
	[sflag:s15] =	ssyncadd.s32 $0xFFFFEC00  }
0x6f: {  	[tilespmem:s18], [sflag:$0x1] =	stream.indirect.gather [hbm4b:s4+s17], $0x40, s12, s17, $0xb8;
	[tilespmem:$0x1E000] =	vst v63  }
0x70: {  	s10 =	simm.s32 $0x80  }
0x71: {  	[tilespmem:s19], [sflag:$0x2] =	stream.indirect.gather [hbm4b:s4+s17], $0x40, s10, s17, $0xb8;
	[tilespmem:$0x1E000] =	vst v63  }
0x72: {  	s11 =	simm.s32 $0x100  }
0x73: {  	[tilespmem:s20], [sflag:$0x3] =	stream.indirect.gather [hbm4b:s4+s17], $0x40, s11, s17, $0xb8;
	[tilespmem:$0x1E000] =	vst v63  }
0x74: {  	s12 =	simm.s32 $0x180  }
0x75: {  	[tilespmem:s21], [sflag:$0x4] =	stream.indirect.gather [hbm4b:s4+s17], $0x40, s12, s17, $0xb8;
	[tilespmem:$0x1E000] =	vst v63  }
0x76: {  	s10 =	simm.s32 $0x200  }
0x77: {  	[tilespmem:s22], [sflag:$0x5] =	stream.indirect.gather [hbm4b:s4+s17], $0x40, s10, s17, $0xb8;
	[tilespmem:$0x1E000] =	vst v63  }
0x78: {  	_ =	swait.ge [sflag:s23], $0x2000  }
0x79: {  	[sflag:s23] =	ssyncset.done $0x0  }
0x7a: {  	s11 =	simm.s32 $0x3C00;
	[sflag:s23] =	ssyncadd.s32 $0xFFFFE000  }
0x7b: {  	[spmem:s1] =	stream.indirect.scatter.add.f32 [tilespmem:s18], [sflag:$0x6], $0x40, s11, s17, $0xb8;
	[tilespmem:$0x1E000] =	vst v63  }
0x7c: {  	_ =	swait.ge [sflag:s25], $0x2000  }
0x7d: {  	[sflag:s25] =	ssyncset.done $0x0  }
0x7e: {  	s12 =	simm.s32 $0x3C80;
	[sflag:s25] =	ssyncadd.s32 $0xFFFFE000  }
0x7f: {  	[spmem:s1] =	stream.indirect.scatter.add.f32 [tilespmem:s19], [sflag:$0x7], $0x40, s12, s17, $0xb8;
	[tilespmem:$0x1E000] =	vst v63  }
0x80: {  	_ =	swait.ge [sflag:s26], $0x2000  }
0x81: {  	[sflag:s26] =	ssyncset.done $0x0  }
0x82: {  	s10 =	simm.s32 $0x3D00;
	[sflag:s26] =	ssyncadd.s32 $0xFFFFE000  }
0x83: {  	[spmem:s1] =	stream.indirect.scatter.add.f32 [tilespmem:s20], [sflag:$0x8], $0x40, s10, s17, $0xb8;
	[tilespmem:$0x1E000] =	vst v63  }
0x84: {  	_ =	swait.ge [sflag:s28], $0x2000  }
0x85: {  	[sflag:s28] =	ssyncset.done $0x0  }
0x86: {  	s11 =	simm.s32 $0x3D80;
	[sflag:s28] =	ssyncadd.s32 $0xFFFFE000  }
0x87: {  	[spmem:s1] =	stream.indirect.scatter.add.f32 [tilespmem:s21], [sflag:$0x9], $0x40, s11, s17, $0xb8;
	[tilespmem:$0x1E000] =	vst v63  }
0x88: {  	_ =	swait.ge [sflag:s29], $0x2000  }
0x89: {  	[sflag:s29] =	ssyncset.done $0x0  }
0x8a: {  	s12 =	simm.s32 $0x3E00;
	[sflag:s29] =	ssyncadd.s32 $0xFFFFE000  }
0x8b: {  	[spmem:s1] =	stream.indirect.scatter.add.f32 [tilespmem:s22], [sflag:$0xA], $0x40, s12, s17, $0xb8;
	[tilespmem:$0x1E000] =	vst v63  }
0x8c: {  	_ =	swait.ge [sflag:s30], $0x2000  }
0x8d: {  	[sflag:s30] =	ssyncset.done $0x0  }
0x8e: {  	[sflag:s30] =	ssyncadd.s32 $0xFFFFE000  }
0x8f: {  	_ =	swait.ge [sflag:s31], $0x2000  }
0x90: {  	[sflag:s31] =	ssyncset.done $0x0  }
0x91: {  	[sflag:s31] =	ssyncadd.s32 $0xFFFFE000  }
0x92: {  	_ =	swait.ge [sflag:s0], $0x2000  }
0x93: {  	[sflag:s0] =	ssyncset.done $0x0  }
0x94: {  	[sflag:s0] =	ssyncadd.s32 $0xFFFFE000  }
0x95: {  	_ =	swait.ge [sflag:s16], $0x2000  }
0x96: {  	[sflag:s16] =	ssyncset.done $0x0  }
0x97: {  	[sflag:s16] =	ssyncadd.s32 $0xFFFFE000  }
0x98: {  	_ =	swait.ge [sflag:s9], $0x2000  }
0x99: {  	s3 =	simm.s32 $0x1400;
	s10 =	simm.s32 $0xA00;
	[sflag:s9] =	ssyncset.done $0x0  }
.LBB2_8:
0x9a: {  	s12 =	sshra.s32 s10, $0x2  }
0x9b: {  	[sflag:s9] =	ssyncadd.s32 $0xFFFFE000;
	s10 =	smov.u32 s3;
	s11 =	sadd.s32 $0xA00, s3  }
0x9c: {  	[tilespmem:s18], [sflag:$0x1] =	stream.indirect.gather [hbm4b:s4+s17], $0x40, s12, s17, $0xb8;
	[tilespmem:$0x1E000] =	vst v63  }
0x9d: {  	p1 =	sne.s32 s3, $0x4600;
	s3 =	sadd.s32 $0x80, s12  }
0x9e: {  	[tilespmem:s19], [sflag:$0x2] =	stream.indirect.gather [hbm4b:s4+s17], $0x40, s3, s17, $0xb8;
	[tilespmem:$0x1E000] =	vst v63  }
0x9f: {  	s3 =	sadd.s32 $0x100, s12  }
0xa0: {  	[tilespmem:s20], [sflag:$0x3] =	stream.indirect.gather [hbm4b:s4+s17], $0x40, s3, s17, $0xb8;
	[tilespmem:$0x1E000] =	vst v63  }
0xa1: {  	s3 =	sadd.s32 $0x180, s12  }
0xa2: {  	[tilespmem:s21], [sflag:$0x4] =	stream.indirect.gather [hbm4b:s4+s17], $0x40, s3, s17, $0xb8;
	[tilespmem:$0x1E000] =	vst v63  }
0xa3: {  	s3 =	sadd.s32 $0x200, s12  }
0xa4: {  	[tilespmem:s22], [sflag:$0x5] =	stream.indirect.gather [hbm4b:s4+s17], $0x40, s3, s17, $0xb8;
	[tilespmem:$0x1E000] =	vst v63  }
0xa5: {  	_ =	swait.ge [sflag:s23], $0x2000  }
0xa6: {  	[sflag:s23] =	ssyncset.done $0x0  }
0xa7: {  	s3 =	sadd.s32 $0x3C00, s12;
	[sflag:s23] =	ssyncadd.s32 $0xFFFFE000  }
0xa8: {  	[spmem:s1] =	stream.indirect.scatter.add.f32 [tilespmem:s18], [sflag:$0x6], $0x40, s3, s17, $0xb8;
	[tilespmem:$0x1E000] =	vst v63  }
0xa9: {  	_ =	swait.ge [sflag:s25], $0x2000  }
0xaa: {  	[sflag:s25] =	ssyncset.done $0x0  }
0xab: {  	s3 =	sadd.s32 $0x3C80, s12;
	[sflag:s25] =	ssyncadd.s32 $0xFFFFE000  }
0xac: {  	[spmem:s1] =	stream.indirect.scatter.add.f32 [tilespmem:s19], [sflag:$0x7], $0x40, s3, s17, $0xb8;
	[tilespmem:$0x1E000] =	vst v63  }
0xad: {  	_ =	swait.ge [sflag:s26], $0x2000  }
0xae: {  	[sflag:s26] =	ssyncset.done $0x0  }
0xaf: {  	s3 =	sadd.s32 $0x3D00, s12;
	[sflag:s26] =	ssyncadd.s32 $0xFFFFE000  }
0xb0: {  	[spmem:s1] =	stream.indirect.scatter.add.f32 [tilespmem:s20], [sflag:$0x8], $0x40, s3, s17, $0xb8;
	[tilespmem:$0x1E000] =	vst v63  }
0xb1: {  	_ =	swait.ge [sflag:s28], $0x2000  }
0xb2: {  	[sflag:s28] =	ssyncset.done $0x0  }
0xb3: {  	s3 =	sadd.s32 $0x3D80, s12;
	[sflag:s28] =	ssyncadd.s32 $0xFFFFE000  }
0xb4: {  	[spmem:s1] =	stream.indirect.scatter.add.f32 [tilespmem:s21], [sflag:$0x9], $0x40, s3, s17, $0xb8;
	[tilespmem:$0x1E000] =	vst v63  }
0xb5: {  	_ =	swait.ge [sflag:s29], $0x2000  }
0xb6: {  	[sflag:s29] =	ssyncset.done $0x0  }
0xb7: {  	s3 =	sadd.s32 $0x3E00, s12;
	[sflag:s29] =	ssyncadd.s32 $0xFFFFE000  }
0xb8: {  	[spmem:s1] =	stream.indirect.scatter.add.f32 [tilespmem:s22], [sflag:$0xA], $0x40, s3, s17, $0xb8;
	[tilespmem:$0x1E000] =	vst v63  }
0xb9: {  	_ =	swait.ge [sflag:s30], $0x2000  }
0xba: {  	[sflag:s30] =	ssyncset.done $0x0  }
0xbb: {  	[sflag:s30] =	ssyncadd.s32 $0xFFFFE000  }
0xbc: {  	_ =	swait.ge [sflag:s31], $0x2000  }
0xbd: {  	[sflag:s31] =	ssyncset.done $0x0  }
0xbe: {  	[sflag:s31] =	ssyncadd.s32 $0xFFFFE000  }
0xbf: {  	_ =	swait.ge [sflag:s0], $0x2000  }
0xc0: {  	[sflag:s0] =	ssyncset.done $0x0  }
0xc1: {  	[sflag:s0] =	ssyncadd.s32 $0xFFFFE000  }
.Ltmp4:
0xc2: {  	_ =	swait.ge [sflag:s16], $0x2000;
	(pc) =	sbr.rel @p1 .LBB2_8-.Ltmp4, $4  }
0xc3: {  	[sflag:s16] =	ssyncset.done $0x0  }
0xc4: {  	[sflag:s16] =	ssyncadd.s32 $0xFFFFE000  }
0xc5: {  	_ =	swait.ge [sflag:s9], $0x2000  }
0xc6: {  	s3 =	smov.u32 s11;
	[sflag:s9] =	ssyncset.done $0x0  }
0xc7: {  	s3 =	sshra.s32 s10, $0x2;
	[sflag:s9] =	ssyncadd.s32 $0xFFFFE000  }
0xc8: {  	[tilespmem:s18], [sflag:$0x1] =	stream.indirect.gather [hbm4b:s4+s17], $0x40, s3, s17, $0xb8;
	[tilespmem:$0x1E000] =	vst v63  }
0xc9: {  	s10 =	sadd.s32 $0x80, s3  }
0xca: {  	[tilespmem:s19], [sflag:$0x2] =	stream.indirect.gather [hbm4b:s4+s17], $0x40, s10, s17, $0xb8;
	[tilespmem:$0x1E000] =	vst v63  }
0xcb: {  	s12 =	sadd.s32 $0x100, s3  }
0xcc: {  	[tilespmem:s20], [sflag:$0x3] =	stream.indirect.gather [hbm4b:s4+s17], $0x40, s12, s17, $0xb8;
	[tilespmem:$0x1E000] =	vst v63  }
0xcd: {  	s11 =	sadd.s32 $0x180, s3  }
0xce: {  	[tilespmem:s21], [sflag:$0x4] =	stream.indirect.gather [hbm4b:s4+s17], $0x40, s11, s17, $0xb8;
	[tilespmem:$0x1E000] =	vst v63  }
0xcf: {  	s12 =	sadd.s32 $0x200, s3  }
0xd0: {  	[tilespmem:s22], [sflag:$0x5] =	stream.indirect.gather [hbm4b:s4+s17], $0x40, s12, s17, $0xb8;
	[tilespmem:$0x1E000] =	vst v63  }
0xd1: {  	_ =	swait.ge [sflag:s23], $0x2000  }
0xd2: {  	[sflag:s23] =	ssyncset.done $0x0  }
0xd3: {  	s11 =	sadd.s32 $0x3C00, s3;
	[sflag:s23] =	ssyncadd.s32 $0xFFFFE000  }
0xd4: {  	[spmem:s1] =	stream.indirect.scatter.add.f32 [tilespmem:s18], [sflag:$0x6], $0x40, s11, s17, $0xb8;
	[tilespmem:$0x1E000] =	vst v63  }
0xd5: {  	_ =	swait.ge [sflag:s25], $0x2000  }
0xd6: {  	[sflag:s25] =	ssyncset.done $0x0  }
0xd7: {  	s12 =	sadd.s32 $0x3C80, s3;
	[sflag:s25] =	ssyncadd.s32 $0xFFFFE000  }
0xd8: {  	[spmem:s1] =	stream.indirect.scatter.add.f32 [tilespmem:s19], [sflag:$0x7], $0x40, s12, s17, $0xb8;
	[tilespmem:$0x1E000] =	vst v63  }
0xd9: {  	_ =	swait.ge [sflag:s26], $0x2000  }
0xda: {  	[sflag:s26] =	ssyncset.done $0x0  }
0xdb: {  	s11 =	sadd.s32 $0x3D00, s3;
	[sflag:s26] =	ssyncadd.s32 $0xFFFFE000  }
0xdc: {  	[spmem:s1] =	stream.indirect.scatter.add.f32 [tilespmem:s20], [sflag:$0x8], $0x40, s11, s17, $0xb8;
	[tilespmem:$0x1E000] =	vst v63  }
0xdd: {  	_ =	swait.ge [sflag:s28], $0x2000  }
0xde: {  	[sflag:s28] =	ssyncset.done $0x0  }
0xdf: {  	s12 =	sadd.s32 $0x3D80, s3;
	[sflag:s28] =	ssyncadd.s32 $0xFFFFE000  }
0xe0: {  	[spmem:s1] =	stream.indirect.scatter.add.f32 [tilespmem:s21], [sflag:$0x9], $0x40, s12, s17, $0xb8;
	[tilespmem:$0x1E000] =	vst v63  }
0xe1: {  	_ =	swait.ge [sflag:s29], $0x2000  }
0xe2: {  	[sflag:s29] =	ssyncset.done $0x0  }
0xe3: {  	s3 =	sadd.s32 $0x3E00, s3;
	[sflag:s29] =	ssyncadd.s32 $0xFFFFE000  }
0xe4: {  	[spmem:s1] =	stream.indirect.scatter.add.f32 [tilespmem:s22], [sflag:$0xA], $0x40, s3, s17, $0xb8;
	[tilespmem:$0x1E000] =	vst v63  }
0xe5: {  	_ =	swait.ge [sflag:s30], $0x2000  }
0xe6: {  	[sflag:s30] =	ssyncset.done $0x0  }
0xe7: {  	[sflag:s30] =	ssyncadd.s32 $0xFFFFE000  }
0xe8: {  	_ =	swait.ge [sflag:s31], $0x2000  }
0xe9: {  	[sflag:s31] =	ssyncset.done $0x0  }
0xea: {  	[sflag:s31] =	ssyncadd.s32 $0xFFFFE000  }
0xeb: {  	_ =	swait.ge [sflag:s0], $0x2000  }
0xec: {  	[sflag:s0] =	ssyncset.done $0x0  }
0xed: {  	[sflag:s0] =	ssyncadd.s32 $0xFFFFE000  }
0xee: {  	_ =	swait.ge [sflag:s16], $0x2000  }
.Ltmp5:
0xef: {  	[sflag:s16] =	ssyncset.done $0x0;
	(pc) =	sbr.rel .LBB2_10-.Ltmp5, $4  }
0xf0: {  	[sflag:s16] =	ssyncadd.s32 $0xFFFFE000  }
0xf1: {  	_ =	swait.ge [sflag:s9], $0x2000  }
0xf2: {  	[sflag:s9] =	ssyncset.done $0x0  }
0xf3: {  	[sflag:s9] =	ssyncadd.s32 $0xFFFFE000  }
.LBB2_4:
0xf4: {  	s10 =	rddreg [dreg:$0x3]  }
0xf5: {  	[tilespmem:s3], [sflag:$0xB] =	stream.linear.gather [hbm4b:s10+s3], $0x3C00, $0x38;
	[tilespmem:$0x1E000] =	vst v63  }
0xf6: {  	_ =	swait.ge [sflag:s15], $0x3C00  }
0xf7: {  	[sflag:s15] =	ssyncset.done $0x0  }
0xf8: {  	s11 =	simm.s32 $0x3C00;
	s12 =	rddreg [dreg:$0x4];
	[sflag:s15] =	ssyncadd.s32 $0xFFFFC400  }
0xf9: {  	[tilespmem:s11], [sflag:$0xB] =	stream.linear.gather [hbm4b:s12+s3], $0x3C00, $0x38;
	[tilespmem:$0x1E000] =	vst v63  }
0xfa: {  	_ =	swait.ge [sflag:s15], $0x3C00  }
0xfb: {  	[sflag:s15] =	ssyncset.done $0x0  }
0xfc: {  	s12 =	simm.s32 $0x0;
	[sflag:s15] =	ssyncadd.s32 $0xFFFFC400  }
0xfd: {  	[tilespmem:s18], [sflag:$0x1] =	stream.indirect.gather [hbm4b:s4+s17], $0x40, s12, s17, $0xb8;
	[tilespmem:$0x1E000] =	vst v63  }
0xfe: {  	s10 =	simm.s32 $0x80  }
0xff: {  	[tilespmem:s19], [sflag:$0x2] =	stream.indirect.gather [hbm4b:s4+s17], $0x40, s10, s17, $0xb8;
	[tilespmem:$0x1E000] =	vst v63  }
0x100: {  	s11 =	simm.s32 $0x100  }
0x101: {  	[tilespmem:s20], [sflag:$0x3] =	stream.indirect.gather [hbm4b:s4+s17], $0x40, s11, s17, $0xb8;
	[tilespmem:$0x1E000] =	vst v63  }
0x102: {  	s12 =	simm.s32 $0x180  }
0x103: {  	[tilespmem:s21], [sflag:$0x4] =	stream.indirect.gather [hbm4b:s4+s17], $0x40, s12, s17, $0xb8;
	[tilespmem:$0x1E000] =	vst v63  }
0x104: {  	s10 =	simm.s32 $0x200  }
0x105: {  	[tilespmem:s22], [sflag:$0x5] =	stream.indirect.gather [hbm4b:s4+s17], $0x40, s10, s17, $0xb8;
	[tilespmem:$0x1E000] =	vst v63  }
0x106: {  	_ =	swait.ge [sflag:s23], $0x2000  }
0x107: {  	[sflag:s23] =	ssyncset.done $0x0  }
0x108: {  	s11 =	simm.s32 $0x3C00;
	[sflag:s23] =	ssyncadd.s32 $0xFFFFE000  }
0x109: {  	[spmem:s1] =	stream.indirect.scatter.add.f32 [tilespmem:s18], [sflag:$0x6], $0x40, s11, s17, $0xb8;
	[tilespmem:$0x1E000] =	vst v63  }
0x10a: {  	_ =	swait.ge [sflag:s25], $0x2000  }
0x10b: {  	[sflag:s25] =	ssyncset.done $0x0  }
0x10c: {  	s12 =	simm.s32 $0x3C80;
	[sflag:s25] =	ssyncadd.s32 $0xFFFFE000  }
0x10d: {  	[spmem:s1] =	stream.indirect.scatter.add.f32 [tilespmem:s19], [sflag:$0x7], $0x40, s12, s17, $0xb8;
	[tilespmem:$0x1E000] =	vst v63  }
0x10e: {  	_ =	swait.ge [sflag:s26], $0x2000  }
0x10f: {  	[sflag:s26] =	ssyncset.done $0x0  }
0x110: {  	s10 =	simm.s32 $0x3D00;
	[sflag:s26] =	ssyncadd.s32 $0xFFFFE000  }
0x111: {  	[spmem:s1] =	stream.indirect.scatter.add.f32 [tilespmem:s20], [sflag:$0x8], $0x40, s10, s17, $0xb8;
	[tilespmem:$0x1E000] =	vst v63  }
0x112: {  	_ =	swait.ge [sflag:s28], $0x2000  }
0x113: {  	[sflag:s28] =	ssyncset.done $0x0  }
0x114: {  	s11 =	simm.s32 $0x3D80;
	[sflag:s28] =	ssyncadd.s32 $0xFFFFE000  }
0x115: {  	[spmem:s1] =	stream.indirect.scatter.add.f32 [tilespmem:s21], [sflag:$0x9], $0x40, s11, s17, $0xb8;
	[tilespmem:$0x1E000] =	vst v63  }
0x116: {  	_ =	swait.ge [sflag:s29], $0x2000  }
0x117: {  	[sflag:s29] =	ssyncset.done $0x0  }
0x118: {  	s12 =	simm.s32 $0x3E00;
	[sflag:s29] =	ssyncadd.s32 $0xFFFFE000  }
0x119: {  	[spmem:s1] =	stream.indirect.scatter.add.f32 [tilespmem:s22], [sflag:$0xA], $0x40, s12, s17, $0xb8;
	[tilespmem:$0x1E000] =	vst v63  }
0x11a: {  	_ =	swait.ge [sflag:s30], $0x2000  }
0x11b: {  	[sflag:s30] =	ssyncset.done $0x0  }
0x11c: {  	[sflag:s30] =	ssyncadd.s32 $0xFFFFE000  }
0x11d: {  	_ =	swait.ge [sflag:s31], $0x2000  }
0x11e: {  	[sflag:s31] =	ssyncset.done $0x0  }
0x11f: {  	[sflag:s31] =	ssyncadd.s32 $0xFFFFE000  }
0x120: {  	_ =	swait.ge [sflag:s0], $0x2000  }
0x121: {  	[sflag:s0] =	ssyncset.done $0x0  }
0x122: {  	[sflag:s0] =	ssyncadd.s32 $0xFFFFE000  }
0x123: {  	_ =	swait.ge [sflag:s16], $0x2000  }
0x124: {  	[sflag:s16] =	ssyncset.done $0x0  }
0x125: {  	[sflag:s16] =	ssyncadd.s32 $0xFFFFE000  }
0x126: {  	_ =	swait.ge [sflag:s9], $0x2000  }
0x127: {  	s10 =	simm.s32 $0xA00;
	s11 =	simm.s32 $0x1400;
	[sflag:s9] =	ssyncset.done $0x0  }
.LBB2_5:
0x128: {  	s12 =	sshra.s32 s10, $0x2  }
0x129: {  	[sflag:s9] =	ssyncadd.s32 $0xFFFFE000;
	s10 =	smov.u32 s11;
	s3 =	sadd.s32 $0xA00, s11  }
0x12a: {  	[tilespmem:s18], [sflag:$0x1] =	stream.indirect.gather [hbm4b:s4+s17], $0x40, s12, s17, $0xb8;
	[tilespmem:$0x1E000] =	vst v63  }
0x12b: {  	p1 =	seq.s32 s11, $0xE600;
	s11 =	sadd.s32 $0x80, s12  }
0x12c: {  	[tilespmem:s19], [sflag:$0x2] =	stream.indirect.gather [hbm4b:s4+s17], $0x40, s11, s17, $0xb8;
	[tilespmem:$0x1E000] =	vst v63  }
0x12d: {  	s11 =	sadd.s32 $0x100, s12  }
0x12e: {  	[tilespmem:s20], [sflag:$0x3] =	stream.indirect.gather [hbm4b:s4+s17], $0x40, s11, s17, $0xb8;
	[tilespmem:$0x1E000] =	vst v63  }
0x12f: {  	s11 =	sadd.s32 $0x180, s12  }
0x130: {  	[tilespmem:s21], [sflag:$0x4] =	stream.indirect.gather [hbm4b:s4+s17], $0x40, s11, s17, $0xb8;
	[tilespmem:$0x1E000] =	vst v63  }
0x131: {  	s11 =	sadd.s32 $0x200, s12  }
0x132: {  	[tilespmem:s22], [sflag:$0x5] =	stream.indirect.gather [hbm4b:s4+s17], $0x40, s11, s17, $0xb8;
	[tilespmem:$0x1E000] =	vst v63  }
0x133: {  	_ =	swait.ge [sflag:s23], $0x2000  }
0x134: {  	[sflag:s23] =	ssyncset.done $0x0  }
0x135: {  	s11 =	sadd.s32 $0x3C00, s12;
	[sflag:s23] =	ssyncadd.s32 $0xFFFFE000  }
0x136: {  	[spmem:s1] =	stream.indirect.scatter.add.f32 [tilespmem:s18], [sflag:$0x6], $0x40, s11, s17, $0xb8;
	[tilespmem:$0x1E000] =	vst v63  }
0x137: {  	_ =	swait.ge [sflag:s25], $0x2000  }
0x138: {  	[sflag:s25] =	ssyncset.done $0x0  }
0x139: {  	s11 =	sadd.s32 $0x3C80, s12;
	[sflag:s25] =	ssyncadd.s32 $0xFFFFE000  }
0x13a: {  	[spmem:s1] =	stream.indirect.scatter.add.f32 [tilespmem:s19], [sflag:$0x7], $0x40, s11, s17, $0xb8;
	[tilespmem:$0x1E000] =	vst v63  }
0x13b: {  	_ =	swait.ge [sflag:s26], $0x2000  }
0x13c: {  	[sflag:s26] =	ssyncset.done $0x0  }
0x13d: {  	s11 =	sadd.s32 $0x3D00, s12;
	[sflag:s26] =	ssyncadd.s32 $0xFFFFE000  }
0x13e: {  	[spmem:s1] =	stream.indirect.scatter.add.f32 [tilespmem:s20], [sflag:$0x8], $0x40, s11, s17, $0xb8;
	[tilespmem:$0x1E000] =	vst v63  }
0x13f: {  	_ =	swait.ge [sflag:s28], $0x2000  }
0x140: {  	[sflag:s28] =	ssyncset.done $0x0  }
0x141: {  	s11 =	sadd.s32 $0x3D80, s12;
	[sflag:s28] =	ssyncadd.s32 $0xFFFFE000  }
0x142: {  	[spmem:s1] =	stream.indirect.scatter.add.f32 [tilespmem:s21], [sflag:$0x9], $0x40, s11, s17, $0xb8;
	[tilespmem:$0x1E000] =	vst v63  }
0x143: {  	_ =	swait.ge [sflag:s29], $0x2000  }
0x144: {  	[sflag:s29] =	ssyncset.done $0x0  }
0x145: {  	s11 =	sadd.s32 $0x3E00, s12;
	[sflag:s29] =	ssyncadd.s32 $0xFFFFE000  }
0x146: {  	[spmem:s1] =	stream.indirect.scatter.add.f32 [tilespmem:s22], [sflag:$0xA], $0x40, s11, s17, $0xb8;
	[tilespmem:$0x1E000] =	vst v63  }
0x147: {  	_ =	swait.ge [sflag:s30], $0x2000  }
0x148: {  	[sflag:s30] =	ssyncset.done $0x0  }
0x149: {  	[sflag:s30] =	ssyncadd.s32 $0xFFFFE000  }
0x14a: {  	_ =	swait.ge [sflag:s31], $0x2000  }
0x14b: {  	[sflag:s31] =	ssyncset.done $0x0  }
0x14c: {  	[sflag:s31] =	ssyncadd.s32 $0xFFFFE000  }
0x14d: {  	_ =	swait.ge [sflag:s0], $0x2000  }
0x14e: {  	[sflag:s0] =	ssyncset.done $0x0  }
0x14f: {  	[sflag:s0] =	ssyncadd.s32 $0xFFFFE000  }
.Ltmp6:
0x150: {  	_ =	swait.ge [sflag:s16], $0x2000;
	(pc) =	sbr.rel @!p1 .LBB2_5-.Ltmp6, $4  }
0x151: {  	[sflag:s16] =	ssyncset.done $0x0  }
0x152: {  	[sflag:s16] =	ssyncadd.s32 $0xFFFFE000  }
0x153: {  	_ =	swait.ge [sflag:s9], $0x2000  }
0x154: {  	s11 =	smov.u32 s3;
	[sflag:s9] =	ssyncset.done $0x0  }
.Ltmp7:
0x155: {  	_ = 	snop;
	(pc) =	sbr.rel .LBB2_6-.Ltmp7, $1  }
0x156: {  	_ =	sdelay $0x3  }
.LBB2_11:
0x157: {  	_ =	sfence.sel $0x180000  }
0x158: {  	[bflag:$0x0] =	sbarrier.arrive $0xFFFF  }
0x159: {  	_ =	strace $0x90000050  }
0x15a: {  	s0 =	stileid.u32;
	[bflag:$0x2] =	sbarrier.arrive $0xFFFF  }
0x15b: {  	p0 =	sne.s32 s0, $0x0;
	s0 =	rddreg [dreg:$0x2]  }
0x15c: {  	s0 =	sadd.s32 @!p0 $0x100000, s0  }
0x15d: {  	[sflag:s0] =	ssyncadd.tile.s32 @!p0 $0x1;
	_ =	shalt  }
.Lfunc_end2:
_tile_overlayer_lowered:
.L_overlay_start_2:
0x15e: {  	(tag) =	ssettag $0x2  }
0x15f: {  	s0 =	rddreg [dreg:$0x0];
	s2 =	stileid.u32  }
0x160: {  	s1 =	rddreg [dreg:$0x1];
	p0 =	sne.s32 s2, $0x0  }
0x161: {  	s3 =	rddreg [dreg:$0x2];
	[bflag:$0x3] =	sbarrier.arrive $0xFFFF;
	s2 =	simm.s32 @!p0 $0x1C0B  }
0x162: {  	[timem:s3], [sflag:s2] =	dma.local @!p0 [hbm:s0], s1  }
0x163: {  	s0 =	simm.s32 @!p0 $0xB  }
0x164: {  	_ =	swait.ge @!p0 [sflag:s0], s1  }
0x165: {  	s1 =	ssub.s32 @!p0 $0x0, s1;
	[sflag:s0] =	ssyncset.done @!p0 $0x0  }
0x166: {  	[sflag:s0] =	ssyncadd.s32 @!p0 s1  }
0x167: {  	[bflag:$0x3] =	sbarrier.arrive $0xFFFF  }
0x168: {  	_ =	shalt  }

</sc_bundles>
